<compile_context>
chip_gen: v7x
topology: tpu7x:2x2x1
jax: 0.10.2.dev20260603
libtpu: 0.0.44.dev20260713+nightly
codegen_flags: <defaults>
</compile_context>

<pallas_src>
import functools

import jax
import jax.numpy as jnp
from jax import lax
from jax.experimental import pallas as pl
from jax.experimental.pallas import tpu as pltpu
from jax.experimental.pallas import tpu_sc as plsc

N = 10000
D = 128
F = 16
FA = F + 1
CH = FA * D
CHP = 2304
CHW = CHP // 2
E = 80000
EP = 81920
NSUB = 16
EPS = EP // NSUB
C = 8
NCHUNK = EPS // C
CBLK = 16
NBLK = NCHUNK // CBLK
NP = 10240
RPT = NP // NSUB


def _h_matmul(x_st, w_st):
    BN = 400

    def body(x_ref, w_ref, o_ref):
        o_ref[0] = jnp.dot(x_ref[0], w_ref[0],
                           preferred_element_type=jnp.float32).astype(jnp.bfloat16)

    return pl.pallas_call(
        body,
        grid=(2, N // BN),
        in_specs=[
            pl.BlockSpec((1, BN, D), lambda t, i: (t, i, 0)),
            pl.BlockSpec((1, D, CHP), lambda t, i: (t, 0, 0)),
        ],
        out_specs=pl.BlockSpec((1, BN, CHP), lambda t, i: (t, i, 0)),
        out_shape=jax.ShapeDtypeStruct((2, N, CHP), jnp.bfloat16),
    )(x_st, w_st)


def _merge(agg_st, xd_st, root_st, bias_st):
    BN = 400

    def body(a_ref, x_ref, r_ref, b_ref, o_ref):
        o_ref[0] = (a_ref[0]
                    + jnp.dot(x_ref[0], r_ref[0], preferred_element_type=jnp.float32)
                    + b_ref[0])

    return pl.pallas_call(
        body,
        grid=(2, N // BN),
        in_specs=[
            pl.BlockSpec((1, BN, D), lambda t, i: (t, i, 0)),
            pl.BlockSpec((1, BN, D), lambda t, i: (t, i, 0)),
            pl.BlockSpec((1, D, D), lambda t, i: (t, 0, 0)),
            pl.BlockSpec((1, 1, D), lambda t, i: (t, 0, 0)),
        ],
        out_specs=pl.BlockSpec((1, BN, D), lambda t, i: (t, i, 0)),
        out_shape=jax.ShapeDtypeStruct((2, N, D), jnp.float32),
    )(agg_st, xd_st, root_st, bias_st)


def _sc_aggregate(h_flat, srcg, dstg, eag, zrows):
    mesh = plsc.VectorSubcoreMesh(core_axis_name="c", subcore_axis_name="s")

    @functools.partial(
        pl.kernel,
        mesh=mesh,
        out_type=jax.ShapeDtypeStruct((2, NP, D), jnp.float32),
        scratch_types=[
            pltpu.VMEM((CBLK, C), jnp.int32),
            pltpu.VMEM((CBLK, C), jnp.int32),
            pltpu.VMEM((CBLK * C, 32), jnp.float32),
            pltpu.VMEM((2, C, CHW), jnp.int32),
            pltpu.VMEM((C, D), jnp.float32),
            pltpu.VMEM_SHARED((NP, D), jnp.float32),
            pltpu.SemaphoreType.DMA((2,)),
        ],
    )
    def k(h_hbm, src_hbm, dst_hbm, ea_hbm, z_hbm, out_hbm,
          sidx_v, didx_v, ea_blk, rows_v, msg_v, acc, gsem):
        c = lax.axis_index("c")
        s = lax.axis_index("s")

        pltpu.sync_copy(z_hbm, acc.at[pl.ds(s * RPT, RPT)])
        plsc.subcore_barrier()

        def start_fetch(g, buf):
            pltpu.async_copy(h_hbm.at[sidx_v.at[g]], rows_v.at[buf],
                             gsem.at[buf])

        def do_chunk(g, buf):
            pltpu.make_async_copy(h_hbm.at[sidx_v.at[0]], rows_v.at[buf],
                                  gsem.at[buf]).wait()

            def splat(ea_lo, ea_hi, f):
                src_vec = ea_lo if f < 16 else ea_hi
                lane = jnp.full((16, 1), f % 16, jnp.int32)
                return lax.gather(
                    src_vec, lane,
                    lax.GatherDimensionNumbers(
                        offset_dims=(), collapsed_slice_dims=(0,),
                        start_index_map=(0,)),
                    (1,), mode=lax.GatherScatterMode.PROMISE_IN_BOUNDS)

            def edge_body(e, carry2):
                ea_lo = ea_blk[g * C + e, pl.ds(0, 16)]
                ea_hi = ea_blk[g * C + e, pl.ds(16, 16)]
                for gq in range(4):
                    acc_a = jnp.zeros((16,), jnp.float32)
                    acc_b = jnp.zeros((16,), jnp.float32)
                    for f in range(FA):
                        sp = splat(ea_lo, ea_hi, f)
                        hw = rows_v[buf, e, pl.ds(f * (D // 2) + gq * 16, 16)]
                        ha = lax.bitcast_convert_type(
                            lax.shift_left(hw, 16), jnp.float32)
                        hb = lax.bitcast_convert_type(hw, jnp.float32)
                        acc_a = acc_a + ha * sp
                        acc_b = acc_b + hb * sp
                    msg_v[e, pl.ds(gq * 32, 16)] = acc_a
                    msg_v[e, pl.ds(gq * 32 + 16, 16)] = acc_b
                return carry2

            lax.fori_loop(0, C, edge_body, 0, unroll=False)
            pltpu.sync_copy(msg_v, acc.at[didx_v.at[g]], add=True)

        def blk_body(b, carry0):
            pltpu.sync_copy(src_hbm.at[c, s, b], sidx_v)
            pltpu.sync_copy(dst_hbm.at[c, s, b], didx_v)
            pltpu.sync_copy(ea_hbm.at[c, s, b], ea_blk)
            start_fetch(0, 0)

            def pair_body(p, carry):
                for sb in range(2):
                    g = 2 * p + sb

                    @pl.when(g + 1 < CBLK)
                    def _():
                        start_fetch(g + 1, 1 - sb)

                    do_chunk(g, sb)
                return carry

            lax.fori_loop(0, CBLK // 2, pair_body, 0, unroll=False)
            return carry0

        lax.fori_loop(0, NBLK, blk_body, 0, unroll=False)
        plsc.subcore_barrier()
        pltpu.sync_copy(acc.at[pl.ds(s * RPT, RPT)],
                        out_hbm.at[c, pl.ds(s * RPT, RPT)])

    return k(h_flat, srcg, dstg, eag, zrows)


def _prep_type(edge_index, edge_attr, t):
    src = jnp.pad(edge_index[0].astype(jnp.int32), (0, EP - E)) + t * N
    dst = jnp.pad(edge_index[1].astype(jnp.int32), (0, EP - E))
    ea = jnp.pad(
        jnp.concatenate([edge_attr, jnp.ones((E, 1), jnp.float32)], axis=1),
        ((0, EP - E), (0, 32 - FA)))
    return (src.reshape(NSUB, NBLK, CBLK, C),
            dst.reshape(NSUB, NBLK, CBLK, C),
            ea.reshape(NSUB, NBLK, CBLK * C, 32))


def _w2(W_msg, b_msg):
    w3 = jnp.concatenate([W_msg.reshape(F, D, D), b_msg.reshape(1, D, D)], axis=0)
    w2 = w3.transpose(1, 0, 2).reshape(D, CH)
    w2i = w2.reshape(D, CH // 32, 2, 16).transpose(0, 1, 3, 2).reshape(D, CH)
    return jnp.pad(w2i, ((0, 0), (0, CHP - CH)))


def kernel(x_a, x_b, edge_index_ab, edge_attr_ab, edge_index_ba, edge_attr_ba,
           W_msg_ab, b_msg_ab, root_ab, bias_ab,
           W_msg_ba, b_msg_ba, root_ba, bias_ba):
    x_st = jnp.stack([x_b, x_a])
    w_st = jnp.stack([_w2(W_msg_ba, b_msg_ba), _w2(W_msg_ab, b_msg_ab)])
    h_st = _h_matmul(x_st, w_st)
    h_flat = lax.bitcast_convert_type(
        h_st.reshape(2 * N, CHW, 2), jnp.int32)

    s0, d0, e0 = _prep_type(edge_index_ba, edge_attr_ba, 0)
    s1, d1, e1 = _prep_type(edge_index_ab, edge_attr_ab, 1)
    srcg = jnp.stack([s0, s1])
    dstg = jnp.stack([d0, d1])
    eag = jnp.stack([e0, e1])
    zrows = jnp.zeros((RPT, D), jnp.float32)

    agg = _sc_aggregate(h_flat, srcg, dstg, eag, zrows)

    xd_st = jnp.stack([x_a, x_b])
    root_st = jnp.stack([root_ba, root_ab])
    bias_st = jnp.stack([bias_ba, bias_ab]).reshape(2, 1, D)
    out = _merge(agg, xd_st, root_st, bias_st)
    return (out[0], out[1])

# --- scband reference (transcript-rebuilt; emitter-appended) ---
"""Pipeline reference for scband-inner-layer-53798760349843 (READ-ONLY COPY).

The authoritative reference and input builder live on the scoring server;
editing this copy changes nothing except your own understanding.
"""

import jax, jax.numpy as jnp
import numpy as np

N = 10000
D = 128
F = 16
E = 80000
KOUT = D * D


def _nnconv(x_src, x_dst, edge_index, edge_attr, W_msg, b_msg, root, bias, num_dst):
    # NNConv (ECC): per-edge weight matrix = nn(edge_attr).view(E, in, out)
    # message_e = x_src[src_e] @ weight_e ; aggr='add' ; plus root-weight term and bias.
    src = edge_index[0]
    dst = edge_index[1]
    xj = x_src[src]                      # [E, D] gather
    W3 = W_msg.reshape(F, D, D)          # [f, in, out]
    B = b_msg.reshape(D, D)              # bias of nn, reshaped like the per-edge matrix
    e_total = xj.shape[0]
    n_chunks = 10
    cs = e_total // n_chunks
    pieces = []
    for c in range(n_chunks):
        xc = xj[c * cs:(c + 1) * cs]                 # [e, i]
        ec = edge_attr[c * cs:(c + 1) * cs]          # [e, f]
        outer = xc[:, :, None] * ec[:, None, :]      # [e, i, f]
        # msg[e,o] = sum_{i,f} x_j[e,i] * ea[e,f] * W[f,i,o]  (fused, avoids [E, in*out])
        pieces.append(jnp.einsum('eif,fio->eo', outer, W3))
    msg = jnp.concatenate(pieces, axis=0) + xj @ B   # nn bias contribution: x_j @ b.view(in,out)
    aggr = jax.ops.segment_sum(msg, dst, num_segments=num_dst)  # scatter-add to dst nodes
    return aggr + x_dst @ root + bias


def setup_inputs(seed: int = 0):
    key = jax.random.key(seed)
    ks = jax.random.split(key, 16)
    inp = {}
    inp['x_a'] = jax.random.normal(ks[0], (N, D), dtype=jnp.float32)
    inp['x_b'] = jax.random.normal(ks[1], (N, D), dtype=jnp.float32)
    inp['edge_index_ab'] = jax.random.randint(ks[2], (2, E), 0, N)
    inp['edge_attr_ab'] = jax.random.normal(ks[3], (E, F), dtype=jnp.float32)
    inp['edge_index_ba'] = jax.random.randint(ks[4], (2, E), 0, N)
    inp['edge_attr_ba'] = jax.random.normal(ks[5], (E, F), dtype=jnp.float32)
    # learned params per hetero edge type (NNConv: nn Linear(F -> D*D), root Linear(D -> D), bias)
    inp['W_msg_ab'] = 0.02 * jax.random.normal(ks[6], (F, KOUT), dtype=jnp.float32)
    inp['b_msg_ab'] = 0.02 * jax.random.normal(ks[7], (KOUT,), dtype=jnp.float32)
    inp['root_ab'] = 0.05 * jax.random.normal(ks[8], (D, D), dtype=jnp.float32)
    inp['bias_ab'] = 0.05 * jax.random.normal(ks[9], (D,), dtype=jnp.float32)
    inp['W_msg_ba'] = 0.02 * jax.random.normal(ks[10], (F, KOUT), dtype=jnp.float32)
    inp['b_msg_ba'] = 0.02 * jax.random.normal(ks[11], (KOUT,), dtype=jnp.float32)
    inp['root_ba'] = 0.05 * jax.random.normal(ks[12], (D, D), dtype=jnp.float32)
    inp['bias_ba'] = 0.05 * jax.random.normal(ks[13], (D,), dtype=jnp.float32)
    return inp


def reference(x_a, x_b, edge_index_ab, edge_attr_ab, edge_index_ba, edge_attr_ba,
              W_msg_ab, b_msg_ab, root_ab, bias_ab,
              W_msg_ba, b_msg_ba, root_ba, bias_ba):
    # HeteroConv(aggr='sum'): each dst node type receives exactly one edge-type contribution here
    out_b = _nnconv(x_a, x_b, edge_index_ab, edge_attr_ab, W_msg_ab, b_msg_ab, root_ab, bias_ab, N)
    out_a = _nnconv(x_b, x_a, edge_index_ba, edge_attr_ba, W_msg_ba, b_msg_ba, root_ba, bias_ba, N)
    return (out_a, out_b)

if __name__ == "__main__":
    import jax
    _d = setup_inputs()
    print(jax.jit(kernel)(*tuple(_d.values())))

</pallas_src>

<mosaic_0001>
#map = affine_map<(d0, d1) -> (0, 0)>
#map1 = affine_map<(d0, d1) -> (0, 0, 0, 0, 0)>
#map2 = affine_map<(d0, d1) -> (0, 0, 0)>
module attributes {stable_mosaic.version = 14 : i64} {
  func.func @k(%arg0: i32, %arg1: i32, %arg2: memref<20000x1152xi32, #tpu.memory_space<hbm>>, %arg3: memref<2x16x40x16x8xi32, #tpu.memory_space<hbm>>, %arg4: memref<2x16x40x16x8xi32, #tpu.memory_space<hbm>>, %arg5: memref<2x16x40x128x32xf32, #tpu.memory_space<hbm>>, %arg6: memref<640x128xf32, #tpu.memory_space<hbm>>, %arg7: memref<2x10240x128xf32, #tpu.memory_space<hbm>>, %arg8: memref<16x8xi32, #tpu.memory_space<vmem>>, %arg9: memref<16x8xi32, #tpu.memory_space<vmem>>, %arg10: memref<128x32xf32, #tpu.memory_space<vmem>>, %arg11: memref<2x8x1152xi32, #tpu.memory_space<vmem>>, %arg12: memref<8x128xf32, #tpu.memory_space<vmem>>, %arg13: memref<10240x128xf32, #tpu.memory_space<vmem_shared>>, %arg14: memref<2x!tpu.dma_semaphore, #tpu.memory_space<semaphore_mem>>) attributes {dimension_semantics = [#tpu.dimension_semantics<core_parallel>, #tpu.dimension_semantics<subcore_parallel>], iteration_bounds = array<i64: 2, 16>, scalar_prefetch = 0 : i64, scratch_operands = 7 : i64, tpu.core_type = #tpu.core_type<sc_vector_subcore>, window_params = [{transform_indices = #map}, {transform_indices = #map1}, {transform_indices = #map1}, {transform_indices = #map1}, {transform_indices = #map}, {transform_indices = #map2}]} {
    %mul3A = arith.constant 640 : i32
    %mul3A_0 = arith.muli %arg1, %mul3A : i32
    "tpu.region"() ({
      %run_scoped3A = tpu.sem_alloc : memref<!tpu.dma_semaphore, #tpu.memory_space<semaphore_mem>>
      %dma_start3A = arith.constant 0 : i32
      %dma_start3A_11 = tpu.memref_slice %arg13[%mul3A_0, %dma_start3A] : memref<10240x128xf32, #tpu.memory_space<vmem_shared>> -> memref<640x128xf32, #tpu.memory_space<vmem_shared>>
      tpu.enqueue_dma source(%arg6 : memref<640x128xf32, #tpu.memory_space<hbm>>) target(%dma_start3A_11 : memref<640x128xf32, #tpu.memory_space<vmem_shared>>) target_semaphore(%run_scoped3A : memref<!tpu.dma_semaphore, #tpu.memory_space<semaphore_mem>>)
      %dma_wait3A = arith.constant 0 : i32
      %dma_wait3A_12 = tpu.memref_slice %arg13[%mul3A_0, %dma_wait3A] : memref<10240x128xf32, #tpu.memory_space<vmem_shared>> -> memref<640x128xf32, #tpu.memory_space<vmem_shared>>
      tpu.wait_dma2 semaphore(%run_scoped3A : memref<!tpu.dma_semaphore, #tpu.memory_space<semaphore_mem>>) src(%arg6 : memref<640x128xf32, #tpu.memory_space<hbm>>) dst(%dma_wait3A_12 : memref<640x128xf32, #tpu.memory_space<vmem_shared>>)
      tpu.yield
    }) : () -> ()
    %barrier3A = arith.constant 0 : index
    tpu.barrier barrier_id(%barrier3A)
    %scan3A = arith.constant 0 : i32
    %scan3A_1 = arith.constant 0 : i32
    %scan3A_2 = arith.constant 40 : i32
    %scan3A_3 = arith.addi %scan3A_1, %scan3A_2 : i32
    %scan3A_4 = arith.constant 1 : i32
    scf.for %scan3A_11 = %scan3A_1 to %scan3A_3 step %scan3A_4  : i32 {
      "tpu.region"() ({
        %run_scoped3A = tpu.sem_alloc : memref<!tpu.dma_semaphore, #tpu.memory_space<semaphore_mem>>
        %dma_start3A_32 = arith.constant 0 : i32
        %dma_start3A_33 = arith.constant 0 : i32
        %dma_start3A_34 = tpu.memref_slice %arg3[%arg0, %arg1, %scan3A_11, %dma_start3A_32, %dma_start3A_33] : memref<2x16x40x16x8xi32, #tpu.memory_space<hbm>> -> memref<1x1x1x16x8xi32, #tpu.memory_space<hbm>>
        %dma_start3A_35 = tpu.memref_squeeze %dma_start3A_34 : memref<1x1x1x16x8xi32, #tpu.memory_space<hbm>> -> memref<16x8xi32, #tpu.memory_space<hbm>>
        %dma_start3A_36 = arith.constant 0 : i32
        %dma_start3A_37 = arith.constant 0 : i32
        %dma_start3A_38 = tpu.memref_slice %arg3[%arg0, %arg1, %scan3A_11, %dma_start3A_36, %dma_start3A_37] : memref<2x16x40x16x8xi32, #tpu.memory_space<hbm>> -> memref<1x1x1x16x8xi32, #tpu.memory_space<hbm>>
        %dma_start3A_39 = tpu.memref_squeeze %dma_start3A_38 : memref<1x1x1x16x8xi32, #tpu.memory_space<hbm>> -> memref<16x8xi32, #tpu.memory_space<hbm>>
        tpu.enqueue_dma source(%dma_start3A_39 : memref<16x8xi32, #tpu.memory_space<hbm>>) target(%arg8 : memref<16x8xi32, #tpu.memory_space<vmem>>) target_semaphore(%run_scoped3A : memref<!tpu.dma_semaphore, #tpu.memory_space<semaphore_mem>>)
        %dma_wait3A = arith.constant 0 : i32
        %dma_wait3A_40 = arith.constant 0 : i32
        %dma_wait3A_41 = tpu.memref_slice %arg3[%arg0, %arg1, %scan3A_11, %dma_wait3A, %dma_wait3A_40] : memref<2x16x40x16x8xi32, #tpu.memory_space<hbm>> -> memref<1x1x1x16x8xi32, #tpu.memory_space<hbm>>
        %dma_wait3A_42 = tpu.memref_squeeze %dma_wait3A_41 : memref<1x1x1x16x8xi32, #tpu.memory_space<hbm>> -> memref<16x8xi32, #tpu.memory_space<hbm>>
        %dma_wait3A_43 = arith.constant 0 : i32
        %dma_wait3A_44 = arith.constant 0 : i32
        %dma_wait3A_45 = tpu.memref_slice %arg3[%arg0, %arg1, %scan3A_11, %dma_wait3A_43, %dma_wait3A_44] : memref<2x16x40x16x8xi32, #tpu.memory_space<hbm>> -> memref<1x1x1x16x8xi32, #tpu.memory_space<hbm>>
        %dma_wait3A_46 = tpu.memref_squeeze %dma_wait3A_45 : memref<1x1x1x16x8xi32, #tpu.memory_space<hbm>> -> memref<16x8xi32, #tpu.memory_space<hbm>>
        tpu.wait_dma2 semaphore(%run_scoped3A : memref<!tpu.dma_semaphore, #tpu.memory_space<semaphore_mem>>) src(%dma_wait3A_46 : memref<16x8xi32, #tpu.memory_space<hbm>>) dst(%arg8 : memref<16x8xi32, #tpu.memory_space<vmem>>)
        tpu.yield
      }) : () -> ()
      "tpu.region"() ({
        %run_scoped3A = tpu.sem_alloc : memref<!tpu.dma_semaphore, #tpu.memory_space<semaphore_mem>>
        %dma_start3A_32 = arith.constant 0 : i32
        %dma_start3A_33 = arith.constant 0 : i32
        %dma_start3A_34 = tpu.memref_slice %arg4[%arg0, %arg1, %scan3A_11, %dma_start3A_32, %dma_start3A_33] : memref<2x16x40x16x8xi32, #tpu.memory_space<hbm>> -> memref<1x1x1x16x8xi32, #tpu.memory_space<hbm>>
        %dma_start3A_35 = tpu.memref_squeeze %dma_start3A_34 : memref<1x1x1x16x8xi32, #tpu.memory_space<hbm>> -> memref<16x8xi32, #tpu.memory_space<hbm>>
        %dma_start3A_36 = arith.constant 0 : i32
        %dma_start3A_37 = arith.constant 0 : i32
        %dma_start3A_38 = tpu.memref_slice %arg4[%arg0, %arg1, %scan3A_11, %dma_start3A_36, %dma_start3A_37] : memref<2x16x40x16x8xi32, #tpu.memory_space<hbm>> -> memref<1x1x1x16x8xi32, #tpu.memory_space<hbm>>
        %dma_start3A_39 = tpu.memref_squeeze %dma_start3A_38 : memref<1x1x1x16x8xi32, #tpu.memory_space<hbm>> -> memref<16x8xi32, #tpu.memory_space<hbm>>
        tpu.enqueue_dma source(%dma_start3A_39 : memref<16x8xi32, #tpu.memory_space<hbm>>) target(%arg9 : memref<16x8xi32, #tpu.memory_space<vmem>>) target_semaphore(%run_scoped3A : memref<!tpu.dma_semaphore, #tpu.memory_space<semaphore_mem>>)
        %dma_wait3A = arith.constant 0 : i32
        %dma_wait3A_40 = arith.constant 0 : i32
        %dma_wait3A_41 = tpu.memref_slice %arg4[%arg0, %arg1, %scan3A_11, %dma_wait3A, %dma_wait3A_40] : memref<2x16x40x16x8xi32, #tpu.memory_space<hbm>> -> memref<1x1x1x16x8xi32, #tpu.memory_space<hbm>>
        %dma_wait3A_42 = tpu.memref_squeeze %dma_wait3A_41 : memref<1x1x1x16x8xi32, #tpu.memory_space<hbm>> -> memref<16x8xi32, #tpu.memory_space<hbm>>
        %dma_wait3A_43 = arith.constant 0 : i32
        %dma_wait3A_44 = arith.constant 0 : i32
        %dma_wait3A_45 = tpu.memref_slice %arg4[%arg0, %arg1, %scan3A_11, %dma_wait3A_43, %dma_wait3A_44] : memref<2x16x40x16x8xi32, #tpu.memory_space<hbm>> -> memref<1x1x1x16x8xi32, #tpu.memory_space<hbm>>
        %dma_wait3A_46 = tpu.memref_squeeze %dma_wait3A_45 : memref<1x1x1x16x8xi32, #tpu.memory_space<hbm>> -> memref<16x8xi32, #tpu.memory_space<hbm>>
        tpu.wait_dma2 semaphore(%run_scoped3A : memref<!tpu.dma_semaphore, #tpu.memory_space<semaphore_mem>>) src(%dma_wait3A_46 : memref<16x8xi32, #tpu.memory_space<hbm>>) dst(%arg9 : memref<16x8xi32, #tpu.memory_space<vmem>>)
        tpu.yield
      }) : () -> ()
      "tpu.region"() ({
        %run_scoped3A = tpu.sem_alloc : memref<!tpu.dma_semaphore, #tpu.memory_space<semaphore_mem>>
        %dma_start3A_32 = arith.constant 0 : i32
        %dma_start3A_33 = arith.constant 0 : i32
        %dma_start3A_34 = tpu.memref_slice %arg5[%arg0, %arg1, %scan3A_11, %dma_start3A_32, %dma_start3A_33] : memref<2x16x40x128x32xf32, #tpu.memory_space<hbm>> -> memref<1x1x1x128x32xf32, #tpu.memory_space<hbm>>
        %dma_start3A_35 = tpu.memref_squeeze %dma_start3A_34 : memref<1x1x1x128x32xf32, #tpu.memory_space<hbm>> -> memref<128x32xf32, #tpu.memory_space<hbm>>
        %dma_start3A_36 = arith.constant 0 : i32
        %dma_start3A_37 = arith.constant 0 : i32
        %dma_start3A_38 = tpu.memref_slice %arg5[%arg0, %arg1, %scan3A_11, %dma_start3A_36, %dma_start3A_37] : memref<2x16x40x128x32xf32, #tpu.memory_space<hbm>> -> memref<1x1x1x128x32xf32, #tpu.memory_space<hbm>>
        %dma_start3A_39 = tpu.memref_squeeze %dma_start3A_38 : memref<1x1x1x128x32xf32, #tpu.memory_space<hbm>> -> memref<128x32xf32, #tpu.memory_space<hbm>>
        tpu.enqueue_dma source(%dma_start3A_39 : memref<128x32xf32, #tpu.memory_space<hbm>>) target(%arg10 : memref<128x32xf32, #tpu.memory_space<vmem>>) target_semaphore(%run_scoped3A : memref<!tpu.dma_semaphore, #tpu.memory_space<semaphore_mem>>)
        %dma_wait3A = arith.constant 0 : i32
        %dma_wait3A_40 = arith.constant 0 : i32
        %dma_wait3A_41 = tpu.memref_slice %arg5[%arg0, %arg1, %scan3A_11, %dma_wait3A, %dma_wait3A_40] : memref<2x16x40x128x32xf32, #tpu.memory_space<hbm>> -> memref<1x1x1x128x32xf32, #tpu.memory_space<hbm>>
        %dma_wait3A_42 = tpu.memref_squeeze %dma_wait3A_41 : memref<1x1x1x128x32xf32, #tpu.memory_space<hbm>> -> memref<128x32xf32, #tpu.memory_space<hbm>>
        %dma_wait3A_43 = arith.constant 0 : i32
        %dma_wait3A_44 = arith.constant 0 : i32
        %dma_wait3A_45 = tpu.memref_slice %arg5[%arg0, %arg1, %scan3A_11, %dma_wait3A_43, %dma_wait3A_44] : memref<2x16x40x128x32xf32, #tpu.memory_space<hbm>> -> memref<1x1x1x128x32xf32, #tpu.memory_space<hbm>>
        %dma_wait3A_46 = tpu.memref_squeeze %dma_wait3A_45 : memref<1x1x1x128x32xf32, #tpu.memory_space<hbm>> -> memref<128x32xf32, #tpu.memory_space<hbm>>
        tpu.wait_dma2 semaphore(%run_scoped3A : memref<!tpu.dma_semaphore, #tpu.memory_space<semaphore_mem>>) src(%dma_wait3A_46 : memref<128x32xf32, #tpu.memory_space<hbm>>) dst(%arg10 : memref<128x32xf32, #tpu.memory_space<vmem>>)
        tpu.yield
      }) : () -> ()
      %dma_start3A = arith.constant 0 : i32
      %dma_start3A_12 = arith.constant 0 : i32
      %dma_start3A_13 = arith.constant 0 : i32
      %dma_start3A_14 = arith.constant 0 : i32
      %dma_start3A_15 = arith.constant 0 : i32
      %dma_start3A_16 = tpu.memref_slice %arg11[%dma_start3A_12, %dma_start3A_14, %dma_start3A_15] : memref<2x8x1152xi32, #tpu.memory_space<vmem>> -> memref<1x8x1152xi32, #tpu.memory_space<vmem>>
      %dma_start3A_17 = tpu.memref_squeeze %dma_start3A_16 : memref<1x8x1152xi32, #tpu.memory_space<vmem>> -> memref<8x1152xi32, #tpu.memory_space<vmem>>
      %dma_start3A_18 = arith.constant 0 : i32
      %dma_start3A_19 = tpu.memref_slice %arg8[%dma_start3A, %dma_start3A_18] : memref<16x8xi32, #tpu.memory_space<vmem>> -> memref<1x8xi32, #tpu.memory_space<vmem>>
      %dma_start3A_20 = tpu.memref_squeeze %dma_start3A_19 : memref<1x8xi32, #tpu.memory_space<vmem>> -> memref<8xi32, #tpu.memory_space<vmem>>
      %dma_start3A_21 = arith.constant 0 : i32
      %dma_start3A_22 = arith.constant 0 : i32
      %dma_start3A_23 = tpu.memref_slice %arg2[%dma_start3A_21, %dma_start3A_22] : memref<20000x1152xi32, #tpu.memory_space<hbm>> -> memref<20000x1152xi32, #tpu.memory_space<hbm>>
      %dma_start3A_24 = tpu.memref_slice %arg14[%dma_start3A_13] : memref<2x!tpu.dma_semaphore, #tpu.memory_space<semaphore_mem>> -> memref<1x!tpu.dma_semaphore, #tpu.memory_space<semaphore_mem>>
      %dma_start3A_25 = tpu.memref_squeeze %dma_start3A_24 : memref<1x!tpu.dma_semaphore, #tpu.memory_space<semaphore_mem>> -> memref<!tpu.dma_semaphore, #tpu.memory_space<semaphore_mem>>
      tpu.enqueue_indirect_dma source(%dma_start3A_23 : memref<20000x1152xi32, #tpu.memory_space<hbm>>) target(%dma_start3A_17 : memref<8x1152xi32, #tpu.memory_space<vmem>>) offsets(%dma_start3A_20 : memref<8xi32, #tpu.memory_space<vmem>>) semaphore(%dma_start3A_25 : memref<!tpu.dma_semaphore, #tpu.memory_space<semaphore_mem>>)
      %scan3A_26 = arith.constant 0 : i32
      %scan3A_27 = arith.constant 0 : i32
      %scan3A_28 = arith.constant 8 : i32
      %scan3A_29 = arith.addi %scan3A_27, %scan3A_28 : i32
      %scan3A_30 = arith.constant 1 : i32
      scf.for %scan3A_32 = %scan3A_27 to %scan3A_29 step %scan3A_30  : i32 {
        %mul3A_33 = arith.constant 2 : i32
        %mul3A_34 = arith.muli %mul3A_33, %scan3A_32 : i32
        %add3A = arith.constant 0 : i32
        %add3A_35 = arith.addi %mul3A_34, %add3A : i32
        %add3A_36 = arith.constant 1 : i32
        %add3A_37 = arith.addi %add3A_35, %add3A_36 : i32
        %lt3A = arith.constant 16 : i32
        %lt3A_38 = arith.cmpi slt, %add3A_37, %lt3A : i32
        %convert_element_type3A = arith.extui %lt3A_38 : i1 to i32
        %cond3A = arith.constant 0 : i32
        %cond3A_39 = arith.cmpi ne, %convert_element_type3A, %cond3A : i32
        scf.if %cond3A_39 {
          %add3A_92 = arith.constant 1 : i32
          %add3A_93 = arith.addi %add3A_35, %add3A_92 : i32
          %dma_start3A_94 = arith.constant 1 : i32
          %dma_start3A_95 = arith.constant 1 : i32
          %dma_start3A_96 = arith.constant 0 : i32
          %dma_start3A_97 = arith.constant 0 : i32
          %dma_start3A_98 = tpu.memref_slice %arg11[%dma_start3A_94, %dma_start3A_96, %dma_start3A_97] : memref<2x8x1152xi32, #tpu.memory_space<vmem>> -> memref<1x8x1152xi32, #tpu.memory_space<vmem>>
          %dma_start3A_99 = tpu.memref_squeeze %dma_start3A_98 : memref<1x8x1152xi32, #tpu.memory_space<vmem>> -> memref<8x1152xi32, #tpu.memory_space<vmem>>
          %dma_start3A_100 = arith.constant 0 : i32
          %dma_start3A_101 = tpu.memref_slice %arg8[%add3A_93, %dma_start3A_100] : memref<16x8xi32, #tpu.memory_space<vmem>> -> memref<1x8xi32, #tpu.memory_space<vmem>>
          %dma_start3A_102 = tpu.memref_squeeze %dma_start3A_101 : memref<1x8xi32, #tpu.memory_space<vmem>> -> memref<8xi32, #tpu.memory_space<vmem>>
          %dma_start3A_103 = arith.constant 0 : i32
          %dma_start3A_104 = arith.constant 0 : i32
          %dma_start3A_105 = tpu.memref_slice %arg2[%dma_start3A_103, %dma_start3A_104] : memref<20000x1152xi32, #tpu.memory_space<hbm>> -> memref<20000x1152xi32, #tpu.memory_space<hbm>>
          %dma_start3A_106 = tpu.memref_slice %arg14[%dma_start3A_95] : memref<2x!tpu.dma_semaphore, #tpu.memory_space<semaphore_mem>> -> memref<1x!tpu.dma_semaphore, #tpu.memory_space<semaphore_mem>>
          %dma_start3A_107 = tpu.memref_squeeze %dma_start3A_106 : memref<1x!tpu.dma_semaphore, #tpu.memory_space<semaphore_mem>> -> memref<!tpu.dma_semaphore, #tpu.memory_space<semaphore_mem>>
          tpu.enqueue_indirect_dma source(%dma_start3A_105 : memref<20000x1152xi32, #tpu.memory_space<hbm>>) target(%dma_start3A_99 : memref<8x1152xi32, #tpu.memory_space<vmem>>) offsets(%dma_start3A_102 : memref<8xi32, #tpu.memory_space<vmem>>) semaphore(%dma_start3A_107 : memref<!tpu.dma_semaphore, #tpu.memory_space<semaphore_mem>>)
        } else {
        }
        %dma_wait3A = arith.constant 0 : i32
        %dma_wait3A_40 = arith.constant 0 : i32
        %dma_wait3A_41 = arith.constant 0 : i32
        %dma_wait3A_42 = arith.constant 0 : i32
        %dma_wait3A_43 = arith.constant 0 : i32
        %dma_wait3A_44 = tpu.memref_slice %arg11[%dma_wait3A_40, %dma_wait3A_42, %dma_wait3A_43] : memref<2x8x1152xi32, #tpu.memory_space<vmem>> -> memref<1x8x1152xi32, #tpu.memory_space<vmem>>
        %dma_wait3A_45 = tpu.memref_squeeze %dma_wait3A_44 : memref<1x8x1152xi32, #tpu.memory_space<vmem>> -> memref<8x1152xi32, #tpu.memory_space<vmem>>
        %dma_wait3A_46 = arith.constant 0 : i32
        %dma_wait3A_47 = tpu.memref_slice %arg8[%dma_wait3A, %dma_wait3A_46] : memref<16x8xi32, #tpu.memory_space<vmem>> -> memref<1x8xi32, #tpu.memory_space<vmem>>
        %dma_wait3A_48 = tpu.memref_squeeze %dma_wait3A_47 : memref<1x8xi32, #tpu.memory_space<vmem>> -> memref<8xi32, #tpu.memory_space<vmem>>
        %dma_wait3A_49 = arith.constant 0 : i32
        %dma_wait3A_50 = arith.constant 0 : i32
        %dma_wait3A_51 = tpu.memref_slice %arg2[%dma_wait3A_49, %dma_wait3A_50] : memref<20000x1152xi32, #tpu.memory_space<hbm>> -> memref<20000x1152xi32, #tpu.memory_space<hbm>>
        %dma_wait3A_52 = tpu.memref_slice %arg14[%dma_wait3A_41] : memref<2x!tpu.dma_semaphore, #tpu.memory_space<semaphore_mem>> -> memref<1x!tpu.dma_semaphore, #tpu.memory_space<semaphore_mem>>
        %dma_wait3A_53 = tpu.memref_squeeze %dma_wait3A_52 : memref<1x!tpu.dma_semaphore, #tpu.memory_space<semaphore_mem>> -> memref<!tpu.dma_semaphore, #tpu.memory_space<semaphore_mem>>
        tpu.wait_indirect_dma semaphore(%dma_wait3A_53 : memref<!tpu.dma_semaphore, #tpu.memory_space<semaphore_mem>>) src(%dma_wait3A_51 : memref<20000x1152xi32, #tpu.memory_space<hbm>>) dst(%dma_wait3A_45 : memref<8x1152xi32, #tpu.memory_space<vmem>>)
        %scan3A_54 = arith.constant 0 : i32
        %scan3A_55 = arith.constant 0 : i32
        %scan3A_56 = arith.constant 8 : i32
        %scan3A_57 = arith.addi %scan3A_55, %scan3A_56 : i32
        %scan3A_58 = arith.constant 1 : i32
        scf.for %scan3A_92 = %scan3A_55 to %scan3A_57 step %scan3A_58  : i32 {
          %mul3A_93 = arith.constant 8 : i32
          %mul3A_94 = arith.muli %add3A_35, %mul3A_93 : i32
          %add3A_95 = arith.addi %mul3A_94, %scan3A_92 : i32
          %get3A = arith.index_cast %add3A_95 : i32 to index
          %get3A_96 = arith.constant 0 : index
          %get3A_97 = tpu.vector_load %arg10[%get3A, %get3A_96] {strides = array<i32>} : memref<128x32xf32, #tpu.memory_space<vmem>>, vector<1x16xf32>,
          %get3A_98 = vector.shape_cast %get3A_97 : vector<1x16xf32> to vector<16xf32>
          %mul3A_99 = arith.constant 8 : i32
          %mul3A_100 = arith.muli %add3A_35, %mul3A_99 : i32
          %add3A_101 = arith.addi %mul3A_100, %scan3A_92 : i32
          %get3A_102 = arith.index_cast %add3A_101 : i32 to index
          %get3A_103 = arith.constant 16 : index
          %get3A_104 = tpu.vector_load %arg10[%get3A_102, %get3A_103] {strides = array<i32>} : memref<128x32xf32, #tpu.memory_space<vmem>>, vector<1x16xf32>,
          %get3A_105 = vector.shape_cast %get3A_104 : vector<1x16xf32> to vector<16xf32>
          %broadcast_in_dim3A = arith.constant 0.000000e+00 : f32
          %broadcast_in_dim3A_106 = vector.broadcast %broadcast_in_dim3A : f32 to vector<16xf32>
          %broadcast_in_dim3A_107 = arith.constant 0.000000e+00 : f32
          %broadcast_in_dim3A_108 = vector.broadcast %broadcast_in_dim3A_107 : f32 to vector<16xf32>
          %broadcast_in_dim3A_109 = arith.constant 0 : i32
          %broadcast_in_dim3A_110 = vector.broadcast %broadcast_in_dim3A_109 : i32 to vector<16x1xi32>
          %gather3A = vector.shape_cast %broadcast_in_dim3A_110 : vector<16x1xi32> to vector<16xi32>
          %gather3A_111 = tpu.dynamic_gather %get3A_98[%gather3A] in [0] : vector<16xf32>, vector<16xi32> -> vector<16xf32>
          %get3A_112 = arith.constant 0 : i32
          %get3A_113 = arith.index_cast %get3A_112 : i32 to index
          %get3A_114 = arith.index_cast %scan3A_92 : i32 to index
          %get3A_115 = arith.constant 0 : index
          %get3A_116 = tpu.vector_load %arg11[%get3A_113, %get3A_114, %get3A_115] {strides = array<i32>} : memref<2x8x1152xi32, #tpu.memory_space<vmem>>, vector<1x1x16xi32>,
          %get3A_117 = vector.shape_cast %get3A_116 : vector<1x1x16xi32> to vector<16xi32>
          %shift_left3A = arith.constant 16 : i32
          %shift_left3A_118 = vector.broadcast %shift_left3A : i32 to vector<16xi32>
          %shift_left3A_119 = arith.shli %get3A_117, %shift_left3A_118 : vector<16xi32>
          %bitcast_convert_type3A = tpu.bitcast %shift_left3A_119 : vector<16xi32> -> vector<16xf32>
          %bitcast_convert_type3A_120 = tpu.bitcast %get3A_117 : vector<16xi32> -> vector<16xf32>
          %mul3A_121 = arith.mulf %bitcast_convert_type3A, %gather3A_111 : vector<16xf32>
          %add3A_122 = arith.addf %broadcast_in_dim3A_106, %mul3A_121 : vector<16xf32>
          %mul3A_123 = arith.mulf %bitcast_convert_type3A_120, %gather3A_111 : vector<16xf32>
          %add3A_124 = arith.addf %broadcast_in_dim3A_108, %mul3A_123 : vector<16xf32>
          %broadcast_in_dim3A_125 = arith.constant 1 : i32
          %broadcast_in_dim3A_126 = vector.broadcast %broadcast_in_dim3A_125 : i32 to vector<16x1xi32>
          %gather3A_127 = vector.shape_cast %broadcast_in_dim3A_126 : vector<16x1xi32> to vector<16xi32>
          %gather3A_128 = tpu.dynamic_gather %get3A_98[%gather3A_127] in [0] : vector<16xf32>, vector<16xi32> -> vector<16xf32>
          %get3A_129 = arith.constant 0 : i32
          %get3A_130 = arith.index_cast %get3A_129 : i32 to index
          %get3A_131 = arith.index_cast %scan3A_92 : i32 to index
          %get3A_132 = arith.constant 64 : index
          %get3A_133 = tpu.vector_load %arg11[%get3A_130, %get3A_131, %get3A_132] {strides = array<i32>} : memref<2x8x1152xi32, #tpu.memory_space<vmem>>, vector<1x1x16xi32>,
          %get3A_134 = vector.shape_cast %get3A_133 : vector<1x1x16xi32> to vector<16xi32>
          %shift_left3A_135 = arith.constant 16 : i32
          %shift_left3A_136 = vector.broadcast %shift_left3A_135 : i32 to vector<16xi32>
          %shift_left3A_137 = arith.shli %get3A_134, %shift_left3A_136 : vector<16xi32>
          %bitcast_convert_type3A_138 = tpu.bitcast %shift_left3A_137 : vector<16xi32> -> vector<16xf32>
          %bitcast_convert_type3A_139 = tpu.bitcast %get3A_134 : vector<16xi32> -> vector<16xf32>
          %mul3A_140 = arith.mulf %bitcast_convert_type3A_138, %gather3A_128 : vector<16xf32>
          %add3A_141 = arith.addf %add3A_122, %mul3A_140 : vector<16xf32>
          %mul3A_142 = arith.mulf %bitcast_convert_type3A_139, %gather3A_128 : vector<16xf32>
          %add3A_143 = arith.addf %add3A_124, %mul3A_142 : vector<16xf32>
          %broadcast_in_dim3A_144 = arith.constant 2 : i32
          %broadcast_in_dim3A_145 = vector.broadcast %broadcast_in_dim3A_144 : i32 to vector<16x1xi32>
          %gather3A_146 = vector.shape_cast %broadcast_in_dim3A_145 : vector<16x1xi32> to vector<16xi32>
          %gather3A_147 = tpu.dynamic_gather %get3A_98[%gather3A_146] in [0] : vector<16xf32>, vector<16xi32> -> vector<16xf32>
          %get3A_148 = arith.constant 0 : i32
          %get3A_149 = arith.index_cast %get3A_148 : i32 to index
          %get3A_150 = arith.index_cast %scan3A_92 : i32 to index
          %get3A_151 = arith.constant 128 : index
          %get3A_152 = tpu.vector_load %arg11[%get3A_149, %get3A_150, %get3A_151] {strides = array<i32>} : memref<2x8x1152xi32, #tpu.memory_space<vmem>>, vector<1x1x16xi32>,
          %get3A_153 = vector.shape_cast %get3A_152 : vector<1x1x16xi32> to vector<16xi32>
          %shift_left3A_154 = arith.constant 16 : i32
          %shift_left3A_155 = vector.broadcast %shift_left3A_154 : i32 to vector<16xi32>
          %shift_left3A_156 = arith.shli %get3A_153, %shift_left3A_155 : vector<16xi32>
          %bitcast_convert_type3A_157 = tpu.bitcast %shift_left3A_156 : vector<16xi32> -> vector<16xf32>
          %bitcast_convert_type3A_158 = tpu.bitcast %get3A_153 : vector<16xi32> -> vector<16xf32>
          %mul3A_159 = arith.mulf %bitcast_convert_type3A_157, %gather3A_147 : vector<16xf32>
          %add3A_160 = arith.addf %add3A_141, %mul3A_159 : vector<16xf32>
          %mul3A_161 = arith.mulf %bitcast_convert_type3A_158, %gather3A_147 : vector<16xf32>
          %add3A_162 = arith.addf %add3A_143, %mul3A_161 : vector<16xf32>
          %broadcast_in_dim3A_163 = arith.constant 3 : i32
          %broadcast_in_dim3A_164 = vector.broadcast %broadcast_in_dim3A_163 : i32 to vector<16x1xi32>
          %gather3A_165 = vector.shape_cast %broadcast_in_dim3A_164 : vector<16x1xi32> to vector<16xi32>
          %gather3A_166 = tpu.dynamic_gather %get3A_98[%gather3A_165] in [0] : vector<16xf32>, vector<16xi32> -> vector<16xf32>
          %get3A_167 = arith.constant 0 : i32
          %get3A_168 = arith.index_cast %get3A_167 : i32 to index
          %get3A_169 = arith.index_cast %scan3A_92 : i32 to index
          %get3A_170 = arith.constant 192 : index
          %get3A_171 = tpu.vector_load %arg11[%get3A_168, %get3A_169, %get3A_170] {strides = array<i32>} : memref<2x8x1152xi32, #tpu.memory_space<vmem>>, vector<1x1x16xi32>,
          %get3A_172 = vector.shape_cast %get3A_171 : vector<1x1x16xi32> to vector<16xi32>
          %shift_left3A_173 = arith.constant 16 : i32
          %shift_left3A_174 = vector.broadcast %shift_left3A_173 : i32 to vector<16xi32>
          %shift_left3A_175 = arith.shli %get3A_172, %shift_left3A_174 : vector<16xi32>
          %bitcast_convert_type3A_176 = tpu.bitcast %shift_left3A_175 : vector<16xi32> -> vector<16xf32>
          %bitcast_convert_type3A_177 = tpu.bitcast %get3A_172 : vector<16xi32> -> vector<16xf32>
          %mul3A_178 = arith.mulf %bitcast_convert_type3A_176, %gather3A_166 : vector<16xf32>
          %add3A_179 = arith.addf %add3A_160, %mul3A_178 : vector<16xf32>
          %mul3A_180 = arith.mulf %bitcast_convert_type3A_177, %gather3A_166 : vector<16xf32>
          %add3A_181 = arith.addf %add3A_162, %mul3A_180 : vector<16xf32>
          %broadcast_in_dim3A_182 = arith.constant 4 : i32
          %broadcast_in_dim3A_183 = vector.broadcast %broadcast_in_dim3A_182 : i32 to vector<16x1xi32>
          %gather3A_184 = vector.shape_cast %broadcast_in_dim3A_183 : vector<16x1xi32> to vector<16xi32>
          %gather3A_185 = tpu.dynamic_gather %get3A_98[%gather3A_184] in [0] : vector<16xf32>, vector<16xi32> -> vector<16xf32>
          %get3A_186 = arith.constant 0 : i32
          %get3A_187 = arith.index_cast %get3A_186 : i32 to index
          %get3A_188 = arith.index_cast %scan3A_92 : i32 to index
          %get3A_189 = arith.constant 256 : index
          %get3A_190 = tpu.vector_load %arg11[%get3A_187, %get3A_188, %get3A_189] {strides = array<i32>} : memref<2x8x1152xi32, #tpu.memory_space<vmem>>, vector<1x1x16xi32>,
          %get3A_191 = vector.shape_cast %get3A_190 : vector<1x1x16xi32> to vector<16xi32>
          %shift_left3A_192 = arith.constant 16 : i32
          %shift_left3A_193 = vector.broadcast %shift_left3A_192 : i32 to vector<16xi32>
          %shift_left3A_194 = arith.shli %get3A_191, %shift_left3A_193 : vector<16xi32>
          %bitcast_convert_type3A_195 = tpu.bitcast %shift_left3A_194 : vector<16xi32> -> vector<16xf32>
          %bitcast_convert_type3A_196 = tpu.bitcast %get3A_191 : vector<16xi32> -> vector<16xf32>
          %mul3A_197 = arith.mulf %bitcast_convert_type3A_195, %gather3A_185 : vector<16xf32>
          %add3A_198 = arith.addf %add3A_179, %mul3A_197 : vector<16xf32>
          %mul3A_199 = arith.mulf %bitcast_convert_type3A_196, %gather3A_185 : vector<16xf32>
          %add3A_200 = arith.addf %add3A_181, %mul3A_199 : vector<16xf32>
          %broadcast_in_dim3A_201 = arith.constant 5 : i32
          %broadcast_in_dim3A_202 = vector.broadcast %broadcast_in_dim3A_201 : i32 to vector<16x1xi32>
          %gather3A_203 = vector.shape_cast %broadcast_in_dim3A_202 : vector<16x1xi32> to vector<16xi32>
          %gather3A_204 = tpu.dynamic_gather %get3A_98[%gather3A_203] in [0] : vector<16xf32>, vector<16xi32> -> vector<16xf32>
          %get3A_205 = arith.constant 0 : i32
          %get3A_206 = arith.index_cast %get3A_205 : i32 to index
          %get3A_207 = arith.index_cast %scan3A_92 : i32 to index
          %get3A_208 = arith.constant 320 : index
          %get3A_209 = tpu.vector_load %arg11[%get3A_206, %get3A_207, %get3A_208] {strides = array<i32>} : memref<2x8x1152xi32, #tpu.memory_space<vmem>>, vector<1x1x16xi32>,
          %get3A_210 = vector.shape_cast %get3A_209 : vector<1x1x16xi32> to vector<16xi32>
          %shift_left3A_211 = arith.constant 16 : i32
          %shift_left3A_212 = vector.broadcast %shift_left3A_211 : i32 to vector<16xi32>
          %shift_left3A_213 = arith.shli %get3A_210, %shift_left3A_212 : vector<16xi32>
          %bitcast_convert_type3A_214 = tpu.bitcast %shift_left3A_213 : vector<16xi32> -> vector<16xf32>
          %bitcast_convert_type3A_215 = tpu.bitcast %get3A_210 : vector<16xi32> -> vector<16xf32>
          %mul3A_216 = arith.mulf %bitcast_convert_type3A_214, %gather3A_204 : vector<16xf32>
          %add3A_217 = arith.addf %add3A_198, %mul3A_216 : vector<16xf32>
          %mul3A_218 = arith.mulf %bitcast_convert_type3A_215, %gather3A_204 : vector<16xf32>
          %add3A_219 = arith.addf %add3A_200, %mul3A_218 : vector<16xf32>
          %broadcast_in_dim3A_220 = arith.constant 6 : i32
          %broadcast_in_dim3A_221 = vector.broadcast %broadcast_in_dim3A_220 : i32 to vector<16x1xi32>
          %gather3A_222 = vector.shape_cast %broadcast_in_dim3A_221 : vector<16x1xi32> to vector<16xi32>
          %gather3A_223 = tpu.dynamic_gather %get3A_98[%gather3A_222] in [0] : vector<16xf32>, vector<16xi32> -> vector<16xf32>
          %get3A_224 = arith.constant 0 : i32
          %get3A_225 = arith.index_cast %get3A_224 : i32 to index
          %get3A_226 = arith.index_cast %scan3A_92 : i32 to index
          %get3A_227 = arith.constant 384 : index
          %get3A_228 = tpu.vector_load %arg11[%get3A_225, %get3A_226, %get3A_227] {strides = array<i32>} : memref<2x8x1152xi32, #tpu.memory_space<vmem>>, vector<1x1x16xi32>,
          %get3A_229 = vector.shape_cast %get3A_228 : vector<1x1x16xi32> to vector<16xi32>
          %shift_left3A_230 = arith.constant 16 : i32
          %shift_left3A_231 = vector.broadcast %shift_left3A_230 : i32 to vector<16xi32>
          %shift_left3A_232 = arith.shli %get3A_229, %shift_left3A_231 : vector<16xi32>
          %bitcast_convert_type3A_233 = tpu.bitcast %shift_left3A_232 : vector<16xi32> -> vector<16xf32>
          %bitcast_convert_type3A_234 = tpu.bitcast %get3A_229 : vector<16xi32> -> vector<16xf32>
          %mul3A_235 = arith.mulf %bitcast_convert_type3A_233, %gather3A_223 : vector<16xf32>
          %add3A_236 = arith.addf %add3A_217, %mul3A_235 : vector<16xf32>
          %mul3A_237 = arith.mulf %bitcast_convert_type3A_234, %gather3A_223 : vector<16xf32>
          %add3A_238 = arith.addf %add3A_219, %mul3A_237 : vector<16xf32>
          %broadcast_in_dim3A_239 = arith.constant 7 : i32
          %broadcast_in_dim3A_240 = vector.broadcast %broadcast_in_dim3A_239 : i32 to vector<16x1xi32>
          %gather3A_241 = vector.shape_cast %broadcast_in_dim3A_240 : vector<16x1xi32> to vector<16xi32>
          %gather3A_242 = tpu.dynamic_gather %get3A_98[%gather3A_241] in [0] : vector<16xf32>, vector<16xi32> -> vector<16xf32>
          %get3A_243 = arith.constant 0 : i32
          %get3A_244 = arith.index_cast %get3A_243 : i32 to index
          %get3A_245 = arith.index_cast %scan3A_92 : i32 to index
          %get3A_246 = arith.constant 448 : index
          %get3A_247 = tpu.vector_load %arg11[%get3A_244, %get3A_245, %get3A_246] {strides = array<i32>} : memref<2x8x1152xi32, #tpu.memory_space<vmem>>, vector<1x1x16xi32>,
          %get3A_248 = vector.shape_cast %get3A_247 : vector<1x1x16xi32> to vector<16xi32>
          %shift_left3A_249 = arith.constant 16 : i32
          %shift_left3A_250 = vector.broadcast %shift_left3A_249 : i32 to vector<16xi32>
          %shift_left3A_251 = arith.shli %get3A_248, %shift_left3A_250 : vector<16xi32>
          %bitcast_convert_type3A_252 = tpu.bitcast %shift_left3A_251 : vector<16xi32> -> vector<16xf32>
          %bitcast_convert_type3A_253 = tpu.bitcast %get3A_248 : vector<16xi32> -> vector<16xf32>
          %mul3A_254 = arith.mulf %bitcast_convert_type3A_252, %gather3A_242 : vector<16xf32>
          %add3A_255 = arith.addf %add3A_236, %mul3A_254 : vector<16xf32>
          %mul3A_256 = arith.mulf %bitcast_convert_type3A_253, %gather3A_242 : vector<16xf32>
          %add3A_257 = arith.addf %add3A_238, %mul3A_256 : vector<16xf32>
          %broadcast_in_dim3A_258 = arith.constant 8 : i32
          %broadcast_in_dim3A_259 = vector.broadcast %broadcast_in_dim3A_258 : i32 to vector<16x1xi32>
          %gather3A_260 = vector.shape_cast %broadcast_in_dim3A_259 : vector<16x1xi32> to vector<16xi32>
          %gather3A_261 = tpu.dynamic_gather %get3A_98[%gather3A_260] in [0] : vector<16xf32>, vector<16xi32> -> vector<16xf32>
          %get3A_262 = arith.constant 0 : i32
          %get3A_263 = arith.index_cast %get3A_262 : i32 to index
          %get3A_264 = arith.index_cast %scan3A_92 : i32 to index
          %get3A_265 = arith.constant 512 : index
          %get3A_266 = tpu.vector_load %arg11[%get3A_263, %get3A_264, %get3A_265] {strides = array<i32>} : memref<2x8x1152xi32, #tpu.memory_space<vmem>>, vector<1x1x16xi32>,
          %get3A_267 = vector.shape_cast %get3A_266 : vector<1x1x16xi32> to vector<16xi32>
          %shift_left3A_268 = arith.constant 16 : i32
          %shift_left3A_269 = vector.broadcast %shift_left3A_268 : i32 to vector<16xi32>
          %shift_left3A_270 = arith.shli %get3A_267, %shift_left3A_269 : vector<16xi32>
          %bitcast_convert_type3A_271 = tpu.bitcast %shift_left3A_270 : vector<16xi32> -> vector<16xf32>
          %bitcast_convert_type3A_272 = tpu.bitcast %get3A_267 : vector<16xi32> -> vector<16xf32>
          %mul3A_273 = arith.mulf %bitcast_convert_type3A_271, %gather3A_261 : vector<16xf32>
          %add3A_274 = arith.addf %add3A_255, %mul3A_273 : vector<16xf32>
          %mul3A_275 = arith.mulf %bitcast_convert_type3A_272, %gather3A_261 : vector<16xf32>
          %add3A_276 = arith.addf %add3A_257, %mul3A_275 : vector<16xf32>
          %broadcast_in_dim3A_277 = arith.constant 9 : i32
          %broadcast_in_dim3A_278 = vector.broadcast %broadcast_in_dim3A_277 : i32 to vector<16x1xi32>
          %gather3A_279 = vector.shape_cast %broadcast_in_dim3A_278 : vector<16x1xi32> to vector<16xi32>
          %gather3A_280 = tpu.dynamic_gather %get3A_98[%gather3A_279] in [0] : vector<16xf32>, vector<16xi32> -> vector<16xf32>
          %get3A_281 = arith.constant 0 : i32
          %get3A_282 = arith.index_cast %get3A_281 : i32 to index
          %get3A_283 = arith.index_cast %scan3A_92 : i32 to index
          %get3A_284 = arith.constant 576 : index
          %get3A_285 = tpu.vector_load %arg11[%get3A_282, %get3A_283, %get3A_284] {strides = array<i32>} : memref<2x8x1152xi32, #tpu.memory_space<vmem>>, vector<1x1x16xi32>,
          %get3A_286 = vector.shape_cast %get3A_285 : vector<1x1x16xi32> to vector<16xi32>
          %shift_left3A_287 = arith.constant 16 : i32
          %shift_left3A_288 = vector.broadcast %shift_left3A_287 : i32 to vector<16xi32>
          %shift_left3A_289 = arith.shli %get3A_286, %shift_left3A_288 : vector<16xi32>
          %bitcast_convert_type3A_290 = tpu.bitcast %shift_left3A_289 : vector<16xi32> -> vector<16xf32>
          %bitcast_convert_type3A_291 = tpu.bitcast %get3A_286 : vector<16xi32> -> vector<16xf32>
          %mul3A_292 = arith.mulf %bitcast_convert_type3A_290, %gather3A_280 : vector<16xf32>
          %add3A_293 = arith.addf %add3A_274, %mul3A_292 : vector<16xf32>
          %mul3A_294 = arith.mulf %bitcast_convert_type3A_291, %gather3A_280 : vector<16xf32>
          %add3A_295 = arith.addf %add3A_276, %mul3A_294 : vector<16xf32>
          %broadcast_in_dim3A_296 = arith.constant 10 : i32
          %broadcast_in_dim3A_297 = vector.broadcast %broadcast_in_dim3A_296 : i32 to vector<16x1xi32>
          %gather3A_298 = vector.shape_cast %broadcast_in_dim3A_297 : vector<16x1xi32> to vector<16xi32>
          %gather3A_299 = tpu.dynamic_gather %get3A_98[%gather3A_298] in [0] : vector<16xf32>, vector<16xi32> -> vector<16xf32>
          %get3A_300 = arith.constant 0 : i32
          %get3A_301 = arith.index_cast %get3A_300 : i32 to index
          %get3A_302 = arith.index_cast %scan3A_92 : i32 to index
          %get3A_303 = arith.constant 640 : index
          %get3A_304 = tpu.vector_load %arg11[%get3A_301, %get3A_302, %get3A_303] {strides = array<i32>} : memref<2x8x1152xi32, #tpu.memory_space<vmem>>, vector<1x1x16xi32>,
          %get3A_305 = vector.shape_cast %get3A_304 : vector<1x1x16xi32> to vector<16xi32>
          %shift_left3A_306 = arith.constant 16 : i32
          %shift_left3A_307 = vector.broadcast %shift_left3A_306 : i32 to vector<16xi32>
          %shift_left3A_308 = arith.shli %get3A_305, %shift_left3A_307 : vector<16xi32>
          %bitcast_convert_type3A_309 = tpu.bitcast %shift_left3A_308 : vector<16xi32> -> vector<16xf32>
          %bitcast_convert_type3A_310 = tpu.bitcast %get3A_305 : vector<16xi32> -> vector<16xf32>
          %mul3A_311 = arith.mulf %bitcast_convert_type3A_309, %gather3A_299 : vector<16xf32>
          %add3A_312 = arith.addf %add3A_293, %mul3A_311 : vector<16xf32>
          %mul3A_313 = arith.mulf %bitcast_convert_type3A_310, %gather3A_299 : vector<16xf32>
          %add3A_314 = arith.addf %add3A_295, %mul3A_313 : vector<16xf32>
          %broadcast_in_dim3A_315 = arith.constant 11 : i32
          %broadcast_in_dim3A_316 = vector.broadcast %broadcast_in_dim3A_315 : i32 to vector<16x1xi32>
          %gather3A_317 = vector.shape_cast %broadcast_in_dim3A_316 : vector<16x1xi32> to vector<16xi32>
          %gather3A_318 = tpu.dynamic_gather %get3A_98[%gather3A_317] in [0] : vector<16xf32>, vector<16xi32> -> vector<16xf32>
          %get3A_319 = arith.constant 0 : i32
          %get3A_320 = arith.index_cast %get3A_319 : i32 to index
          %get3A_321 = arith.index_cast %scan3A_92 : i32 to index
          %get3A_322 = arith.constant 704 : index
          %get3A_323 = tpu.vector_load %arg11[%get3A_320, %get3A_321, %get3A_322] {strides = array<i32>} : memref<2x8x1152xi32, #tpu.memory_space<vmem>>, vector<1x1x16xi32>,
          %get3A_324 = vector.shape_cast %get3A_323 : vector<1x1x16xi32> to vector<16xi32>
          %shift_left3A_325 = arith.constant 16 : i32
          %shift_left3A_326 = vector.broadcast %shift_left3A_325 : i32 to vector<16xi32>
          %shift_left3A_327 = arith.shli %get3A_324, %shift_left3A_326 : vector<16xi32>
          %bitcast_convert_type3A_328 = tpu.bitcast %shift_left3A_327 : vector<16xi32> -> vector<16xf32>
          %bitcast_convert_type3A_329 = tpu.bitcast %get3A_324 : vector<16xi32> -> vector<16xf32>
          %mul3A_330 = arith.mulf %bitcast_convert_type3A_328, %gather3A_318 : vector<16xf32>
          %add3A_331 = arith.addf %add3A_312, %mul3A_330 : vector<16xf32>
          %mul3A_332 = arith.mulf %bitcast_convert_type3A_329, %gather3A_318 : vector<16xf32>
          %add3A_333 = arith.addf %add3A_314, %mul3A_332 : vector<16xf32>
          %broadcast_in_dim3A_334 = arith.constant 12 : i32
          %broadcast_in_dim3A_335 = vector.broadcast %broadcast_in_dim3A_334 : i32 to vector<16x1xi32>
          %gather3A_336 = vector.shape_cast %broadcast_in_dim3A_335 : vector<16x1xi32> to vector<16xi32>
          %gather3A_337 = tpu.dynamic_gather %get3A_98[%gather3A_336] in [0] : vector<16xf32>, vector<16xi32> -> vector<16xf32>
          %get3A_338 = arith.constant 0 : i32
          %get3A_339 = arith.index_cast %get3A_338 : i32 to index
          %get3A_340 = arith.index_cast %scan3A_92 : i32 to index
          %get3A_341 = arith.constant 768 : index
          %get3A_342 = tpu.vector_load %arg11[%get3A_339, %get3A_340, %get3A_341] {strides = array<i32>} : memref<2x8x1152xi32, #tpu.memory_space<vmem>>, vector<1x1x16xi32>,
          %get3A_343 = vector.shape_cast %get3A_342 : vector<1x1x16xi32> to vector<16xi32>
          %shift_left3A_344 = arith.constant 16 : i32
          %shift_left3A_345 = vector.broadcast %shift_left3A_344 : i32 to vector<16xi32>
          %shift_left3A_346 = arith.shli %get3A_343, %shift_left3A_345 : vector<16xi32>
          %bitcast_convert_type3A_347 = tpu.bitcast %shift_left3A_346 : vector<16xi32> -> vector<16xf32>
          %bitcast_convert_type3A_348 = tpu.bitcast %get3A_343 : vector<16xi32> -> vector<16xf32>
          %mul3A_349 = arith.mulf %bitcast_convert_type3A_347, %gather3A_337 : vector<16xf32>
          %add3A_350 = arith.addf %add3A_331, %mul3A_349 : vector<16xf32>
          %mul3A_351 = arith.mulf %bitcast_convert_type3A_348, %gather3A_337 : vector<16xf32>
          %add3A_352 = arith.addf %add3A_333, %mul3A_351 : vector<16xf32>
          %broadcast_in_dim3A_353 = arith.constant 13 : i32
          %broadcast_in_dim3A_354 = vector.broadcast %broadcast_in_dim3A_353 : i32 to vector<16x1xi32>
          %gather3A_355 = vector.shape_cast %broadcast_in_dim3A_354 : vector<16x1xi32> to vector<16xi32>
          %gather3A_356 = tpu.dynamic_gather %get3A_98[%gather3A_355] in [0] : vector<16xf32>, vector<16xi32> -> vector<16xf32>
          %get3A_357 = arith.constant 0 : i32
          %get3A_358 = arith.index_cast %get3A_357 : i32 to index
          %get3A_359 = arith.index_cast %scan3A_92 : i32 to index
          %get3A_360 = arith.constant 832 : index
          %get3A_361 = tpu.vector_load %arg11[%get3A_358, %get3A_359, %get3A_360] {strides = array<i32>} : memref<2x8x1152xi32, #tpu.memory_space<vmem>>, vector<1x1x16xi32>,
          %get3A_362 = vector.shape_cast %get3A_361 : vector<1x1x16xi32> to vector<16xi32>
          %shift_left3A_363 = arith.constant 16 : i32
          %shift_left3A_364 = vector.broadcast %shift_left3A_363 : i32 to vector<16xi32>
          %shift_left3A_365 = arith.shli %get3A_362, %shift_left3A_364 : vector<16xi32>
          %bitcast_convert_type3A_366 = tpu.bitcast %shift_left3A_365 : vector<16xi32> -> vector<16xf32>
          %bitcast_convert_type3A_367 = tpu.bitcast %get3A_362 : vector<16xi32> -> vector<16xf32>
          %mul3A_368 = arith.mulf %bitcast_convert_type3A_366, %gather3A_356 : vector<16xf32>
          %add3A_369 = arith.addf %add3A_350, %mul3A_368 : vector<16xf32>
          %mul3A_370 = arith.mulf %bitcast_convert_type3A_367, %gather3A_356 : vector<16xf32>
          %add3A_371 = arith.addf %add3A_352, %mul3A_370 : vector<16xf32>
          %broadcast_in_dim3A_372 = arith.constant 14 : i32
          %broadcast_in_dim3A_373 = vector.broadcast %broadcast_in_dim3A_372 : i32 to vector<16x1xi32>
          %gather3A_374 = vector.shape_cast %broadcast_in_dim3A_373 : vector<16x1xi32> to vector<16xi32>
          %gather3A_375 = tpu.dynamic_gather %get3A_98[%gather3A_374] in [0] : vector<16xf32>, vector<16xi32> -> vector<16xf32>
          %get3A_376 = arith.constant 0 : i32
          %get3A_377 = arith.index_cast %get3A_376 : i32 to index
          %get3A_378 = arith.index_cast %scan3A_92 : i32 to index
          %get3A_379 = arith.constant 896 : index
          %get3A_380 = tpu.vector_load %arg11[%get3A_377, %get3A_378, %get3A_379] {strides = array<i32>} : memref<2x8x1152xi32, #tpu.memory_space<vmem>>, vector<1x1x16xi32>,
          %get3A_381 = vector.shape_cast %get3A_380 : vector<1x1x16xi32> to vector<16xi32>
          %shift_left3A_382 = arith.constant 16 : i32
          %shift_left3A_383 = vector.broadcast %shift_left3A_382 : i32 to vector<16xi32>
          %shift_left3A_384 = arith.shli %get3A_381, %shift_left3A_383 : vector<16xi32>
          %bitcast_convert_type3A_385 = tpu.bitcast %shift_left3A_384 : vector<16xi32> -> vector<16xf32>
          %bitcast_convert_type3A_386 = tpu.bitcast %get3A_381 : vector<16xi32> -> vector<16xf32>
          %mul3A_387 = arith.mulf %bitcast_convert_type3A_385, %gather3A_375 : vector<16xf32>
          %add3A_388 = arith.addf %add3A_369, %mul3A_387 : vector<16xf32>
          %mul3A_389 = arith.mulf %bitcast_convert_type3A_386, %gather3A_375 : vector<16xf32>
          %add3A_390 = arith.addf %add3A_371, %mul3A_389 : vector<16xf32>
          %broadcast_in_dim3A_391 = arith.constant 15 : i32
          %broadcast_in_dim3A_392 = vector.broadcast %broadcast_in_dim3A_391 : i32 to vector<16x1xi32>
          %gather3A_393 = vector.shape_cast %broadcast_in_dim3A_392 : vector<16x1xi32> to vector<16xi32>
          %gather3A_394 = tpu.dynamic_gather %get3A_98[%gather3A_393] in [0] : vector<16xf32>, vector<16xi32> -> vector<16xf32>
          %get3A_395 = arith.constant 0 : i32
          %get3A_396 = arith.index_cast %get3A_395 : i32 to index
          %get3A_397 = arith.index_cast %scan3A_92 : i32 to index
          %get3A_398 = arith.constant 960 : index
          %get3A_399 = tpu.vector_load %arg11[%get3A_396, %get3A_397, %get3A_398] {strides = array<i32>} : memref<2x8x1152xi32, #tpu.memory_space<vmem>>, vector<1x1x16xi32>,
          %get3A_400 = vector.shape_cast %get3A_399 : vector<1x1x16xi32> to vector<16xi32>
          %shift_left3A_401 = arith.constant 16 : i32
          %shift_left3A_402 = vector.broadcast %shift_left3A_401 : i32 to vector<16xi32>
          %shift_left3A_403 = arith.shli %get3A_400, %shift_left3A_402 : vector<16xi32>
          %bitcast_convert_type3A_404 = tpu.bitcast %shift_left3A_403 : vector<16xi32> -> vector<16xf32>
          %bitcast_convert_type3A_405 = tpu.bitcast %get3A_400 : vector<16xi32> -> vector<16xf32>
          %mul3A_406 = arith.mulf %bitcast_convert_type3A_404, %gather3A_394 : vector<16xf32>
          %add3A_407 = arith.addf %add3A_388, %mul3A_406 : vector<16xf32>
          %mul3A_408 = arith.mulf %bitcast_convert_type3A_405, %gather3A_394 : vector<16xf32>
          %add3A_409 = arith.addf %add3A_390, %mul3A_408 : vector<16xf32>
          %broadcast_in_dim3A_410 = arith.constant 0 : i32
          %broadcast_in_dim3A_411 = vector.broadcast %broadcast_in_dim3A_410 : i32 to vector<16x1xi32>
          %gather3A_412 = vector.shape_cast %broadcast_in_dim3A_411 : vector<16x1xi32> to vector<16xi32>
          %gather3A_413 = tpu.dynamic_gather %get3A_105[%gather3A_412] in [0] : vector<16xf32>, vector<16xi32> -> vector<16xf32>
          %get3A_414 = arith.constant 0 : i32
          %get3A_415 = arith.index_cast %get3A_414 : i32 to index
          %get3A_416 = arith.index_cast %scan3A_92 : i32 to index
          %get3A_417 = arith.constant 1024 : index
          %get3A_418 = tpu.vector_load %arg11[%get3A_415, %get3A_416, %get3A_417] {strides = array<i32>} : memref<2x8x1152xi32, #tpu.memory_space<vmem>>, vector<1x1x16xi32>,
          %get3A_419 = vector.shape_cast %get3A_418 : vector<1x1x16xi32> to vector<16xi32>
          %shift_left3A_420 = arith.constant 16 : i32
          %shift_left3A_421 = vector.broadcast %shift_left3A_420 : i32 to vector<16xi32>
          %shift_left3A_422 = arith.shli %get3A_419, %shift_left3A_421 : vector<16xi32>
          %bitcast_convert_type3A_423 = tpu.bitcast %shift_left3A_422 : vector<16xi32> -> vector<16xf32>
          %bitcast_convert_type3A_424 = tpu.bitcast %get3A_419 : vector<16xi32> -> vector<16xf32>
          %mul3A_425 = arith.mulf %bitcast_convert_type3A_423, %gather3A_413 : vector<16xf32>
          %add3A_426 = arith.addf %add3A_407, %mul3A_425 : vector<16xf32>
          %mul3A_427 = arith.mulf %bitcast_convert_type3A_424, %gather3A_413 : vector<16xf32>
          %add3A_428 = arith.addf %add3A_409, %mul3A_427 : vector<16xf32>
          %swap3A = arith.index_cast %scan3A_92 : i32 to index
          %swap3A_429 = arith.constant 0 : index
          %swap3A_430 = tpu.vector_load %arg12[%swap3A, %swap3A_429] {strides = array<i32>} : memref<8x128xf32, #tpu.memory_space<vmem>>, vector<1x16xf32>,
          %swap3A_431 = vector.shape_cast %swap3A_430 : vector<1x16xf32> to vector<16xf32>
          %swap3A_432 = vector.shape_cast %add3A_426 : vector<16xf32> to vector<1x16xf32>
          tpu.vector_store %arg12[%swap3A, %swap3A_429], %swap3A_432 {strides = array<i32>} : memref<8x128xf32, #tpu.memory_space<vmem>>, vector<1x16xf32>,
          %swap3A_433 = arith.index_cast %scan3A_92 : i32 to index
          %swap3A_434 = arith.constant 16 : index
          %swap3A_435 = tpu.vector_load %arg12[%swap3A_433, %swap3A_434] {strides = array<i32>} : memref<8x128xf32, #tpu.memory_space<vmem>>, vector<1x16xf32>,
          %swap3A_436 = vector.shape_cast %swap3A_435 : vector<1x16xf32> to vector<16xf32>
          %swap3A_437 = vector.shape_cast %add3A_428 : vector<16xf32> to vector<1x16xf32>
          tpu.vector_store %arg12[%swap3A_433, %swap3A_434], %swap3A_437 {strides = array<i32>} : memref<8x128xf32, #tpu.memory_space<vmem>>, vector<1x16xf32>,
          %broadcast_in_dim3A_438 = arith.constant 0.000000e+00 : f32
          %broadcast_in_dim3A_439 = vector.broadcast %broadcast_in_dim3A_438 : f32 to vector<16xf32>
          %broadcast_in_dim3A_440 = arith.constant 0.000000e+00 : f32
          %broadcast_in_dim3A_441 = vector.broadcast %broadcast_in_dim3A_440 : f32 to vector<16xf32>
          %broadcast_in_dim3A_442 = arith.constant 0 : i32
          %broadcast_in_dim3A_443 = vector.broadcast %broadcast_in_dim3A_442 : i32 to vector<16x1xi32>
          %gather3A_444 = vector.shape_cast %broadcast_in_dim3A_443 : vector<16x1xi32> to vector<16xi32>
          %gather3A_445 = tpu.dynamic_gather %get3A_98[%gather3A_444] in [0] : vector<16xf32>, vector<16xi32> -> vector<16xf32>
          %get3A_446 = arith.constant 0 : i32
          %get3A_447 = arith.index_cast %get3A_446 : i32 to index
          %get3A_448 = arith.index_cast %scan3A_92 : i32 to index
          %get3A_449 = arith.constant 16 : index
          %get3A_450 = tpu.vector_load %arg11[%get3A_447, %get3A_448, %get3A_449] {strides = array<i32>} : memref<2x8x1152xi32, #tpu.memory_space<vmem>>, vector<1x1x16xi32>,
          %get3A_451 = vector.shape_cast %get3A_450 : vector<1x1x16xi32> to vector<16xi32>
          %shift_left3A_452 = arith.constant 16 : i32
          %shift_left3A_453 = vector.broadcast %shift_left3A_452 : i32 to vector<16xi32>
          %shift_left3A_454 = arith.shli %get3A_451, %shift_left3A_453 : vector<16xi32>
          %bitcast_convert_type3A_455 = tpu.bitcast %shift_left3A_454 : vector<16xi32> -> vector<16xf32>
          %bitcast_convert_type3A_456 = tpu.bitcast %get3A_451 : vector<16xi32> -> vector<16xf32>
          %mul3A_457 = arith.mulf %bitcast_convert_type3A_455, %gather3A_445 : vector<16xf32>
          %add3A_458 = arith.addf %broadcast_in_dim3A_439, %mul3A_457 : vector<16xf32>
          %mul3A_459 = arith.mulf %bitcast_convert_type3A_456, %gather3A_445 : vector<16xf32>
          %add3A_460 = arith.addf %broadcast_in_dim3A_441, %mul3A_459 : vector<16xf32>
          %broadcast_in_dim3A_461 = arith.constant 1 : i32
          %broadcast_in_dim3A_462 = vector.broadcast %broadcast_in_dim3A_461 : i32 to vector<16x1xi32>
          %gather3A_463 = vector.shape_cast %broadcast_in_dim3A_462 : vector<16x1xi32> to vector<16xi32>
          %gather3A_464 = tpu.dynamic_gather %get3A_98[%gather3A_463] in [0] : vector<16xf32>, vector<16xi32> -> vector<16xf32>
          %get3A_465 = arith.constant 0 : i32
          %get3A_466 = arith.index_cast %get3A_465 : i32 to index
          %get3A_467 = arith.index_cast %scan3A_92 : i32 to index
          %get3A_468 = arith.constant 80 : index
          %get3A_469 = tpu.vector_load %arg11[%get3A_466, %get3A_467, %get3A_468] {strides = array<i32>} : memref<2x8x1152xi32, #tpu.memory_space<vmem>>, vector<1x1x16xi32>,
          %get3A_470 = vector.shape_cast %get3A_469 : vector<1x1x16xi32> to vector<16xi32>
          %shift_left3A_471 = arith.constant 16 : i32
          %shift_left3A_472 = vector.broadcast %shift_left3A_471 : i32 to vector<16xi32>
          %shift_left3A_473 = arith.shli %get3A_470, %shift_left3A_472 : vector<16xi32>
          %bitcast_convert_type3A_474 = tpu.bitcast %shift_left3A_473 : vector<16xi32> -> vector<16xf32>
          %bitcast_convert_type3A_475 = tpu.bitcast %get3A_470 : vector<16xi32> -> vector<16xf32>
          %mul3A_476 = arith.mulf %bitcast_convert_type3A_474, %gather3A_464 : vector<16xf32>
          %add3A_477 = arith.addf %add3A_458, %mul3A_476 : vector<16xf32>
          %mul3A_478 = arith.mulf %bitcast_convert_type3A_475, %gather3A_464 : vector<16xf32>
          %add3A_479 = arith.addf %add3A_460, %mul3A_478 : vector<16xf32>
          %broadcast_in_dim3A_480 = arith.constant 2 : i32
          %broadcast_in_dim3A_481 = vector.broadcast %broadcast_in_dim3A_480 : i32 to vector<16x1xi32>
          %gather3A_482 = vector.shape_cast %broadcast_in_dim3A_481 : vector<16x1xi32> to vector<16xi32>
          %gather3A_483 = tpu.dynamic_gather %get3A_98[%gather3A_482] in [0] : vector<16xf32>, vector<16xi32> -> vector<16xf32>
          %get3A_484 = arith.constant 0 : i32
          %get3A_485 = arith.index_cast %get3A_484 : i32 to index
          %get3A_486 = arith.index_cast %scan3A_92 : i32 to index
          %get3A_487 = arith.constant 144 : index
          %get3A_488 = tpu.vector_load %arg11[%get3A_485, %get3A_486, %get3A_487] {strides = array<i32>} : memref<2x8x1152xi32, #tpu.memory_space<vmem>>, vector<1x1x16xi32>,
          %get3A_489 = vector.shape_cast %get3A_488 : vector<1x1x16xi32> to vector<16xi32>
          %shift_left3A_490 = arith.constant 16 : i32
          %shift_left3A_491 = vector.broadcast %shift_left3A_490 : i32 to vector<16xi32>
          %shift_left3A_492 = arith.shli %get3A_489, %shift_left3A_491 : vector<16xi32>
          %bitcast_convert_type3A_493 = tpu.bitcast %shift_left3A_492 : vector<16xi32> -> vector<16xf32>
          %bitcast_convert_type3A_494 = tpu.bitcast %get3A_489 : vector<16xi32> -> vector<16xf32>
          %mul3A_495 = arith.mulf %bitcast_convert_type3A_493, %gather3A_483 : vector<16xf32>
          %add3A_496 = arith.addf %add3A_477, %mul3A_495 : vector<16xf32>
          %mul3A_497 = arith.mulf %bitcast_convert_type3A_494, %gather3A_483 : vector<16xf32>
          %add3A_498 = arith.addf %add3A_479, %mul3A_497 : vector<16xf32>
          %broadcast_in_dim3A_499 = arith.constant 3 : i32
          %broadcast_in_dim3A_500 = vector.broadcast %broadcast_in_dim3A_499 : i32 to vector<16x1xi32>
          %gather3A_501 = vector.shape_cast %broadcast_in_dim3A_500 : vector<16x1xi32> to vector<16xi32>
          %gather3A_502 = tpu.dynamic_gather %get3A_98[%gather3A_501] in [0] : vector<16xf32>, vector<16xi32> -> vector<16xf32>
          %get3A_503 = arith.constant 0 : i32
          %get3A_504 = arith.index_cast %get3A_503 : i32 to index
          %get3A_505 = arith.index_cast %scan3A_92 : i32 to index
          %get3A_506 = arith.constant 208 : index
          %get3A_507 = tpu.vector_load %arg11[%get3A_504, %get3A_505, %get3A_506] {strides = array<i32>} : memref<2x8x1152xi32, #tpu.memory_space<vmem>>, vector<1x1x16xi32>,
          %get3A_508 = vector.shape_cast %get3A_507 : vector<1x1x16xi32> to vector<16xi32>
          %shift_left3A_509 = arith.constant 16 : i32
          %shift_left3A_510 = vector.broadcast %shift_left3A_509 : i32 to vector<16xi32>
          %shift_left3A_511 = arith.shli %get3A_508, %shift_left3A_510 : vector<16xi32>
          %bitcast_convert_type3A_512 = tpu.bitcast %shift_left3A_511 : vector<16xi32> -> vector<16xf32>
          %bitcast_convert_type3A_513 = tpu.bitcast %get3A_508 : vector<16xi32> -> vector<16xf32>
          %mul3A_514 = arith.mulf %bitcast_convert_type3A_512, %gather3A_502 : vector<16xf32>
          %add3A_515 = arith.addf %add3A_496, %mul3A_514 : vector<16xf32>
          %mul3A_516 = arith.mulf %bitcast_convert_type3A_513, %gather3A_502 : vector<16xf32>
          %add3A_517 = arith.addf %add3A_498, %mul3A_516 : vector<16xf32>
          %broadcast_in_dim3A_518 = arith.constant 4 : i32
          %broadcast_in_dim3A_519 = vector.broadcast %broadcast_in_dim3A_518 : i32 to vector<16x1xi32>
          %gather3A_520 = vector.shape_cast %broadcast_in_dim3A_519 : vector<16x1xi32> to vector<16xi32>
          %gather3A_521 = tpu.dynamic_gather %get3A_98[%gather3A_520] in [0] : vector<16xf32>, vector<16xi32> -> vector<16xf32>
          %get3A_522 = arith.constant 0 : i32
          %get3A_523 = arith.index_cast %get3A_522 : i32 to index
          %get3A_524 = arith.index_cast %scan3A_92 : i32 to index
          %get3A_525 = arith.constant 272 : index
          %get3A_526 = tpu.vector_load %arg11[%get3A_523, %get3A_524, %get3A_525] {strides = array<i32>} : memref<2x8x1152xi32, #tpu.memory_space<vmem>>, vector<1x1x16xi32>,
          %get3A_527 = vector.shape_cast %get3A_526 : vector<1x1x16xi32> to vector<16xi32>
          %shift_left3A_528 = arith.constant 16 : i32
          %shift_left3A_529 = vector.broadcast %shift_left3A_528 : i32 to vector<16xi32>
          %shift_left3A_530 = arith.shli %get3A_527, %shift_left3A_529 : vector<16xi32>
          %bitcast_convert_type3A_531 = tpu.bitcast %shift_left3A_530 : vector<16xi32> -> vector<16xf32>
          %bitcast_convert_type3A_532 = tpu.bitcast %get3A_527 : vector<16xi32> -> vector<16xf32>
          %mul3A_533 = arith.mulf %bitcast_convert_type3A_531, %gather3A_521 : vector<16xf32>
          %add3A_534 = arith.addf %add3A_515, %mul3A_533 : vector<16xf32>
          %mul3A_535 = arith.mulf %bitcast_convert_type3A_532, %gather3A_521 : vector<16xf32>
          %add3A_536 = arith.addf %add3A_517, %mul3A_535 : vector<16xf32>
          %broadcast_in_dim3A_537 = arith.constant 5 : i32
          %broadcast_in_dim3A_538 = vector.broadcast %broadcast_in_dim3A_537 : i32 to vector<16x1xi32>
          %gather3A_539 = vector.shape_cast %broadcast_in_dim3A_538 : vector<16x1xi32> to vector<16xi32>
          %gather3A_540 = tpu.dynamic_gather %get3A_98[%gather3A_539] in [0] : vector<16xf32>, vector<16xi32> -> vector<16xf32>
          %get3A_541 = arith.constant 0 : i32
          %get3A_542 = arith.index_cast %get3A_541 : i32 to index
          %get3A_543 = arith.index_cast %scan3A_92 : i32 to index
          %get3A_544 = arith.constant 336 : index
          %get3A_545 = tpu.vector_load %arg11[%get3A_542, %get3A_543, %get3A_544] {strides = array<i32>} : memref<2x8x1152xi32, #tpu.memory_space<vmem>>, vector<1x1x16xi32>,
          %get3A_546 = vector.shape_cast %get3A_545 : vector<1x1x16xi32> to vector<16xi32>
          %shift_left3A_547 = arith.constant 16 : i32
          %shift_left3A_548 = vector.broadcast %shift_left3A_547 : i32 to vector<16xi32>
          %shift_left3A_549 = arith.shli %get3A_546, %shift_left3A_548 : vector<16xi32>
          %bitcast_convert_type3A_550 = tpu.bitcast %shift_left3A_549 : vector<16xi32> -> vector<16xf32>
          %bitcast_convert_type3A_551 = tpu.bitcast %get3A_546 : vector<16xi32> -> vector<16xf32>
          %mul3A_552 = arith.mulf %bitcast_convert_type3A_550, %gather3A_540 : vector<16xf32>
          %add3A_553 = arith.addf %add3A_534, %mul3A_552 : vector<16xf32>
          %mul3A_554 = arith.mulf %bitcast_convert_type3A_551, %gather3A_540 : vector<16xf32>
          %add3A_555 = arith.addf %add3A_536, %mul3A_554 : vector<16xf32>
          %broadcast_in_dim3A_556 = arith.constant 6 : i32
          %broadcast_in_dim3A_557 = vector.broadcast %broadcast_in_dim3A_556 : i32 to vector<16x1xi32>
          %gather3A_558 = vector.shape_cast %broadcast_in_dim3A_557 : vector<16x1xi32> to vector<16xi32>
          %gather3A_559 = tpu.dynamic_gather %get3A_98[%gather3A_558] in [0] : vector<16xf32>, vector<16xi32> -> vector<16xf32>
          %get3A_560 = arith.constant 0 : i32
          %get3A_561 = arith.index_cast %get3A_560 : i32 to index
          %get3A_562 = arith.index_cast %scan3A_92 : i32 to index
          %get3A_563 = arith.constant 400 : index
          %get3A_564 = tpu.vector_load %arg11[%get3A_561, %get3A_562, %get3A_563] {strides = array<i32>} : memref<2x8x1152xi32, #tpu.memory_space<vmem>>, vector<1x1x16xi32>,
          %get3A_565 = vector.shape_cast %get3A_564 : vector<1x1x16xi32> to vector<16xi32>
          %shift_left3A_566 = arith.constant 16 : i32
          %shift_left3A_567 = vector.broadcast %shift_left3A_566 : i32 to vector<16xi32>
          %shift_left3A_568 = arith.shli %get3A_565, %shift_left3A_567 : vector<16xi32>
          %bitcast_convert_type3A_569 = tpu.bitcast %shift_left3A_568 : vector<16xi32> -> vector<16xf32>
          %bitcast_convert_type3A_570 = tpu.bitcast %get3A_565 : vector<16xi32> -> vector<16xf32>
          %mul3A_571 = arith.mulf %bitcast_convert_type3A_569, %gather3A_559 : vector<16xf32>
          %add3A_572 = arith.addf %add3A_553, %mul3A_571 : vector<16xf32>
          %mul3A_573 = arith.mulf %bitcast_convert_type3A_570, %gather3A_559 : vector<16xf32>
          %add3A_574 = arith.addf %add3A_555, %mul3A_573 : vector<16xf32>
          %broadcast_in_dim3A_575 = arith.constant 7 : i32
          %broadcast_in_dim3A_576 = vector.broadcast %broadcast_in_dim3A_575 : i32 to vector<16x1xi32>
          %gather3A_577 = vector.shape_cast %broadcast_in_dim3A_576 : vector<16x1xi32> to vector<16xi32>
          %gather3A_578 = tpu.dynamic_gather %get3A_98[%gather3A_577] in [0] : vector<16xf32>, vector<16xi32> -> vector<16xf32>
          %get3A_579 = arith.constant 0 : i32
          %get3A_580 = arith.index_cast %get3A_579 : i32 to index
          %get3A_581 = arith.index_cast %scan3A_92 : i32 to index
          %get3A_582 = arith.constant 464 : index
          %get3A_583 = tpu.vector_load %arg11[%get3A_580, %get3A_581, %get3A_582] {strides = array<i32>} : memref<2x8x1152xi32, #tpu.memory_space<vmem>>, vector<1x1x16xi32>,
          %get3A_584 = vector.shape_cast %get3A_583 : vector<1x1x16xi32> to vector<16xi32>
          %shift_left3A_585 = arith.constant 16 : i32
          %shift_left3A_586 = vector.broadcast %shift_left3A_585 : i32 to vector<16xi32>
          %shift_left3A_587 = arith.shli %get3A_584, %shift_left3A_586 : vector<16xi32>
          %bitcast_convert_type3A_588 = tpu.bitcast %shift_left3A_587 : vector<16xi32> -> vector<16xf32>
          %bitcast_convert_type3A_589 = tpu.bitcast %get3A_584 : vector<16xi32> -> vector<16xf32>
          %mul3A_590 = arith.mulf %bitcast_convert_type3A_588, %gather3A_578 : vector<16xf32>
          %add3A_591 = arith.addf %add3A_572, %mul3A_590 : vector<16xf32>
          %mul3A_592 = arith.mulf %bitcast_convert_type3A_589, %gather3A_578 : vector<16xf32>
          %add3A_593 = arith.addf %add3A_574, %mul3A_592 : vector<16xf32>
          %broadcast_in_dim3A_594 = arith.constant 8 : i32
          %broadcast_in_dim3A_595 = vector.broadcast %broadcast_in_dim3A_594 : i32 to vector<16x1xi32>
          %gather3A_596 = vector.shape_cast %broadcast_in_dim3A_595 : vector<16x1xi32> to vector<16xi32>
          %gather3A_597 = tpu.dynamic_gather %get3A_98[%gather3A_596] in [0] : vector<16xf32>, vector<16xi32> -> vector<16xf32>
          %get3A_598 = arith.constant 0 : i32
          %get3A_599 = arith.index_cast %get3A_598 : i32 to index
          %get3A_600 = arith.index_cast %scan3A_92 : i32 to index
          %get3A_601 = arith.constant 528 : index
          %get3A_602 = tpu.vector_load %arg11[%get3A_599, %get3A_600, %get3A_601] {strides = array<i32>} : memref<2x8x1152xi32, #tpu.memory_space<vmem>>, vector<1x1x16xi32>,
          %get3A_603 = vector.shape_cast %get3A_602 : vector<1x1x16xi32> to vector<16xi32>
          %shift_left3A_604 = arith.constant 16 : i32
          %shift_left3A_605 = vector.broadcast %shift_left3A_604 : i32 to vector<16xi32>
          %shift_left3A_606 = arith.shli %get3A_603, %shift_left3A_605 : vector<16xi32>
          %bitcast_convert_type3A_607 = tpu.bitcast %shift_left3A_606 : vector<16xi32> -> vector<16xf32>
          %bitcast_convert_type3A_608 = tpu.bitcast %get3A_603 : vector<16xi32> -> vector<16xf32>
          %mul3A_609 = arith.mulf %bitcast_convert_type3A_607, %gather3A_597 : vector<16xf32>
          %add3A_610 = arith.addf %add3A_591, %mul3A_609 : vector<16xf32>
          %mul3A_611 = arith.mulf %bitcast_convert_type3A_608, %gather3A_597 : vector<16xf32>
          %add3A_612 = arith.addf %add3A_593, %mul3A_611 : vector<16xf32>
          %broadcast_in_dim3A_613 = arith.constant 9 : i32
          %broadcast_in_dim3A_614 = vector.broadcast %broadcast_in_dim3A_613 : i32 to vector<16x1xi32>
          %gather3A_615 = vector.shape_cast %broadcast_in_dim3A_614 : vector<16x1xi32> to vector<16xi32>
          %gather3A_616 = tpu.dynamic_gather %get3A_98[%gather3A_615] in [0] : vector<16xf32>, vector<16xi32> -> vector<16xf32>
          %get3A_617 = arith.constant 0 : i32
          %get3A_618 = arith.index_cast %get3A_617 : i32 to index
          %get3A_619 = arith.index_cast %scan3A_92 : i32 to index
          %get3A_620 = arith.constant 592 : index
          %get3A_621 = tpu.vector_load %arg11[%get3A_618, %get3A_619, %get3A_620] {strides = array<i32>} : memref<2x8x1152xi32, #tpu.memory_space<vmem>>, vector<1x1x16xi32>,
          %get3A_622 = vector.shape_cast %get3A_621 : vector<1x1x16xi32> to vector<16xi32>
          %shift_left3A_623 = arith.constant 16 : i32
          %shift_left3A_624 = vector.broadcast %shift_left3A_623 : i32 to vector<16xi32>
          %shift_left3A_625 = arith.shli %get3A_622, %shift_left3A_624 : vector<16xi32>
          %bitcast_convert_type3A_626 = tpu.bitcast %shift_left3A_625 : vector<16xi32> -> vector<16xf32>
          %bitcast_convert_type3A_627 = tpu.bitcast %get3A_622 : vector<16xi32> -> vector<16xf32>
          %mul3A_628 = arith.mulf %bitcast_convert_type3A_626, %gather3A_616 : vector<16xf32>
          %add3A_629 = arith.addf %add3A_610, %mul3A_628 : vector<16xf32>
          %mul3A_630 = arith.mulf %bitcast_convert_type3A_627, %gather3A_616 : vector<16xf32>
          %add3A_631 = arith.addf %add3A_612, %mul3A_630 : vector<16xf32>
          %broadcast_in_dim3A_632 = arith.constant 10 : i32
          %broadcast_in_dim3A_633 = vector.broadcast %broadcast_in_dim3A_632 : i32 to vector<16x1xi32>
          %gather3A_634 = vector.shape_cast %broadcast_in_dim3A_633 : vector<16x1xi32> to vector<16xi32>
          %gather3A_635 = tpu.dynamic_gather %get3A_98[%gather3A_634] in [0] : vector<16xf32>, vector<16xi32> -> vector<16xf32>
          %get3A_636 = arith.constant 0 : i32
          %get3A_637 = arith.index_cast %get3A_636 : i32 to index
          %get3A_638 = arith.index_cast %scan3A_92 : i32 to index
          %get3A_639 = arith.constant 656 : index
          %get3A_640 = tpu.vector_load %arg11[%get3A_637, %get3A_638, %get3A_639] {strides = array<i32>} : memref<2x8x1152xi32, #tpu.memory_space<vmem>>, vector<1x1x16xi32>,
          %get3A_641 = vector.shape_cast %get3A_640 : vector<1x1x16xi32> to vector<16xi32>
          %shift_left3A_642 = arith.constant 16 : i32
          %shift_left3A_643 = vector.broadcast %shift_left3A_642 : i32 to vector<16xi32>
          %shift_left3A_644 = arith.shli %get3A_641, %shift_left3A_643 : vector<16xi32>
          %bitcast_convert_type3A_645 = tpu.bitcast %shift_left3A_644 : vector<16xi32> -> vector<16xf32>
          %bitcast_convert_type3A_646 = tpu.bitcast %get3A_641 : vector<16xi32> -> vector<16xf32>
          %mul3A_647 = arith.mulf %bitcast_convert_type3A_645, %gather3A_635 : vector<16xf32>
          %add3A_648 = arith.addf %add3A_629, %mul3A_647 : vector<16xf32>
          %mul3A_649 = arith.mulf %bitcast_convert_type3A_646, %gather3A_635 : vector<16xf32>
          %add3A_650 = arith.addf %add3A_631, %mul3A_649 : vector<16xf32>
          %broadcast_in_dim3A_651 = arith.constant 11 : i32
          %broadcast_in_dim3A_652 = vector.broadcast %broadcast_in_dim3A_651 : i32 to vector<16x1xi32>
          %gather3A_653 = vector.shape_cast %broadcast_in_dim3A_652 : vector<16x1xi32> to vector<16xi32>
          %gather3A_654 = tpu.dynamic_gather %get3A_98[%gather3A_653] in [0] : vector<16xf32>, vector<16xi32> -> vector<16xf32>
          %get3A_655 = arith.constant 0 : i32
          %get3A_656 = arith.index_cast %get3A_655 : i32 to index
          %get3A_657 = arith.index_cast %scan3A_92 : i32 to index
          %get3A_658 = arith.constant 720 : index
          %get3A_659 = tpu.vector_load %arg11[%get3A_656, %get3A_657, %get3A_658] {strides = array<i32>} : memref<2x8x1152xi32, #tpu.memory_space<vmem>>, vector<1x1x16xi32>,
          %get3A_660 = vector.shape_cast %get3A_659 : vector<1x1x16xi32> to vector<16xi32>
          %shift_left3A_661 = arith.constant 16 : i32
          %shift_left3A_662 = vector.broadcast %shift_left3A_661 : i32 to vector<16xi32>
          %shift_left3A_663 = arith.shli %get3A_660, %shift_left3A_662 : vector<16xi32>
          %bitcast_convert_type3A_664 = tpu.bitcast %shift_left3A_663 : vector<16xi32> -> vector<16xf32>
          %bitcast_convert_type3A_665 = tpu.bitcast %get3A_660 : vector<16xi32> -> vector<16xf32>
          %mul3A_666 = arith.mulf %bitcast_convert_type3A_664, %gather3A_654 : vector<16xf32>
          %add3A_667 = arith.addf %add3A_648, %mul3A_666 : vector<16xf32>
          %mul3A_668 = arith.mulf %bitcast_convert_type3A_665, %gather3A_654 : vector<16xf32>
          %add3A_669 = arith.addf %add3A_650, %mul3A_668 : vector<16xf32>
          %broadcast_in_dim3A_670 = arith.constant 12 : i32
          %broadcast_in_dim3A_671 = vector.broadcast %broadcast_in_dim3A_670 : i32 to vector<16x1xi32>
          %gather3A_672 = vector.shape_cast %broadcast_in_dim3A_671 : vector<16x1xi32> to vector<16xi32>
          %gather3A_673 = tpu.dynamic_gather %get3A_98[%gather3A_672] in [0] : vector<16xf32>, vector<16xi32> -> vector<16xf32>
          %get3A_674 = arith.constant 0 : i32
          %get3A_675 = arith.index_cast %get3A_674 : i32 to index
          %get3A_676 = arith.index_cast %scan3A_92 : i32 to index
          %get3A_677 = arith.constant 784 : index
          %get3A_678 = tpu.vector_load %arg11[%get3A_675, %get3A_676, %get3A_677] {strides = array<i32>} : memref<2x8x1152xi32, #tpu.memory_space<vmem>>, vector<1x1x16xi32>,
          %get3A_679 = vector.shape_cast %get3A_678 : vector<1x1x16xi32> to vector<16xi32>
          %shift_left3A_680 = arith.constant 16 : i32
          %shift_left3A_681 = vector.broadcast %shift_left3A_680 : i32 to vector<16xi32>
          %shift_left3A_682 = arith.shli %get3A_679, %shift_left3A_681 : vector<16xi32>
          %bitcast_convert_type3A_683 = tpu.bitcast %shift_left3A_682 : vector<16xi32> -> vector<16xf32>
          %bitcast_convert_type3A_684 = tpu.bitcast %get3A_679 : vector<16xi32> -> vector<16xf32>
          %mul3A_685 = arith.mulf %bitcast_convert_type3A_683, %gather3A_673 : vector<16xf32>
          %add3A_686 = arith.addf %add3A_667, %mul3A_685 : vector<16xf32>
          %mul3A_687 = arith.mulf %bitcast_convert_type3A_684, %gather3A_673 : vector<16xf32>
          %add3A_688 = arith.addf %add3A_669, %mul3A_687 : vector<16xf32>
          %broadcast_in_dim3A_689 = arith.constant 13 : i32
          %broadcast_in_dim3A_690 = vector.broadcast %broadcast_in_dim3A_689 : i32 to vector<16x1xi32>
          %gather3A_691 = vector.shape_cast %broadcast_in_dim3A_690 : vector<16x1xi32> to vector<16xi32>
          %gather3A_692 = tpu.dynamic_gather %get3A_98[%gather3A_691] in [0] : vector<16xf32>, vector<16xi32> -> vector<16xf32>
          %get3A_693 = arith.constant 0 : i32
          %get3A_694 = arith.index_cast %get3A_693 : i32 to index
          %get3A_695 = arith.index_cast %scan3A_92 : i32 to index
          %get3A_696 = arith.constant 848 : index
          %get3A_697 = tpu.vector_load %arg11[%get3A_694, %get3A_695, %get3A_696] {strides = array<i32>} : memref<2x8x1152xi32, #tpu.memory_space<vmem>>, vector<1x1x16xi32>,
          %get3A_698 = vector.shape_cast %get3A_697 : vector<1x1x16xi32> to vector<16xi32>
          %shift_left3A_699 = arith.constant 16 : i32
          %shift_left3A_700 = vector.broadcast %shift_left3A_699 : i32 to vector<16xi32>
          %shift_left3A_701 = arith.shli %get3A_698, %shift_left3A_700 : vector<16xi32>
          %bitcast_convert_type3A_702 = tpu.bitcast %shift_left3A_701 : vector<16xi32> -> vector<16xf32>
          %bitcast_convert_type3A_703 = tpu.bitcast %get3A_698 : vector<16xi32> -> vector<16xf32>
          %mul3A_704 = arith.mulf %bitcast_convert_type3A_702, %gather3A_692 : vector<16xf32>
          %add3A_705 = arith.addf %add3A_686, %mul3A_704 : vector<16xf32>
          %mul3A_706 = arith.mulf %bitcast_convert_type3A_703, %gather3A_692 : vector<16xf32>
          %add3A_707 = arith.addf %add3A_688, %mul3A_706 : vector<16xf32>
          %broadcast_in_dim3A_708 = arith.constant 14 : i32
          %broadcast_in_dim3A_709 = vector.broadcast %broadcast_in_dim3A_708 : i32 to vector<16x1xi32>
          %gather3A_710 = vector.shape_cast %broadcast_in_dim3A_709 : vector<16x1xi32> to vector<16xi32>
          %gather3A_711 = tpu.dynamic_gather %get3A_98[%gather3A_710] in [0] : vector<16xf32>, vector<16xi32> -> vector<16xf32>
          %get3A_712 = arith.constant 0 : i32
          %get3A_713 = arith.index_cast %get3A_712 : i32 to index
          %get3A_714 = arith.index_cast %scan3A_92 : i32 to index
          %get3A_715 = arith.constant 912 : index
          %get3A_716 = tpu.vector_load %arg11[%get3A_713, %get3A_714, %get3A_715] {strides = array<i32>} : memref<2x8x1152xi32, #tpu.memory_space<vmem>>, vector<1x1x16xi32>,
          %get3A_717 = vector.shape_cast %get3A_716 : vector<1x1x16xi32> to vector<16xi32>
          %shift_left3A_718 = arith.constant 16 : i32
          %shift_left3A_719 = vector.broadcast %shift_left3A_718 : i32 to vector<16xi32>
          %shift_left3A_720 = arith.shli %get3A_717, %shift_left3A_719 : vector<16xi32>
          %bitcast_convert_type3A_721 = tpu.bitcast %shift_left3A_720 : vector<16xi32> -> vector<16xf32>
          %bitcast_convert_type3A_722 = tpu.bitcast %get3A_717 : vector<16xi32> -> vector<16xf32>
          %mul3A_723 = arith.mulf %bitcast_convert_type3A_721, %gather3A_711 : vector<16xf32>
          %add3A_724 = arith.addf %add3A_705, %mul3A_723 : vector<16xf32>
          %mul3A_725 = arith.mulf %bitcast_convert_type3A_722, %gather3A_711 : vector<16xf32>
          %add3A_726 = arith.addf %add3A_707, %mul3A_725 : vector<16xf32>
          %broadcast_in_dim3A_727 = arith.constant 15 : i32
          %broadcast_in_dim3A_728 = vector.broadcast %broadcast_in_dim3A_727 : i32 to vector<16x1xi32>
          %gather3A_729 = vector.shape_cast %broadcast_in_dim3A_728 : vector<16x1xi32> to vector<16xi32>
          %gather3A_730 = tpu.dynamic_gather %get3A_98[%gather3A_729] in [0] : vector<16xf32>, vector<16xi32> -> vector<16xf32>
          %get3A_731 = arith.constant 0 : i32
          %get3A_732 = arith.index_cast %get3A_731 : i32 to index
          %get3A_733 = arith.index_cast %scan3A_92 : i32 to index
          %get3A_734 = arith.constant 976 : index
          %get3A_735 = tpu.vector_load %arg11[%get3A_732, %get3A_733, %get3A_734] {strides = array<i32>} : memref<2x8x1152xi32, #tpu.memory_space<vmem>>, vector<1x1x16xi32>,
          %get3A_736 = vector.shape_cast %get3A_735 : vector<1x1x16xi32> to vector<16xi32>
          %shift_left3A_737 = arith.constant 16 : i32
          %shift_left3A_738 = vector.broadcast %shift_left3A_737 : i32 to vector<16xi32>
          %shift_left3A_739 = arith.shli %get3A_736, %shift_left3A_738 : vector<16xi32>
          %bitcast_convert_type3A_740 = tpu.bitcast %shift_left3A_739 : vector<16xi32> -> vector<16xf32>
          %bitcast_convert_type3A_741 = tpu.bitcast %get3A_736 : vector<16xi32> -> vector<16xf32>
          %mul3A_742 = arith.mulf %bitcast_convert_type3A_740, %gather3A_730 : vector<16xf32>
          %add3A_743 = arith.addf %add3A_724, %mul3A_742 : vector<16xf32>
          %mul3A_744 = arith.mulf %bitcast_convert_type3A_741, %gather3A_730 : vector<16xf32>
          %add3A_745 = arith.addf %add3A_726, %mul3A_744 : vector<16xf32>
          %broadcast_in_dim3A_746 = arith.constant 0 : i32
          %broadcast_in_dim3A_747 = vector.broadcast %broadcast_in_dim3A_746 : i32 to vector<16x1xi32>
          %gather3A_748 = vector.shape_cast %broadcast_in_dim3A_747 : vector<16x1xi32> to vector<16xi32>
          %gather3A_749 = tpu.dynamic_gather %get3A_105[%gather3A_748] in [0] : vector<16xf32>, vector<16xi32> -> vector<16xf32>
          %get3A_750 = arith.constant 0 : i32
          %get3A_751 = arith.index_cast %get3A_750 : i32 to index
          %get3A_752 = arith.index_cast %scan3A_92 : i32 to index
          %get3A_753 = arith.constant 1040 : index
          %get3A_754 = tpu.vector_load %arg11[%get3A_751, %get3A_752, %get3A_753] {strides = array<i32>} : memref<2x8x1152xi32, #tpu.memory_space<vmem>>, vector<1x1x16xi32>,
          %get3A_755 = vector.shape_cast %get3A_754 : vector<1x1x16xi32> to vector<16xi32>
          %shift_left3A_756 = arith.constant 16 : i32
          %shift_left3A_757 = vector.broadcast %shift_left3A_756 : i32 to vector<16xi32>
          %shift_left3A_758 = arith.shli %get3A_755, %shift_left3A_757 : vector<16xi32>
          %bitcast_convert_type3A_759 = tpu.bitcast %shift_left3A_758 : vector<16xi32> -> vector<16xf32>
          %bitcast_convert_type3A_760 = tpu.bitcast %get3A_755 : vector<16xi32> -> vector<16xf32>
          %mul3A_761 = arith.mulf %bitcast_convert_type3A_759, %gather3A_749 : vector<16xf32>
          %add3A_762 = arith.addf %add3A_743, %mul3A_761 : vector<16xf32>
          %mul3A_763 = arith.mulf %bitcast_convert_type3A_760, %gather3A_749 : vector<16xf32>
          %add3A_764 = arith.addf %add3A_745, %mul3A_763 : vector<16xf32>
          %swap3A_765 = arith.index_cast %scan3A_92 : i32 to index
          %swap3A_766 = arith.constant 32 : index
          %swap3A_767 = tpu.vector_load %arg12[%swap3A_765, %swap3A_766] {strides = array<i32>} : memref<8x128xf32, #tpu.memory_space<vmem>>, vector<1x16xf32>,
          %swap3A_768 = vector.shape_cast %swap3A_767 : vector<1x16xf32> to vector<16xf32>
          %swap3A_769 = vector.shape_cast %add3A_762 : vector<16xf32> to vector<1x16xf32>
          tpu.vector_store %arg12[%swap3A_765, %swap3A_766], %swap3A_769 {strides = array<i32>} : memref<8x128xf32, #tpu.memory_space<vmem>>, vector<1x16xf32>,
          %swap3A_770 = arith.index_cast %scan3A_92 : i32 to index
          %swap3A_771 = arith.constant 48 : index
          %swap3A_772 = tpu.vector_load %arg12[%swap3A_770, %swap3A_771] {strides = array<i32>} : memref<8x128xf32, #tpu.memory_space<vmem>>, vector<1x16xf32>,
          %swap3A_773 = vector.shape_cast %swap3A_772 : vector<1x16xf32> to vector<16xf32>
          %swap3A_774 = vector.shape_cast %add3A_764 : vector<16xf32> to vector<1x16xf32>
          tpu.vector_store %arg12[%swap3A_770, %swap3A_771], %swap3A_774 {strides = array<i32>} : memref<8x128xf32, #tpu.memory_space<vmem>>, vector<1x16xf32>,
          %broadcast_in_dim3A_775 = arith.constant 0.000000e+00 : f32
          %broadcast_in_dim3A_776 = vector.broadcast %broadcast_in_dim3A_775 : f32 to vector<16xf32>
          %broadcast_in_dim3A_777 = arith.constant 0.000000e+00 : f32
          %broadcast_in_dim3A_778 = vector.broadcast %broadcast_in_dim3A_777 : f32 to vector<16xf32>
          %broadcast_in_dim3A_779 = arith.constant 0 : i32
          %broadcast_in_dim3A_780 = vector.broadcast %broadcast_in_dim3A_779 : i32 to vector<16x1xi32>
          %gather3A_781 = vector.shape_cast %broadcast_in_dim3A_780 : vector<16x1xi32> to vector<16xi32>
          %gather3A_782 = tpu.dynamic_gather %get3A_98[%gather3A_781] in [0] : vector<16xf32>, vector<16xi32> -> vector<16xf32>
          %get3A_783 = arith.constant 0 : i32
          %get3A_784 = arith.index_cast %get3A_783 : i32 to index
          %get3A_785 = arith.index_cast %scan3A_92 : i32 to index
          %get3A_786 = arith.constant 32 : index
          %get3A_787 = tpu.vector_load %arg11[%get3A_784, %get3A_785, %get3A_786] {strides = array<i32>} : memref<2x8x1152xi32, #tpu.memory_space<vmem>>, vector<1x1x16xi32>,
          %get3A_788 = vector.shape_cast %get3A_787 : vector<1x1x16xi32> to vector<16xi32>
          %shift_left3A_789 = arith.constant 16 : i32
          %shift_left3A_790 = vector.broadcast %shift_left3A_789 : i32 to vector<16xi32>
          %shift_left3A_791 = arith.shli %get3A_788, %shift_left3A_790 : vector<16xi32>
          %bitcast_convert_type3A_792 = tpu.bitcast %shift_left3A_791 : vector<16xi32> -> vector<16xf32>
          %bitcast_convert_type3A_793 = tpu.bitcast %get3A_788 : vector<16xi32> -> vector<16xf32>
          %mul3A_794 = arith.mulf %bitcast_convert_type3A_792, %gather3A_782 : vector<16xf32>
          %add3A_795 = arith.addf %broadcast_in_dim3A_776, %mul3A_794 : vector<16xf32>
          %mul3A_796 = arith.mulf %bitcast_convert_type3A_793, %gather3A_782 : vector<16xf32>
          %add3A_797 = arith.addf %broadcast_in_dim3A_778, %mul3A_796 : vector<16xf32>
          %broadcast_in_dim3A_798 = arith.constant 1 : i32
          %broadcast_in_dim3A_799 = vector.broadcast %broadcast_in_dim3A_798 : i32 to vector<16x1xi32>
          %gather3A_800 = vector.shape_cast %broadcast_in_dim3A_799 : vector<16x1xi32> to vector<16xi32>
          %gather3A_801 = tpu.dynamic_gather %get3A_98[%gather3A_800] in [0] : vector<16xf32>, vector<16xi32> -> vector<16xf32>
          %get3A_802 = arith.constant 0 : i32
          %get3A_803 = arith.index_cast %get3A_802 : i32 to index
          %get3A_804 = arith.index_cast %scan3A_92 : i32 to index
          %get3A_805 = arith.constant 96 : index
          %get3A_806 = tpu.vector_load %arg11[%get3A_803, %get3A_804, %get3A_805] {strides = array<i32>} : memref<2x8x1152xi32, #tpu.memory_space<vmem>>, vector<1x1x16xi32>,
          %get3A_807 = vector.shape_cast %get3A_806 : vector<1x1x16xi32> to vector<16xi32>
          %shift_left3A_808 = arith.constant 16 : i32
          %shift_left3A_809 = vector.broadcast %shift_left3A_808 : i32 to vector<16xi32>
          %shift_left3A_810 = arith.shli %get3A_807, %shift_left3A_809 : vector<16xi32>
          %bitcast_convert_type3A_811 = tpu.bitcast %shift_left3A_810 : vector<16xi32> -> vector<16xf32>
          %bitcast_convert_type3A_812 = tpu.bitcast %get3A_807 : vector<16xi32> -> vector<16xf32>
          %mul3A_813 = arith.mulf %bitcast_convert_type3A_811, %gather3A_801 : vector<16xf32>
          %add3A_814 = arith.addf %add3A_795, %mul3A_813 : vector<16xf32>
          %mul3A_815 = arith.mulf %bitcast_convert_type3A_812, %gather3A_801 : vector<16xf32>
          %add3A_816 = arith.addf %add3A_797, %mul3A_815 : vector<16xf32>
          %broadcast_in_dim3A_817 = arith.constant 2 : i32
          %broadcast_in_dim3A_818 = vector.broadcast %broadcast_in_dim3A_817 : i32 to vector<16x1xi32>
          %gather3A_819 = vector.shape_cast %broadcast_in_dim3A_818 : vector<16x1xi32> to vector<16xi32>
          %gather3A_820 = tpu.dynamic_gather %get3A_98[%gather3A_819] in [0] : vector<16xf32>, vector<16xi32> -> vector<16xf32>
          %get3A_821 = arith.constant 0 : i32
          %get3A_822 = arith.index_cast %get3A_821 : i32 to index
          %get3A_823 = arith.index_cast %scan3A_92 : i32 to index
          %get3A_824 = arith.constant 160 : index
          %get3A_825 = tpu.vector_load %arg11[%get3A_822, %get3A_823, %get3A_824] {strides = array<i32>} : memref<2x8x1152xi32, #tpu.memory_space<vmem>>, vector<1x1x16xi32>,
          %get3A_826 = vector.shape_cast %get3A_825 : vector<1x1x16xi32> to vector<16xi32>
          %shift_left3A_827 = arith.constant 16 : i32
          %shift_left3A_828 = vector.broadcast %shift_left3A_827 : i32 to vector<16xi32>
          %shift_left3A_829 = arith.shli %get3A_826, %shift_left3A_828 : vector<16xi32>
          %bitcast_convert_type3A_830 = tpu.bitcast %shift_left3A_829 : vector<16xi32> -> vector<16xf32>
          %bitcast_convert_type3A_831 = tpu.bitcast %get3A_826 : vector<16xi32> -> vector<16xf32>
          %mul3A_832 = arith.mulf %bitcast_convert_type3A_830, %gather3A_820 : vector<16xf32>
          %add3A_833 = arith.addf %add3A_814, %mul3A_832 : vector<16xf32>
          %mul3A_834 = arith.mulf %bitcast_convert_type3A_831, %gather3A_820 : vector<16xf32>
          %add3A_835 = arith.addf %add3A_816, %mul3A_834 : vector<16xf32>
          %broadcast_in_dim3A_836 = arith.constant 3 : i32
          %broadcast_in_dim3A_837 = vector.broadcast %broadcast_in_dim3A_836 : i32 to vector<16x1xi32>
          %gather3A_838 = vector.shape_cast %broadcast_in_dim3A_837 : vector<16x1xi32> to vector<16xi32>
          %gather3A_839 = tpu.dynamic_gather %get3A_98[%gather3A_838] in [0] : vector<16xf32>, vector<16xi32> -> vector<16xf32>
          %get3A_840 = arith.constant 0 : i32
          %get3A_841 = arith.index_cast %get3A_840 : i32 to index
          %get3A_842 = arith.index_cast %scan3A_92 : i32 to index
          %get3A_843 = arith.constant 224 : index
          %get3A_844 = tpu.vector_load %arg11[%get3A_841, %get3A_842, %get3A_843] {strides = array<i32>} : memref<2x8x1152xi32, #tpu.memory_space<vmem>>, vector<1x1x16xi32>,
          %get3A_845 = vector.shape_cast %get3A_844 : vector<1x1x16xi32> to vector<16xi32>
          %shift_left3A_846 = arith.constant 16 : i32
          %shift_left3A_847 = vector.broadcast %shift_left3A_846 : i32 to vector<16xi32>
          %shift_left3A_848 = arith.shli %get3A_845, %shift_left3A_847 : vector<16xi32>
          %bitcast_convert_type3A_849 = tpu.bitcast %shift_left3A_848 : vector<16xi32> -> vector<16xf32>
          %bitcast_convert_type3A_850 = tpu.bitcast %get3A_845 : vector<16xi32> -> vector<16xf32>
          %mul3A_851 = arith.mulf %bitcast_convert_type3A_849, %gather3A_839 : vector<16xf32>
          %add3A_852 = arith.addf %add3A_833, %mul3A_851 : vector<16xf32>
          %mul3A_853 = arith.mulf %bitcast_convert_type3A_850, %gather3A_839 : vector<16xf32>
          %add3A_854 = arith.addf %add3A_835, %mul3A_853 : vector<16xf32>
          %broadcast_in_dim3A_855 = arith.constant 4 : i32
          %broadcast_in_dim3A_856 = vector.broadcast %broadcast_in_dim3A_855 : i32 to vector<16x1xi32>
          %gather3A_857 = vector.shape_cast %broadcast_in_dim3A_856 : vector<16x1xi32> to vector<16xi32>
          %gather3A_858 = tpu.dynamic_gather %get3A_98[%gather3A_857] in [0] : vector<16xf32>, vector<16xi32> -> vector<16xf32>
          %get3A_859 = arith.constant 0 : i32
          %get3A_860 = arith.index_cast %get3A_859 : i32 to index
          %get3A_861 = arith.index_cast %scan3A_92 : i32 to index
          %get3A_862 = arith.constant 288 : index
          %get3A_863 = tpu.vector_load %arg11[%get3A_860, %get3A_861, %get3A_862] {strides = array<i32>} : memref<2x8x1152xi32, #tpu.memory_space<vmem>>, vector<1x1x16xi32>,
          %get3A_864 = vector.shape_cast %get3A_863 : vector<1x1x16xi32> to vector<16xi32>
          %shift_left3A_865 = arith.constant 16 : i32
          %shift_left3A_866 = vector.broadcast %shift_left3A_865 : i32 to vector<16xi32>
          %shift_left3A_867 = arith.shli %get3A_864, %shift_left3A_866 : vector<16xi32>
          %bitcast_convert_type3A_868 = tpu.bitcast %shift_left3A_867 : vector<16xi32> -> vector<16xf32>
          %bitcast_convert_type3A_869 = tpu.bitcast %get3A_864 : vector<16xi32> -> vector<16xf32>
          %mul3A_870 = arith.mulf %bitcast_convert_type3A_868, %gather3A_858 : vector<16xf32>
          %add3A_871 = arith.addf %add3A_852, %mul3A_870 : vector<16xf32>
          %mul3A_872 = arith.mulf %bitcast_convert_type3A_869, %gather3A_858 : vector<16xf32>
          %add3A_873 = arith.addf %add3A_854, %mul3A_872 : vector<16xf32>
          %broadcast_in_dim3A_874 = arith.constant 5 : i32
          %broadcast_in_dim3A_875 = vector.broadcast %broadcast_in_dim3A_874 : i32 to vector<16x1xi32>
          %gather3A_876 = vector.shape_cast %broadcast_in_dim3A_875 : vector<16x1xi32> to vector<16xi32>
          %gather3A_877 = tpu.dynamic_gather %get3A_98[%gather3A_876] in [0] : vector<16xf32>, vector<16xi32> -> vector<16xf32>
          %get3A_878 = arith.constant 0 : i32
          %get3A_879 = arith.index_cast %get3A_878 : i32 to index
          %get3A_880 = arith.index_cast %scan3A_92 : i32 to index
          %get3A_881 = arith.constant 352 : index
          %get3A_882 = tpu.vector_load %arg11[%get3A_879, %get3A_880, %get3A_881] {strides = array<i32>} : memref<2x8x1152xi32, #tpu.memory_space<vmem>>, vector<1x1x16xi32>,
          %get3A_883 = vector.shape_cast %get3A_882 : vector<1x1x16xi32> to vector<16xi32>
          %shift_left3A_884 = arith.constant 16 : i32
          %shift_left3A_885 = vector.broadcast %shift_left3A_884 : i32 to vector<16xi32>
          %shift_left3A_886 = arith.shli %get3A_883, %shift_left3A_885 : vector<16xi32>
          %bitcast_convert_type3A_887 = tpu.bitcast %shift_left3A_886 : vector<16xi32> -> vector<16xf32>
          %bitcast_convert_type3A_888 = tpu.bitcast %get3A_883 : vector<16xi32> -> vector<16xf32>
          %mul3A_889 = arith.mulf %bitcast_convert_type3A_887, %gather3A_877 : vector<16xf32>
          %add3A_890 = arith.addf %add3A_871, %mul3A_889 : vector<16xf32>
          %mul3A_891 = arith.mulf %bitcast_convert_type3A_888, %gather3A_877 : vector<16xf32>
          %add3A_892 = arith.addf %add3A_873, %mul3A_891 : vector<16xf32>
          %broadcast_in_dim3A_893 = arith.constant 6 : i32
          %broadcast_in_dim3A_894 = vector.broadcast %broadcast_in_dim3A_893 : i32 to vector<16x1xi32>
          %gather3A_895 = vector.shape_cast %broadcast_in_dim3A_894 : vector<16x1xi32> to vector<16xi32>
          %gather3A_896 = tpu.dynamic_gather %get3A_98[%gather3A_895] in [0] : vector<16xf32>, vector<16xi32> -> vector<16xf32>
          %get3A_897 = arith.constant 0 : i32
          %get3A_898 = arith.index_cast %get3A_897 : i32 to index
          %get3A_899 = arith.index_cast %scan3A_92 : i32 to index
          %get3A_900 = arith.constant 416 : index
          %get3A_901 = tpu.vector_load %arg11[%get3A_898, %get3A_899, %get3A_900] {strides = array<i32>} : memref<2x8x1152xi32, #tpu.memory_space<vmem>>, vector<1x1x16xi32>,
          %get3A_902 = vector.shape_cast %get3A_901 : vector<1x1x16xi32> to vector<16xi32>
          %shift_left3A_903 = arith.constant 16 : i32
          %shift_left3A_904 = vector.broadcast %shift_left3A_903 : i32 to vector<16xi32>
          %shift_left3A_905 = arith.shli %get3A_902, %shift_left3A_904 : vector<16xi32>
          %bitcast_convert_type3A_906 = tpu.bitcast %shift_left3A_905 : vector<16xi32> -> vector<16xf32>
          %bitcast_convert_type3A_907 = tpu.bitcast %get3A_902 : vector<16xi32> -> vector<16xf32>
          %mul3A_908 = arith.mulf %bitcast_convert_type3A_906, %gather3A_896 : vector<16xf32>
          %add3A_909 = arith.addf %add3A_890, %mul3A_908 : vector<16xf32>
          %mul3A_910 = arith.mulf %bitcast_convert_type3A_907, %gather3A_896 : vector<16xf32>
          %add3A_911 = arith.addf %add3A_892, %mul3A_910 : vector<16xf32>
          %broadcast_in_dim3A_912 = arith.constant 7 : i32
          %broadcast_in_dim3A_913 = vector.broadcast %broadcast_in_dim3A_912 : i32 to vector<16x1xi32>
          %gather3A_914 = vector.shape_cast %broadcast_in_dim3A_913 : vector<16x1xi32> to vector<16xi32>
          %gather3A_915 = tpu.dynamic_gather %get3A_98[%gather3A_914] in [0] : vector<16xf32>, vector<16xi32> -> vector<16xf32>
          %get3A_916 = arith.constant 0 : i32
          %get3A_917 = arith.index_cast %get3A_916 : i32 to index
          %get3A_918 = arith.index_cast %scan3A_92 : i32 to index
          %get3A_919 = arith.constant 480 : index
          %get3A_920 = tpu.vector_load %arg11[%get3A_917, %get3A_918, %get3A_919] {strides = array<i32>} : memref<2x8x1152xi32, #tpu.memory_space<vmem>>, vector<1x1x16xi32>,
          %get3A_921 = vector.shape_cast %get3A_920 : vector<1x1x16xi32> to vector<16xi32>
          %shift_left3A_922 = arith.constant 16 : i32
          %shift_left3A_923 = vector.broadcast %shift_left3A_922 : i32 to vector<16xi32>
          %shift_left3A_924 = arith.shli %get3A_921, %shift_left3A_923 : vector<16xi32>
          %bitcast_convert_type3A_925 = tpu.bitcast %shift_left3A_924 : vector<16xi32> -> vector<16xf32>
          %bitcast_convert_type3A_926 = tpu.bitcast %get3A_921 : vector<16xi32> -> vector<16xf32>
          %mul3A_927 = arith.mulf %bitcast_convert_type3A_925, %gather3A_915 : vector<16xf32>
          %add3A_928 = arith.addf %add3A_909, %mul3A_927 : vector<16xf32>
          %mul3A_929 = arith.mulf %bitcast_convert_type3A_926, %gather3A_915 : vector<16xf32>
          %add3A_930 = arith.addf %add3A_911, %mul3A_929 : vector<16xf32>
          %broadcast_in_dim3A_931 = arith.constant 8 : i32
          %broadcast_in_dim3A_932 = vector.broadcast %broadcast_in_dim3A_931 : i32 to vector<16x1xi32>
          %gather3A_933 = vector.shape_cast %broadcast_in_dim3A_932 : vector<16x1xi32> to vector<16xi32>
          %gather3A_934 = tpu.dynamic_gather %get3A_98[%gather3A_933] in [0] : vector<16xf32>, vector<16xi32> -> vector<16xf32>
          %get3A_935 = arith.constant 0 : i32
          %get3A_936 = arith.index_cast %get3A_935 : i32 to index
          %get3A_937 = arith.index_cast %scan3A_92 : i32 to index
          %get3A_938 = arith.constant 544 : index
          %get3A_939 = tpu.vector_load %arg11[%get3A_936, %get3A_937, %get3A_938] {strides = array<i32>} : memref<2x8x1152xi32, #tpu.memory_space<vmem>>, vector<1x1x16xi32>,
          %get3A_940 = vector.shape_cast %get3A_939 : vector<1x1x16xi32> to vector<16xi32>
          %shift_left3A_941 = arith.constant 16 : i32
          %shift_left3A_942 = vector.broadcast %shift_left3A_941 : i32 to vector<16xi32>
          %shift_left3A_943 = arith.shli %get3A_940, %shift_left3A_942 : vector<16xi32>
          %bitcast_convert_type3A_944 = tpu.bitcast %shift_left3A_943 : vector<16xi32> -> vector<16xf32>
          %bitcast_convert_type3A_945 = tpu.bitcast %get3A_940 : vector<16xi32> -> vector<16xf32>
          %mul3A_946 = arith.mulf %bitcast_convert_type3A_944, %gather3A_934 : vector<16xf32>
          %add3A_947 = arith.addf %add3A_928, %mul3A_946 : vector<16xf32>
          %mul3A_948 = arith.mulf %bitcast_convert_type3A_945, %gather3A_934 : vector<16xf32>
          %add3A_949 = arith.addf %add3A_930, %mul3A_948 : vector<16xf32>
          %broadcast_in_dim3A_950 = arith.constant 9 : i32
          %broadcast_in_dim3A_951 = vector.broadcast %broadcast_in_dim3A_950 : i32 to vector<16x1xi32>
          %gather3A_952 = vector.shape_cast %broadcast_in_dim3A_951 : vector<16x1xi32> to vector<16xi32>
          %gather3A_953 = tpu.dynamic_gather %get3A_98[%gather3A_952] in [0] : vector<16xf32>, vector<16xi32> -> vector<16xf32>
          %get3A_954 = arith.constant 0 : i32
          %get3A_955 = arith.index_cast %get3A_954 : i32 to index
          %get3A_956 = arith.index_cast %scan3A_92 : i32 to index
          %get3A_957 = arith.constant 608 : index
          %get3A_958 = tpu.vector_load %arg11[%get3A_955, %get3A_956, %get3A_957] {strides = array<i32>} : memref<2x8x1152xi32, #tpu.memory_space<vmem>>, vector<1x1x16xi32>,
          %get3A_959 = vector.shape_cast %get3A_958 : vector<1x1x16xi32> to vector<16xi32>
          %shift_left3A_960 = arith.constant 16 : i32
          %shift_left3A_961 = vector.broadcast %shift_left3A_960 : i32 to vector<16xi32>
          %shift_left3A_962 = arith.shli %get3A_959, %shift_left3A_961 : vector<16xi32>
          %bitcast_convert_type3A_963 = tpu.bitcast %shift_left3A_962 : vector<16xi32> -> vector<16xf32>
          %bitcast_convert_type3A_964 = tpu.bitcast %get3A_959 : vector<16xi32> -> vector<16xf32>
          %mul3A_965 = arith.mulf %bitcast_convert_type3A_963, %gather3A_953 : vector<16xf32>
          %add3A_966 = arith.addf %add3A_947, %mul3A_965 : vector<16xf32>
          %mul3A_967 = arith.mulf %bitcast_convert_type3A_964, %gather3A_953 : vector<16xf32>
          %add3A_968 = arith.addf %add3A_949, %mul3A_967 : vector<16xf32>
          %broadcast_in_dim3A_969 = arith.constant 10 : i32
          %broadcast_in_dim3A_970 = vector.broadcast %broadcast_in_dim3A_969 : i32 to vector<16x1xi32>
          %gather3A_971 = vector.shape_cast %broadcast_in_dim3A_970 : vector<16x1xi32> to vector<16xi32>
          %gather3A_972 = tpu.dynamic_gather %get3A_98[%gather3A_971] in [0] : vector<16xf32>, vector<16xi32> -> vector<16xf32>
          %get3A_973 = arith.constant 0 : i32
          %get3A_974 = arith.index_cast %get3A_973 : i32 to index
          %get3A_975 = arith.index_cast %scan3A_92 : i32 to index
          %get3A_976 = arith.constant 672 : index
          %get3A_977 = tpu.vector_load %arg11[%get3A_974, %get3A_975, %get3A_976] {strides = array<i32>} : memref<2x8x1152xi32, #tpu.memory_space<vmem>>, vector<1x1x16xi32>,
          %get3A_978 = vector.shape_cast %get3A_977 : vector<1x1x16xi32> to vector<16xi32>
          %shift_left3A_979 = arith.constant 16 : i32
          %shift_left3A_980 = vector.broadcast %shift_left3A_979 : i32 to vector<16xi32>
          %shift_left3A_981 = arith.shli %get3A_978, %shift_left3A_980 : vector<16xi32>
          %bitcast_convert_type3A_982 = tpu.bitcast %shift_left3A_981 : vector<16xi32> -> vector<16xf32>
          %bitcast_convert_type3A_983 = tpu.bitcast %get3A_978 : vector<16xi32> -> vector<16xf32>
          %mul3A_984 = arith.mulf %bitcast_convert_type3A_982, %gather3A_972 : vector<16xf32>
          %add3A_985 = arith.addf %add3A_966, %mul3A_984 : vector<16xf32>
          %mul3A_986 = arith.mulf %bitcast_convert_type3A_983, %gather3A_972 : vector<16xf32>
          %add3A_987 = arith.addf %add3A_968, %mul3A_986 : vector<16xf32>
          %broadcast_in_dim3A_988 = arith.constant 11 : i32
          %broadcast_in_dim3A_989 = vector.broadcast %broadcast_in_dim3A_988 : i32 to vector<16x1xi32>
          %gather3A_990 = vector.shape_cast %broadcast_in_dim3A_989 : vector<16x1xi32> to vector<16xi32>
          %gather3A_991 = tpu.dynamic_gather %get3A_98[%gather3A_990] in [0] : vector<16xf32>, vector<16xi32> -> vector<16xf32>
          %get3A_992 = arith.constant 0 : i32
          %get3A_993 = arith.index_cast %get3A_992 : i32 to index
          %get3A_994 = arith.index_cast %scan3A_92 : i32 to index
          %get3A_995 = arith.constant 736 : index
          %get3A_996 = tpu.vector_load %arg11[%get3A_993, %get3A_994, %get3A_995] {strides = array<i32>} : memref<2x8x1152xi32, #tpu.memory_space<vmem>>, vector<1x1x16xi32>,
          %get3A_997 = vector.shape_cast %get3A_996 : vector<1x1x16xi32> to vector<16xi32>
          %shift_left3A_998 = arith.constant 16 : i32
          %shift_left3A_999 = vector.broadcast %shift_left3A_998 : i32 to vector<16xi32>
          %shift_left3A_1000 = arith.shli %get3A_997, %shift_left3A_999 : vector<16xi32>
          %bitcast_convert_type3A_1001 = tpu.bitcast %shift_left3A_1000 : vector<16xi32> -> vector<16xf32>
          %bitcast_convert_type3A_1002 = tpu.bitcast %get3A_997 : vector<16xi32> -> vector<16xf32>
          %mul3A_1003 = arith.mulf %bitcast_convert_type3A_1001, %gather3A_991 : vector<16xf32>
          %add3A_1004 = arith.addf %add3A_985, %mul3A_1003 : vector<16xf32>
          %mul3A_1005 = arith.mulf %bitcast_convert_type3A_1002, %gather3A_991 : vector<16xf32>
          %add3A_1006 = arith.addf %add3A_987, %mul3A_1005 : vector<16xf32>
          %broadcast_in_dim3A_1007 = arith.constant 12 : i32
          %broadcast_in_dim3A_1008 = vector.broadcast %broadcast_in_dim3A_1007 : i32 to vector<16x1xi32>
          %gather3A_1009 = vector.shape_cast %broadcast_in_dim3A_1008 : vector<16x1xi32> to vector<16xi32>
          %gather3A_1010 = tpu.dynamic_gather %get3A_98[%gather3A_1009] in [0] : vector<16xf32>, vector<16xi32> -> vector<16xf32>
          %get3A_1011 = arith.constant 0 : i32
          %get3A_1012 = arith.index_cast %get3A_1011 : i32 to index
          %get3A_1013 = arith.index_cast %scan3A_92 : i32 to index
          %get3A_1014 = arith.constant 800 : index
          %get3A_1015 = tpu.vector_load %arg11[%get3A_1012, %get3A_1013, %get3A_1014] {strides = array<i32>} : memref<2x8x1152xi32, #tpu.memory_space<vmem>>, vector<1x1x16xi32>,
          %get3A_1016 = vector.shape_cast %get3A_1015 : vector<1x1x16xi32> to vector<16xi32>
          %shift_left3A_1017 = arith.constant 16 : i32
          %shift_left3A_1018 = vector.broadcast %shift_left3A_1017 : i32 to vector<16xi32>
          %shift_left3A_1019 = arith.shli %get3A_1016, %shift_left3A_1018 : vector<16xi32>
          %bitcast_convert_type3A_1020 = tpu.bitcast %shift_left3A_1019 : vector<16xi32> -> vector<16xf32>
          %bitcast_convert_type3A_1021 = tpu.bitcast %get3A_1016 : vector<16xi32> -> vector<16xf32>
          %mul3A_1022 = arith.mulf %bitcast_convert_type3A_1020, %gather3A_1010 : vector<16xf32>
          %add3A_1023 = arith.addf %add3A_1004, %mul3A_1022 : vector<16xf32>
          %mul3A_1024 = arith.mulf %bitcast_convert_type3A_1021, %gather3A_1010 : vector<16xf32>
          %add3A_1025 = arith.addf %add3A_1006, %mul3A_1024 : vector<16xf32>
          %broadcast_in_dim3A_1026 = arith.constant 13 : i32
          %broadcast_in_dim3A_1027 = vector.broadcast %broadcast_in_dim3A_1026 : i32 to vector<16x1xi32>
          %gather3A_1028 = vector.shape_cast %broadcast_in_dim3A_1027 : vector<16x1xi32> to vector<16xi32>
          %gather3A_1029 = tpu.dynamic_gather %get3A_98[%gather3A_1028] in [0] : vector<16xf32>, vector<16xi32> -> vector<16xf32>
          %get3A_1030 = arith.constant 0 : i32
          %get3A_1031 = arith.index_cast %get3A_1030 : i32 to index
          %get3A_1032 = arith.index_cast %scan3A_92 : i32 to index
          %get3A_1033 = arith.constant 864 : index
          %get3A_1034 = tpu.vector_load %arg11[%get3A_1031, %get3A_1032, %get3A_1033] {strides = array<i32>} : memref<2x8x1152xi32, #tpu.memory_space<vmem>>, vector<1x1x16xi32>,
          %get3A_1035 = vector.shape_cast %get3A_1034 : vector<1x1x16xi32> to vector<16xi32>
          %shift_left3A_1036 = arith.constant 16 : i32
          %shift_left3A_1037 = vector.broadcast %shift_left3A_1036 : i32 to vector<16xi32>
          %shift_left3A_1038 = arith.shli %get3A_1035, %shift_left3A_1037 : vector<16xi32>
          %bitcast_convert_type3A_1039 = tpu.bitcast %shift_left3A_1038 : vector<16xi32> -> vector<16xf32>
          %bitcast_convert_type3A_1040 = tpu.bitcast %get3A_1035 : vector<16xi32> -> vector<16xf32>
          %mul3A_1041 = arith.mulf %bitcast_convert_type3A_1039, %gather3A_1029 : vector<16xf32>
          %add3A_1042 = arith.addf %add3A_1023, %mul3A_1041 : vector<16xf32>
          %mul3A_1043 = arith.mulf %bitcast_convert_type3A_1040, %gather3A_1029 : vector<16xf32>
          %add3A_1044 = arith.addf %add3A_1025, %mul3A_1043 : vector<16xf32>
          %broadcast_in_dim3A_1045 = arith.constant 14 : i32
          %broadcast_in_dim3A_1046 = vector.broadcast %broadcast_in_dim3A_1045 : i32 to vector<16x1xi32>
          %gather3A_1047 = vector.shape_cast %broadcast_in_dim3A_1046 : vector<16x1xi32> to vector<16xi32>
          %gather3A_1048 = tpu.dynamic_gather %get3A_98[%gather3A_1047] in [0] : vector<16xf32>, vector<16xi32> -> vector<16xf32>
          %get3A_1049 = arith.constant 0 : i32
          %get3A_1050 = arith.index_cast %get3A_1049 : i32 to index
          %get3A_1051 = arith.index_cast %scan3A_92 : i32 to index
          %get3A_1052 = arith.constant 928 : index
          %get3A_1053 = tpu.vector_load %arg11[%get3A_1050, %get3A_1051, %get3A_1052] {strides = array<i32>} : memref<2x8x1152xi32, #tpu.memory_space<vmem>>, vector<1x1x16xi32>,
          %get3A_1054 = vector.shape_cast %get3A_1053 : vector<1x1x16xi32> to vector<16xi32>
          %shift_left3A_1055 = arith.constant 16 : i32
          %shift_left3A_1056 = vector.broadcast %shift_left3A_1055 : i32 to vector<16xi32>
          %shift_left3A_1057 = arith.shli %get3A_1054, %shift_left3A_1056 : vector<16xi32>
          %bitcast_convert_type3A_1058 = tpu.bitcast %shift_left3A_1057 : vector<16xi32> -> vector<16xf32>
          %bitcast_convert_type3A_1059 = tpu.bitcast %get3A_1054 : vector<16xi32> -> vector<16xf32>
          %mul3A_1060 = arith.mulf %bitcast_convert_type3A_1058, %gather3A_1048 : vector<16xf32>
          %add3A_1061 = arith.addf %add3A_1042, %mul3A_1060 : vector<16xf32>
          %mul3A_1062 = arith.mulf %bitcast_convert_type3A_1059, %gather3A_1048 : vector<16xf32>
          %add3A_1063 = arith.addf %add3A_1044, %mul3A_1062 : vector<16xf32>
          %broadcast_in_dim3A_1064 = arith.constant 15 : i32
          %broadcast_in_dim3A_1065 = vector.broadcast %broadcast_in_dim3A_1064 : i32 to vector<16x1xi32>
          %gather3A_1066 = vector.shape_cast %broadcast_in_dim3A_1065 : vector<16x1xi32> to vector<16xi32>
          %gather3A_1067 = tpu.dynamic_gather %get3A_98[%gather3A_1066] in [0] : vector<16xf32>, vector<16xi32> -> vector<16xf32>
          %get3A_1068 = arith.constant 0 : i32
          %get3A_1069 = arith.index_cast %get3A_1068 : i32 to index
          %get3A_1070 = arith.index_cast %scan3A_92 : i32 to index
          %get3A_1071 = arith.constant 992 : index
          %get3A_1072 = tpu.vector_load %arg11[%get3A_1069, %get3A_1070, %get3A_1071] {strides = array<i32>} : memref<2x8x1152xi32, #tpu.memory_space<vmem>>, vector<1x1x16xi32>,
          %get3A_1073 = vector.shape_cast %get3A_1072 : vector<1x1x16xi32> to vector<16xi32>
          %shift_left3A_1074 = arith.constant 16 : i32
          %shift_left3A_1075 = vector.broadcast %shift_left3A_1074 : i32 to vector<16xi32>
          %shift_left3A_1076 = arith.shli %get3A_1073, %shift_left3A_1075 : vector<16xi32>
          %bitcast_convert_type3A_1077 = tpu.bitcast %shift_left3A_1076 : vector<16xi32> -> vector<16xf32>
          %bitcast_convert_type3A_1078 = tpu.bitcast %get3A_1073 : vector<16xi32> -> vector<16xf32>
          %mul3A_1079 = arith.mulf %bitcast_convert_type3A_1077, %gather3A_1067 : vector<16xf32>
          %add3A_1080 = arith.addf %add3A_1061, %mul3A_1079 : vector<16xf32>
          %mul3A_1081 = arith.mulf %bitcast_convert_type3A_1078, %gather3A_1067 : vector<16xf32>
          %add3A_1082 = arith.addf %add3A_1063, %mul3A_1081 : vector<16xf32>
          %broadcast_in_dim3A_1083 = arith.constant 0 : i32
          %broadcast_in_dim3A_1084 = vector.broadcast %broadcast_in_dim3A_1083 : i32 to vector<16x1xi32>
          %gather3A_1085 = vector.shape_cast %broadcast_in_dim3A_1084 : vector<16x1xi32> to vector<16xi32>
          %gather3A_1086 = tpu.dynamic_gather %get3A_105[%gather3A_1085] in [0] : vector<16xf32>, vector<16xi32> -> vector<16xf32>
          %get3A_1087 = arith.constant 0 : i32
          %get3A_1088 = arith.index_cast %get3A_1087 : i32 to index
          %get3A_1089 = arith.index_cast %scan3A_92 : i32 to index
          %get3A_1090 = arith.constant 1056 : index
          %get3A_1091 = tpu.vector_load %arg11[%get3A_1088, %get3A_1089, %get3A_1090] {strides = array<i32>} : memref<2x8x1152xi32, #tpu.memory_space<vmem>>, vector<1x1x16xi32>,
          %get3A_1092 = vector.shape_cast %get3A_1091 : vector<1x1x16xi32> to vector<16xi32>
          %shift_left3A_1093 = arith.constant 16 : i32
          %shift_left3A_1094 = vector.broadcast %shift_left3A_1093 : i32 to vector<16xi32>
          %shift_left3A_1095 = arith.shli %get3A_1092, %shift_left3A_1094 : vector<16xi32>
          %bitcast_convert_type3A_1096 = tpu.bitcast %shift_left3A_1095 : vector<16xi32> -> vector<16xf32>
          %bitcast_convert_type3A_1097 = tpu.bitcast %get3A_1092 : vector<16xi32> -> vector<16xf32>
          %mul3A_1098 = arith.mulf %bitcast_convert_type3A_1096, %gather3A_1086 : vector<16xf32>
          %add3A_1099 = arith.addf %add3A_1080, %mul3A_1098 : vector<16xf32>
          %mul3A_1100 = arith.mulf %bitcast_convert_type3A_1097, %gather3A_1086 : vector<16xf32>
          %add3A_1101 = arith.addf %add3A_1082, %mul3A_1100 : vector<16xf32>
          %swap3A_1102 = arith.index_cast %scan3A_92 : i32 to index
          %swap3A_1103 = arith.constant 64 : index
          %swap3A_1104 = tpu.vector_load %arg12[%swap3A_1102, %swap3A_1103] {strides = array<i32>} : memref<8x128xf32, #tpu.memory_space<vmem>>, vector<1x16xf32>,
          %swap3A_1105 = vector.shape_cast %swap3A_1104 : vector<1x16xf32> to vector<16xf32>
          %swap3A_1106 = vector.shape_cast %add3A_1099 : vector<16xf32> to vector<1x16xf32>
          tpu.vector_store %arg12[%swap3A_1102, %swap3A_1103], %swap3A_1106 {strides = array<i32>} : memref<8x128xf32, #tpu.memory_space<vmem>>, vector<1x16xf32>,
          %swap3A_1107 = arith.index_cast %scan3A_92 : i32 to index
          %swap3A_1108 = arith.constant 80 : index
          %swap3A_1109 = tpu.vector_load %arg12[%swap3A_1107, %swap3A_1108] {strides = array<i32>} : memref<8x128xf32, #tpu.memory_space<vmem>>, vector<1x16xf32>,
          %swap3A_1110 = vector.shape_cast %swap3A_1109 : vector<1x16xf32> to vector<16xf32>
          %swap3A_1111 = vector.shape_cast %add3A_1101 : vector<16xf32> to vector<1x16xf32>
          tpu.vector_store %arg12[%swap3A_1107, %swap3A_1108], %swap3A_1111 {strides = array<i32>} : memref<8x128xf32, #tpu.memory_space<vmem>>, vector<1x16xf32>,
          %broadcast_in_dim3A_1112 = arith.constant 0.000000e+00 : f32
          %broadcast_in_dim3A_1113 = vector.broadcast %broadcast_in_dim3A_1112 : f32 to vector<16xf32>
          %broadcast_in_dim3A_1114 = arith.constant 0.000000e+00 : f32
          %broadcast_in_dim3A_1115 = vector.broadcast %broadcast_in_dim3A_1114 : f32 to vector<16xf32>
          %broadcast_in_dim3A_1116 = arith.constant 0 : i32
          %broadcast_in_dim3A_1117 = vector.broadcast %broadcast_in_dim3A_1116 : i32 to vector<16x1xi32>
          %gather3A_1118 = vector.shape_cast %broadcast_in_dim3A_1117 : vector<16x1xi32> to vector<16xi32>
          %gather3A_1119 = tpu.dynamic_gather %get3A_98[%gather3A_1118] in [0] : vector<16xf32>, vector<16xi32> -> vector<16xf32>
          %get3A_1120 = arith.constant 0 : i32
          %get3A_1121 = arith.index_cast %get3A_1120 : i32 to index
          %get3A_1122 = arith.index_cast %scan3A_92 : i32 to index
          %get3A_1123 = arith.constant 48 : index
          %get3A_1124 = tpu.vector_load %arg11[%get3A_1121, %get3A_1122, %get3A_1123] {strides = array<i32>} : memref<2x8x1152xi32, #tpu.memory_space<vmem>>, vector<1x1x16xi32>,
          %get3A_1125 = vector.shape_cast %get3A_1124 : vector<1x1x16xi32> to vector<16xi32>
          %shift_left3A_1126 = arith.constant 16 : i32
          %shift_left3A_1127 = vector.broadcast %shift_left3A_1126 : i32 to vector<16xi32>
          %shift_left3A_1128 = arith.shli %get3A_1125, %shift_left3A_1127 : vector<16xi32>
          %bitcast_convert_type3A_1129 = tpu.bitcast %shift_left3A_1128 : vector<16xi32> -> vector<16xf32>
          %bitcast_convert_type3A_1130 = tpu.bitcast %get3A_1125 : vector<16xi32> -> vector<16xf32>
          %mul3A_1131 = arith.mulf %bitcast_convert_type3A_1129, %gather3A_1119 : vector<16xf32>
          %add3A_1132 = arith.addf %broadcast_in_dim3A_1113, %mul3A_1131 : vector<16xf32>
          %mul3A_1133 = arith.mulf %bitcast_convert_type3A_1130, %gather3A_1119 : vector<16xf32>
          %add3A_1134 = arith.addf %broadcast_in_dim3A_1115, %mul3A_1133 : vector<16xf32>
          %broadcast_in_dim3A_1135 = arith.constant 1 : i32
          %broadcast_in_dim3A_1136 = vector.broadcast %broadcast_in_dim3A_1135 : i32 to vector<16x1xi32>
          %gather3A_1137 = vector.shape_cast %broadcast_in_dim3A_1136 : vector<16x1xi32> to vector<16xi32>
          %gather3A_1138 = tpu.dynamic_gather %get3A_98[%gather3A_1137] in [0] : vector<16xf32>, vector<16xi32> -> vector<16xf32>
          %get3A_1139 = arith.constant 0 : i32
          %get3A_1140 = arith.index_cast %get3A_1139 : i32 to index
          %get3A_1141 = arith.index_cast %scan3A_92 : i32 to index
          %get3A_1142 = arith.constant 112 : index
          %get3A_1143 = tpu.vector_load %arg11[%get3A_1140, %get3A_1141, %get3A_1142] {strides = array<i32>} : memref<2x8x1152xi32, #tpu.memory_space<vmem>>, vector<1x1x16xi32>,
          %get3A_1144 = vector.shape_cast %get3A_1143 : vector<1x1x16xi32> to vector<16xi32>
          %shift_left3A_1145 = arith.constant 16 : i32
          %shift_left3A_1146 = vector.broadcast %shift_left3A_1145 : i32 to vector<16xi32>
          %shift_left3A_1147 = arith.shli %get3A_1144, %shift_left3A_1146 : vector<16xi32>
          %bitcast_convert_type3A_1148 = tpu.bitcast %shift_left3A_1147 : vector<16xi32> -> vector<16xf32>
          %bitcast_convert_type3A_1149 = tpu.bitcast %get3A_1144 : vector<16xi32> -> vector<16xf32>
          %mul3A_1150 = arith.mulf %bitcast_convert_type3A_1148, %gather3A_1138 : vector<16xf32>
          %add3A_1151 = arith.addf %add3A_1132, %mul3A_1150 : vector<16xf32>
          %mul3A_1152 = arith.mulf %bitcast_convert_type3A_1149, %gather3A_1138 : vector<16xf32>
          %add3A_1153 = arith.addf %add3A_1134, %mul3A_1152 : vector<16xf32>
          %broadcast_in_dim3A_1154 = arith.constant 2 : i32
          %broadcast_in_dim3A_1155 = vector.broadcast %broadcast_in_dim3A_1154 : i32 to vector<16x1xi32>
          %gather3A_1156 = vector.shape_cast %broadcast_in_dim3A_1155 : vector<16x1xi32> to vector<16xi32>
          %gather3A_1157 = tpu.dynamic_gather %get3A_98[%gather3A_1156] in [0] : vector<16xf32>, vector<16xi32> -> vector<16xf32>
          %get3A_1158 = arith.constant 0 : i32
          %get3A_1159 = arith.index_cast %get3A_1158 : i32 to index
          %get3A_1160 = arith.index_cast %scan3A_92 : i32 to index
          %get3A_1161 = arith.constant 176 : index
          %get3A_1162 = tpu.vector_load %arg11[%get3A_1159, %get3A_1160, %get3A_1161] {strides = array<i32>} : memref<2x8x1152xi32, #tpu.memory_space<vmem>>, vector<1x1x16xi32>,
          %get3A_1163 = vector.shape_cast %get3A_1162 : vector<1x1x16xi32> to vector<16xi32>
          %shift_left3A_1164 = arith.constant 16 : i32
          %shift_left3A_1165 = vector.broadcast %shift_left3A_1164 : i32 to vector<16xi32>
          %shift_left3A_1166 = arith.shli %get3A_1163, %shift_left3A_1165 : vector<16xi32>
          %bitcast_convert_type3A_1167 = tpu.bitcast %shift_left3A_1166 : vector<16xi32> -> vector<16xf32>
          %bitcast_convert_type3A_1168 = tpu.bitcast %get3A_1163 : vector<16xi32> -> vector<16xf32>
          %mul3A_1169 = arith.mulf %bitcast_convert_type3A_1167, %gather3A_1157 : vector<16xf32>
          %add3A_1170 = arith.addf %add3A_1151, %mul3A_1169 : vector<16xf32>
          %mul3A_1171 = arith.mulf %bitcast_convert_type3A_1168, %gather3A_1157 : vector<16xf32>
          %add3A_1172 = arith.addf %add3A_1153, %mul3A_1171 : vector<16xf32>
          %broadcast_in_dim3A_1173 = arith.constant 3 : i32
          %broadcast_in_dim3A_1174 = vector.broadcast %broadcast_in_dim3A_1173 : i32 to vector<16x1xi32>
          %gather3A_1175 = vector.shape_cast %broadcast_in_dim3A_1174 : vector<16x1xi32> to vector<16xi32>
          %gather3A_1176 = tpu.dynamic_gather %get3A_98[%gather3A_1175] in [0] : vector<16xf32>, vector<16xi32> -> vector<16xf32>
          %get3A_1177 = arith.constant 0 : i32
          %get3A_1178 = arith.index_cast %get3A_1177 : i32 to index
          %get3A_1179 = arith.index_cast %scan3A_92 : i32 to index
          %get3A_1180 = arith.constant 240 : index
          %get3A_1181 = tpu.vector_load %arg11[%get3A_1178, %get3A_1179, %get3A_1180] {strides = array<i32>} : memref<2x8x1152xi32, #tpu.memory_space<vmem>>, vector<1x1x16xi32>,
          %get3A_1182 = vector.shape_cast %get3A_1181 : vector<1x1x16xi32> to vector<16xi32>
          %shift_left3A_1183 = arith.constant 16 : i32
          %shift_left3A_1184 = vector.broadcast %shift_left3A_1183 : i32 to vector<16xi32>
          %shift_left3A_1185 = arith.shli %get3A_1182, %shift_left3A_1184 : vector<16xi32>
          %bitcast_convert_type3A_1186 = tpu.bitcast %shift_left3A_1185 : vector<16xi32> -> vector<16xf32>
          %bitcast_convert_type3A_1187 = tpu.bitcast %get3A_1182 : vector<16xi32> -> vector<16xf32>
          %mul3A_1188 = arith.mulf %bitcast_convert_type3A_1186, %gather3A_1176 : vector<16xf32>
          %add3A_1189 = arith.addf %add3A_1170, %mul3A_1188 : vector<16xf32>
          %mul3A_1190 = arith.mulf %bitcast_convert_type3A_1187, %gather3A_1176 : vector<16xf32>
          %add3A_1191 = arith.addf %add3A_1172, %mul3A_1190 : vector<16xf32>
          %broadcast_in_dim3A_1192 = arith.constant 4 : i32
          %broadcast_in_dim3A_1193 = vector.broadcast %broadcast_in_dim3A_1192 : i32 to vector<16x1xi32>
          %gather3A_1194 = vector.shape_cast %broadcast_in_dim3A_1193 : vector<16x1xi32> to vector<16xi32>
          %gather3A_1195 = tpu.dynamic_gather %get3A_98[%gather3A_1194] in [0] : vector<16xf32>, vector<16xi32> -> vector<16xf32>
          %get3A_1196 = arith.constant 0 : i32
          %get3A_1197 = arith.index_cast %get3A_1196 : i32 to index
          %get3A_1198 = arith.index_cast %scan3A_92 : i32 to index
          %get3A_1199 = arith.constant 304 : index
          %get3A_1200 = tpu.vector_load %arg11[%get3A_1197, %get3A_1198, %get3A_1199] {strides = array<i32>} : memref<2x8x1152xi32, #tpu.memory_space<vmem>>, vector<1x1x16xi32>,
          %get3A_1201 = vector.shape_cast %get3A_1200 : vector<1x1x16xi32> to vector<16xi32>
          %shift_left3A_1202 = arith.constant 16 : i32
          %shift_left3A_1203 = vector.broadcast %shift_left3A_1202 : i32 to vector<16xi32>
          %shift_left3A_1204 = arith.shli %get3A_1201, %shift_left3A_1203 : vector<16xi32>
          %bitcast_convert_type3A_1205 = tpu.bitcast %shift_left3A_1204 : vector<16xi32> -> vector<16xf32>
          %bitcast_convert_type3A_1206 = tpu.bitcast %get3A_1201 : vector<16xi32> -> vector<16xf32>
          %mul3A_1207 = arith.mulf %bitcast_convert_type3A_1205, %gather3A_1195 : vector<16xf32>
          %add3A_1208 = arith.addf %add3A_1189, %mul3A_1207 : vector<16xf32>
          %mul3A_1209 = arith.mulf %bitcast_convert_type3A_1206, %gather3A_1195 : vector<16xf32>
          %add3A_1210 = arith.addf %add3A_1191, %mul3A_1209 : vector<16xf32>
          %broadcast_in_dim3A_1211 = arith.constant 5 : i32
          %broadcast_in_dim3A_1212 = vector.broadcast %broadcast_in_dim3A_1211 : i32 to vector<16x1xi32>
          %gather3A_1213 = vector.shape_cast %broadcast_in_dim3A_1212 : vector<16x1xi32> to vector<16xi32>
          %gather3A_1214 = tpu.dynamic_gather %get3A_98[%gather3A_1213] in [0] : vector<16xf32>, vector<16xi32> -> vector<16xf32>
          %get3A_1215 = arith.constant 0 : i32
          %get3A_1216 = arith.index_cast %get3A_1215 : i32 to index
          %get3A_1217 = arith.index_cast %scan3A_92 : i32 to index
          %get3A_1218 = arith.constant 368 : index
          %get3A_1219 = tpu.vector_load %arg11[%get3A_1216, %get3A_1217, %get3A_1218] {strides = array<i32>} : memref<2x8x1152xi32, #tpu.memory_space<vmem>>, vector<1x1x16xi32>,
          %get3A_1220 = vector.shape_cast %get3A_1219 : vector<1x1x16xi32> to vector<16xi32>
          %shift_left3A_1221 = arith.constant 16 : i32
          %shift_left3A_1222 = vector.broadcast %shift_left3A_1221 : i32 to vector<16xi32>
          %shift_left3A_1223 = arith.shli %get3A_1220, %shift_left3A_1222 : vector<16xi32>
          %bitcast_convert_type3A_1224 = tpu.bitcast %shift_left3A_1223 : vector<16xi32> -> vector<16xf32>
          %bitcast_convert_type3A_1225 = tpu.bitcast %get3A_1220 : vector<16xi32> -> vector<16xf32>
          %mul3A_1226 = arith.mulf %bitcast_convert_type3A_1224, %gather3A_1214 : vector<16xf32>
          %add3A_1227 = arith.addf %add3A_1208, %mul3A_1226 : vector<16xf32>
          %mul3A_1228 = arith.mulf %bitcast_convert_type3A_1225, %gather3A_1214 : vector<16xf32>
          %add3A_1229 = arith.addf %add3A_1210, %mul3A_1228 : vector<16xf32>
          %broadcast_in_dim3A_1230 = arith.constant 6 : i32
          %broadcast_in_dim3A_1231 = vector.broadcast %broadcast_in_dim3A_1230 : i32 to vector<16x1xi32>
          %gather3A_1232 = vector.shape_cast %broadcast_in_dim3A_1231 : vector<16x1xi32> to vector<16xi32>
          %gather3A_1233 = tpu.dynamic_gather %get3A_98[%gather3A_1232] in [0] : vector<16xf32>, vector<16xi32> -> vector<16xf32>
          %get3A_1234 = arith.constant 0 : i32
          %get3A_1235 = arith.index_cast %get3A_1234 : i32 to index
          %get3A_1236 = arith.index_cast %scan3A_92 : i32 to index
          %get3A_1237 = arith.constant 432 : index
          %get3A_1238 = tpu.vector_load %arg11[%get3A_1235, %get3A_1236, %get3A_1237] {strides = array<i32>} : memref<2x8x1152xi32, #tpu.memory_space<vmem>>, vector<1x1x16xi32>,
          %get3A_1239 = vector.shape_cast %get3A_1238 : vector<1x1x16xi32> to vector<16xi32>
          %shift_left3A_1240 = arith.constant 16 : i32
          %shift_left3A_1241 = vector.broadcast %shift_left3A_1240 : i32 to vector<16xi32>
          %shift_left3A_1242 = arith.shli %get3A_1239, %shift_left3A_1241 : vector<16xi32>
          %bitcast_convert_type3A_1243 = tpu.bitcast %shift_left3A_1242 : vector<16xi32> -> vector<16xf32>
          %bitcast_convert_type3A_1244 = tpu.bitcast %get3A_1239 : vector<16xi32> -> vector<16xf32>
          %mul3A_1245 = arith.mulf %bitcast_convert_type3A_1243, %gather3A_1233 : vector<16xf32>
          %add3A_1246 = arith.addf %add3A_1227, %mul3A_1245 : vector<16xf32>
          %mul3A_1247 = arith.mulf %bitcast_convert_type3A_1244, %gather3A_1233 : vector<16xf32>
          %add3A_1248 = arith.addf %add3A_1229, %mul3A_1247 : vector<16xf32>
          %broadcast_in_dim3A_1249 = arith.constant 7 : i32
          %broadcast_in_dim3A_1250 = vector.broadcast %broadcast_in_dim3A_1249 : i32 to vector<16x1xi32>
          %gather3A_1251 = vector.shape_cast %broadcast_in_dim3A_1250 : vector<16x1xi32> to vector<16xi32>
          %gather3A_1252 = tpu.dynamic_gather %get3A_98[%gather3A_1251] in [0] : vector<16xf32>, vector<16xi32> -> vector<16xf32>
          %get3A_1253 = arith.constant 0 : i32
          %get3A_1254 = arith.index_cast %get3A_1253 : i32 to index
          %get3A_1255 = arith.index_cast %scan3A_92 : i32 to index
          %get3A_1256 = arith.constant 496 : index
          %get3A_1257 = tpu.vector_load %arg11[%get3A_1254, %get3A_1255, %get3A_1256] {strides = array<i32>} : memref<2x8x1152xi32, #tpu.memory_space<vmem>>, vector<1x1x16xi32>,
          %get3A_1258 = vector.shape_cast %get3A_1257 : vector<1x1x16xi32> to vector<16xi32>
          %shift_left3A_1259 = arith.constant 16 : i32
          %shift_left3A_1260 = vector.broadcast %shift_left3A_1259 : i32 to vector<16xi32>
          %shift_left3A_1261 = arith.shli %get3A_1258, %shift_left3A_1260 : vector<16xi32>
          %bitcast_convert_type3A_1262 = tpu.bitcast %shift_left3A_1261 : vector<16xi32> -> vector<16xf32>
          %bitcast_convert_type3A_1263 = tpu.bitcast %get3A_1258 : vector<16xi32> -> vector<16xf32>
          %mul3A_1264 = arith.mulf %bitcast_convert_type3A_1262, %gather3A_1252 : vector<16xf32>
          %add3A_1265 = arith.addf %add3A_1246, %mul3A_1264 : vector<16xf32>
          %mul3A_1266 = arith.mulf %bitcast_convert_type3A_1263, %gather3A_1252 : vector<16xf32>
          %add3A_1267 = arith.addf %add3A_1248, %mul3A_1266 : vector<16xf32>
          %broadcast_in_dim3A_1268 = arith.constant 8 : i32
          %broadcast_in_dim3A_1269 = vector.broadcast %broadcast_in_dim3A_1268 : i32 to vector<16x1xi32>
          %gather3A_1270 = vector.shape_cast %broadcast_in_dim3A_1269 : vector<16x1xi32> to vector<16xi32>
          %gather3A_1271 = tpu.dynamic_gather %get3A_98[%gather3A_1270] in [0] : vector<16xf32>, vector<16xi32> -> vector<16xf32>
          %get3A_1272 = arith.constant 0 : i32
          %get3A_1273 = arith.index_cast %get3A_1272 : i32 to index
          %get3A_1274 = arith.index_cast %scan3A_92 : i32 to index
          %get3A_1275 = arith.constant 560 : index
          %get3A_1276 = tpu.vector_load %arg11[%get3A_1273, %get3A_1274, %get3A_1275] {strides = array<i32>} : memref<2x8x1152xi32, #tpu.memory_space<vmem>>, vector<1x1x16xi32>,
          %get3A_1277 = vector.shape_cast %get3A_1276 : vector<1x1x16xi32> to vector<16xi32>
          %shift_left3A_1278 = arith.constant 16 : i32
          %shift_left3A_1279 = vector.broadcast %shift_left3A_1278 : i32 to vector<16xi32>
          %shift_left3A_1280 = arith.shli %get3A_1277, %shift_left3A_1279 : vector<16xi32>
          %bitcast_convert_type3A_1281 = tpu.bitcast %shift_left3A_1280 : vector<16xi32> -> vector<16xf32>
          %bitcast_convert_type3A_1282 = tpu.bitcast %get3A_1277 : vector<16xi32> -> vector<16xf32>
          %mul3A_1283 = arith.mulf %bitcast_convert_type3A_1281, %gather3A_1271 : vector<16xf32>
          %add3A_1284 = arith.addf %add3A_1265, %mul3A_1283 : vector<16xf32>
          %mul3A_1285 = arith.mulf %bitcast_convert_type3A_1282, %gather3A_1271 : vector<16xf32>
          %add3A_1286 = arith.addf %add3A_1267, %mul3A_1285 : vector<16xf32>
          %broadcast_in_dim3A_1287 = arith.constant 9 : i32
          %broadcast_in_dim3A_1288 = vector.broadcast %broadcast_in_dim3A_1287 : i32 to vector<16x1xi32>
          %gather3A_1289 = vector.shape_cast %broadcast_in_dim3A_1288 : vector<16x1xi32> to vector<16xi32>
          %gather3A_1290 = tpu.dynamic_gather %get3A_98[%gather3A_1289] in [0] : vector<16xf32>, vector<16xi32> -> vector<16xf32>
          %get3A_1291 = arith.constant 0 : i32
          %get3A_1292 = arith.index_cast %get3A_1291 : i32 to index
          %get3A_1293 = arith.index_cast %scan3A_92 : i32 to index
          %get3A_1294 = arith.constant 624 : index
          %get3A_1295 = tpu.vector_load %arg11[%get3A_1292, %get3A_1293, %get3A_1294] {strides = array<i32>} : memref<2x8x1152xi32, #tpu.memory_space<vmem>>, vector<1x1x16xi32>,
          %get3A_1296 = vector.shape_cast %get3A_1295 : vector<1x1x16xi32> to vector<16xi32>
          %shift_left3A_1297 = arith.constant 16 : i32
          %shift_left3A_1298 = vector.broadcast %shift_left3A_1297 : i32 to vector<16xi32>
          %shift_left3A_1299 = arith.shli %get3A_1296, %shift_left3A_1298 : vector<16xi32>
          %bitcast_convert_type3A_1300 = tpu.bitcast %shift_left3A_1299 : vector<16xi32> -> vector<16xf32>
          %bitcast_convert_type3A_1301 = tpu.bitcast %get3A_1296 : vector<16xi32> -> vector<16xf32>
          %mul3A_1302 = arith.mulf %bitcast_convert_type3A_1300, %gather3A_1290 : vector<16xf32>
          %add3A_1303 = arith.addf %add3A_1284, %mul3A_1302 : vector<16xf32>
          %mul3A_1304 = arith.mulf %bitcast_convert_type3A_1301, %gather3A_1290 : vector<16xf32>
          %add3A_1305 = arith.addf %add3A_1286, %mul3A_1304 : vector<16xf32>
          %broadcast_in_dim3A_1306 = arith.constant 10 : i32
          %broadcast_in_dim3A_1307 = vector.broadcast %broadcast_in_dim3A_1306 : i32 to vector<16x1xi32>
          %gather3A_1308 = vector.shape_cast %broadcast_in_dim3A_1307 : vector<16x1xi32> to vector<16xi32>
          %gather3A_1309 = tpu.dynamic_gather %get3A_98[%gather3A_1308] in [0] : vector<16xf32>, vector<16xi32> -> vector<16xf32>
          %get3A_1310 = arith.constant 0 : i32
          %get3A_1311 = arith.index_cast %get3A_1310 : i32 to index
          %get3A_1312 = arith.index_cast %scan3A_92 : i32 to index
          %get3A_1313 = arith.constant 688 : index
          %get3A_1314 = tpu.vector_load %arg11[%get3A_1311, %get3A_1312, %get3A_1313] {strides = array<i32>} : memref<2x8x1152xi32, #tpu.memory_space<vmem>>, vector<1x1x16xi32>,
          %get3A_1315 = vector.shape_cast %get3A_1314 : vector<1x1x16xi32> to vector<16xi32>
          %shift_left3A_1316 = arith.constant 16 : i32
          %shift_left3A_1317 = vector.broadcast %shift_left3A_1316 : i32 to vector<16xi32>
          %shift_left3A_1318 = arith.shli %get3A_1315, %shift_left3A_1317 : vector<16xi32>
          %bitcast_convert_type3A_1319 = tpu.bitcast %shift_left3A_1318 : vector<16xi32> -> vector<16xf32>
          %bitcast_convert_type3A_1320 = tpu.bitcast %get3A_1315 : vector<16xi32> -> vector<16xf32>
          %mul3A_1321 = arith.mulf %bitcast_convert_type3A_1319, %gather3A_1309 : vector<16xf32>
          %add3A_1322 = arith.addf %add3A_1303, %mul3A_1321 : vector<16xf32>
          %mul3A_1323 = arith.mulf %bitcast_convert_type3A_1320, %gather3A_1309 : vector<16xf32>
          %add3A_1324 = arith.addf %add3A_1305, %mul3A_1323 : vector<16xf32>
          %broadcast_in_dim3A_1325 = arith.constant 11 : i32
          %broadcast_in_dim3A_1326 = vector.broadcast %broadcast_in_dim3A_1325 : i32 to vector<16x1xi32>
          %gather3A_1327 = vector.shape_cast %broadcast_in_dim3A_1326 : vector<16x1xi32> to vector<16xi32>
          %gather3A_1328 = tpu.dynamic_gather %get3A_98[%gather3A_1327] in [0] : vector<16xf32>, vector<16xi32> -> vector<16xf32>
          %get3A_1329 = arith.constant 0 : i32
          %get3A_1330 = arith.index_cast %get3A_1329 : i32 to index
          %get3A_1331 = arith.index_cast %scan3A_92 : i32 to index
          %get3A_1332 = arith.constant 752 : index
          %get3A_1333 = tpu.vector_load %arg11[%get3A_1330, %get3A_1331, %get3A_1332] {strides = array<i32>} : memref<2x8x1152xi32, #tpu.memory_space<vmem>>, vector<1x1x16xi32>,
          %get3A_1334 = vector.shape_cast %get3A_1333 : vector<1x1x16xi32> to vector<16xi32>
          %shift_left3A_1335 = arith.constant 16 : i32
          %shift_left3A_1336 = vector.broadcast %shift_left3A_1335 : i32 to vector<16xi32>
          %shift_left3A_1337 = arith.shli %get3A_1334, %shift_left3A_1336 : vector<16xi32>
          %bitcast_convert_type3A_1338 = tpu.bitcast %shift_left3A_1337 : vector<16xi32> -> vector<16xf32>
          %bitcast_convert_type3A_1339 = tpu.bitcast %get3A_1334 : vector<16xi32> -> vector<16xf32>
          %mul3A_1340 = arith.mulf %bitcast_convert_type3A_1338, %gather3A_1328 : vector<16xf32>
          %add3A_1341 = arith.addf %add3A_1322, %mul3A_1340 : vector<16xf32>
          %mul3A_1342 = arith.mulf %bitcast_convert_type3A_1339, %gather3A_1328 : vector<16xf32>
          %add3A_1343 = arith.addf %add3A_1324, %mul3A_1342 : vector<16xf32>
          %broadcast_in_dim3A_1344 = arith.constant 12 : i32
          %broadcast_in_dim3A_1345 = vector.broadcast %broadcast_in_dim3A_1344 : i32 to vector<16x1xi32>
          %gather3A_1346 = vector.shape_cast %broadcast_in_dim3A_1345 : vector<16x1xi32> to vector<16xi32>
          %gather3A_1347 = tpu.dynamic_gather %get3A_98[%gather3A_1346] in [0] : vector<16xf32>, vector<16xi32> -> vector<16xf32>
          %get3A_1348 = arith.constant 0 : i32
          %get3A_1349 = arith.index_cast %get3A_1348 : i32 to index
          %get3A_1350 = arith.index_cast %scan3A_92 : i32 to index
          %get3A_1351 = arith.constant 816 : index
          %get3A_1352 = tpu.vector_load %arg11[%get3A_1349, %get3A_1350, %get3A_1351] {strides = array<i32>} : memref<2x8x1152xi32, #tpu.memory_space<vmem>>, vector<1x1x16xi32>,
          %get3A_1353 = vector.shape_cast %get3A_1352 : vector<1x1x16xi32> to vector<16xi32>
          %shift_left3A_1354 = arith.constant 16 : i32
          %shift_left3A_1355 = vector.broadcast %shift_left3A_1354 : i32 to vector<16xi32>
          %shift_left3A_1356 = arith.shli %get3A_1353, %shift_left3A_1355 : vector<16xi32>
          %bitcast_convert_type3A_1357 = tpu.bitcast %shift_left3A_1356 : vector<16xi32> -> vector<16xf32>
          %bitcast_convert_type3A_1358 = tpu.bitcast %get3A_1353 : vector<16xi32> -> vector<16xf32>
          %mul3A_1359 = arith.mulf %bitcast_convert_type3A_1357, %gather3A_1347 : vector<16xf32>
          %add3A_1360 = arith.addf %add3A_1341, %mul3A_1359 : vector<16xf32>
          %mul3A_1361 = arith.mulf %bitcast_convert_type3A_1358, %gather3A_1347 : vector<16xf32>
          %add3A_1362 = arith.addf %add3A_1343, %mul3A_1361 : vector<16xf32>
          %broadcast_in_dim3A_1363 = arith.constant 13 : i32
          %broadcast_in_dim3A_1364 = vector.broadcast %broadcast_in_dim3A_1363 : i32 to vector<16x1xi32>
          %gather3A_1365 = vector.shape_cast %broadcast_in_dim3A_1364 : vector<16x1xi32> to vector<16xi32>
          %gather3A_1366 = tpu.dynamic_gather %get3A_98[%gather3A_1365] in [0] : vector<16xf32>, vector<16xi32> -> vector<16xf32>
          %get3A_1367 = arith.constant 0 : i32
          %get3A_1368 = arith.index_cast %get3A_1367 : i32 to index
          %get3A_1369 = arith.index_cast %scan3A_92 : i32 to index
          %get3A_1370 = arith.constant 880 : index
          %get3A_1371 = tpu.vector_load %arg11[%get3A_1368, %get3A_1369, %get3A_1370] {strides = array<i32>} : memref<2x8x1152xi32, #tpu.memory_space<vmem>>, vector<1x1x16xi32>,
          %get3A_1372 = vector.shape_cast %get3A_1371 : vector<1x1x16xi32> to vector<16xi32>
          %shift_left3A_1373 = arith.constant 16 : i32
          %shift_left3A_1374 = vector.broadcast %shift_left3A_1373 : i32 to vector<16xi32>
          %shift_left3A_1375 = arith.shli %get3A_1372, %shift_left3A_1374 : vector<16xi32>
          %bitcast_convert_type3A_1376 = tpu.bitcast %shift_left3A_1375 : vector<16xi32> -> vector<16xf32>
          %bitcast_convert_type3A_1377 = tpu.bitcast %get3A_1372 : vector<16xi32> -> vector<16xf32>
          %mul3A_1378 = arith.mulf %bitcast_convert_type3A_1376, %gather3A_1366 : vector<16xf32>
          %add3A_1379 = arith.addf %add3A_1360, %mul3A_1378 : vector<16xf32>
          %mul3A_1380 = arith.mulf %bitcast_convert_type3A_1377, %gather3A_1366 : vector<16xf32>
          %add3A_1381 = arith.addf %add3A_1362, %mul3A_1380 : vector<16xf32>
          %broadcast_in_dim3A_1382 = arith.constant 14 : i32
          %broadcast_in_dim3A_1383 = vector.broadcast %broadcast_in_dim3A_1382 : i32 to vector<16x1xi32>
          %gather3A_1384 = vector.shape_cast %broadcast_in_dim3A_1383 : vector<16x1xi32> to vector<16xi32>
          %gather3A_1385 = tpu.dynamic_gather %get3A_98[%gather3A_1384] in [0] : vector<16xf32>, vector<16xi32> -> vector<16xf32>
          %get3A_1386 = arith.constant 0 : i32
          %get3A_1387 = arith.index_cast %get3A_1386 : i32 to index
          %get3A_1388 = arith.index_cast %scan3A_92 : i32 to index
          %get3A_1389 = arith.constant 944 : index
          %get3A_1390 = tpu.vector_load %arg11[%get3A_1387, %get3A_1388, %get3A_1389] {strides = array<i32>} : memref<2x8x1152xi32, #tpu.memory_space<vmem>>, vector<1x1x16xi32>,
          %get3A_1391 = vector.shape_cast %get3A_1390 : vector<1x1x16xi32> to vector<16xi32>
          %shift_left3A_1392 = arith.constant 16 : i32
          %shift_left3A_1393 = vector.broadcast %shift_left3A_1392 : i32 to vector<16xi32>
          %shift_left3A_1394 = arith.shli %get3A_1391, %shift_left3A_1393 : vector<16xi32>
          %bitcast_convert_type3A_1395 = tpu.bitcast %shift_left3A_1394 : vector<16xi32> -> vector<16xf32>
          %bitcast_convert_type3A_1396 = tpu.bitcast %get3A_1391 : vector<16xi32> -> vector<16xf32>
          %mul3A_1397 = arith.mulf %bitcast_convert_type3A_1395, %gather3A_1385 : vector<16xf32>
          %add3A_1398 = arith.addf %add3A_1379, %mul3A_1397 : vector<16xf32>
          %mul3A_1399 = arith.mulf %bitcast_convert_type3A_1396, %gather3A_1385 : vector<16xf32>
          %add3A_1400 = arith.addf %add3A_1381, %mul3A_1399 : vector<16xf32>
          %broadcast_in_dim3A_1401 = arith.constant 15 : i32
          %broadcast_in_dim3A_1402 = vector.broadcast %broadcast_in_dim3A_1401 : i32 to vector<16x1xi32>
          %gather3A_1403 = vector.shape_cast %broadcast_in_dim3A_1402 : vector<16x1xi32> to vector<16xi32>
          %gather3A_1404 = tpu.dynamic_gather %get3A_98[%gather3A_1403] in [0] : vector<16xf32>, vector<16xi32> -> vector<16xf32>
          %get3A_1405 = arith.constant 0 : i32
          %get3A_1406 = arith.index_cast %get3A_1405 : i32 to index
          %get3A_1407 = arith.index_cast %scan3A_92 : i32 to index
          %get3A_1408 = arith.constant 1008 : index
          %get3A_1409 = tpu.vector_load %arg11[%get3A_1406, %get3A_1407, %get3A_1408] {strides = array<i32>} : memref<2x8x1152xi32, #tpu.memory_space<vmem>>, vector<1x1x16xi32>,
          %get3A_1410 = vector.shape_cast %get3A_1409 : vector<1x1x16xi32> to vector<16xi32>
          %shift_left3A_1411 = arith.constant 16 : i32
          %shift_left3A_1412 = vector.broadcast %shift_left3A_1411 : i32 to vector<16xi32>
          %shift_left3A_1413 = arith.shli %get3A_1410, %shift_left3A_1412 : vector<16xi32>
          %bitcast_convert_type3A_1414 = tpu.bitcast %shift_left3A_1413 : vector<16xi32> -> vector<16xf32>
          %bitcast_convert_type3A_1415 = tpu.bitcast %get3A_1410 : vector<16xi32> -> vector<16xf32>
          %mul3A_1416 = arith.mulf %bitcast_convert_type3A_1414, %gather3A_1404 : vector<16xf32>
          %add3A_1417 = arith.addf %add3A_1398, %mul3A_1416 : vector<16xf32>
          %mul3A_1418 = arith.mulf %bitcast_convert_type3A_1415, %gather3A_1404 : vector<16xf32>
          %add3A_1419 = arith.addf %add3A_1400, %mul3A_1418 : vector<16xf32>
          %broadcast_in_dim3A_1420 = arith.constant 0 : i32
          %broadcast_in_dim3A_1421 = vector.broadcast %broadcast_in_dim3A_1420 : i32 to vector<16x1xi32>
          %gather3A_1422 = vector.shape_cast %broadcast_in_dim3A_1421 : vector<16x1xi32> to vector<16xi32>
          %gather3A_1423 = tpu.dynamic_gather %get3A_105[%gather3A_1422] in [0] : vector<16xf32>, vector<16xi32> -> vector<16xf32>
          %get3A_1424 = arith.constant 0 : i32
          %get3A_1425 = arith.index_cast %get3A_1424 : i32 to index
          %get3A_1426 = arith.index_cast %scan3A_92 : i32 to index
          %get3A_1427 = arith.constant 1072 : index
          %get3A_1428 = tpu.vector_load %arg11[%get3A_1425, %get3A_1426, %get3A_1427] {strides = array<i32>} : memref<2x8x1152xi32, #tpu.memory_space<vmem>>, vector<1x1x16xi32>,
          %get3A_1429 = vector.shape_cast %get3A_1428 : vector<1x1x16xi32> to vector<16xi32>
          %shift_left3A_1430 = arith.constant 16 : i32
          %shift_left3A_1431 = vector.broadcast %shift_left3A_1430 : i32 to vector<16xi32>
          %shift_left3A_1432 = arith.shli %get3A_1429, %shift_left3A_1431 : vector<16xi32>
          %bitcast_convert_type3A_1433 = tpu.bitcast %shift_left3A_1432 : vector<16xi32> -> vector<16xf32>
          %bitcast_convert_type3A_1434 = tpu.bitcast %get3A_1429 : vector<16xi32> -> vector<16xf32>
          %mul3A_1435 = arith.mulf %bitcast_convert_type3A_1433, %gather3A_1423 : vector<16xf32>
          %add3A_1436 = arith.addf %add3A_1417, %mul3A_1435 : vector<16xf32>
          %mul3A_1437 = arith.mulf %bitcast_convert_type3A_1434, %gather3A_1423 : vector<16xf32>
          %add3A_1438 = arith.addf %add3A_1419, %mul3A_1437 : vector<16xf32>
          %swap3A_1439 = arith.index_cast %scan3A_92 : i32 to index
          %swap3A_1440 = arith.constant 96 : index
          %swap3A_1441 = tpu.vector_load %arg12[%swap3A_1439, %swap3A_1440] {strides = array<i32>} : memref<8x128xf32, #tpu.memory_space<vmem>>, vector<1x16xf32>,
          %swap3A_1442 = vector.shape_cast %swap3A_1441 : vector<1x16xf32> to vector<16xf32>
          %swap3A_1443 = vector.shape_cast %add3A_1436 : vector<16xf32> to vector<1x16xf32>
          tpu.vector_store %arg12[%swap3A_1439, %swap3A_1440], %swap3A_1443 {strides = array<i32>} : memref<8x128xf32, #tpu.memory_space<vmem>>, vector<1x16xf32>,
          %swap3A_1444 = arith.index_cast %scan3A_92 : i32 to index
          %swap3A_1445 = arith.constant 112 : index
          %swap3A_1446 = tpu.vector_load %arg12[%swap3A_1444, %swap3A_1445] {strides = array<i32>} : memref<8x128xf32, #tpu.memory_space<vmem>>, vector<1x16xf32>,
          %swap3A_1447 = vector.shape_cast %swap3A_1446 : vector<1x16xf32> to vector<16xf32>
          %swap3A_1448 = vector.shape_cast %add3A_1438 : vector<16xf32> to vector<1x16xf32>
          tpu.vector_store %arg12[%swap3A_1444, %swap3A_1445], %swap3A_1448 {strides = array<i32>} : memref<8x128xf32, #tpu.memory_space<vmem>>, vector<1x16xf32>,
        }
        %scan3A_59 = arith.constant 8 : i32
        "tpu.region"() ({
          %run_scoped3A = tpu.sem_alloc : memref<!tpu.dma_semaphore, #tpu.memory_space<semaphore_mem>>
          %dma_start3A_92 = arith.constant 0 : i32
          %dma_start3A_93 = tpu.memref_slice %arg9[%add3A_35, %dma_start3A_92] : memref<16x8xi32, #tpu.memory_space<vmem>> -> memref<1x8xi32, #tpu.memory_space<vmem>>
          %dma_start3A_94 = tpu.memref_squeeze %dma_start3A_93 : memref<1x8xi32, #tpu.memory_space<vmem>> -> memref<8xi32, #tpu.memory_space<vmem>>
          %dma_start3A_95 = arith.constant 0 : i32
          %dma_start3A_96 = arith.constant 0 : i32
          %dma_start3A_97 = tpu.memref_slice %arg13[%dma_start3A_95, %dma_start3A_96] : memref<10240x128xf32, #tpu.memory_space<vmem_shared>> -> memref<10240x128xf32, #tpu.memory_space<vmem_shared>>
          tpu.enqueue_indirect_dma source(%arg12 : memref<8x128xf32, #tpu.memory_space<vmem>>) target(%dma_start3A_97 : memref<10240x128xf32, #tpu.memory_space<vmem_shared>>) offsets(%dma_start3A_94 : memref<8xi32, #tpu.memory_space<vmem>>) semaphore(%run_scoped3A : memref<!tpu.dma_semaphore, #tpu.memory_space<semaphore_mem>>) {add = true}
          %dma_wait3A_98 = arith.constant 0 : i32
          %dma_wait3A_99 = tpu.memref_slice %arg9[%add3A_35, %dma_wait3A_98] : memref<16x8xi32, #tpu.memory_space<vmem>> -> memref<1x8xi32, #tpu.memory_space<vmem>>
          %dma_wait3A_100 = tpu.memref_squeeze %dma_wait3A_99 : memref<1x8xi32, #tpu.memory_space<vmem>> -> memref<8xi32, #tpu.memory_space<vmem>>
          %dma_wait3A_101 = arith.constant 0 : i32
          %dma_wait3A_102 = arith.constant 0 : i32
          %dma_wait3A_103 = tpu.memref_slice %arg13[%dma_wait3A_101, %dma_wait3A_102] : memref<10240x128xf32, #tpu.memory_space<vmem_shared>> -> memref<10240x128xf32, #tpu.memory_space<vmem_shared>>
          tpu.wait_indirect_dma semaphore(%run_scoped3A : memref<!tpu.dma_semaphore, #tpu.memory_space<semaphore_mem>>) src(%arg12 : memref<8x128xf32, #tpu.memory_space<vmem>>) dst(%dma_wait3A_103 : memref<10240x128xf32, #tpu.memory_space<vmem_shared>>)
          tpu.yield
        }) : () -> ()
        %mul3A_60 = arith.constant 2 : i32
        %mul3A_61 = arith.muli %mul3A_60, %scan3A_32 : i32
        %add3A_62 = arith.constant 1 : i32
        %add3A_63 = arith.addi %mul3A_61, %add3A_62 : i32
        %add3A_64 = arith.constant 1 : i32
        %add3A_65 = arith.addi %add3A_63, %add3A_64 : i32
        %lt3A_66 = arith.constant 16 : i32
        %lt3A_67 = arith.cmpi slt, %add3A_65, %lt3A_66 : i32
        %convert_element_type3A_68 = arith.extui %lt3A_67 : i1 to i32
        %cond3A_69 = arith.constant 0 : i32
        %cond3A_70 = arith.cmpi ne, %convert_element_type3A_68, %cond3A_69 : i32
        scf.if %cond3A_70 {
          %add3A_92 = arith.constant 1 : i32
          %add3A_93 = arith.addi %add3A_63, %add3A_92 : i32
          %dma_start3A_94 = arith.constant 0 : i32
          %dma_start3A_95 = arith.constant 0 : i32
          %dma_start3A_96 = arith.constant 0 : i32
          %dma_start3A_97 = arith.constant 0 : i32
          %dma_start3A_98 = tpu.memref_slice %arg11[%dma_start3A_94, %dma_start3A_96, %dma_start3A_97] : memref<2x8x1152xi32, #tpu.memory_space<vmem>> -> memref<1x8x1152xi32, #tpu.memory_space<vmem>>
          %dma_start3A_99 = tpu.memref_squeeze %dma_start3A_98 : memref<1x8x1152xi32, #tpu.memory_space<vmem>> -> memref<8x1152xi32, #tpu.memory_space<vmem>>
          %dma_start3A_100 = arith.constant 0 : i32
          %dma_start3A_101 = tpu.memref_slice %arg8[%add3A_93, %dma_start3A_100] : memref<16x8xi32, #tpu.memory_space<vmem>> -> memref<1x8xi32, #tpu.memory_space<vmem>>
          %dma_start3A_102 = tpu.memref_squeeze %dma_start3A_101 : memref<1x8xi32, #tpu.memory_space<vmem>> -> memref<8xi32, #tpu.memory_space<vmem>>
          %dma_start3A_103 = arith.constant 0 : i32
          %dma_start3A_104 = arith.constant 0 : i32
          %dma_start3A_105 = tpu.memref_slice %arg2[%dma_start3A_103, %dma_start3A_104] : memref<20000x1152xi32, #tpu.memory_space<hbm>> -> memref<20000x1152xi32, #tpu.memory_space<hbm>>
          %dma_start3A_106 = tpu.memref_slice %arg14[%dma_start3A_95] : memref<2x!tpu.dma_semaphore, #tpu.memory_space<semaphore_mem>> -> memref<1x!tpu.dma_semaphore, #tpu.memory_space<semaphore_mem>>
          %dma_start3A_107 = tpu.memref_squeeze %dma_start3A_106 : memref<1x!tpu.dma_semaphore, #tpu.memory_space<semaphore_mem>> -> memref<!tpu.dma_semaphore, #tpu.memory_space<semaphore_mem>>
          tpu.enqueue_indirect_dma source(%dma_start3A_105 : memref<20000x1152xi32, #tpu.memory_space<hbm>>) target(%dma_start3A_99 : memref<8x1152xi32, #tpu.memory_space<vmem>>) offsets(%dma_start3A_102 : memref<8xi32, #tpu.memory_space<vmem>>) semaphore(%dma_start3A_107 : memref<!tpu.dma_semaphore, #tpu.memory_space<semaphore_mem>>)
        } else {
        }
        %dma_wait3A_71 = arith.constant 0 : i32
        %dma_wait3A_72 = arith.constant 1 : i32
        %dma_wait3A_73 = arith.constant 1 : i32
        %dma_wait3A_74 = arith.constant 0 : i32
        %dma_wait3A_75 = arith.constant 0 : i32
        %dma_wait3A_76 = tpu.memref_slice %arg11[%dma_wait3A_72, %dma_wait3A_74, %dma_wait3A_75] : memref<2x8x1152xi32, #tpu.memory_space<vmem>> -> memref<1x8x1152xi32, #tpu.memory_space<vmem>>
        %dma_wait3A_77 = tpu.memref_squeeze %dma_wait3A_76 : memref<1x8x1152xi32, #tpu.memory_space<vmem>> -> memref<8x1152xi32, #tpu.memory_space<vmem>>
        %dma_wait3A_78 = arith.constant 0 : i32
        %dma_wait3A_79 = tpu.memref_slice %arg8[%dma_wait3A_71, %dma_wait3A_78] : memref<16x8xi32, #tpu.memory_space<vmem>> -> memref<1x8xi32, #tpu.memory_space<vmem>>
        %dma_wait3A_80 = tpu.memref_squeeze %dma_wait3A_79 : memref<1x8xi32, #tpu.memory_space<vmem>> -> memref<8xi32, #tpu.memory_space<vmem>>
        %dma_wait3A_81 = arith.constant 0 : i32
        %dma_wait3A_82 = arith.constant 0 : i32
        %dma_wait3A_83 = tpu.memref_slice %arg2[%dma_wait3A_81, %dma_wait3A_82] : memref<20000x1152xi32, #tpu.memory_space<hbm>> -> memref<20000x1152xi32, #tpu.memory_space<hbm>>
        %dma_wait3A_84 = tpu.memref_slice %arg14[%dma_wait3A_73] : memref<2x!tpu.dma_semaphore, #tpu.memory_space<semaphore_mem>> -> memref<1x!tpu.dma_semaphore, #tpu.memory_space<semaphore_mem>>
        %dma_wait3A_85 = tpu.memref_squeeze %dma_wait3A_84 : memref<1x!tpu.dma_semaphore, #tpu.memory_space<semaphore_mem>> -> memref<!tpu.dma_semaphore, #tpu.memory_space<semaphore_mem>>
        tpu.wait_indirect_dma semaphore(%dma_wait3A_85 : memref<!tpu.dma_semaphore, #tpu.memory_space<semaphore_mem>>) src(%dma_wait3A_83 : memref<20000x1152xi32, #tpu.memory_space<hbm>>) dst(%dma_wait3A_77 : memref<8x1152xi32, #tpu.memory_space<vmem>>)
        %scan3A_86 = arith.constant 0 : i32
        %scan3A_87 = arith.constant 0 : i32
        %scan3A_88 = arith.constant 8 : i32
        %scan3A_89 = arith.addi %scan3A_87, %scan3A_88 : i32
        %scan3A_90 = arith.constant 1 : i32
        scf.for %scan3A_92 = %scan3A_87 to %scan3A_89 step %scan3A_90  : i32 {
          %mul3A_93 = arith.constant 8 : i32
          %mul3A_94 = arith.muli %add3A_63, %mul3A_93 : i32
          %add3A_95 = arith.addi %mul3A_94, %scan3A_92 : i32
          %get3A = arith.index_cast %add3A_95 : i32 to index
          %get3A_96 = arith.constant 0 : index
          %get3A_97 = tpu.vector_load %arg10[%get3A, %get3A_96] {strides = array<i32>} : memref<128x32xf32, #tpu.memory_space<vmem>>, vector<1x16xf32>,
          %get3A_98 = vector.shape_cast %get3A_97 : vector<1x16xf32> to vector<16xf32>
          %mul3A_99 = arith.constant 8 : i32
          %mul3A_100 = arith.muli %add3A_63, %mul3A_99 : i32
          %add3A_101 = arith.addi %mul3A_100, %scan3A_92 : i32
          %get3A_102 = arith.index_cast %add3A_101 : i32 to index
          %get3A_103 = arith.constant 16 : index
          %get3A_104 = tpu.vector_load %arg10[%get3A_102, %get3A_103] {strides = array<i32>} : memref<128x32xf32, #tpu.memory_space<vmem>>, vector<1x16xf32>,
          %get3A_105 = vector.shape_cast %get3A_104 : vector<1x16xf32> to vector<16xf32>
          %broadcast_in_dim3A = arith.constant 0.000000e+00 : f32
          %broadcast_in_dim3A_106 = vector.broadcast %broadcast_in_dim3A : f32 to vector<16xf32>
          %broadcast_in_dim3A_107 = arith.constant 0.000000e+00 : f32
          %broadcast_in_dim3A_108 = vector.broadcast %broadcast_in_dim3A_107 : f32 to vector<16xf32>
          %broadcast_in_dim3A_109 = arith.constant 0 : i32
          %broadcast_in_dim3A_110 = vector.broadcast %broadcast_in_dim3A_109 : i32 to vector<16x1xi32>
          %gather3A = vector.shape_cast %broadcast_in_dim3A_110 : vector<16x1xi32> to vector<16xi32>
          %gather3A_111 = tpu.dynamic_gather %get3A_98[%gather3A] in [0] : vector<16xf32>, vector<16xi32> -> vector<16xf32>
          %get3A_112 = arith.constant 1 : i32
          %get3A_113 = arith.index_cast %get3A_112 : i32 to index
          %get3A_114 = arith.index_cast %scan3A_92 : i32 to index
          %get3A_115 = arith.constant 0 : index
          %get3A_116 = tpu.vector_load %arg11[%get3A_113, %get3A_114, %get3A_115] {strides = array<i32>} : memref<2x8x1152xi32, #tpu.memory_space<vmem>>, vector<1x1x16xi32>,
          %get3A_117 = vector.shape_cast %get3A_116 : vector<1x1x16xi32> to vector<16xi32>
          %shift_left3A = arith.constant 16 : i32
          %shift_left3A_118 = vector.broadcast %shift_left3A : i32 to vector<16xi32>
          %shift_left3A_119 = arith.shli %get3A_117, %shift_left3A_118 : vector<16xi32>
          %bitcast_convert_type3A = tpu.bitcast %shift_left3A_119 : vector<16xi32> -> vector<16xf32>
          %bitcast_convert_type3A_120 = tpu.bitcast %get3A_117 : vector<16xi32> -> vector<16xf32>
          %mul3A_121 = arith.mulf %bitcast_convert_type3A, %gather3A_111 : vector<16xf32>
          %add3A_122 = arith.addf %broadcast_in_dim3A_106, %mul3A_121 : vector<16xf32>
          %mul3A_123 = arith.mulf %bitcast_convert_type3A_120, %gather3A_111 : vector<16xf32>
          %add3A_124 = arith.addf %broadcast_in_dim3A_108, %mul3A_123 : vector<16xf32>
          %broadcast_in_dim3A_125 = arith.constant 1 : i32
          %broadcast_in_dim3A_126 = vector.broadcast %broadcast_in_dim3A_125 : i32 to vector<16x1xi32>
          %gather3A_127 = vector.shape_cast %broadcast_in_dim3A_126 : vector<16x1xi32> to vector<16xi32>
          %gather3A_128 = tpu.dynamic_gather %get3A_98[%gather3A_127] in [0] : vector<16xf32>, vector<16xi32> -> vector<16xf32>
          %get3A_129 = arith.constant 1 : i32
          %get3A_130 = arith.index_cast %get3A_129 : i32 to index
          %get3A_131 = arith.index_cast %scan3A_92 : i32 to index
          %get3A_132 = arith.constant 64 : index
          %get3A_133 = tpu.vector_load %arg11[%get3A_130, %get3A_131, %get3A_132] {strides = array<i32>} : memref<2x8x1152xi32, #tpu.memory_space<vmem>>, vector<1x1x16xi32>,
          %get3A_134 = vector.shape_cast %get3A_133 : vector<1x1x16xi32> to vector<16xi32>
          %shift_left3A_135 = arith.constant 16 : i32
          %shift_left3A_136 = vector.broadcast %shift_left3A_135 : i32 to vector<16xi32>
          %shift_left3A_137 = arith.shli %get3A_134, %shift_left3A_136 : vector<16xi32>
          %bitcast_convert_type3A_138 = tpu.bitcast %shift_left3A_137 : vector<16xi32> -> vector<16xf32>
          %bitcast_convert_type3A_139 = tpu.bitcast %get3A_134 : vector<16xi32> -> vector<16xf32>
          %mul3A_140 = arith.mulf %bitcast_convert_type3A_138, %gather3A_128 : vector<16xf32>
          %add3A_141 = arith.addf %add3A_122, %mul3A_140 : vector<16xf32>
          %mul3A_142 = arith.mulf %bitcast_convert_type3A_139, %gather3A_128 : vector<16xf32>
          %add3A_143 = arith.addf %add3A_124, %mul3A_142 : vector<16xf32>
          %broadcast_in_dim3A_144 = arith.constant 2 : i32
          %broadcast_in_dim3A_145 = vector.broadcast %broadcast_in_dim3A_144 : i32 to vector<16x1xi32>
          %gather3A_146 = vector.shape_cast %broadcast_in_dim3A_145 : vector<16x1xi32> to vector<16xi32>
          %gather3A_147 = tpu.dynamic_gather %get3A_98[%gather3A_146] in [0] : vector<16xf32>, vector<16xi32> -> vector<16xf32>
          %get3A_148 = arith.constant 1 : i32
          %get3A_149 = arith.index_cast %get3A_148 : i32 to index
          %get3A_150 = arith.index_cast %scan3A_92 : i32 to index
          %get3A_151 = arith.constant 128 : index
          %get3A_152 = tpu.vector_load %arg11[%get3A_149, %get3A_150, %get3A_151] {strides = array<i32>} : memref<2x8x1152xi32, #tpu.memory_space<vmem>>, vector<1x1x16xi32>,
          %get3A_153 = vector.shape_cast %get3A_152 : vector<1x1x16xi32> to vector<16xi32>
          %shift_left3A_154 = arith.constant 16 : i32
          %shift_left3A_155 = vector.broadcast %shift_left3A_154 : i32 to vector<16xi32>
          %shift_left3A_156 = arith.shli %get3A_153, %shift_left3A_155 : vector<16xi32>
          %bitcast_convert_type3A_157 = tpu.bitcast %shift_left3A_156 : vector<16xi32> -> vector<16xf32>
          %bitcast_convert_type3A_158 = tpu.bitcast %get3A_153 : vector<16xi32> -> vector<16xf32>
          %mul3A_159 = arith.mulf %bitcast_convert_type3A_157, %gather3A_147 : vector<16xf32>
          %add3A_160 = arith.addf %add3A_141, %mul3A_159 : vector<16xf32>
          %mul3A_161 = arith.mulf %bitcast_convert_type3A_158, %gather3A_147 : vector<16xf32>
          %add3A_162 = arith.addf %add3A_143, %mul3A_161 : vector<16xf32>
          %broadcast_in_dim3A_163 = arith.constant 3 : i32
          %broadcast_in_dim3A_164 = vector.broadcast %broadcast_in_dim3A_163 : i32 to vector<16x1xi32>
          %gather3A_165 = vector.shape_cast %broadcast_in_dim3A_164 : vector<16x1xi32> to vector<16xi32>
          %gather3A_166 = tpu.dynamic_gather %get3A_98[%gather3A_165] in [0] : vector<16xf32>, vector<16xi32> -> vector<16xf32>
          %get3A_167 = arith.constant 1 : i32
          %get3A_168 = arith.index_cast %get3A_167 : i32 to index
          %get3A_169 = arith.index_cast %scan3A_92 : i32 to index
          %get3A_170 = arith.constant 192 : index
          %get3A_171 = tpu.vector_load %arg11[%get3A_168, %get3A_169, %get3A_170] {strides = array<i32>} : memref<2x8x1152xi32, #tpu.memory_space<vmem>>, vector<1x1x16xi32>,
          %get3A_172 = vector.shape_cast %get3A_171 : vector<1x1x16xi32> to vector<16xi32>
          %shift_left3A_173 = arith.constant 16 : i32
          %shift_left3A_174 = vector.broadcast %shift_left3A_173 : i32 to vector<16xi32>
          %shift_left3A_175 = arith.shli %get3A_172, %shift_left3A_174 : vector<16xi32>
          %bitcast_convert_type3A_176 = tpu.bitcast %shift_left3A_175 : vector<16xi32> -> vector<16xf32>
          %bitcast_convert_type3A_177 = tpu.bitcast %get3A_172 : vector<16xi32> -> vector<16xf32>
          %mul3A_178 = arith.mulf %bitcast_convert_type3A_176, %gather3A_166 : vector<16xf32>
          %add3A_179 = arith.addf %add3A_160, %mul3A_178 : vector<16xf32>
          %mul3A_180 = arith.mulf %bitcast_convert_type3A_177, %gather3A_166 : vector<16xf32>
          %add3A_181 = arith.addf %add3A_162, %mul3A_180 : vector<16xf32>
          %broadcast_in_dim3A_182 = arith.constant 4 : i32
          %broadcast_in_dim3A_183 = vector.broadcast %broadcast_in_dim3A_182 : i32 to vector<16x1xi32>
          %gather3A_184 = vector.shape_cast %broadcast_in_dim3A_183 : vector<16x1xi32> to vector<16xi32>
          %gather3A_185 = tpu.dynamic_gather %get3A_98[%gather3A_184] in [0] : vector<16xf32>, vector<16xi32> -> vector<16xf32>
          %get3A_186 = arith.constant 1 : i32
          %get3A_187 = arith.index_cast %get3A_186 : i32 to index
          %get3A_188 = arith.index_cast %scan3A_92 : i32 to index
          %get3A_189 = arith.constant 256 : index
          %get3A_190 = tpu.vector_load %arg11[%get3A_187, %get3A_188, %get3A_189] {strides = array<i32>} : memref<2x8x1152xi32, #tpu.memory_space<vmem>>, vector<1x1x16xi32>,
          %get3A_191 = vector.shape_cast %get3A_190 : vector<1x1x16xi32> to vector<16xi32>
          %shift_left3A_192 = arith.constant 16 : i32
          %shift_left3A_193 = vector.broadcast %shift_left3A_192 : i32 to vector<16xi32>
          %shift_left3A_194 = arith.shli %get3A_191, %shift_left3A_193 : vector<16xi32>
          %bitcast_convert_type3A_195 = tpu.bitcast %shift_left3A_194 : vector<16xi32> -> vector<16xf32>
          %bitcast_convert_type3A_196 = tpu.bitcast %get3A_191 : vector<16xi32> -> vector<16xf32>
          %mul3A_197 = arith.mulf %bitcast_convert_type3A_195, %gather3A_185 : vector<16xf32>
          %add3A_198 = arith.addf %add3A_179, %mul3A_197 : vector<16xf32>
          %mul3A_199 = arith.mulf %bitcast_convert_type3A_196, %gather3A_185 : vector<16xf32>
          %add3A_200 = arith.addf %add3A_181, %mul3A_199 : vector<16xf32>
          %broadcast_in_dim3A_201 = arith.constant 5 : i32
          %broadcast_in_dim3A_202 = vector.broadcast %broadcast_in_dim3A_201 : i32 to vector<16x1xi32>
          %gather3A_203 = vector.shape_cast %broadcast_in_dim3A_202 : vector<16x1xi32> to vector<16xi32>
          %gather3A_204 = tpu.dynamic_gather %get3A_98[%gather3A_203] in [0] : vector<16xf32>, vector<16xi32> -> vector<16xf32>
          %get3A_205 = arith.constant 1 : i32
          %get3A_206 = arith.index_cast %get3A_205 : i32 to index
          %get3A_207 = arith.index_cast %scan3A_92 : i32 to index
          %get3A_208 = arith.constant 320 : index
          %get3A_209 = tpu.vector_load %arg11[%get3A_206, %get3A_207, %get3A_208] {strides = array<i32>} : memref<2x8x1152xi32, #tpu.memory_space<vmem>>, vector<1x1x16xi32>,
          %get3A_210 = vector.shape_cast %get3A_209 : vector<1x1x16xi32> to vector<16xi32>
          %shift_left3A_211 = arith.constant 16 : i32
          %shift_left3A_212 = vector.broadcast %shift_left3A_211 : i32 to vector<16xi32>
          %shift_left3A_213 = arith.shli %get3A_210, %shift_left3A_212 : vector<16xi32>
          %bitcast_convert_type3A_214 = tpu.bitcast %shift_left3A_213 : vector<16xi32> -> vector<16xf32>
          %bitcast_convert_type3A_215 = tpu.bitcast %get3A_210 : vector<16xi32> -> vector<16xf32>
          %mul3A_216 = arith.mulf %bitcast_convert_type3A_214, %gather3A_204 : vector<16xf32>
          %add3A_217 = arith.addf %add3A_198, %mul3A_216 : vector<16xf32>
          %mul3A_218 = arith.mulf %bitcast_convert_type3A_215, %gather3A_204 : vector<16xf32>
          %add3A_219 = arith.addf %add3A_200, %mul3A_218 : vector<16xf32>
          %broadcast_in_dim3A_220 = arith.constant 6 : i32
          %broadcast_in_dim3A_221 = vector.broadcast %broadcast_in_dim3A_220 : i32 to vector<16x1xi32>
          %gather3A_222 = vector.shape_cast %broadcast_in_dim3A_221 : vector<16x1xi32> to vector<16xi32>
          %gather3A_223 = tpu.dynamic_gather %get3A_98[%gather3A_222] in [0] : vector<16xf32>, vector<16xi32> -> vector<16xf32>
          %get3A_224 = arith.constant 1 : i32
          %get3A_225 = arith.index_cast %get3A_224 : i32 to index
          %get3A_226 = arith.index_cast %scan3A_92 : i32 to index
          %get3A_227 = arith.constant 384 : index
          %get3A_228 = tpu.vector_load %arg11[%get3A_225, %get3A_226, %get3A_227] {strides = array<i32>} : memref<2x8x1152xi32, #tpu.memory_space<vmem>>, vector<1x1x16xi32>,
          %get3A_229 = vector.shape_cast %get3A_228 : vector<1x1x16xi32> to vector<16xi32>
          %shift_left3A_230 = arith.constant 16 : i32
          %shift_left3A_231 = vector.broadcast %shift_left3A_230 : i32 to vector<16xi32>
          %shift_left3A_232 = arith.shli %get3A_229, %shift_left3A_231 : vector<16xi32>
          %bitcast_convert_type3A_233 = tpu.bitcast %shift_left3A_232 : vector<16xi32> -> vector<16xf32>
          %bitcast_convert_type3A_234 = tpu.bitcast %get3A_229 : vector<16xi32> -> vector<16xf32>
          %mul3A_235 = arith.mulf %bitcast_convert_type3A_233, %gather3A_223 : vector<16xf32>
          %add3A_236 = arith.addf %add3A_217, %mul3A_235 : vector<16xf32>
          %mul3A_237 = arith.mulf %bitcast_convert_type3A_234, %gather3A_223 : vector<16xf32>
          %add3A_238 = arith.addf %add3A_219, %mul3A_237 : vector<16xf32>
          %broadcast_in_dim3A_239 = arith.constant 7 : i32
          %broadcast_in_dim3A_240 = vector.broadcast %broadcast_in_dim3A_239 : i32 to vector<16x1xi32>
          %gather3A_241 = vector.shape_cast %broadcast_in_dim3A_240 : vector<16x1xi32> to vector<16xi32>
          %gather3A_242 = tpu.dynamic_gather %get3A_98[%gather3A_241] in [0] : vector<16xf32>, vector<16xi32> -> vector<16xf32>
          %get3A_243 = arith.constant 1 : i32
          %get3A_244 = arith.index_cast %get3A_243 : i32 to index
          %get3A_245 = arith.index_cast %scan3A_92 : i32 to index
          %get3A_246 = arith.constant 448 : index
          %get3A_247 = tpu.vector_load %arg11[%get3A_244, %get3A_245, %get3A_246] {strides = array<i32>} : memref<2x8x1152xi32, #tpu.memory_space<vmem>>, vector<1x1x16xi32>,
          %get3A_248 = vector.shape_cast %get3A_247 : vector<1x1x16xi32> to vector<16xi32>
          %shift_left3A_249 = arith.constant 16 : i32
          %shift_left3A_250 = vector.broadcast %shift_left3A_249 : i32 to vector<16xi32>
          %shift_left3A_251 = arith.shli %get3A_248, %shift_left3A_250 : vector<16xi32>
          %bitcast_convert_type3A_252 = tpu.bitcast %shift_left3A_251 : vector<16xi32> -> vector<16xf32>
          %bitcast_convert_type3A_253 = tpu.bitcast %get3A_248 : vector<16xi32> -> vector<16xf32>
          %mul3A_254 = arith.mulf %bitcast_convert_type3A_252, %gather3A_242 : vector<16xf32>
          %add3A_255 = arith.addf %add3A_236, %mul3A_254 : vector<16xf32>
          %mul3A_256 = arith.mulf %bitcast_convert_type3A_253, %gather3A_242 : vector<16xf32>
          %add3A_257 = arith.addf %add3A_238, %mul3A_256 : vector<16xf32>
          %broadcast_in_dim3A_258 = arith.constant 8 : i32
          %broadcast_in_dim3A_259 = vector.broadcast %broadcast_in_dim3A_258 : i32 to vector<16x1xi32>
          %gather3A_260 = vector.shape_cast %broadcast_in_dim3A_259 : vector<16x1xi32> to vector<16xi32>
          %gather3A_261 = tpu.dynamic_gather %get3A_98[%gather3A_260] in [0] : vector<16xf32>, vector<16xi32> -> vector<16xf32>
          %get3A_262 = arith.constant 1 : i32
          %get3A_263 = arith.index_cast %get3A_262 : i32 to index
          %get3A_264 = arith.index_cast %scan3A_92 : i32 to index
          %get3A_265 = arith.constant 512 : index
          %get3A_266 = tpu.vector_load %arg11[%get3A_263, %get3A_264, %get3A_265] {strides = array<i32>} : memref<2x8x1152xi32, #tpu.memory_space<vmem>>, vector<1x1x16xi32>,
          %get3A_267 = vector.shape_cast %get3A_266 : vector<1x1x16xi32> to vector<16xi32>
          %shift_left3A_268 = arith.constant 16 : i32
          %shift_left3A_269 = vector.broadcast %shift_left3A_268 : i32 to vector<16xi32>
          %shift_left3A_270 = arith.shli %get3A_267, %shift_left3A_269 : vector<16xi32>
          %bitcast_convert_type3A_271 = tpu.bitcast %shift_left3A_270 : vector<16xi32> -> vector<16xf32>
          %bitcast_convert_type3A_272 = tpu.bitcast %get3A_267 : vector<16xi32> -> vector<16xf32>
          %mul3A_273 = arith.mulf %bitcast_convert_type3A_271, %gather3A_261 : vector<16xf32>
          %add3A_274 = arith.addf %add3A_255, %mul3A_273 : vector<16xf32>
          %mul3A_275 = arith.mulf %bitcast_convert_type3A_272, %gather3A_261 : vector<16xf32>
          %add3A_276 = arith.addf %add3A_257, %mul3A_275 : vector<16xf32>
          %broadcast_in_dim3A_277 = arith.constant 9 : i32
          %broadcast_in_dim3A_278 = vector.broadcast %broadcast_in_dim3A_277 : i32 to vector<16x1xi32>
          %gather3A_279 = vector.shape_cast %broadcast_in_dim3A_278 : vector<16x1xi32> to vector<16xi32>
          %gather3A_280 = tpu.dynamic_gather %get3A_98[%gather3A_279] in [0] : vector<16xf32>, vector<16xi32> -> vector<16xf32>
          %get3A_281 = arith.constant 1 : i32
          %get3A_282 = arith.index_cast %get3A_281 : i32 to index
          %get3A_283 = arith.index_cast %scan3A_92 : i32 to index
          %get3A_284 = arith.constant 576 : index
          %get3A_285 = tpu.vector_load %arg11[%get3A_282, %get3A_283, %get3A_284] {strides = array<i32>} : memref<2x8x1152xi32, #tpu.memory_space<vmem>>, vector<1x1x16xi32>,
          %get3A_286 = vector.shape_cast %get3A_285 : vector<1x1x16xi32> to vector<16xi32>
          %shift_left3A_287 = arith.constant 16 : i32
          %shift_left3A_288 = vector.broadcast %shift_left3A_287 : i32 to vector<16xi32>
          %shift_left3A_289 = arith.shli %get3A_286, %shift_left3A_288 : vector<16xi32>
          %bitcast_convert_type3A_290 = tpu.bitcast %shift_left3A_289 : vector<16xi32> -> vector<16xf32>
          %bitcast_convert_type3A_291 = tpu.bitcast %get3A_286 : vector<16xi32> -> vector<16xf32>
          %mul3A_292 = arith.mulf %bitcast_convert_type3A_290, %gather3A_280 : vector<16xf32>
          %add3A_293 = arith.addf %add3A_274, %mul3A_292 : vector<16xf32>
          %mul3A_294 = arith.mulf %bitcast_convert_type3A_291, %gather3A_280 : vector<16xf32>
          %add3A_295 = arith.addf %add3A_276, %mul3A_294 : vector<16xf32>
          %broadcast_in_dim3A_296 = arith.constant 10 : i32
          %broadcast_in_dim3A_297 = vector.broadcast %broadcast_in_dim3A_296 : i32 to vector<16x1xi32>
          %gather3A_298 = vector.shape_cast %broadcast_in_dim3A_297 : vector<16x1xi32> to vector<16xi32>
          %gather3A_299 = tpu.dynamic_gather %get3A_98[%gather3A_298] in [0] : vector<16xf32>, vector<16xi32> -> vector<16xf32>
          %get3A_300 = arith.constant 1 : i32
          %get3A_301 = arith.index_cast %get3A_300 : i32 to index
          %get3A_302 = arith.index_cast %scan3A_92 : i32 to index
          %get3A_303 = arith.constant 640 : index
          %get3A_304 = tpu.vector_load %arg11[%get3A_301, %get3A_302, %get3A_303] {strides = array<i32>} : memref<2x8x1152xi32, #tpu.memory_space<vmem>>, vector<1x1x16xi32>,
          %get3A_305 = vector.shape_cast %get3A_304 : vector<1x1x16xi32> to vector<16xi32>
          %shift_left3A_306 = arith.constant 16 : i32
          %shift_left3A_307 = vector.broadcast %shift_left3A_306 : i32 to vector<16xi32>
          %shift_left3A_308 = arith.shli %get3A_305, %shift_left3A_307 : vector<16xi32>
          %bitcast_convert_type3A_309 = tpu.bitcast %shift_left3A_308 : vector<16xi32> -> vector<16xf32>
          %bitcast_convert_type3A_310 = tpu.bitcast %get3A_305 : vector<16xi32> -> vector<16xf32>
          %mul3A_311 = arith.mulf %bitcast_convert_type3A_309, %gather3A_299 : vector<16xf32>
          %add3A_312 = arith.addf %add3A_293, %mul3A_311 : vector<16xf32>
          %mul3A_313 = arith.mulf %bitcast_convert_type3A_310, %gather3A_299 : vector<16xf32>
          %add3A_314 = arith.addf %add3A_295, %mul3A_313 : vector<16xf32>
          %broadcast_in_dim3A_315 = arith.constant 11 : i32
          %broadcast_in_dim3A_316 = vector.broadcast %broadcast_in_dim3A_315 : i32 to vector<16x1xi32>
          %gather3A_317 = vector.shape_cast %broadcast_in_dim3A_316 : vector<16x1xi32> to vector<16xi32>
          %gather3A_318 = tpu.dynamic_gather %get3A_98[%gather3A_317] in [0] : vector<16xf32>, vector<16xi32> -> vector<16xf32>
          %get3A_319 = arith.constant 1 : i32
          %get3A_320 = arith.index_cast %get3A_319 : i32 to index
          %get3A_321 = arith.index_cast %scan3A_92 : i32 to index
          %get3A_322 = arith.constant 704 : index
          %get3A_323 = tpu.vector_load %arg11[%get3A_320, %get3A_321, %get3A_322] {strides = array<i32>} : memref<2x8x1152xi32, #tpu.memory_space<vmem>>, vector<1x1x16xi32>,
          %get3A_324 = vector.shape_cast %get3A_323 : vector<1x1x16xi32> to vector<16xi32>
          %shift_left3A_325 = arith.constant 16 : i32
          %shift_left3A_326 = vector.broadcast %shift_left3A_325 : i32 to vector<16xi32>
          %shift_left3A_327 = arith.shli %get3A_324, %shift_left3A_326 : vector<16xi32>
          %bitcast_convert_type3A_328 = tpu.bitcast %shift_left3A_327 : vector<16xi32> -> vector<16xf32>
          %bitcast_convert_type3A_329 = tpu.bitcast %get3A_324 : vector<16xi32> -> vector<16xf32>
          %mul3A_330 = arith.mulf %bitcast_convert_type3A_328, %gather3A_318 : vector<16xf32>
          %add3A_331 = arith.addf %add3A_312, %mul3A_330 : vector<16xf32>
          %mul3A_332 = arith.mulf %bitcast_convert_type3A_329, %gather3A_318 : vector<16xf32>
          %add3A_333 = arith.addf %add3A_314, %mul3A_332 : vector<16xf32>
          %broadcast_in_dim3A_334 = arith.constant 12 : i32
          %broadcast_in_dim3A_335 = vector.broadcast %broadcast_in_dim3A_334 : i32 to vector<16x1xi32>
          %gather3A_336 = vector.shape_cast %broadcast_in_dim3A_335 : vector<16x1xi32> to vector<16xi32>
          %gather3A_337 = tpu.dynamic_gather %get3A_98[%gather3A_336] in [0] : vector<16xf32>, vector<16xi32> -> vector<16xf32>
          %get3A_338 = arith.constant 1 : i32
          %get3A_339 = arith.index_cast %get3A_338 : i32 to index
          %get3A_340 = arith.index_cast %scan3A_92 : i32 to index
          %get3A_341 = arith.constant 768 : index
          %get3A_342 = tpu.vector_load %arg11[%get3A_339, %get3A_340, %get3A_341] {strides = array<i32>} : memref<2x8x1152xi32, #tpu.memory_space<vmem>>, vector<1x1x16xi32>,
          %get3A_343 = vector.shape_cast %get3A_342 : vector<1x1x16xi32> to vector<16xi32>
          %shift_left3A_344 = arith.constant 16 : i32
          %shift_left3A_345 = vector.broadcast %shift_left3A_344 : i32 to vector<16xi32>
          %shift_left3A_346 = arith.shli %get3A_343, %shift_left3A_345 : vector<16xi32>
          %bitcast_convert_type3A_347 = tpu.bitcast %shift_left3A_346 : vector<16xi32> -> vector<16xf32>
          %bitcast_convert_type3A_348 = tpu.bitcast %get3A_343 : vector<16xi32> -> vector<16xf32>
          %mul3A_349 = arith.mulf %bitcast_convert_type3A_347, %gather3A_337 : vector<16xf32>
          %add3A_350 = arith.addf %add3A_331, %mul3A_349 : vector<16xf32>
          %mul3A_351 = arith.mulf %bitcast_convert_type3A_348, %gather3A_337 : vector<16xf32>
          %add3A_352 = arith.addf %add3A_333, %mul3A_351 : vector<16xf32>
          %broadcast_in_dim3A_353 = arith.constant 13 : i32
          %broadcast_in_dim3A_354 = vector.broadcast %broadcast_in_dim3A_353 : i32 to vector<16x1xi32>
          %gather3A_355 = vector.shape_cast %broadcast_in_dim3A_354 : vector<16x1xi32> to vector<16xi32>
          %gather3A_356 = tpu.dynamic_gather %get3A_98[%gather3A_355] in [0] : vector<16xf32>, vector<16xi32> -> vector<16xf32>
          %get3A_357 = arith.constant 1 : i32
          %get3A_358 = arith.index_cast %get3A_357 : i32 to index
          %get3A_359 = arith.index_cast %scan3A_92 : i32 to index
          %get3A_360 = arith.constant 832 : index
          %get3A_361 = tpu.vector_load %arg11[%get3A_358, %get3A_359, %get3A_360] {strides = array<i32>} : memref<2x8x1152xi32, #tpu.memory_space<vmem>>, vector<1x1x16xi32>,
          %get3A_362 = vector.shape_cast %get3A_361 : vector<1x1x16xi32> to vector<16xi32>
          %shift_left3A_363 = arith.constant 16 : i32
          %shift_left3A_364 = vector.broadcast %shift_left3A_363 : i32 to vector<16xi32>
          %shift_left3A_365 = arith.shli %get3A_362, %shift_left3A_364 : vector<16xi32>
          %bitcast_convert_type3A_366 = tpu.bitcast %shift_left3A_365 : vector<16xi32> -> vector<16xf32>
          %bitcast_convert_type3A_367 = tpu.bitcast %get3A_362 : vector<16xi32> -> vector<16xf32>
          %mul3A_368 = arith.mulf %bitcast_convert_type3A_366, %gather3A_356 : vector<16xf32>
          %add3A_369 = arith.addf %add3A_350, %mul3A_368 : vector<16xf32>
          %mul3A_370 = arith.mulf %bitcast_convert_type3A_367, %gather3A_356 : vector<16xf32>
          %add3A_371 = arith.addf %add3A_352, %mul3A_370 : vector<16xf32>
          %broadcast_in_dim3A_372 = arith.constant 14 : i32
          %broadcast_in_dim3A_373 = vector.broadcast %broadcast_in_dim3A_372 : i32 to vector<16x1xi32>
          %gather3A_374 = vector.shape_cast %broadcast_in_dim3A_373 : vector<16x1xi32> to vector<16xi32>
          %gather3A_375 = tpu.dynamic_gather %get3A_98[%gather3A_374] in [0] : vector<16xf32>, vector<16xi32> -> vector<16xf32>
          %get3A_376 = arith.constant 1 : i32
          %get3A_377 = arith.index_cast %get3A_376 : i32 to index
          %get3A_378 = arith.index_cast %scan3A_92 : i32 to index
          %get3A_379 = arith.constant 896 : index
          %get3A_380 = tpu.vector_load %arg11[%get3A_377, %get3A_378, %get3A_379] {strides = array<i32>} : memref<2x8x1152xi32, #tpu.memory_space<vmem>>, vector<1x1x16xi32>,
          %get3A_381 = vector.shape_cast %get3A_380 : vector<1x1x16xi32> to vector<16xi32>
          %shift_left3A_382 = arith.constant 16 : i32
          %shift_left3A_383 = vector.broadcast %shift_left3A_382 : i32 to vector<16xi32>
          %shift_left3A_384 = arith.shli %get3A_381, %shift_left3A_383 : vector<16xi32>
          %bitcast_convert_type3A_385 = tpu.bitcast %shift_left3A_384 : vector<16xi32> -> vector<16xf32>
          %bitcast_convert_type3A_386 = tpu.bitcast %get3A_381 : vector<16xi32> -> vector<16xf32>
          %mul3A_387 = arith.mulf %bitcast_convert_type3A_385, %gather3A_375 : vector<16xf32>
          %add3A_388 = arith.addf %add3A_369, %mul3A_387 : vector<16xf32>
          %mul3A_389 = arith.mulf %bitcast_convert_type3A_386, %gather3A_375 : vector<16xf32>
          %add3A_390 = arith.addf %add3A_371, %mul3A_389 : vector<16xf32>
          %broadcast_in_dim3A_391 = arith.constant 15 : i32
          %broadcast_in_dim3A_392 = vector.broadcast %broadcast_in_dim3A_391 : i32 to vector<16x1xi32>
          %gather3A_393 = vector.shape_cast %broadcast_in_dim3A_392 : vector<16x1xi32> to vector<16xi32>
          %gather3A_394 = tpu.dynamic_gather %get3A_98[%gather3A_393] in [0] : vector<16xf32>, vector<16xi32> -> vector<16xf32>
          %get3A_395 = arith.constant 1 : i32
          %get3A_396 = arith.index_cast %get3A_395 : i32 to index
          %get3A_397 = arith.index_cast %scan3A_92 : i32 to index
          %get3A_398 = arith.constant 960 : index
          %get3A_399 = tpu.vector_load %arg11[%get3A_396, %get3A_397, %get3A_398] {strides = array<i32>} : memref<2x8x1152xi32, #tpu.memory_space<vmem>>, vector<1x1x16xi32>,
          %get3A_400 = vector.shape_cast %get3A_399 : vector<1x1x16xi32> to vector<16xi32>
          %shift_left3A_401 = arith.constant 16 : i32
          %shift_left3A_402 = vector.broadcast %shift_left3A_401 : i32 to vector<16xi32>
          %shift_left3A_403 = arith.shli %get3A_400, %shift_left3A_402 : vector<16xi32>
          %bitcast_convert_type3A_404 = tpu.bitcast %shift_left3A_403 : vector<16xi32> -> vector<16xf32>
          %bitcast_convert_type3A_405 = tpu.bitcast %get3A_400 : vector<16xi32> -> vector<16xf32>
          %mul3A_406 = arith.mulf %bitcast_convert_type3A_404, %gather3A_394 : vector<16xf32>
          %add3A_407 = arith.addf %add3A_388, %mul3A_406 : vector<16xf32>
          %mul3A_408 = arith.mulf %bitcast_convert_type3A_405, %gather3A_394 : vector<16xf32>
          %add3A_409 = arith.addf %add3A_390, %mul3A_408 : vector<16xf32>
          %broadcast_in_dim3A_410 = arith.constant 0 : i32
          %broadcast_in_dim3A_411 = vector.broadcast %broadcast_in_dim3A_410 : i32 to vector<16x1xi32>
          %gather3A_412 = vector.shape_cast %broadcast_in_dim3A_411 : vector<16x1xi32> to vector<16xi32>
          %gather3A_413 = tpu.dynamic_gather %get3A_105[%gather3A_412] in [0] : vector<16xf32>, vector<16xi32> -> vector<16xf32>
          %get3A_414 = arith.constant 1 : i32
          %get3A_415 = arith.index_cast %get3A_414 : i32 to index
          %get3A_416 = arith.index_cast %scan3A_92 : i32 to index
          %get3A_417 = arith.constant 1024 : index
          %get3A_418 = tpu.vector_load %arg11[%get3A_415, %get3A_416, %get3A_417] {strides = array<i32>} : memref<2x8x1152xi32, #tpu.memory_space<vmem>>, vector<1x1x16xi32>,
          %get3A_419 = vector.shape_cast %get3A_418 : vector<1x1x16xi32> to vector<16xi32>
          %shift_left3A_420 = arith.constant 16 : i32
          %shift_left3A_421 = vector.broadcast %shift_left3A_420 : i32 to vector<16xi32>
          %shift_left3A_422 = arith.shli %get3A_419, %shift_left3A_421 : vector<16xi32>
          %bitcast_convert_type3A_423 = tpu.bitcast %shift_left3A_422 : vector<16xi32> -> vector<16xf32>
          %bitcast_convert_type3A_424 = tpu.bitcast %get3A_419 : vector<16xi32> -> vector<16xf32>
          %mul3A_425 = arith.mulf %bitcast_convert_type3A_423, %gather3A_413 : vector<16xf32>
          %add3A_426 = arith.addf %add3A_407, %mul3A_425 : vector<16xf32>
          %mul3A_427 = arith.mulf %bitcast_convert_type3A_424, %gather3A_413 : vector<16xf32>
          %add3A_428 = arith.addf %add3A_409, %mul3A_427 : vector<16xf32>
          %swap3A = arith.index_cast %scan3A_92 : i32 to index
          %swap3A_429 = arith.constant 0 : index
          %swap3A_430 = tpu.vector_load %arg12[%swap3A, %swap3A_429] {strides = array<i32>} : memref<8x128xf32, #tpu.memory_space<vmem>>, vector<1x16xf32>,
          %swap3A_431 = vector.shape_cast %swap3A_430 : vector<1x16xf32> to vector<16xf32>
          %swap3A_432 = vector.shape_cast %add3A_426 : vector<16xf32> to vector<1x16xf32>
          tpu.vector_store %arg12[%swap3A, %swap3A_429], %swap3A_432 {strides = array<i32>} : memref<8x128xf32, #tpu.memory_space<vmem>>, vector<1x16xf32>,
          %swap3A_433 = arith.index_cast %scan3A_92 : i32 to index
          %swap3A_434 = arith.constant 16 : index
          %swap3A_435 = tpu.vector_load %arg12[%swap3A_433, %swap3A_434] {strides = array<i32>} : memref<8x128xf32, #tpu.memory_space<vmem>>, vector<1x16xf32>,
          %swap3A_436 = vector.shape_cast %swap3A_435 : vector<1x16xf32> to vector<16xf32>
          %swap3A_437 = vector.shape_cast %add3A_428 : vector<16xf32> to vector<1x16xf32>
          tpu.vector_store %arg12[%swap3A_433, %swap3A_434], %swap3A_437 {strides = array<i32>} : memref<8x128xf32, #tpu.memory_space<vmem>>, vector<1x16xf32>,
          %broadcast_in_dim3A_438 = arith.constant 0.000000e+00 : f32
          %broadcast_in_dim3A_439 = vector.broadcast %broadcast_in_dim3A_438 : f32 to vector<16xf32>
          %broadcast_in_dim3A_440 = arith.constant 0.000000e+00 : f32
          %broadcast_in_dim3A_441 = vector.broadcast %broadcast_in_dim3A_440 : f32 to vector<16xf32>
          %broadcast_in_dim3A_442 = arith.constant 0 : i32
          %broadcast_in_dim3A_443 = vector.broadcast %broadcast_in_dim3A_442 : i32 to vector<16x1xi32>
          %gather3A_444 = vector.shape_cast %broadcast_in_dim3A_443 : vector<16x1xi32> to vector<16xi32>
          %gather3A_445 = tpu.dynamic_gather %get3A_98[%gather3A_444] in [0] : vector<16xf32>, vector<16xi32> -> vector<16xf32>
          %get3A_446 = arith.constant 1 : i32
          %get3A_447 = arith.index_cast %get3A_446 : i32 to index
          %get3A_448 = arith.index_cast %scan3A_92 : i32 to index
          %get3A_449 = arith.constant 16 : index
          %get3A_450 = tpu.vector_load %arg11[%get3A_447, %get3A_448, %get3A_449] {strides = array<i32>} : memref<2x8x1152xi32, #tpu.memory_space<vmem>>, vector<1x1x16xi32>,
          %get3A_451 = vector.shape_cast %get3A_450 : vector<1x1x16xi32> to vector<16xi32>
          %shift_left3A_452 = arith.constant 16 : i32
          %shift_left3A_453 = vector.broadcast %shift_left3A_452 : i32 to vector<16xi32>
          %shift_left3A_454 = arith.shli %get3A_451, %shift_left3A_453 : vector<16xi32>
          %bitcast_convert_type3A_455 = tpu.bitcast %shift_left3A_454 : vector<16xi32> -> vector<16xf32>
          %bitcast_convert_type3A_456 = tpu.bitcast %get3A_451 : vector<16xi32> -> vector<16xf32>
          %mul3A_457 = arith.mulf %bitcast_convert_type3A_455, %gather3A_445 : vector<16xf32>
          %add3A_458 = arith.addf %broadcast_in_dim3A_439, %mul3A_457 : vector<16xf32>
          %mul3A_459 = arith.mulf %bitcast_convert_type3A_456, %gather3A_445 : vector<16xf32>
          %add3A_460 = arith.addf %broadcast_in_dim3A_441, %mul3A_459 : vector<16xf32>
          %broadcast_in_dim3A_461 = arith.constant 1 : i32
          %broadcast_in_dim3A_462 = vector.broadcast %broadcast_in_dim3A_461 : i32 to vector<16x1xi32>
          %gather3A_463 = vector.shape_cast %broadcast_in_dim3A_462 : vector<16x1xi32> to vector<16xi32>
          %gather3A_464 = tpu.dynamic_gather %get3A_98[%gather3A_463] in [0] : vector<16xf32>, vector<16xi32> -> vector<16xf32>
          %get3A_465 = arith.constant 1 : i32
          %get3A_466 = arith.index_cast %get3A_465 : i32 to index
          %get3A_467 = arith.index_cast %scan3A_92 : i32 to index
          %get3A_468 = arith.constant 80 : index
          %get3A_469 = tpu.vector_load %arg11[%get3A_466, %get3A_467, %get3A_468] {strides = array<i32>} : memref<2x8x1152xi32, #tpu.memory_space<vmem>>, vector<1x1x16xi32>,
          %get3A_470 = vector.shape_cast %get3A_469 : vector<1x1x16xi32> to vector<16xi32>
          %shift_left3A_471 = arith.constant 16 : i32
          %shift_left3A_472 = vector.broadcast %shift_left3A_471 : i32 to vector<16xi32>
          %shift_left3A_473 = arith.shli %get3A_470, %shift_left3A_472 : vector<16xi32>
          %bitcast_convert_type3A_474 = tpu.bitcast %shift_left3A_473 : vector<16xi32> -> vector<16xf32>
          %bitcast_convert_type3A_475 = tpu.bitcast %get3A_470 : vector<16xi32> -> vector<16xf32>
          %mul3A_476 = arith.mulf %bitcast_convert_type3A_474, %gather3A_464 : vector<16xf32>
          %add3A_477 = arith.addf %add3A_458, %mul3A_476 : vector<16xf32>
          %mul3A_478 = arith.mulf %bitcast_convert_type3A_475, %gather3A_464 : vector<16xf32>
          %add3A_479 = arith.addf %add3A_460, %mul3A_478 : vector<16xf32>
          %broadcast_in_dim3A_480 = arith.constant 2 : i32
          %broadcast_in_dim3A_481 = vector.broadcast %broadcast_in_dim3A_480 : i32 to vector<16x1xi32>
          %gather3A_482 = vector.shape_cast %broadcast_in_dim3A_481 : vector<16x1xi32> to vector<16xi32>
          %gather3A_483 = tpu.dynamic_gather %get3A_98[%gather3A_482] in [0] : vector<16xf32>, vector<16xi32> -> vector<16xf32>
          %get3A_484 = arith.constant 1 : i32
          %get3A_485 = arith.index_cast %get3A_484 : i32 to index
          %get3A_486 = arith.index_cast %scan3A_92 : i32 to index
          %get3A_487 = arith.constant 144 : index
          %get3A_488 = tpu.vector_load %arg11[%get3A_485, %get3A_486, %get3A_487] {strides = array<i32>} : memref<2x8x1152xi32, #tpu.memory_space<vmem>>, vector<1x1x16xi32>,
          %get3A_489 = vector.shape_cast %get3A_488 : vector<1x1x16xi32> to vector<16xi32>
          %shift_left3A_490 = arith.constant 16 : i32
          %shift_left3A_491 = vector.broadcast %shift_left3A_490 : i32 to vector<16xi32>
          %shift_left3A_492 = arith.shli %get3A_489, %shift_left3A_491 : vector<16xi32>
          %bitcast_convert_type3A_493 = tpu.bitcast %shift_left3A_492 : vector<16xi32> -> vector<16xf32>
          %bitcast_convert_type3A_494 = tpu.bitcast %get3A_489 : vector<16xi32> -> vector<16xf32>
          %mul3A_495 = arith.mulf %bitcast_convert_type3A_493, %gather3A_483 : vector<16xf32>
          %add3A_496 = arith.addf %add3A_477, %mul3A_495 : vector<16xf32>
          %mul3A_497 = arith.mulf %bitcast_convert_type3A_494, %gather3A_483 : vector<16xf32>
          %add3A_498 = arith.addf %add3A_479, %mul3A_497 : vector<16xf32>
          %broadcast_in_dim3A_499 = arith.constant 3 : i32
          %broadcast_in_dim3A_500 = vector.broadcast %broadcast_in_dim3A_499 : i32 to vector<16x1xi32>
          %gather3A_501 = vector.shape_cast %broadcast_in_dim3A_500 : vector<16x1xi32> to vector<16xi32>
          %gather3A_502 = tpu.dynamic_gather %get3A_98[%gather3A_501] in [0] : vector<16xf32>, vector<16xi32> -> vector<16xf32>
          %get3A_503 = arith.constant 1 : i32
          %get3A_504 = arith.index_cast %get3A_503 : i32 to index
          %get3A_505 = arith.index_cast %scan3A_92 : i32 to index
          %get3A_506 = arith.constant 208 : index
          %get3A_507 = tpu.vector_load %arg11[%get3A_504, %get3A_505, %get3A_506] {strides = array<i32>} : memref<2x8x1152xi32, #tpu.memory_space<vmem>>, vector<1x1x16xi32>,
          %get3A_508 = vector.shape_cast %get3A_507 : vector<1x1x16xi32> to vector<16xi32>
          %shift_left3A_509 = arith.constant 16 : i32
          %shift_left3A_510 = vector.broadcast %shift_left3A_509 : i32 to vector<16xi32>
          %shift_left3A_511 = arith.shli %get3A_508, %shift_left3A_510 : vector<16xi32>
          %bitcast_convert_type3A_512 = tpu.bitcast %shift_left3A_511 : vector<16xi32> -> vector<16xf32>
          %bitcast_convert_type3A_513 = tpu.bitcast %get3A_508 : vector<16xi32> -> vector<16xf32>
          %mul3A_514 = arith.mulf %bitcast_convert_type3A_512, %gather3A_502 : vector<16xf32>
          %add3A_515 = arith.addf %add3A_496, %mul3A_514 : vector<16xf32>
          %mul3A_516 = arith.mulf %bitcast_convert_type3A_513, %gather3A_502 : vector<16xf32>
          %add3A_517 = arith.addf %add3A_498, %mul3A_516 : vector<16xf32>
          %broadcast_in_dim3A_518 = arith.constant 4 : i32
          %broadcast_in_dim3A_519 = vector.broadcast %broadcast_in_dim3A_518 : i32 to vector<16x1xi32>
          %gather3A_520 = vector.shape_cast %broadcast_in_dim3A_519 : vector<16x1xi32> to vector<16xi32>
          %gather3A_521 = tpu.dynamic_gather %get3A_98[%gather3A_520] in [0] : vector<16xf32>, vector<16xi32> -> vector<16xf32>
          %get3A_522 = arith.constant 1 : i32
          %get3A_523 = arith.index_cast %get3A_522 : i32 to index
          %get3A_524 = arith.index_cast %scan3A_92 : i32 to index
          %get3A_525 = arith.constant 272 : index
          %get3A_526 = tpu.vector_load %arg11[%get3A_523, %get3A_524, %get3A_525] {strides = array<i32>} : memref<2x8x1152xi32, #tpu.memory_space<vmem>>, vector<1x1x16xi32>,
          %get3A_527 = vector.shape_cast %get3A_526 : vector<1x1x16xi32> to vector<16xi32>
          %shift_left3A_528 = arith.constant 16 : i32
          %shift_left3A_529 = vector.broadcast %shift_left3A_528 : i32 to vector<16xi32>
          %shift_left3A_530 = arith.shli %get3A_527, %shift_left3A_529 : vector<16xi32>
          %bitcast_convert_type3A_531 = tpu.bitcast %shift_left3A_530 : vector<16xi32> -> vector<16xf32>
          %bitcast_convert_type3A_532 = tpu.bitcast %get3A_527 : vector<16xi32> -> vector<16xf32>
          %mul3A_533 = arith.mulf %bitcast_convert_type3A_531, %gather3A_521 : vector<16xf32>
          %add3A_534 = arith.addf %add3A_515, %mul3A_533 : vector<16xf32>
          %mul3A_535 = arith.mulf %bitcast_convert_type3A_532, %gather3A_521 : vector<16xf32>
          %add3A_536 = arith.addf %add3A_517, %mul3A_535 : vector<16xf32>
          %broadcast_in_dim3A_537 = arith.constant 5 : i32
          %broadcast_in_dim3A_538 = vector.broadcast %broadcast_in_dim3A_537 : i32 to vector<16x1xi32>
          %gather3A_539 = vector.shape_cast %broadcast_in_dim3A_538 : vector<16x1xi32> to vector<16xi32>
          %gather3A_540 = tpu.dynamic_gather %get3A_98[%gather3A_539] in [0] : vector<16xf32>, vector<16xi32> -> vector<16xf32>
          %get3A_541 = arith.constant 1 : i32
          %get3A_542 = arith.index_cast %get3A_541 : i32 to index
          %get3A_543 = arith.index_cast %scan3A_92 : i32 to index
          %get3A_544 = arith.constant 336 : index
          %get3A_545 = tpu.vector_load %arg11[%get3A_542, %get3A_543, %get3A_544] {strides = array<i32>} : memref<2x8x1152xi32, #tpu.memory_space<vmem>>, vector<1x1x16xi32>,
          %get3A_546 = vector.shape_cast %get3A_545 : vector<1x1x16xi32> to vector<16xi32>
          %shift_left3A_547 = arith.constant 16 : i32
          %shift_left3A_548 = vector.broadcast %shift_left3A_547 : i32 to vector<16xi32>
          %shift_left3A_549 = arith.shli %get3A_546, %shift_left3A_548 : vector<16xi32>
          %bitcast_convert_type3A_550 = tpu.bitcast %shift_left3A_549 : vector<16xi32> -> vector<16xf32>
          %bitcast_convert_type3A_551 = tpu.bitcast %get3A_546 : vector<16xi32> -> vector<16xf32>
          %mul3A_552 = arith.mulf %bitcast_convert_type3A_550, %gather3A_540 : vector<16xf32>
          %add3A_553 = arith.addf %add3A_534, %mul3A_552 : vector<16xf32>
          %mul3A_554 = arith.mulf %bitcast_convert_type3A_551, %gather3A_540 : vector<16xf32>
          %add3A_555 = arith.addf %add3A_536, %mul3A_554 : vector<16xf32>
          %broadcast_in_dim3A_556 = arith.constant 6 : i32
          %broadcast_in_dim3A_557 = vector.broadcast %broadcast_in_dim3A_556 : i32 to vector<16x1xi32>
          %gather3A_558 = vector.shape_cast %broadcast_in_dim3A_557 : vector<16x1xi32> to vector<16xi32>
          %gather3A_559 = tpu.dynamic_gather %get3A_98[%gather3A_558] in [0] : vector<16xf32>, vector<16xi32> -> vector<16xf32>
          %get3A_560 = arith.constant 1 : i32
          %get3A_561 = arith.index_cast %get3A_560 : i32 to index
          %get3A_562 = arith.index_cast %scan3A_92 : i32 to index
          %get3A_563 = arith.constant 400 : index
          %get3A_564 = tpu.vector_load %arg11[%get3A_561, %get3A_562, %get3A_563] {strides = array<i32>} : memref<2x8x1152xi32, #tpu.memory_space<vmem>>, vector<1x1x16xi32>,
          %get3A_565 = vector.shape_cast %get3A_564 : vector<1x1x16xi32> to vector<16xi32>
          %shift_left3A_566 = arith.constant 16 : i32
          %shift_left3A_567 = vector.broadcast %shift_left3A_566 : i32 to vector<16xi32>
          %shift_left3A_568 = arith.shli %get3A_565, %shift_left3A_567 : vector<16xi32>
          %bitcast_convert_type3A_569 = tpu.bitcast %shift_left3A_568 : vector<16xi32> -> vector<16xf32>
          %bitcast_convert_type3A_570 = tpu.bitcast %get3A_565 : vector<16xi32> -> vector<16xf32>
          %mul3A_571 = arith.mulf %bitcast_convert_type3A_569, %gather3A_559 : vector<16xf32>
          %add3A_572 = arith.addf %add3A_553, %mul3A_571 : vector<16xf32>
          %mul3A_573 = arith.mulf %bitcast_convert_type3A_570, %gather3A_559 : vector<16xf32>
          %add3A_574 = arith.addf %add3A_555, %mul3A_573 : vector<16xf32>
          %broadcast_in_dim3A_575 = arith.constant 7 : i32
          %broadcast_in_dim3A_576 = vector.broadcast %broadcast_in_dim3A_575 : i32 to vector<16x1xi32>
          %gather3A_577 = vector.shape_cast %broadcast_in_dim3A_576 : vector<16x1xi32> to vector<16xi32>
          %gather3A_578 = tpu.dynamic_gather %get3A_98[%gather3A_577] in [0] : vector<16xf32>, vector<16xi32> -> vector<16xf32>
          %get3A_579 = arith.constant 1 : i32
          %get3A_580 = arith.index_cast %get3A_579 : i32 to index
          %get3A_581 = arith.index_cast %scan3A_92 : i32 to index
          %get3A_582 = arith.constant 464 : index
          %get3A_583 = tpu.vector_load %arg11[%get3A_580, %get3A_581, %get3A_582] {strides = array<i32>} : memref<2x8x1152xi32, #tpu.memory_space<vmem>>, vector<1x1x16xi32>,
          %get3A_584 = vector.shape_cast %get3A_583 : vector<1x1x16xi32> to vector<16xi32>
          %shift_left3A_585 = arith.constant 16 : i32
          %shift_left3A_586 = vector.broadcast %shift_left3A_585 : i32 to vector<16xi32>
          %shift_left3A_587 = arith.shli %get3A_584, %shift_left3A_586 : vector<16xi32>
          %bitcast_convert_type3A_588 = tpu.bitcast %shift_left3A_587 : vector<16xi32> -> vector<16xf32>
          %bitcast_convert_type3A_589 = tpu.bitcast %get3A_584 : vector<16xi32> -> vector<16xf32>
          %mul3A_590 = arith.mulf %bitcast_convert_type3A_588, %gather3A_578 : vector<16xf32>
          %add3A_591 = arith.addf %add3A_572, %mul3A_590 : vector<16xf32>
          %mul3A_592 = arith.mulf %bitcast_convert_type3A_589, %gather3A_578 : vector<16xf32>
          %add3A_593 = arith.addf %add3A_574, %mul3A_592 : vector<16xf32>
          %broadcast_in_dim3A_594 = arith.constant 8 : i32
          %broadcast_in_dim3A_595 = vector.broadcast %broadcast_in_dim3A_594 : i32 to vector<16x1xi32>
          %gather3A_596 = vector.shape_cast %broadcast_in_dim3A_595 : vector<16x1xi32> to vector<16xi32>
          %gather3A_597 = tpu.dynamic_gather %get3A_98[%gather3A_596] in [0] : vector<16xf32>, vector<16xi32> -> vector<16xf32>
          %get3A_598 = arith.constant 1 : i32
          %get3A_599 = arith.index_cast %get3A_598 : i32 to index
          %get3A_600 = arith.index_cast %scan3A_92 : i32 to index
          %get3A_601 = arith.constant 528 : index
          %get3A_602 = tpu.vector_load %arg11[%get3A_599, %get3A_600, %get3A_601] {strides = array<i32>} : memref<2x8x1152xi32, #tpu.memory_space<vmem>>, vector<1x1x16xi32>,
          %get3A_603 = vector.shape_cast %get3A_602 : vector<1x1x16xi32> to vector<16xi32>
          %shift_left3A_604 = arith.constant 16 : i32
          %shift_left3A_605 = vector.broadcast %shift_left3A_604 : i32 to vector<16xi32>
          %shift_left3A_606 = arith.shli %get3A_603, %shift_left3A_605 : vector<16xi32>
          %bitcast_convert_type3A_607 = tpu.bitcast %shift_left3A_606 : vector<16xi32> -> vector<16xf32>
          %bitcast_convert_type3A_608 = tpu.bitcast %get3A_603 : vector<16xi32> -> vector<16xf32>
          %mul3A_609 = arith.mulf %bitcast_convert_type3A_607, %gather3A_597 : vector<16xf32>
          %add3A_610 = arith.addf %add3A_591, %mul3A_609 : vector<16xf32>
          %mul3A_611 = arith.mulf %bitcast_convert_type3A_608, %gather3A_597 : vector<16xf32>
          %add3A_612 = arith.addf %add3A_593, %mul3A_611 : vector<16xf32>
          %broadcast_in_dim3A_613 = arith.constant 9 : i32
          %broadcast_in_dim3A_614 = vector.broadcast %broadcast_in_dim3A_613 : i32 to vector<16x1xi32>
          %gather3A_615 = vector.shape_cast %broadcast_in_dim3A_614 : vector<16x1xi32> to vector<16xi32>
          %gather3A_616 = tpu.dynamic_gather %get3A_98[%gather3A_615] in [0] : vector<16xf32>, vector<16xi32> -> vector<16xf32>
          %get3A_617 = arith.constant 1 : i32
          %get3A_618 = arith.index_cast %get3A_617 : i32 to index
          %get3A_619 = arith.index_cast %scan3A_92 : i32 to index
          %get3A_620 = arith.constant 592 : index
          %get3A_621 = tpu.vector_load %arg11[%get3A_618, %get3A_619, %get3A_620] {strides = array<i32>} : memref<2x8x1152xi32, #tpu.memory_space<vmem>>, vector<1x1x16xi32>,
          %get3A_622 = vector.shape_cast %get3A_621 : vector<1x1x16xi32> to vector<16xi32>
          %shift_left3A_623 = arith.constant 16 : i32
          %shift_left3A_624 = vector.broadcast %shift_left3A_623 : i32 to vector<16xi32>
          %shift_left3A_625 = arith.shli %get3A_622, %shift_left3A_624 : vector<16xi32>
          %bitcast_convert_type3A_626 = tpu.bitcast %shift_left3A_625 : vector<16xi32> -> vector<16xf32>
          %bitcast_convert_type3A_627 = tpu.bitcast %get3A_622 : vector<16xi32> -> vector<16xf32>
          %mul3A_628 = arith.mulf %bitcast_convert_type3A_626, %gather3A_616 : vector<16xf32>
          %add3A_629 = arith.addf %add3A_610, %mul3A_628 : vector<16xf32>
          %mul3A_630 = arith.mulf %bitcast_convert_type3A_627, %gather3A_616 : vector<16xf32>
          %add3A_631 = arith.addf %add3A_612, %mul3A_630 : vector<16xf32>
          %broadcast_in_dim3A_632 = arith.constant 10 : i32
          %broadcast_in_dim3A_633 = vector.broadcast %broadcast_in_dim3A_632 : i32 to vector<16x1xi32>
          %gather3A_634 = vector.shape_cast %broadcast_in_dim3A_633 : vector<16x1xi32> to vector<16xi32>
          %gather3A_635 = tpu.dynamic_gather %get3A_98[%gather3A_634] in [0] : vector<16xf32>, vector<16xi32> -> vector<16xf32>
          %get3A_636 = arith.constant 1 : i32
          %get3A_637 = arith.index_cast %get3A_636 : i32 to index
          %get3A_638 = arith.index_cast %scan3A_92 : i32 to index
          %get3A_639 = arith.constant 656 : index
          %get3A_640 = tpu.vector_load %arg11[%get3A_637, %get3A_638, %get3A_639] {strides = array<i32>} : memref<2x8x1152xi32, #tpu.memory_space<vmem>>, vector<1x1x16xi32>,
          %get3A_641 = vector.shape_cast %get3A_640 : vector<1x1x16xi32> to vector<16xi32>
          %shift_left3A_642 = arith.constant 16 : i32
          %shift_left3A_643 = vector.broadcast %shift_left3A_642 : i32 to vector<16xi32>
          %shift_left3A_644 = arith.shli %get3A_641, %shift_left3A_643 : vector<16xi32>
          %bitcast_convert_type3A_645 = tpu.bitcast %shift_left3A_644 : vector<16xi32> -> vector<16xf32>
          %bitcast_convert_type3A_646 = tpu.bitcast %get3A_641 : vector<16xi32> -> vector<16xf32>
          %mul3A_647 = arith.mulf %bitcast_convert_type3A_645, %gather3A_635 : vector<16xf32>
          %add3A_648 = arith.addf %add3A_629, %mul3A_647 : vector<16xf32>
          %mul3A_649 = arith.mulf %bitcast_convert_type3A_646, %gather3A_635 : vector<16xf32>
          %add3A_650 = arith.addf %add3A_631, %mul3A_649 : vector<16xf32>
          %broadcast_in_dim3A_651 = arith.constant 11 : i32
          %broadcast_in_dim3A_652 = vector.broadcast %broadcast_in_dim3A_651 : i32 to vector<16x1xi32>
          %gather3A_653 = vector.shape_cast %broadcast_in_dim3A_652 : vector<16x1xi32> to vector<16xi32>
          %gather3A_654 = tpu.dynamic_gather %get3A_98[%gather3A_653] in [0] : vector<16xf32>, vector<16xi32> -> vector<16xf32>
          %get3A_655 = arith.constant 1 : i32
          %get3A_656 = arith.index_cast %get3A_655 : i32 to index
          %get3A_657 = arith.index_cast %scan3A_92 : i32 to index
          %get3A_658 = arith.constant 720 : index
          %get3A_659 = tpu.vector_load %arg11[%get3A_656, %get3A_657, %get3A_658] {strides = array<i32>} : memref<2x8x1152xi32, #tpu.memory_space<vmem>>, vector<1x1x16xi32>,
          %get3A_660 = vector.shape_cast %get3A_659 : vector<1x1x16xi32> to vector<16xi32>
          %shift_left3A_661 = arith.constant 16 : i32
          %shift_left3A_662 = vector.broadcast %shift_left3A_661 : i32 to vector<16xi32>
          %shift_left3A_663 = arith.shli %get3A_660, %shift_left3A_662 : vector<16xi32>
          %bitcast_convert_type3A_664 = tpu.bitcast %shift_left3A_663 : vector<16xi32> -> vector<16xf32>
          %bitcast_convert_type3A_665 = tpu.bitcast %get3A_660 : vector<16xi32> -> vector<16xf32>
          %mul3A_666 = arith.mulf %bitcast_convert_type3A_664, %gather3A_654 : vector<16xf32>
          %add3A_667 = arith.addf %add3A_648, %mul3A_666 : vector<16xf32>
          %mul3A_668 = arith.mulf %bitcast_convert_type3A_665, %gather3A_654 : vector<16xf32>
          %add3A_669 = arith.addf %add3A_650, %mul3A_668 : vector<16xf32>
          %broadcast_in_dim3A_670 = arith.constant 12 : i32
          %broadcast_in_dim3A_671 = vector.broadcast %broadcast_in_dim3A_670 : i32 to vector<16x1xi32>
          %gather3A_672 = vector.shape_cast %broadcast_in_dim3A_671 : vector<16x1xi32> to vector<16xi32>
          %gather3A_673 = tpu.dynamic_gather %get3A_98[%gather3A_672] in [0] : vector<16xf32>, vector<16xi32> -> vector<16xf32>
          %get3A_674 = arith.constant 1 : i32
          %get3A_675 = arith.index_cast %get3A_674 : i32 to index
          %get3A_676 = arith.index_cast %scan3A_92 : i32 to index
          %get3A_677 = arith.constant 784 : index
          %get3A_678 = tpu.vector_load %arg11[%get3A_675, %get3A_676, %get3A_677] {strides = array<i32>} : memref<2x8x1152xi32, #tpu.memory_space<vmem>>, vector<1x1x16xi32>,
          %get3A_679 = vector.shape_cast %get3A_678 : vector<1x1x16xi32> to vector<16xi32>
          %shift_left3A_680 = arith.constant 16 : i32
          %shift_left3A_681 = vector.broadcast %shift_left3A_680 : i32 to vector<16xi32>
          %shift_left3A_682 = arith.shli %get3A_679, %shift_left3A_681 : vector<16xi32>
          %bitcast_convert_type3A_683 = tpu.bitcast %shift_left3A_682 : vector<16xi32> -> vector<16xf32>
          %bitcast_convert_type3A_684 = tpu.bitcast %get3A_679 : vector<16xi32> -> vector<16xf32>
          %mul3A_685 = arith.mulf %bitcast_convert_type3A_683, %gather3A_673 : vector<16xf32>
          %add3A_686 = arith.addf %add3A_667, %mul3A_685 : vector<16xf32>
          %mul3A_687 = arith.mulf %bitcast_convert_type3A_684, %gather3A_673 : vector<16xf32>
          %add3A_688 = arith.addf %add3A_669, %mul3A_687 : vector<16xf32>
          %broadcast_in_dim3A_689 = arith.constant 13 : i32
          %broadcast_in_dim3A_690 = vector.broadcast %broadcast_in_dim3A_689 : i32 to vector<16x1xi32>
          %gather3A_691 = vector.shape_cast %broadcast_in_dim3A_690 : vector<16x1xi32> to vector<16xi32>
          %gather3A_692 = tpu.dynamic_gather %get3A_98[%gather3A_691] in [0] : vector<16xf32>, vector<16xi32> -> vector<16xf32>
          %get3A_693 = arith.constant 1 : i32
          %get3A_694 = arith.index_cast %get3A_693 : i32 to index
          %get3A_695 = arith.index_cast %scan3A_92 : i32 to index
          %get3A_696 = arith.constant 848 : index
          %get3A_697 = tpu.vector_load %arg11[%get3A_694, %get3A_695, %get3A_696] {strides = array<i32>} : memref<2x8x1152xi32, #tpu.memory_space<vmem>>, vector<1x1x16xi32>,
          %get3A_698 = vector.shape_cast %get3A_697 : vector<1x1x16xi32> to vector<16xi32>
          %shift_left3A_699 = arith.constant 16 : i32
          %shift_left3A_700 = vector.broadcast %shift_left3A_699 : i32 to vector<16xi32>
          %shift_left3A_701 = arith.shli %get3A_698, %shift_left3A_700 : vector<16xi32>
          %bitcast_convert_type3A_702 = tpu.bitcast %shift_left3A_701 : vector<16xi32> -> vector<16xf32>
          %bitcast_convert_type3A_703 = tpu.bitcast %get3A_698 : vector<16xi32> -> vector<16xf32>
          %mul3A_704 = arith.mulf %bitcast_convert_type3A_702, %gather3A_692 : vector<16xf32>
          %add3A_705 = arith.addf %add3A_686, %mul3A_704 : vector<16xf32>
          %mul3A_706 = arith.mulf %bitcast_convert_type3A_703, %gather3A_692 : vector<16xf32>
          %add3A_707 = arith.addf %add3A_688, %mul3A_706 : vector<16xf32>
          %broadcast_in_dim3A_708 = arith.constant 14 : i32
          %broadcast_in_dim3A_709 = vector.broadcast %broadcast_in_dim3A_708 : i32 to vector<16x1xi32>
          %gather3A_710 = vector.shape_cast %broadcast_in_dim3A_709 : vector<16x1xi32> to vector<16xi32>
          %gather3A_711 = tpu.dynamic_gather %get3A_98[%gather3A_710] in [0] : vector<16xf32>, vector<16xi32> -> vector<16xf32>
          %get3A_712 = arith.constant 1 : i32
          %get3A_713 = arith.index_cast %get3A_712 : i32 to index
          %get3A_714 = arith.index_cast %scan3A_92 : i32 to index
          %get3A_715 = arith.constant 912 : index
          %get3A_716 = tpu.vector_load %arg11[%get3A_713, %get3A_714, %get3A_715] {strides = array<i32>} : memref<2x8x1152xi32, #tpu.memory_space<vmem>>, vector<1x1x16xi32>,
          %get3A_717 = vector.shape_cast %get3A_716 : vector<1x1x16xi32> to vector<16xi32>
          %shift_left3A_718 = arith.constant 16 : i32
          %shift_left3A_719 = vector.broadcast %shift_left3A_718 : i32 to vector<16xi32>
          %shift_left3A_720 = arith.shli %get3A_717, %shift_left3A_719 : vector<16xi32>
          %bitcast_convert_type3A_721 = tpu.bitcast %shift_left3A_720 : vector<16xi32> -> vector<16xf32>
          %bitcast_convert_type3A_722 = tpu.bitcast %get3A_717 : vector<16xi32> -> vector<16xf32>
          %mul3A_723 = arith.mulf %bitcast_convert_type3A_721, %gather3A_711 : vector<16xf32>
          %add3A_724 = arith.addf %add3A_705, %mul3A_723 : vector<16xf32>
          %mul3A_725 = arith.mulf %bitcast_convert_type3A_722, %gather3A_711 : vector<16xf32>
          %add3A_726 = arith.addf %add3A_707, %mul3A_725 : vector<16xf32>
          %broadcast_in_dim3A_727 = arith.constant 15 : i32
          %broadcast_in_dim3A_728 = vector.broadcast %broadcast_in_dim3A_727 : i32 to vector<16x1xi32>
          %gather3A_729 = vector.shape_cast %broadcast_in_dim3A_728 : vector<16x1xi32> to vector<16xi32>
          %gather3A_730 = tpu.dynamic_gather %get3A_98[%gather3A_729] in [0] : vector<16xf32>, vector<16xi32> -> vector<16xf32>
          %get3A_731 = arith.constant 1 : i32
          %get3A_732 = arith.index_cast %get3A_731 : i32 to index
          %get3A_733 = arith.index_cast %scan3A_92 : i32 to index
          %get3A_734 = arith.constant 976 : index
          %get3A_735 = tpu.vector_load %arg11[%get3A_732, %get3A_733, %get3A_734] {strides = array<i32>} : memref<2x8x1152xi32, #tpu.memory_space<vmem>>, vector<1x1x16xi32>,
          %get3A_736 = vector.shape_cast %get3A_735 : vector<1x1x16xi32> to vector<16xi32>
          %shift_left3A_737 = arith.constant 16 : i32
          %shift_left3A_738 = vector.broadcast %shift_left3A_737 : i32 to vector<16xi32>
          %shift_left3A_739 = arith.shli %get3A_736, %shift_left3A_738 : vector<16xi32>
          %bitcast_convert_type3A_740 = tpu.bitcast %shift_left3A_739 : vector<16xi32> -> vector<16xf32>
          %bitcast_convert_type3A_741 = tpu.bitcast %get3A_736 : vector<16xi32> -> vector<16xf32>
          %mul3A_742 = arith.mulf %bitcast_convert_type3A_740, %gather3A_730 : vector<16xf32>
          %add3A_743 = arith.addf %add3A_724, %mul3A_742 : vector<16xf32>
          %mul3A_744 = arith.mulf %bitcast_convert_type3A_741, %gather3A_730 : vector<16xf32>
          %add3A_745 = arith.addf %add3A_726, %mul3A_744 : vector<16xf32>
          %broadcast_in_dim3A_746 = arith.constant 0 : i32
          %broadcast_in_dim3A_747 = vector.broadcast %broadcast_in_dim3A_746 : i32 to vector<16x1xi32>
          %gather3A_748 = vector.shape_cast %broadcast_in_dim3A_747 : vector<16x1xi32> to vector<16xi32>
          %gather3A_749 = tpu.dynamic_gather %get3A_105[%gather3A_748] in [0] : vector<16xf32>, vector<16xi32> -> vector<16xf32>
          %get3A_750 = arith.constant 1 : i32
          %get3A_751 = arith.index_cast %get3A_750 : i32 to index
          %get3A_752 = arith.index_cast %scan3A_92 : i32 to index
          %get3A_753 = arith.constant 1040 : index
          %get3A_754 = tpu.vector_load %arg11[%get3A_751, %get3A_752, %get3A_753] {strides = array<i32>} : memref<2x8x1152xi32, #tpu.memory_space<vmem>>, vector<1x1x16xi32>,
          %get3A_755 = vector.shape_cast %get3A_754 : vector<1x1x16xi32> to vector<16xi32>
          %shift_left3A_756 = arith.constant 16 : i32
          %shift_left3A_757 = vector.broadcast %shift_left3A_756 : i32 to vector<16xi32>
          %shift_left3A_758 = arith.shli %get3A_755, %shift_left3A_757 : vector<16xi32>
          %bitcast_convert_type3A_759 = tpu.bitcast %shift_left3A_758 : vector<16xi32> -> vector<16xf32>
          %bitcast_convert_type3A_760 = tpu.bitcast %get3A_755 : vector<16xi32> -> vector<16xf32>
          %mul3A_761 = arith.mulf %bitcast_convert_type3A_759, %gather3A_749 : vector<16xf32>
          %add3A_762 = arith.addf %add3A_743, %mul3A_761 : vector<16xf32>
          %mul3A_763 = arith.mulf %bitcast_convert_type3A_760, %gather3A_749 : vector<16xf32>
          %add3A_764 = arith.addf %add3A_745, %mul3A_763 : vector<16xf32>
          %swap3A_765 = arith.index_cast %scan3A_92 : i32 to index
          %swap3A_766 = arith.constant 32 : index
          %swap3A_767 = tpu.vector_load %arg12[%swap3A_765, %swap3A_766] {strides = array<i32>} : memref<8x128xf32, #tpu.memory_space<vmem>>, vector<1x16xf32>,
          %swap3A_768 = vector.shape_cast %swap3A_767 : vector<1x16xf32> to vector<16xf32>
          %swap3A_769 = vector.shape_cast %add3A_762 : vector<16xf32> to vector<1x16xf32>
          tpu.vector_store %arg12[%swap3A_765, %swap3A_766], %swap3A_769 {strides = array<i32>} : memref<8x128xf32, #tpu.memory_space<vmem>>, vector<1x16xf32>,
          %swap3A_770 = arith.index_cast %scan3A_92 : i32 to index
          %swap3A_771 = arith.constant 48 : index
          %swap3A_772 = tpu.vector_load %arg12[%swap3A_770, %swap3A_771] {strides = array<i32>} : memref<8x128xf32, #tpu.memory_space<vmem>>, vector<1x16xf32>,
          %swap3A_773 = vector.shape_cast %swap3A_772 : vector<1x16xf32> to vector<16xf32>
          %swap3A_774 = vector.shape_cast %add3A_764 : vector<16xf32> to vector<1x16xf32>
          tpu.vector_store %arg12[%swap3A_770, %swap3A_771], %swap3A_774 {strides = array<i32>} : memref<8x128xf32, #tpu.memory_space<vmem>>, vector<1x16xf32>,
          %broadcast_in_dim3A_775 = arith.constant 0.000000e+00 : f32
          %broadcast_in_dim3A_776 = vector.broadcast %broadcast_in_dim3A_775 : f32 to vector<16xf32>
          %broadcast_in_dim3A_777 = arith.constant 0.000000e+00 : f32
          %broadcast_in_dim3A_778 = vector.broadcast %broadcast_in_dim3A_777 : f32 to vector<16xf32>
          %broadcast_in_dim3A_779 = arith.constant 0 : i32
          %broadcast_in_dim3A_780 = vector.broadcast %broadcast_in_dim3A_779 : i32 to vector<16x1xi32>
          %gather3A_781 = vector.shape_cast %broadcast_in_dim3A_780 : vector<16x1xi32> to vector<16xi32>
          %gather3A_782 = tpu.dynamic_gather %get3A_98[%gather3A_781] in [0] : vector<16xf32>, vector<16xi32> -> vector<16xf32>
          %get3A_783 = arith.constant 1 : i32
          %get3A_784 = arith.index_cast %get3A_783 : i32 to index
          %get3A_785 = arith.index_cast %scan3A_92 : i32 to index
          %get3A_786 = arith.constant 32 : index
          %get3A_787 = tpu.vector_load %arg11[%get3A_784, %get3A_785, %get3A_786] {strides = array<i32>} : memref<2x8x1152xi32, #tpu.memory_space<vmem>>, vector<1x1x16xi32>,
          %get3A_788 = vector.shape_cast %get3A_787 : vector<1x1x16xi32> to vector<16xi32>
          %shift_left3A_789 = arith.constant 16 : i32
          %shift_left3A_790 = vector.broadcast %shift_left3A_789 : i32 to vector<16xi32>
          %shift_left3A_791 = arith.shli %get3A_788, %shift_left3A_790 : vector<16xi32>
          %bitcast_convert_type3A_792 = tpu.bitcast %shift_left3A_791 : vector<16xi32> -> vector<16xf32>
          %bitcast_convert_type3A_793 = tpu.bitcast %get3A_788 : vector<16xi32> -> vector<16xf32>
          %mul3A_794 = arith.mulf %bitcast_convert_type3A_792, %gather3A_782 : vector<16xf32>
          %add3A_795 = arith.addf %broadcast_in_dim3A_776, %mul3A_794 : vector<16xf32>
          %mul3A_796 = arith.mulf %bitcast_convert_type3A_793, %gather3A_782 : vector<16xf32>
          %add3A_797 = arith.addf %broadcast_in_dim3A_778, %mul3A_796 : vector<16xf32>
          %broadcast_in_dim3A_798 = arith.constant 1 : i32
          %broadcast_in_dim3A_799 = vector.broadcast %broadcast_in_dim3A_798 : i32 to vector<16x1xi32>
          %gather3A_800 = vector.shape_cast %broadcast_in_dim3A_799 : vector<16x1xi32> to vector<16xi32>
          %gather3A_801 = tpu.dynamic_gather %get3A_98[%gather3A_800] in [0] : vector<16xf32>, vector<16xi32> -> vector<16xf32>
          %get3A_802 = arith.constant 1 : i32
          %get3A_803 = arith.index_cast %get3A_802 : i32 to index
          %get3A_804 = arith.index_cast %scan3A_92 : i32 to index
          %get3A_805 = arith.constant 96 : index
          %get3A_806 = tpu.vector_load %arg11[%get3A_803, %get3A_804, %get3A_805] {strides = array<i32>} : memref<2x8x1152xi32, #tpu.memory_space<vmem>>, vector<1x1x16xi32>,
          %get3A_807 = vector.shape_cast %get3A_806 : vector<1x1x16xi32> to vector<16xi32>
          %shift_left3A_808 = arith.constant 16 : i32
          %shift_left3A_809 = vector.broadcast %shift_left3A_808 : i32 to vector<16xi32>
          %shift_left3A_810 = arith.shli %get3A_807, %shift_left3A_809 : vector<16xi32>
          %bitcast_convert_type3A_811 = tpu.bitcast %shift_left3A_810 : vector<16xi32> -> vector<16xf32>
          %bitcast_convert_type3A_812 = tpu.bitcast %get3A_807 : vector<16xi32> -> vector<16xf32>
          %mul3A_813 = arith.mulf %bitcast_convert_type3A_811, %gather3A_801 : vector<16xf32>
          %add3A_814 = arith.addf %add3A_795, %mul3A_813 : vector<16xf32>
          %mul3A_815 = arith.mulf %bitcast_convert_type3A_812, %gather3A_801 : vector<16xf32>
          %add3A_816 = arith.addf %add3A_797, %mul3A_815 : vector<16xf32>
          %broadcast_in_dim3A_817 = arith.constant 2 : i32
          %broadcast_in_dim3A_818 = vector.broadcast %broadcast_in_dim3A_817 : i32 to vector<16x1xi32>
          %gather3A_819 = vector.shape_cast %broadcast_in_dim3A_818 : vector<16x1xi32> to vector<16xi32>
          %gather3A_820 = tpu.dynamic_gather %get3A_98[%gather3A_819] in [0] : vector<16xf32>, vector<16xi32> -> vector<16xf32>
          %get3A_821 = arith.constant 1 : i32
          %get3A_822 = arith.index_cast %get3A_821 : i32 to index
          %get3A_823 = arith.index_cast %scan3A_92 : i32 to index
          %get3A_824 = arith.constant 160 : index
          %get3A_825 = tpu.vector_load %arg11[%get3A_822, %get3A_823, %get3A_824] {strides = array<i32>} : memref<2x8x1152xi32, #tpu.memory_space<vmem>>, vector<1x1x16xi32>,
          %get3A_826 = vector.shape_cast %get3A_825 : vector<1x1x16xi32> to vector<16xi32>
          %shift_left3A_827 = arith.constant 16 : i32
          %shift_left3A_828 = vector.broadcast %shift_left3A_827 : i32 to vector<16xi32>
          %shift_left3A_829 = arith.shli %get3A_826, %shift_left3A_828 : vector<16xi32>
          %bitcast_convert_type3A_830 = tpu.bitcast %shift_left3A_829 : vector<16xi32> -> vector<16xf32>
          %bitcast_convert_type3A_831 = tpu.bitcast %get3A_826 : vector<16xi32> -> vector<16xf32>
          %mul3A_832 = arith.mulf %bitcast_convert_type3A_830, %gather3A_820 : vector<16xf32>
          %add3A_833 = arith.addf %add3A_814, %mul3A_832 : vector<16xf32>
          %mul3A_834 = arith.mulf %bitcast_convert_type3A_831, %gather3A_820 : vector<16xf32>
          %add3A_835 = arith.addf %add3A_816, %mul3A_834 : vector<16xf32>
          %broadcast_in_dim3A_836 = arith.constant 3 : i32
          %broadcast_in_dim3A_837 = vector.broadcast %broadcast_in_dim3A_836 : i32 to vector<16x1xi32>
          %gather3A_838 = vector.shape_cast %broadcast_in_dim3A_837 : vector<16x1xi32> to vector<16xi32>
          %gather3A_839 = tpu.dynamic_gather %get3A_98[%gather3A_838] in [0] : vector<16xf32>, vector<16xi32> -> vector<16xf32>
          %get3A_840 = arith.constant 1 : i32
          %get3A_841 = arith.index_cast %get3A_840 : i32 to index
          %get3A_842 = arith.index_cast %scan3A_92 : i32 to index
          %get3A_843 = arith.constant 224 : index
          %get3A_844 = tpu.vector_load %arg11[%get3A_841, %get3A_842, %get3A_843] {strides = array<i32>} : memref<2x8x1152xi32, #tpu.memory_space<vmem>>, vector<1x1x16xi32>,
          %get3A_845 = vector.shape_cast %get3A_844 : vector<1x1x16xi32> to vector<16xi32>
          %shift_left3A_846 = arith.constant 16 : i32
          %shift_left3A_847 = vector.broadcast %shift_left3A_846 : i32 to vector<16xi32>
          %shift_left3A_848 = arith.shli %get3A_845, %shift_left3A_847 : vector<16xi32>
          %bitcast_convert_type3A_849 = tpu.bitcast %shift_left3A_848 : vector<16xi32> -> vector<16xf32>
          %bitcast_convert_type3A_850 = tpu.bitcast %get3A_845 : vector<16xi32> -> vector<16xf32>
          %mul3A_851 = arith.mulf %bitcast_convert_type3A_849, %gather3A_839 : vector<16xf32>
          %add3A_852 = arith.addf %add3A_833, %mul3A_851 : vector<16xf32>
          %mul3A_853 = arith.mulf %bitcast_convert_type3A_850, %gather3A_839 : vector<16xf32>
          %add3A_854 = arith.addf %add3A_835, %mul3A_853 : vector<16xf32>
          %broadcast_in_dim3A_855 = arith.constant 4 : i32
          %broadcast_in_dim3A_856 = vector.broadcast %broadcast_in_dim3A_855 : i32 to vector<16x1xi32>
          %gather3A_857 = vector.shape_cast %broadcast_in_dim3A_856 : vector<16x1xi32> to vector<16xi32>
          %gather3A_858 = tpu.dynamic_gather %get3A_98[%gather3A_857] in [0] : vector<16xf32>, vector<16xi32> -> vector<16xf32>
          %get3A_859 = arith.constant 1 : i32
          %get3A_860 = arith.index_cast %get3A_859 : i32 to index
          %get3A_861 = arith.index_cast %scan3A_92 : i32 to index
          %get3A_862 = arith.constant 288 : index
          %get3A_863 = tpu.vector_load %arg11[%get3A_860, %get3A_861, %get3A_862] {strides = array<i32>} : memref<2x8x1152xi32, #tpu.memory_space<vmem>>, vector<1x1x16xi32>,
          %get3A_864 = vector.shape_cast %get3A_863 : vector<1x1x16xi32> to vector<16xi32>
          %shift_left3A_865 = arith.constant 16 : i32
          %shift_left3A_866 = vector.broadcast %shift_left3A_865 : i32 to vector<16xi32>
          %shift_left3A_867 = arith.shli %get3A_864, %shift_left3A_866 : vector<16xi32>
          %bitcast_convert_type3A_868 = tpu.bitcast %shift_left3A_867 : vector<16xi32> -> vector<16xf32>
          %bitcast_convert_type3A_869 = tpu.bitcast %get3A_864 : vector<16xi32> -> vector<16xf32>
          %mul3A_870 = arith.mulf %bitcast_convert_type3A_868, %gather3A_858 : vector<16xf32>
          %add3A_871 = arith.addf %add3A_852, %mul3A_870 : vector<16xf32>
          %mul3A_872 = arith.mulf %bitcast_convert_type3A_869, %gather3A_858 : vector<16xf32>
          %add3A_873 = arith.addf %add3A_854, %mul3A_872 : vector<16xf32>
          %broadcast_in_dim3A_874 = arith.constant 5 : i32
          %broadcast_in_dim3A_875 = vector.broadcast %broadcast_in_dim3A_874 : i32 to vector<16x1xi32>
          %gather3A_876 = vector.shape_cast %broadcast_in_dim3A_875 : vector<16x1xi32> to vector<16xi32>
          %gather3A_877 = tpu.dynamic_gather %get3A_98[%gather3A_876] in [0] : vector<16xf32>, vector<16xi32> -> vector<16xf32>
          %get3A_878 = arith.constant 1 : i32
          %get3A_879 = arith.index_cast %get3A_878 : i32 to index
          %get3A_880 = arith.index_cast %scan3A_92 : i32 to index
          %get3A_881 = arith.constant 352 : index
          %get3A_882 = tpu.vector_load %arg11[%get3A_879, %get3A_880, %get3A_881] {strides = array<i32>} : memref<2x8x1152xi32, #tpu.memory_space<vmem>>, vector<1x1x16xi32>,
          %get3A_883 = vector.shape_cast %get3A_882 : vector<1x1x16xi32> to vector<16xi32>
          %shift_left3A_884 = arith.constant 16 : i32
          %shift_left3A_885 = vector.broadcast %shift_left3A_884 : i32 to vector<16xi32>
          %shift_left3A_886 = arith.shli %get3A_883, %shift_left3A_885 : vector<16xi32>
          %bitcast_convert_type3A_887 = tpu.bitcast %shift_left3A_886 : vector<16xi32> -> vector<16xf32>
          %bitcast_convert_type3A_888 = tpu.bitcast %get3A_883 : vector<16xi32> -> vector<16xf32>
          %mul3A_889 = arith.mulf %bitcast_convert_type3A_887, %gather3A_877 : vector<16xf32>
          %add3A_890 = arith.addf %add3A_871, %mul3A_889 : vector<16xf32>
          %mul3A_891 = arith.mulf %bitcast_convert_type3A_888, %gather3A_877 : vector<16xf32>
          %add3A_892 = arith.addf %add3A_873, %mul3A_891 : vector<16xf32>
          %broadcast_in_dim3A_893 = arith.constant 6 : i32
          %broadcast_in_dim3A_894 = vector.broadcast %broadcast_in_dim3A_893 : i32 to vector<16x1xi32>
          %gather3A_895 = vector.shape_cast %broadcast_in_dim3A_894 : vector<16x1xi32> to vector<16xi32>
          %gather3A_896 = tpu.dynamic_gather %get3A_98[%gather3A_895] in [0] : vector<16xf32>, vector<16xi32> -> vector<16xf32>
          %get3A_897 = arith.constant 1 : i32
          %get3A_898 = arith.index_cast %get3A_897 : i32 to index
          %get3A_899 = arith.index_cast %scan3A_92 : i32 to index
          %get3A_900 = arith.constant 416 : index
          %get3A_901 = tpu.vector_load %arg11[%get3A_898, %get3A_899, %get3A_900] {strides = array<i32>} : memref<2x8x1152xi32, #tpu.memory_space<vmem>>, vector<1x1x16xi32>,
          %get3A_902 = vector.shape_cast %get3A_901 : vector<1x1x16xi32> to vector<16xi32>
          %shift_left3A_903 = arith.constant 16 : i32
          %shift_left3A_904 = vector.broadcast %shift_left3A_903 : i32 to vector<16xi32>
          %shift_left3A_905 = arith.shli %get3A_902, %shift_left3A_904 : vector<16xi32>
          %bitcast_convert_type3A_906 = tpu.bitcast %shift_left3A_905 : vector<16xi32> -> vector<16xf32>
          %bitcast_convert_type3A_907 = tpu.bitcast %get3A_902 : vector<16xi32> -> vector<16xf32>
          %mul3A_908 = arith.mulf %bitcast_convert_type3A_906, %gather3A_896 : vector<16xf32>
          %add3A_909 = arith.addf %add3A_890, %mul3A_908 : vector<16xf32>
          %mul3A_910 = arith.mulf %bitcast_convert_type3A_907, %gather3A_896 : vector<16xf32>
          %add3A_911 = arith.addf %add3A_892, %mul3A_910 : vector<16xf32>
          %broadcast_in_dim3A_912 = arith.constant 7 : i32
          %broadcast_in_dim3A_913 = vector.broadcast %broadcast_in_dim3A_912 : i32 to vector<16x1xi32>
          %gather3A_914 = vector.shape_cast %broadcast_in_dim3A_913 : vector<16x1xi32> to vector<16xi32>
          %gather3A_915 = tpu.dynamic_gather %get3A_98[%gather3A_914] in [0] : vector<16xf32>, vector<16xi32> -> vector<16xf32>
          %get3A_916 = arith.constant 1 : i32
          %get3A_917 = arith.index_cast %get3A_916 : i32 to index
          %get3A_918 = arith.index_cast %scan3A_92 : i32 to index
          %get3A_919 = arith.constant 480 : index
          %get3A_920 = tpu.vector_load %arg11[%get3A_917, %get3A_918, %get3A_919] {strides = array<i32>} : memref<2x8x1152xi32, #tpu.memory_space<vmem>>, vector<1x1x16xi32>,
          %get3A_921 = vector.shape_cast %get3A_920 : vector<1x1x16xi32> to vector<16xi32>
          %shift_left3A_922 = arith.constant 16 : i32
          %shift_left3A_923 = vector.broadcast %shift_left3A_922 : i32 to vector<16xi32>
          %shift_left3A_924 = arith.shli %get3A_921, %shift_left3A_923 : vector<16xi32>
          %bitcast_convert_type3A_925 = tpu.bitcast %shift_left3A_924 : vector<16xi32> -> vector<16xf32>
          %bitcast_convert_type3A_926 = tpu.bitcast %get3A_921 : vector<16xi32> -> vector<16xf32>
          %mul3A_927 = arith.mulf %bitcast_convert_type3A_925, %gather3A_915 : vector<16xf32>
          %add3A_928 = arith.addf %add3A_909, %mul3A_927 : vector<16xf32>
          %mul3A_929 = arith.mulf %bitcast_convert_type3A_926, %gather3A_915 : vector<16xf32>
          %add3A_930 = arith.addf %add3A_911, %mul3A_929 : vector<16xf32>
          %broadcast_in_dim3A_931 = arith.constant 8 : i32
          %broadcast_in_dim3A_932 = vector.broadcast %broadcast_in_dim3A_931 : i32 to vector<16x1xi32>
          %gather3A_933 = vector.shape_cast %broadcast_in_dim3A_932 : vector<16x1xi32> to vector<16xi32>
          %gather3A_934 = tpu.dynamic_gather %get3A_98[%gather3A_933] in [0] : vector<16xf32>, vector<16xi32> -> vector<16xf32>
          %get3A_935 = arith.constant 1 : i32
          %get3A_936 = arith.index_cast %get3A_935 : i32 to index
          %get3A_937 = arith.index_cast %scan3A_92 : i32 to index
          %get3A_938 = arith.constant 544 : index
          %get3A_939 = tpu.vector_load %arg11[%get3A_936, %get3A_937, %get3A_938] {strides = array<i32>} : memref<2x8x1152xi32, #tpu.memory_space<vmem>>, vector<1x1x16xi32>,
          %get3A_940 = vector.shape_cast %get3A_939 : vector<1x1x16xi32> to vector<16xi32>
          %shift_left3A_941 = arith.constant 16 : i32
          %shift_left3A_942 = vector.broadcast %shift_left3A_941 : i32 to vector<16xi32>
          %shift_left3A_943 = arith.shli %get3A_940, %shift_left3A_942 : vector<16xi32>
          %bitcast_convert_type3A_944 = tpu.bitcast %shift_left3A_943 : vector<16xi32> -> vector<16xf32>
          %bitcast_convert_type3A_945 = tpu.bitcast %get3A_940 : vector<16xi32> -> vector<16xf32>
          %mul3A_946 = arith.mulf %bitcast_convert_type3A_944, %gather3A_934 : vector<16xf32>
          %add3A_947 = arith.addf %add3A_928, %mul3A_946 : vector<16xf32>
          %mul3A_948 = arith.mulf %bitcast_convert_type3A_945, %gather3A_934 : vector<16xf32>
          %add3A_949 = arith.addf %add3A_930, %mul3A_948 : vector<16xf32>
          %broadcast_in_dim3A_950 = arith.constant 9 : i32
          %broadcast_in_dim3A_951 = vector.broadcast %broadcast_in_dim3A_950 : i32 to vector<16x1xi32>
          %gather3A_952 = vector.shape_cast %broadcast_in_dim3A_951 : vector<16x1xi32> to vector<16xi32>
          %gather3A_953 = tpu.dynamic_gather %get3A_98[%gather3A_952] in [0] : vector<16xf32>, vector<16xi32> -> vector<16xf32>
          %get3A_954 = arith.constant 1 : i32
          %get3A_955 = arith.index_cast %get3A_954 : i32 to index
          %get3A_956 = arith.index_cast %scan3A_92 : i32 to index
          %get3A_957 = arith.constant 608 : index
          %get3A_958 = tpu.vector_load %arg11[%get3A_955, %get3A_956, %get3A_957] {strides = array<i32>} : memref<2x8x1152xi32, #tpu.memory_space<vmem>>, vector<1x1x16xi32>,
          %get3A_959 = vector.shape_cast %get3A_958 : vector<1x1x16xi32> to vector<16xi32>
          %shift_left3A_960 = arith.constant 16 : i32
          %shift_left3A_961 = vector.broadcast %shift_left3A_960 : i32 to vector<16xi32>
          %shift_left3A_962 = arith.shli %get3A_959, %shift_left3A_961 : vector<16xi32>
          %bitcast_convert_type3A_963 = tpu.bitcast %shift_left3A_962 : vector<16xi32> -> vector<16xf32>
          %bitcast_convert_type3A_964 = tpu.bitcast %get3A_959 : vector<16xi32> -> vector<16xf32>
          %mul3A_965 = arith.mulf %bitcast_convert_type3A_963, %gather3A_953 : vector<16xf32>
          %add3A_966 = arith.addf %add3A_947, %mul3A_965 : vector<16xf32>
          %mul3A_967 = arith.mulf %bitcast_convert_type3A_964, %gather3A_953 : vector<16xf32>
          %add3A_968 = arith.addf %add3A_949, %mul3A_967 : vector<16xf32>
          %broadcast_in_dim3A_969 = arith.constant 10 : i32
          %broadcast_in_dim3A_970 = vector.broadcast %broadcast_in_dim3A_969 : i32 to vector<16x1xi32>
          %gather3A_971 = vector.shape_cast %broadcast_in_dim3A_970 : vector<16x1xi32> to vector<16xi32>
          %gather3A_972 = tpu.dynamic_gather %get3A_98[%gather3A_971] in [0] : vector<16xf32>, vector<16xi32> -> vector<16xf32>
          %get3A_973 = arith.constant 1 : i32
          %get3A_974 = arith.index_cast %get3A_973 : i32 to index
          %get3A_975 = arith.index_cast %scan3A_92 : i32 to index
          %get3A_976 = arith.constant 672 : index
          %get3A_977 = tpu.vector_load %arg11[%get3A_974, %get3A_975, %get3A_976] {strides = array<i32>} : memref<2x8x1152xi32, #tpu.memory_space<vmem>>, vector<1x1x16xi32>,
          %get3A_978 = vector.shape_cast %get3A_977 : vector<1x1x16xi32> to vector<16xi32>
          %shift_left3A_979 = arith.constant 16 : i32
          %shift_left3A_980 = vector.broadcast %shift_left3A_979 : i32 to vector<16xi32>
          %shift_left3A_981 = arith.shli %get3A_978, %shift_left3A_980 : vector<16xi32>
          %bitcast_convert_type3A_982 = tpu.bitcast %shift_left3A_981 : vector<16xi32> -> vector<16xf32>
          %bitcast_convert_type3A_983 = tpu.bitcast %get3A_978 : vector<16xi32> -> vector<16xf32>
          %mul3A_984 = arith.mulf %bitcast_convert_type3A_982, %gather3A_972 : vector<16xf32>
          %add3A_985 = arith.addf %add3A_966, %mul3A_984 : vector<16xf32>
          %mul3A_986 = arith.mulf %bitcast_convert_type3A_983, %gather3A_972 : vector<16xf32>
          %add3A_987 = arith.addf %add3A_968, %mul3A_986 : vector<16xf32>
          %broadcast_in_dim3A_988 = arith.constant 11 : i32
          %broadcast_in_dim3A_989 = vector.broadcast %broadcast_in_dim3A_988 : i32 to vector<16x1xi32>
          %gather3A_990 = vector.shape_cast %broadcast_in_dim3A_989 : vector<16x1xi32> to vector<16xi32>
          %gather3A_991 = tpu.dynamic_gather %get3A_98[%gather3A_990] in [0] : vector<16xf32>, vector<16xi32> -> vector<16xf32>
          %get3A_992 = arith.constant 1 : i32
          %get3A_993 = arith.index_cast %get3A_992 : i32 to index
          %get3A_994 = arith.index_cast %scan3A_92 : i32 to index
          %get3A_995 = arith.constant 736 : index
          %get3A_996 = tpu.vector_load %arg11[%get3A_993, %get3A_994, %get3A_995] {strides = array<i32>} : memref<2x8x1152xi32, #tpu.memory_space<vmem>>, vector<1x1x16xi32>,
          %get3A_997 = vector.shape_cast %get3A_996 : vector<1x1x16xi32> to vector<16xi32>
          %shift_left3A_998 = arith.constant 16 : i32
          %shift_left3A_999 = vector.broadcast %shift_left3A_998 : i32 to vector<16xi32>
          %shift_left3A_1000 = arith.shli %get3A_997, %shift_left3A_999 : vector<16xi32>
          %bitcast_convert_type3A_1001 = tpu.bitcast %shift_left3A_1000 : vector<16xi32> -> vector<16xf32>
          %bitcast_convert_type3A_1002 = tpu.bitcast %get3A_997 : vector<16xi32> -> vector<16xf32>
          %mul3A_1003 = arith.mulf %bitcast_convert_type3A_1001, %gather3A_991 : vector<16xf32>
          %add3A_1004 = arith.addf %add3A_985, %mul3A_1003 : vector<16xf32>
          %mul3A_1005 = arith.mulf %bitcast_convert_type3A_1002, %gather3A_991 : vector<16xf32>
          %add3A_1006 = arith.addf %add3A_987, %mul3A_1005 : vector<16xf32>
          %broadcast_in_dim3A_1007 = arith.constant 12 : i32
          %broadcast_in_dim3A_1008 = vector.broadcast %broadcast_in_dim3A_1007 : i32 to vector<16x1xi32>
          %gather3A_1009 = vector.shape_cast %broadcast_in_dim3A_1008 : vector<16x1xi32> to vector<16xi32>
          %gather3A_1010 = tpu.dynamic_gather %get3A_98[%gather3A_1009] in [0] : vector<16xf32>, vector<16xi32> -> vector<16xf32>
          %get3A_1011 = arith.constant 1 : i32
          %get3A_1012 = arith.index_cast %get3A_1011 : i32 to index
          %get3A_1013 = arith.index_cast %scan3A_92 : i32 to index
          %get3A_1014 = arith.constant 800 : index
          %get3A_1015 = tpu.vector_load %arg11[%get3A_1012, %get3A_1013, %get3A_1014] {strides = array<i32>} : memref<2x8x1152xi32, #tpu.memory_space<vmem>>, vector<1x1x16xi32>,
          %get3A_1016 = vector.shape_cast %get3A_1015 : vector<1x1x16xi32> to vector<16xi32>
          %shift_left3A_1017 = arith.constant 16 : i32
          %shift_left3A_1018 = vector.broadcast %shift_left3A_1017 : i32 to vector<16xi32>
          %shift_left3A_1019 = arith.shli %get3A_1016, %shift_left3A_1018 : vector<16xi32>
          %bitcast_convert_type3A_1020 = tpu.bitcast %shift_left3A_1019 : vector<16xi32> -> vector<16xf32>
          %bitcast_convert_type3A_1021 = tpu.bitcast %get3A_1016 : vector<16xi32> -> vector<16xf32>
          %mul3A_1022 = arith.mulf %bitcast_convert_type3A_1020, %gather3A_1010 : vector<16xf32>
          %add3A_1023 = arith.addf %add3A_1004, %mul3A_1022 : vector<16xf32>
          %mul3A_1024 = arith.mulf %bitcast_convert_type3A_1021, %gather3A_1010 : vector<16xf32>
          %add3A_1025 = arith.addf %add3A_1006, %mul3A_1024 : vector<16xf32>
          %broadcast_in_dim3A_1026 = arith.constant 13 : i32
          %broadcast_in_dim3A_1027 = vector.broadcast %broadcast_in_dim3A_1026 : i32 to vector<16x1xi32>
          %gather3A_1028 = vector.shape_cast %broadcast_in_dim3A_1027 : vector<16x1xi32> to vector<16xi32>
          %gather3A_1029 = tpu.dynamic_gather %get3A_98[%gather3A_1028] in [0] : vector<16xf32>, vector<16xi32> -> vector<16xf32>
          %get3A_1030 = arith.constant 1 : i32
          %get3A_1031 = arith.index_cast %get3A_1030 : i32 to index
          %get3A_1032 = arith.index_cast %scan3A_92 : i32 to index
          %get3A_1033 = arith.constant 864 : index
          %get3A_1034 = tpu.vector_load %arg11[%get3A_1031, %get3A_1032, %get3A_1033] {strides = array<i32>} : memref<2x8x1152xi32, #tpu.memory_space<vmem>>, vector<1x1x16xi32>,
          %get3A_1035 = vector.shape_cast %get3A_1034 : vector<1x1x16xi32> to vector<16xi32>
          %shift_left3A_1036 = arith.constant 16 : i32
          %shift_left3A_1037 = vector.broadcast %shift_left3A_1036 : i32 to vector<16xi32>
          %shift_left3A_1038 = arith.shli %get3A_1035, %shift_left3A_1037 : vector<16xi32>
          %bitcast_convert_type3A_1039 = tpu.bitcast %shift_left3A_1038 : vector<16xi32> -> vector<16xf32>
          %bitcast_convert_type3A_1040 = tpu.bitcast %get3A_1035 : vector<16xi32> -> vector<16xf32>
          %mul3A_1041 = arith.mulf %bitcast_convert_type3A_1039, %gather3A_1029 : vector<16xf32>
          %add3A_1042 = arith.addf %add3A_1023, %mul3A_1041 : vector<16xf32>
          %mul3A_1043 = arith.mulf %bitcast_convert_type3A_1040, %gather3A_1029 : vector<16xf32>
          %add3A_1044 = arith.addf %add3A_1025, %mul3A_1043 : vector<16xf32>
          %broadcast_in_dim3A_1045 = arith.constant 14 : i32
          %broadcast_in_dim3A_1046 = vector.broadcast %broadcast_in_dim3A_1045 : i32 to vector<16x1xi32>
          %gather3A_1047 = vector.shape_cast %broadcast_in_dim3A_1046 : vector<16x1xi32> to vector<16xi32>
          %gather3A_1048 = tpu.dynamic_gather %get3A_98[%gather3A_1047] in [0] : vector<16xf32>, vector<16xi32> -> vector<16xf32>
          %get3A_1049 = arith.constant 1 : i32
          %get3A_1050 = arith.index_cast %get3A_1049 : i32 to index
          %get3A_1051 = arith.index_cast %scan3A_92 : i32 to index
          %get3A_1052 = arith.constant 928 : index
          %get3A_1053 = tpu.vector_load %arg11[%get3A_1050, %get3A_1051, %get3A_1052] {strides = array<i32>} : memref<2x8x1152xi32, #tpu.memory_space<vmem>>, vector<1x1x16xi32>,
          %get3A_1054 = vector.shape_cast %get3A_1053 : vector<1x1x16xi32> to vector<16xi32>
          %shift_left3A_1055 = arith.constant 16 : i32
          %shift_left3A_1056 = vector.broadcast %shift_left3A_1055 : i32 to vector<16xi32>
          %shift_left3A_1057 = arith.shli %get3A_1054, %shift_left3A_1056 : vector<16xi32>
          %bitcast_convert_type3A_1058 = tpu.bitcast %shift_left3A_1057 : vector<16xi32> -> vector<16xf32>
          %bitcast_convert_type3A_1059 = tpu.bitcast %get3A_1054 : vector<16xi32> -> vector<16xf32>
          %mul3A_1060 = arith.mulf %bitcast_convert_type3A_1058, %gather3A_1048 : vector<16xf32>
          %add3A_1061 = arith.addf %add3A_1042, %mul3A_1060 : vector<16xf32>
          %mul3A_1062 = arith.mulf %bitcast_convert_type3A_1059, %gather3A_1048 : vector<16xf32>
          %add3A_1063 = arith.addf %add3A_1044, %mul3A_1062 : vector<16xf32>
          %broadcast_in_dim3A_1064 = arith.constant 15 : i32
          %broadcast_in_dim3A_1065 = vector.broadcast %broadcast_in_dim3A_1064 : i32 to vector<16x1xi32>
          %gather3A_1066 = vector.shape_cast %broadcast_in_dim3A_1065 : vector<16x1xi32> to vector<16xi32>
          %gather3A_1067 = tpu.dynamic_gather %get3A_98[%gather3A_1066] in [0] : vector<16xf32>, vector<16xi32> -> vector<16xf32>
          %get3A_1068 = arith.constant 1 : i32
          %get3A_1069 = arith.index_cast %get3A_1068 : i32 to index
          %get3A_1070 = arith.index_cast %scan3A_92 : i32 to index
          %get3A_1071 = arith.constant 992 : index
          %get3A_1072 = tpu.vector_load %arg11[%get3A_1069, %get3A_1070, %get3A_1071] {strides = array<i32>} : memref<2x8x1152xi32, #tpu.memory_space<vmem>>, vector<1x1x16xi32>,
          %get3A_1073 = vector.shape_cast %get3A_1072 : vector<1x1x16xi32> to vector<16xi32>
          %shift_left3A_1074 = arith.constant 16 : i32
          %shift_left3A_1075 = vector.broadcast %shift_left3A_1074 : i32 to vector<16xi32>
          %shift_left3A_1076 = arith.shli %get3A_1073, %shift_left3A_1075 : vector<16xi32>
          %bitcast_convert_type3A_1077 = tpu.bitcast %shift_left3A_1076 : vector<16xi32> -> vector<16xf32>
          %bitcast_convert_type3A_1078 = tpu.bitcast %get3A_1073 : vector<16xi32> -> vector<16xf32>
          %mul3A_1079 = arith.mulf %bitcast_convert_type3A_1077, %gather3A_1067 : vector<16xf32>
          %add3A_1080 = arith.addf %add3A_1061, %mul3A_1079 : vector<16xf32>
          %mul3A_1081 = arith.mulf %bitcast_convert_type3A_1078, %gather3A_1067 : vector<16xf32>
          %add3A_1082 = arith.addf %add3A_1063, %mul3A_1081 : vector<16xf32>
          %broadcast_in_dim3A_1083 = arith.constant 0 : i32
          %broadcast_in_dim3A_1084 = vector.broadcast %broadcast_in_dim3A_1083 : i32 to vector<16x1xi32>
          %gather3A_1085 = vector.shape_cast %broadcast_in_dim3A_1084 : vector<16x1xi32> to vector<16xi32>
          %gather3A_1086 = tpu.dynamic_gather %get3A_105[%gather3A_1085] in [0] : vector<16xf32>, vector<16xi32> -> vector<16xf32>
          %get3A_1087 = arith.constant 1 : i32
          %get3A_1088 = arith.index_cast %get3A_1087 : i32 to index
          %get3A_1089 = arith.index_cast %scan3A_92 : i32 to index
          %get3A_1090 = arith.constant 1056 : index
          %get3A_1091 = tpu.vector_load %arg11[%get3A_1088, %get3A_1089, %get3A_1090] {strides = array<i32>} : memref<2x8x1152xi32, #tpu.memory_space<vmem>>, vector<1x1x16xi32>,
          %get3A_1092 = vector.shape_cast %get3A_1091 : vector<1x1x16xi32> to vector<16xi32>
          %shift_left3A_1093 = arith.constant 16 : i32
          %shift_left3A_1094 = vector.broadcast %shift_left3A_1093 : i32 to vector<16xi32>
          %shift_left3A_1095 = arith.shli %get3A_1092, %shift_left3A_1094 : vector<16xi32>
          %bitcast_convert_type3A_1096 = tpu.bitcast %shift_left3A_1095 : vector<16xi32> -> vector<16xf32>
          %bitcast_convert_type3A_1097 = tpu.bitcast %get3A_1092 : vector<16xi32> -> vector<16xf32>
          %mul3A_1098 = arith.mulf %bitcast_convert_type3A_1096, %gather3A_1086 : vector<16xf32>
          %add3A_1099 = arith.addf %add3A_1080, %mul3A_1098 : vector<16xf32>
          %mul3A_1100 = arith.mulf %bitcast_convert_type3A_1097, %gather3A_1086 : vector<16xf32>
          %add3A_1101 = arith.addf %add3A_1082, %mul3A_1100 : vector<16xf32>
          %swap3A_1102 = arith.index_cast %scan3A_92 : i32 to index
          %swap3A_1103 = arith.constant 64 : index
          %swap3A_1104 = tpu.vector_load %arg12[%swap3A_1102, %swap3A_1103] {strides = array<i32>} : memref<8x128xf32, #tpu.memory_space<vmem>>, vector<1x16xf32>,
          %swap3A_1105 = vector.shape_cast %swap3A_1104 : vector<1x16xf32> to vector<16xf32>
          %swap3A_1106 = vector.shape_cast %add3A_1099 : vector<16xf32> to vector<1x16xf32>
          tpu.vector_store %arg12[%swap3A_1102, %swap3A_1103], %swap3A_1106 {strides = array<i32>} : memref<8x128xf32, #tpu.memory_space<vmem>>, vector<1x16xf32>,
          %swap3A_1107 = arith.index_cast %scan3A_92 : i32 to index
          %swap3A_1108 = arith.constant 80 : index
          %swap3A_1109 = tpu.vector_load %arg12[%swap3A_1107, %swap3A_1108] {strides = array<i32>} : memref<8x128xf32, #tpu.memory_space<vmem>>, vector<1x16xf32>,
          %swap3A_1110 = vector.shape_cast %swap3A_1109 : vector<1x16xf32> to vector<16xf32>
          %swap3A_1111 = vector.shape_cast %add3A_1101 : vector<16xf32> to vector<1x16xf32>
          tpu.vector_store %arg12[%swap3A_1107, %swap3A_1108], %swap3A_1111 {strides = array<i32>} : memref<8x128xf32, #tpu.memory_space<vmem>>, vector<1x16xf32>,
          %broadcast_in_dim3A_1112 = arith.constant 0.000000e+00 : f32
          %broadcast_in_dim3A_1113 = vector.broadcast %broadcast_in_dim3A_1112 : f32 to vector<16xf32>
          %broadcast_in_dim3A_1114 = arith.constant 0.000000e+00 : f32
          %broadcast_in_dim3A_1115 = vector.broadcast %broadcast_in_dim3A_1114 : f32 to vector<16xf32>
          %broadcast_in_dim3A_1116 = arith.constant 0 : i32
          %broadcast_in_dim3A_1117 = vector.broadcast %broadcast_in_dim3A_1116 : i32 to vector<16x1xi32>
          %gather3A_1118 = vector.shape_cast %broadcast_in_dim3A_1117 : vector<16x1xi32> to vector<16xi32>
          %gather3A_1119 = tpu.dynamic_gather %get3A_98[%gather3A_1118] in [0] : vector<16xf32>, vector<16xi32> -> vector<16xf32>
          %get3A_1120 = arith.constant 1 : i32
          %get3A_1121 = arith.index_cast %get3A_1120 : i32 to index
          %get3A_1122 = arith.index_cast %scan3A_92 : i32 to index
          %get3A_1123 = arith.constant 48 : index
          %get3A_1124 = tpu.vector_load %arg11[%get3A_1121, %get3A_1122, %get3A_1123] {strides = array<i32>} : memref<2x8x1152xi32, #tpu.memory_space<vmem>>, vector<1x1x16xi32>,
          %get3A_1125 = vector.shape_cast %get3A_1124 : vector<1x1x16xi32> to vector<16xi32>
          %shift_left3A_1126 = arith.constant 16 : i32
          %shift_left3A_1127 = vector.broadcast %shift_left3A_1126 : i32 to vector<16xi32>
          %shift_left3A_1128 = arith.shli %get3A_1125, %shift_left3A_1127 : vector<16xi32>
          %bitcast_convert_type3A_1129 = tpu.bitcast %shift_left3A_1128 : vector<16xi32> -> vector<16xf32>
          %bitcast_convert_type3A_1130 = tpu.bitcast %get3A_1125 : vector<16xi32> -> vector<16xf32>
          %mul3A_1131 = arith.mulf %bitcast_convert_type3A_1129, %gather3A_1119 : vector<16xf32>
          %add3A_1132 = arith.addf %broadcast_in_dim3A_1113, %mul3A_1131 : vector<16xf32>
          %mul3A_1133 = arith.mulf %bitcast_convert_type3A_1130, %gather3A_1119 : vector<16xf32>
          %add3A_1134 = arith.addf %broadcast_in_dim3A_1115, %mul3A_1133 : vector<16xf32>
          %broadcast_in_dim3A_1135 = arith.constant 1 : i32
          %broadcast_in_dim3A_1136 = vector.broadcast %broadcast_in_dim3A_1135 : i32 to vector<16x1xi32>
          %gather3A_1137 = vector.shape_cast %broadcast_in_dim3A_1136 : vector<16x1xi32> to vector<16xi32>
          %gather3A_1138 = tpu.dynamic_gather %get3A_98[%gather3A_1137] in [0] : vector<16xf32>, vector<16xi32> -> vector<16xf32>
          %get3A_1139 = arith.constant 1 : i32
          %get3A_1140 = arith.index_cast %get3A_1139 : i32 to index
          %get3A_1141 = arith.index_cast %scan3A_92 : i32 to index
          %get3A_1142 = arith.constant 112 : index
          %get3A_1143 = tpu.vector_load %arg11[%get3A_1140, %get3A_1141, %get3A_1142] {strides = array<i32>} : memref<2x8x1152xi32, #tpu.memory_space<vmem>>, vector<1x1x16xi32>,
          %get3A_1144 = vector.shape_cast %get3A_1143 : vector<1x1x16xi32> to vector<16xi32>
          %shift_left3A_1145 = arith.constant 16 : i32
          %shift_left3A_1146 = vector.broadcast %shift_left3A_1145 : i32 to vector<16xi32>
          %shift_left3A_1147 = arith.shli %get3A_1144, %shift_left3A_1146 : vector<16xi32>
          %bitcast_convert_type3A_1148 = tpu.bitcast %shift_left3A_1147 : vector<16xi32> -> vector<16xf32>
          %bitcast_convert_type3A_1149 = tpu.bitcast %get3A_1144 : vector<16xi32> -> vector<16xf32>
          %mul3A_1150 = arith.mulf %bitcast_convert_type3A_1148, %gather3A_1138 : vector<16xf32>
          %add3A_1151 = arith.addf %add3A_1132, %mul3A_1150 : vector<16xf32>
          %mul3A_1152 = arith.mulf %bitcast_convert_type3A_1149, %gather3A_1138 : vector<16xf32>
          %add3A_1153 = arith.addf %add3A_1134, %mul3A_1152 : vector<16xf32>
          %broadcast_in_dim3A_1154 = arith.constant 2 : i32
          %broadcast_in_dim3A_1155 = vector.broadcast %broadcast_in_dim3A_1154 : i32 to vector<16x1xi32>
          %gather3A_1156 = vector.shape_cast %broadcast_in_dim3A_1155 : vector<16x1xi32> to vector<16xi32>
          %gather3A_1157 = tpu.dynamic_gather %get3A_98[%gather3A_1156] in [0] : vector<16xf32>, vector<16xi32> -> vector<16xf32>
          %get3A_1158 = arith.constant 1 : i32
          %get3A_1159 = arith.index_cast %get3A_1158 : i32 to index
          %get3A_1160 = arith.index_cast %scan3A_92 : i32 to index
          %get3A_1161 = arith.constant 176 : index
          %get3A_1162 = tpu.vector_load %arg11[%get3A_1159, %get3A_1160, %get3A_1161] {strides = array<i32>} : memref<2x8x1152xi32, #tpu.memory_space<vmem>>, vector<1x1x16xi32>,
          %get3A_1163 = vector.shape_cast %get3A_1162 : vector<1x1x16xi32> to vector<16xi32>
          %shift_left3A_1164 = arith.constant 16 : i32
          %shift_left3A_1165 = vector.broadcast %shift_left3A_1164 : i32 to vector<16xi32>
          %shift_left3A_1166 = arith.shli %get3A_1163, %shift_left3A_1165 : vector<16xi32>
          %bitcast_convert_type3A_1167 = tpu.bitcast %shift_left3A_1166 : vector<16xi32> -> vector<16xf32>
          %bitcast_convert_type3A_1168 = tpu.bitcast %get3A_1163 : vector<16xi32> -> vector<16xf32>
          %mul3A_1169 = arith.mulf %bitcast_convert_type3A_1167, %gather3A_1157 : vector<16xf32>
          %add3A_1170 = arith.addf %add3A_1151, %mul3A_1169 : vector<16xf32>
          %mul3A_1171 = arith.mulf %bitcast_convert_type3A_1168, %gather3A_1157 : vector<16xf32>
          %add3A_1172 = arith.addf %add3A_1153, %mul3A_1171 : vector<16xf32>
          %broadcast_in_dim3A_1173 = arith.constant 3 : i32
          %broadcast_in_dim3A_1174 = vector.broadcast %broadcast_in_dim3A_1173 : i32 to vector<16x1xi32>
          %gather3A_1175 = vector.shape_cast %broadcast_in_dim3A_1174 : vector<16x1xi32> to vector<16xi32>
          %gather3A_1176 = tpu.dynamic_gather %get3A_98[%gather3A_1175] in [0] : vector<16xf32>, vector<16xi32> -> vector<16xf32>
          %get3A_1177 = arith.constant 1 : i32
          %get3A_1178 = arith.index_cast %get3A_1177 : i32 to index
          %get3A_1179 = arith.index_cast %scan3A_92 : i32 to index
          %get3A_1180 = arith.constant 240 : index
          %get3A_1181 = tpu.vector_load %arg11[%get3A_1178, %get3A_1179, %get3A_1180] {strides = array<i32>} : memref<2x8x1152xi32, #tpu.memory_space<vmem>>, vector<1x1x16xi32>,
          %get3A_1182 = vector.shape_cast %get3A_1181 : vector<1x1x16xi32> to vector<16xi32>
          %shift_left3A_1183 = arith.constant 16 : i32
          %shift_left3A_1184 = vector.broadcast %shift_left3A_1183 : i32 to vector<16xi32>
          %shift_left3A_1185 = arith.shli %get3A_1182, %shift_left3A_1184 : vector<16xi32>
          %bitcast_convert_type3A_1186 = tpu.bitcast %shift_left3A_1185 : vector<16xi32> -> vector<16xf32>
          %bitcast_convert_type3A_1187 = tpu.bitcast %get3A_1182 : vector<16xi32> -> vector<16xf32>
          %mul3A_1188 = arith.mulf %bitcast_convert_type3A_1186, %gather3A_1176 : vector<16xf32>
          %add3A_1189 = arith.addf %add3A_1170, %mul3A_1188 : vector<16xf32>
          %mul3A_1190 = arith.mulf %bitcast_convert_type3A_1187, %gather3A_1176 : vector<16xf32>
          %add3A_1191 = arith.addf %add3A_1172, %mul3A_1190 : vector<16xf32>
          %broadcast_in_dim3A_1192 = arith.constant 4 : i32
          %broadcast_in_dim3A_1193 = vector.broadcast %broadcast_in_dim3A_1192 : i32 to vector<16x1xi32>
          %gather3A_1194 = vector.shape_cast %broadcast_in_dim3A_1193 : vector<16x1xi32> to vector<16xi32>
          %gather3A_1195 = tpu.dynamic_gather %get3A_98[%gather3A_1194] in [0] : vector<16xf32>, vector<16xi32> -> vector<16xf32>
          %get3A_1196 = arith.constant 1 : i32
          %get3A_1197 = arith.index_cast %get3A_1196 : i32 to index
          %get3A_1198 = arith.index_cast %scan3A_92 : i32 to index
          %get3A_1199 = arith.constant 304 : index
          %get3A_1200 = tpu.vector_load %arg11[%get3A_1197, %get3A_1198, %get3A_1199] {strides = array<i32>} : memref<2x8x1152xi32, #tpu.memory_space<vmem>>, vector<1x1x16xi32>,
          %get3A_1201 = vector.shape_cast %get3A_1200 : vector<1x1x16xi32> to vector<16xi32>
          %shift_left3A_1202 = arith.constant 16 : i32
          %shift_left3A_1203 = vector.broadcast %shift_left3A_1202 : i32 to vector<16xi32>
          %shift_left3A_1204 = arith.shli %get3A_1201, %shift_left3A_1203 : vector<16xi32>
          %bitcast_convert_type3A_1205 = tpu.bitcast %shift_left3A_1204 : vector<16xi32> -> vector<16xf32>
          %bitcast_convert_type3A_1206 = tpu.bitcast %get3A_1201 : vector<16xi32> -> vector<16xf32>
          %mul3A_1207 = arith.mulf %bitcast_convert_type3A_1205, %gather3A_1195 : vector<16xf32>
          %add3A_1208 = arith.addf %add3A_1189, %mul3A_1207 : vector<16xf32>
          %mul3A_1209 = arith.mulf %bitcast_convert_type3A_1206, %gather3A_1195 : vector<16xf32>
          %add3A_1210 = arith.addf %add3A_1191, %mul3A_1209 : vector<16xf32>
          %broadcast_in_dim3A_1211 = arith.constant 5 : i32
          %broadcast_in_dim3A_1212 = vector.broadcast %broadcast_in_dim3A_1211 : i32 to vector<16x1xi32>
          %gather3A_1213 = vector.shape_cast %broadcast_in_dim3A_1212 : vector<16x1xi32> to vector<16xi32>
          %gather3A_1214 = tpu.dynamic_gather %get3A_98[%gather3A_1213] in [0] : vector<16xf32>, vector<16xi32> -> vector<16xf32>
          %get3A_1215 = arith.constant 1 : i32
          %get3A_1216 = arith.index_cast %get3A_1215 : i32 to index
          %get3A_1217 = arith.index_cast %scan3A_92 : i32 to index
          %get3A_1218 = arith.constant 368 : index
          %get3A_1219 = tpu.vector_load %arg11[%get3A_1216, %get3A_1217, %get3A_1218] {strides = array<i32>} : memref<2x8x1152xi32, #tpu.memory_space<vmem>>, vector<1x1x16xi32>,
          %get3A_1220 = vector.shape_cast %get3A_1219 : vector<1x1x16xi32> to vector<16xi32>
          %shift_left3A_1221 = arith.constant 16 : i32
          %shift_left3A_1222 = vector.broadcast %shift_left3A_1221 : i32 to vector<16xi32>
          %shift_left3A_1223 = arith.shli %get3A_1220, %shift_left3A_1222 : vector<16xi32>
          %bitcast_convert_type3A_1224 = tpu.bitcast %shift_left3A_1223 : vector<16xi32> -> vector<16xf32>
          %bitcast_convert_type3A_1225 = tpu.bitcast %get3A_1220 : vector<16xi32> -> vector<16xf32>
          %mul3A_1226 = arith.mulf %bitcast_convert_type3A_1224, %gather3A_1214 : vector<16xf32>
          %add3A_1227 = arith.addf %add3A_1208, %mul3A_1226 : vector<16xf32>
          %mul3A_1228 = arith.mulf %bitcast_convert_type3A_1225, %gather3A_1214 : vector<16xf32>
          %add3A_1229 = arith.addf %add3A_1210, %mul3A_1228 : vector<16xf32>
          %broadcast_in_dim3A_1230 = arith.constant 6 : i32
          %broadcast_in_dim3A_1231 = vector.broadcast %broadcast_in_dim3A_1230 : i32 to vector<16x1xi32>
          %gather3A_1232 = vector.shape_cast %broadcast_in_dim3A_1231 : vector<16x1xi32> to vector<16xi32>
          %gather3A_1233 = tpu.dynamic_gather %get3A_98[%gather3A_1232] in [0] : vector<16xf32>, vector<16xi32> -> vector<16xf32>
          %get3A_1234 = arith.constant 1 : i32
          %get3A_1235 = arith.index_cast %get3A_1234 : i32 to index
          %get3A_1236 = arith.index_cast %scan3A_92 : i32 to index
          %get3A_1237 = arith.constant 432 : index
          %get3A_1238 = tpu.vector_load %arg11[%get3A_1235, %get3A_1236, %get3A_1237] {strides = array<i32>} : memref<2x8x1152xi32, #tpu.memory_space<vmem>>, vector<1x1x16xi32>,
          %get3A_1239 = vector.shape_cast %get3A_1238 : vector<1x1x16xi32> to vector<16xi32>
          %shift_left3A_1240 = arith.constant 16 : i32
          %shift_left3A_1241 = vector.broadcast %shift_left3A_1240 : i32 to vector<16xi32>
          %shift_left3A_1242 = arith.shli %get3A_1239, %shift_left3A_1241 : vector<16xi32>
          %bitcast_convert_type3A_1243 = tpu.bitcast %shift_left3A_1242 : vector<16xi32> -> vector<16xf32>
          %bitcast_convert_type3A_1244 = tpu.bitcast %get3A_1239 : vector<16xi32> -> vector<16xf32>
          %mul3A_1245 = arith.mulf %bitcast_convert_type3A_1243, %gather3A_1233 : vector<16xf32>
          %add3A_1246 = arith.addf %add3A_1227, %mul3A_1245 : vector<16xf32>
          %mul3A_1247 = arith.mulf %bitcast_convert_type3A_1244, %gather3A_1233 : vector<16xf32>
          %add3A_1248 = arith.addf %add3A_1229, %mul3A_1247 : vector<16xf32>
          %broadcast_in_dim3A_1249 = arith.constant 7 : i32
          %broadcast_in_dim3A_1250 = vector.broadcast %broadcast_in_dim3A_1249 : i32 to vector<16x1xi32>
          %gather3A_1251 = vector.shape_cast %broadcast_in_dim3A_1250 : vector<16x1xi32> to vector<16xi32>
          %gather3A_1252 = tpu.dynamic_gather %get3A_98[%gather3A_1251] in [0] : vector<16xf32>, vector<16xi32> -> vector<16xf32>
          %get3A_1253 = arith.constant 1 : i32
          %get3A_1254 = arith.index_cast %get3A_1253 : i32 to index
          %get3A_1255 = arith.index_cast %scan3A_92 : i32 to index
          %get3A_1256 = arith.constant 496 : index
          %get3A_1257 = tpu.vector_load %arg11[%get3A_1254, %get3A_1255, %get3A_1256] {strides = array<i32>} : memref<2x8x1152xi32, #tpu.memory_space<vmem>>, vector<1x1x16xi32>,
          %get3A_1258 = vector.shape_cast %get3A_1257 : vector<1x1x16xi32> to vector<16xi32>
          %shift_left3A_1259 = arith.constant 16 : i32
          %shift_left3A_1260 = vector.broadcast %shift_left3A_1259 : i32 to vector<16xi32>
          %shift_left3A_1261 = arith.shli %get3A_1258, %shift_left3A_1260 : vector<16xi32>
          %bitcast_convert_type3A_1262 = tpu.bitcast %shift_left3A_1261 : vector<16xi32> -> vector<16xf32>
          %bitcast_convert_type3A_1263 = tpu.bitcast %get3A_1258 : vector<16xi32> -> vector<16xf32>
          %mul3A_1264 = arith.mulf %bitcast_convert_type3A_1262, %gather3A_1252 : vector<16xf32>
          %add3A_1265 = arith.addf %add3A_1246, %mul3A_1264 : vector<16xf32>
          %mul3A_1266 = arith.mulf %bitcast_convert_type3A_1263, %gather3A_1252 : vector<16xf32>
          %add3A_1267 = arith.addf %add3A_1248, %mul3A_1266 : vector<16xf32>
          %broadcast_in_dim3A_1268 = arith.constant 8 : i32
          %broadcast_in_dim3A_1269 = vector.broadcast %broadcast_in_dim3A_1268 : i32 to vector<16x1xi32>
          %gather3A_1270 = vector.shape_cast %broadcast_in_dim3A_1269 : vector<16x1xi32> to vector<16xi32>
          %gather3A_1271 = tpu.dynamic_gather %get3A_98[%gather3A_1270] in [0] : vector<16xf32>, vector<16xi32> -> vector<16xf32>
          %get3A_1272 = arith.constant 1 : i32
          %get3A_1273 = arith.index_cast %get3A_1272 : i32 to index
          %get3A_1274 = arith.index_cast %scan3A_92 : i32 to index
          %get3A_1275 = arith.constant 560 : index
          %get3A_1276 = tpu.vector_load %arg11[%get3A_1273, %get3A_1274, %get3A_1275] {strides = array<i32>} : memref<2x8x1152xi32, #tpu.memory_space<vmem>>, vector<1x1x16xi32>,
          %get3A_1277 = vector.shape_cast %get3A_1276 : vector<1x1x16xi32> to vector<16xi32>
          %shift_left3A_1278 = arith.constant 16 : i32
          %shift_left3A_1279 = vector.broadcast %shift_left3A_1278 : i32 to vector<16xi32>
          %shift_left3A_1280 = arith.shli %get3A_1277, %shift_left3A_1279 : vector<16xi32>
          %bitcast_convert_type3A_1281 = tpu.bitcast %shift_left3A_1280 : vector<16xi32> -> vector<16xf32>
          %bitcast_convert_type3A_1282 = tpu.bitcast %get3A_1277 : vector<16xi32> -> vector<16xf32>
          %mul3A_1283 = arith.mulf %bitcast_convert_type3A_1281, %gather3A_1271 : vector<16xf32>
          %add3A_1284 = arith.addf %add3A_1265, %mul3A_1283 : vector<16xf32>
          %mul3A_1285 = arith.mulf %bitcast_convert_type3A_1282, %gather3A_1271 : vector<16xf32>
          %add3A_1286 = arith.addf %add3A_1267, %mul3A_1285 : vector<16xf32>
          %broadcast_in_dim3A_1287 = arith.constant 9 : i32
          %broadcast_in_dim3A_1288 = vector.broadcast %broadcast_in_dim3A_1287 : i32 to vector<16x1xi32>
          %gather3A_1289 = vector.shape_cast %broadcast_in_dim3A_1288 : vector<16x1xi32> to vector<16xi32>
          %gather3A_1290 = tpu.dynamic_gather %get3A_98[%gather3A_1289] in [0] : vector<16xf32>, vector<16xi32> -> vector<16xf32>
          %get3A_1291 = arith.constant 1 : i32
          %get3A_1292 = arith.index_cast %get3A_1291 : i32 to index
          %get3A_1293 = arith.index_cast %scan3A_92 : i32 to index
          %get3A_1294 = arith.constant 624 : index
          %get3A_1295 = tpu.vector_load %arg11[%get3A_1292, %get3A_1293, %get3A_1294] {strides = array<i32>} : memref<2x8x1152xi32, #tpu.memory_space<vmem>>, vector<1x1x16xi32>,
          %get3A_1296 = vector.shape_cast %get3A_1295 : vector<1x1x16xi32> to vector<16xi32>
          %shift_left3A_1297 = arith.constant 16 : i32
          %shift_left3A_1298 = vector.broadcast %shift_left3A_1297 : i32 to vector<16xi32>
          %shift_left3A_1299 = arith.shli %get3A_1296, %shift_left3A_1298 : vector<16xi32>
          %bitcast_convert_type3A_1300 = tpu.bitcast %shift_left3A_1299 : vector<16xi32> -> vector<16xf32>
          %bitcast_convert_type3A_1301 = tpu.bitcast %get3A_1296 : vector<16xi32> -> vector<16xf32>
          %mul3A_1302 = arith.mulf %bitcast_convert_type3A_1300, %gather3A_1290 : vector<16xf32>
          %add3A_1303 = arith.addf %add3A_1284, %mul3A_1302 : vector<16xf32>
          %mul3A_1304 = arith.mulf %bitcast_convert_type3A_1301, %gather3A_1290 : vector<16xf32>
          %add3A_1305 = arith.addf %add3A_1286, %mul3A_1304 : vector<16xf32>
          %broadcast_in_dim3A_1306 = arith.constant 10 : i32
          %broadcast_in_dim3A_1307 = vector.broadcast %broadcast_in_dim3A_1306 : i32 to vector<16x1xi32>
          %gather3A_1308 = vector.shape_cast %broadcast_in_dim3A_1307 : vector<16x1xi32> to vector<16xi32>
          %gather3A_1309 = tpu.dynamic_gather %get3A_98[%gather3A_1308] in [0] : vector<16xf32>, vector<16xi32> -> vector<16xf32>
          %get3A_1310 = arith.constant 1 : i32
          %get3A_1311 = arith.index_cast %get3A_1310 : i32 to index
          %get3A_1312 = arith.index_cast %scan3A_92 : i32 to index
          %get3A_1313 = arith.constant 688 : index
          %get3A_1314 = tpu.vector_load %arg11[%get3A_1311, %get3A_1312, %get3A_1313] {strides = array<i32>} : memref<2x8x1152xi32, #tpu.memory_space<vmem>>, vector<1x1x16xi32>,
          %get3A_1315 = vector.shape_cast %get3A_1314 : vector<1x1x16xi32> to vector<16xi32>
          %shift_left3A_1316 = arith.constant 16 : i32
          %shift_left3A_1317 = vector.broadcast %shift_left3A_1316 : i32 to vector<16xi32>
          %shift_left3A_1318 = arith.shli %get3A_1315, %shift_left3A_1317 : vector<16xi32>
          %bitcast_convert_type3A_1319 = tpu.bitcast %shift_left3A_1318 : vector<16xi32> -> vector<16xf32>
          %bitcast_convert_type3A_1320 = tpu.bitcast %get3A_1315 : vector<16xi32> -> vector<16xf32>
          %mul3A_1321 = arith.mulf %bitcast_convert_type3A_1319, %gather3A_1309 : vector<16xf32>
          %add3A_1322 = arith.addf %add3A_1303, %mul3A_1321 : vector<16xf32>
          %mul3A_1323 = arith.mulf %bitcast_convert_type3A_1320, %gather3A_1309 : vector<16xf32>
          %add3A_1324 = arith.addf %add3A_1305, %mul3A_1323 : vector<16xf32>
          %broadcast_in_dim3A_1325 = arith.constant 11 : i32
          %broadcast_in_dim3A_1326 = vector.broadcast %broadcast_in_dim3A_1325 : i32 to vector<16x1xi32>
          %gather3A_1327 = vector.shape_cast %broadcast_in_dim3A_1326 : vector<16x1xi32> to vector<16xi32>
          %gather3A_1328 = tpu.dynamic_gather %get3A_98[%gather3A_1327] in [0] : vector<16xf32>, vector<16xi32> -> vector<16xf32>
          %get3A_1329 = arith.constant 1 : i32
          %get3A_1330 = arith.index_cast %get3A_1329 : i32 to index
          %get3A_1331 = arith.index_cast %scan3A_92 : i32 to index
          %get3A_1332 = arith.constant 752 : index
          %get3A_1333 = tpu.vector_load %arg11[%get3A_1330, %get3A_1331, %get3A_1332] {strides = array<i32>} : memref<2x8x1152xi32, #tpu.memory_space<vmem>>, vector<1x1x16xi32>,
          %get3A_1334 = vector.shape_cast %get3A_1333 : vector<1x1x16xi32> to vector<16xi32>
          %shift_left3A_1335 = arith.constant 16 : i32
          %shift_left3A_1336 = vector.broadcast %shift_left3A_1335 : i32 to vector<16xi32>
          %shift_left3A_1337 = arith.shli %get3A_1334, %shift_left3A_1336 : vector<16xi32>
          %bitcast_convert_type3A_1338 = tpu.bitcast %shift_left3A_1337 : vector<16xi32> -> vector<16xf32>
          %bitcast_convert_type3A_1339 = tpu.bitcast %get3A_1334 : vector<16xi32> -> vector<16xf32>
          %mul3A_1340 = arith.mulf %bitcast_convert_type3A_1338, %gather3A_1328 : vector<16xf32>
          %add3A_1341 = arith.addf %add3A_1322, %mul3A_1340 : vector<16xf32>
          %mul3A_1342 = arith.mulf %bitcast_convert_type3A_1339, %gather3A_1328 : vector<16xf32>
          %add3A_1343 = arith.addf %add3A_1324, %mul3A_1342 : vector<16xf32>
          %broadcast_in_dim3A_1344 = arith.constant 12 : i32
          %broadcast_in_dim3A_1345 = vector.broadcast %broadcast_in_dim3A_1344 : i32 to vector<16x1xi32>
          %gather3A_1346 = vector.shape_cast %broadcast_in_dim3A_1345 : vector<16x1xi32> to vector<16xi32>
          %gather3A_1347 = tpu.dynamic_gather %get3A_98[%gather3A_1346] in [0] : vector<16xf32>, vector<16xi32> -> vector<16xf32>
          %get3A_1348 = arith.constant 1 : i32
          %get3A_1349 = arith.index_cast %get3A_1348 : i32 to index
          %get3A_1350 = arith.index_cast %scan3A_92 : i32 to index
          %get3A_1351 = arith.constant 816 : index
          %get3A_1352 = tpu.vector_load %arg11[%get3A_1349, %get3A_1350, %get3A_1351] {strides = array<i32>} : memref<2x8x1152xi32, #tpu.memory_space<vmem>>, vector<1x1x16xi32>,
          %get3A_1353 = vector.shape_cast %get3A_1352 : vector<1x1x16xi32> to vector<16xi32>
          %shift_left3A_1354 = arith.constant 16 : i32
          %shift_left3A_1355 = vector.broadcast %shift_left3A_1354 : i32 to vector<16xi32>
          %shift_left3A_1356 = arith.shli %get3A_1353, %shift_left3A_1355 : vector<16xi32>
          %bitcast_convert_type3A_1357 = tpu.bitcast %shift_left3A_1356 : vector<16xi32> -> vector<16xf32>
          %bitcast_convert_type3A_1358 = tpu.bitcast %get3A_1353 : vector<16xi32> -> vector<16xf32>
          %mul3A_1359 = arith.mulf %bitcast_convert_type3A_1357, %gather3A_1347 : vector<16xf32>
          %add3A_1360 = arith.addf %add3A_1341, %mul3A_1359 : vector<16xf32>
          %mul3A_1361 = arith.mulf %bitcast_convert_type3A_1358, %gather3A_1347 : vector<16xf32>
          %add3A_1362 = arith.addf %add3A_1343, %mul3A_1361 : vector<16xf32>
          %broadcast_in_dim3A_1363 = arith.constant 13 : i32
          %broadcast_in_dim3A_1364 = vector.broadcast %broadcast_in_dim3A_1363 : i32 to vector<16x1xi32>
          %gather3A_1365 = vector.shape_cast %broadcast_in_dim3A_1364 : vector<16x1xi32> to vector<16xi32>
          %gather3A_1366 = tpu.dynamic_gather %get3A_98[%gather3A_1365] in [0] : vector<16xf32>, vector<16xi32> -> vector<16xf32>
          %get3A_1367 = arith.constant 1 : i32
          %get3A_1368 = arith.index_cast %get3A_1367 : i32 to index
          %get3A_1369 = arith.index_cast %scan3A_92 : i32 to index
          %get3A_1370 = arith.constant 880 : index
          %get3A_1371 = tpu.vector_load %arg11[%get3A_1368, %get3A_1369, %get3A_1370] {strides = array<i32>} : memref<2x8x1152xi32, #tpu.memory_space<vmem>>, vector<1x1x16xi32>,
          %get3A_1372 = vector.shape_cast %get3A_1371 : vector<1x1x16xi32> to vector<16xi32>
          %shift_left3A_1373 = arith.constant 16 : i32
          %shift_left3A_1374 = vector.broadcast %shift_left3A_1373 : i32 to vector<16xi32>
          %shift_left3A_1375 = arith.shli %get3A_1372, %shift_left3A_1374 : vector<16xi32>
          %bitcast_convert_type3A_1376 = tpu.bitcast %shift_left3A_1375 : vector<16xi32> -> vector<16xf32>
          %bitcast_convert_type3A_1377 = tpu.bitcast %get3A_1372 : vector<16xi32> -> vector<16xf32>
          %mul3A_1378 = arith.mulf %bitcast_convert_type3A_1376, %gather3A_1366 : vector<16xf32>
          %add3A_1379 = arith.addf %add3A_1360, %mul3A_1378 : vector<16xf32>
          %mul3A_1380 = arith.mulf %bitcast_convert_type3A_1377, %gather3A_1366 : vector<16xf32>
          %add3A_1381 = arith.addf %add3A_1362, %mul3A_1380 : vector<16xf32>
          %broadcast_in_dim3A_1382 = arith.constant 14 : i32
          %broadcast_in_dim3A_1383 = vector.broadcast %broadcast_in_dim3A_1382 : i32 to vector<16x1xi32>
          %gather3A_1384 = vector.shape_cast %broadcast_in_dim3A_1383 : vector<16x1xi32> to vector<16xi32>
          %gather3A_1385 = tpu.dynamic_gather %get3A_98[%gather3A_1384] in [0] : vector<16xf32>, vector<16xi32> -> vector<16xf32>
          %get3A_1386 = arith.constant 1 : i32
          %get3A_1387 = arith.index_cast %get3A_1386 : i32 to index
          %get3A_1388 = arith.index_cast %scan3A_92 : i32 to index
          %get3A_1389 = arith.constant 944 : index
          %get3A_1390 = tpu.vector_load %arg11[%get3A_1387, %get3A_1388, %get3A_1389] {strides = array<i32>} : memref<2x8x1152xi32, #tpu.memory_space<vmem>>, vector<1x1x16xi32>,
          %get3A_1391 = vector.shape_cast %get3A_1390 : vector<1x1x16xi32> to vector<16xi32>
          %shift_left3A_1392 = arith.constant 16 : i32
          %shift_left3A_1393 = vector.broadcast %shift_left3A_1392 : i32 to vector<16xi32>
          %shift_left3A_1394 = arith.shli %get3A_1391, %shift_left3A_1393 : vector<16xi32>
          %bitcast_convert_type3A_1395 = tpu.bitcast %shift_left3A_1394 : vector<16xi32> -> vector<16xf32>
          %bitcast_convert_type3A_1396 = tpu.bitcast %get3A_1391 : vector<16xi32> -> vector<16xf32>
          %mul3A_1397 = arith.mulf %bitcast_convert_type3A_1395, %gather3A_1385 : vector<16xf32>
          %add3A_1398 = arith.addf %add3A_1379, %mul3A_1397 : vector<16xf32>
          %mul3A_1399 = arith.mulf %bitcast_convert_type3A_1396, %gather3A_1385 : vector<16xf32>
          %add3A_1400 = arith.addf %add3A_1381, %mul3A_1399 : vector<16xf32>
          %broadcast_in_dim3A_1401 = arith.constant 15 : i32
          %broadcast_in_dim3A_1402 = vector.broadcast %broadcast_in_dim3A_1401 : i32 to vector<16x1xi32>
          %gather3A_1403 = vector.shape_cast %broadcast_in_dim3A_1402 : vector<16x1xi32> to vector<16xi32>
          %gather3A_1404 = tpu.dynamic_gather %get3A_98[%gather3A_1403] in [0] : vector<16xf32>, vector<16xi32> -> vector<16xf32>
          %get3A_1405 = arith.constant 1 : i32
          %get3A_1406 = arith.index_cast %get3A_1405 : i32 to index
          %get3A_1407 = arith.index_cast %scan3A_92 : i32 to index
          %get3A_1408 = arith.constant 1008 : index
          %get3A_1409 = tpu.vector_load %arg11[%get3A_1406, %get3A_1407, %get3A_1408] {strides = array<i32>} : memref<2x8x1152xi32, #tpu.memory_space<vmem>>, vector<1x1x16xi32>,
          %get3A_1410 = vector.shape_cast %get3A_1409 : vector<1x1x16xi32> to vector<16xi32>
          %shift_left3A_1411 = arith.constant 16 : i32
          %shift_left3A_1412 = vector.broadcast %shift_left3A_1411 : i32 to vector<16xi32>
          %shift_left3A_1413 = arith.shli %get3A_1410, %shift_left3A_1412 : vector<16xi32>
          %bitcast_convert_type3A_1414 = tpu.bitcast %shift_left3A_1413 : vector<16xi32> -> vector<16xf32>
          %bitcast_convert_type3A_1415 = tpu.bitcast %get3A_1410 : vector<16xi32> -> vector<16xf32>
          %mul3A_1416 = arith.mulf %bitcast_convert_type3A_1414, %gather3A_1404 : vector<16xf32>
          %add3A_1417 = arith.addf %add3A_1398, %mul3A_1416 : vector<16xf32>
          %mul3A_1418 = arith.mulf %bitcast_convert_type3A_1415, %gather3A_1404 : vector<16xf32>
          %add3A_1419 = arith.addf %add3A_1400, %mul3A_1418 : vector<16xf32>
          %broadcast_in_dim3A_1420 = arith.constant 0 : i32
          %broadcast_in_dim3A_1421 = vector.broadcast %broadcast_in_dim3A_1420 : i32 to vector<16x1xi32>
          %gather3A_1422 = vector.shape_cast %broadcast_in_dim3A_1421 : vector<16x1xi32> to vector<16xi32>
          %gather3A_1423 = tpu.dynamic_gather %get3A_105[%gather3A_1422] in [0] : vector<16xf32>, vector<16xi32> -> vector<16xf32>
          %get3A_1424 = arith.constant 1 : i32
          %get3A_1425 = arith.index_cast %get3A_1424 : i32 to index
          %get3A_1426 = arith.index_cast %scan3A_92 : i32 to index
          %get3A_1427 = arith.constant 1072 : index
          %get3A_1428 = tpu.vector_load %arg11[%get3A_1425, %get3A_1426, %get3A_1427] {strides = array<i32>} : memref<2x8x1152xi32, #tpu.memory_space<vmem>>, vector<1x1x16xi32>,
          %get3A_1429 = vector.shape_cast %get3A_1428 : vector<1x1x16xi32> to vector<16xi32>
          %shift_left3A_1430 = arith.constant 16 : i32
          %shift_left3A_1431 = vector.broadcast %shift_left3A_1430 : i32 to vector<16xi32>
          %shift_left3A_1432 = arith.shli %get3A_1429, %shift_left3A_1431 : vector<16xi32>
          %bitcast_convert_type3A_1433 = tpu.bitcast %shift_left3A_1432 : vector<16xi32> -> vector<16xf32>
          %bitcast_convert_type3A_1434 = tpu.bitcast %get3A_1429 : vector<16xi32> -> vector<16xf32>
          %mul3A_1435 = arith.mulf %bitcast_convert_type3A_1433, %gather3A_1423 : vector<16xf32>
          %add3A_1436 = arith.addf %add3A_1417, %mul3A_1435 : vector<16xf32>
          %mul3A_1437 = arith.mulf %bitcast_convert_type3A_1434, %gather3A_1423 : vector<16xf32>
          %add3A_1438 = arith.addf %add3A_1419, %mul3A_1437 : vector<16xf32>
          %swap3A_1439 = arith.index_cast %scan3A_92 : i32 to index
          %swap3A_1440 = arith.constant 96 : index
          %swap3A_1441 = tpu.vector_load %arg12[%swap3A_1439, %swap3A_1440] {strides = array<i32>} : memref<8x128xf32, #tpu.memory_space<vmem>>, vector<1x16xf32>,
          %swap3A_1442 = vector.shape_cast %swap3A_1441 : vector<1x16xf32> to vector<16xf32>
          %swap3A_1443 = vector.shape_cast %add3A_1436 : vector<16xf32> to vector<1x16xf32>
          tpu.vector_store %arg12[%swap3A_1439, %swap3A_1440], %swap3A_1443 {strides = array<i32>} : memref<8x128xf32, #tpu.memory_space<vmem>>, vector<1x16xf32>,
          %swap3A_1444 = arith.index_cast %scan3A_92 : i32 to index
          %swap3A_1445 = arith.constant 112 : index
          %swap3A_1446 = tpu.vector_load %arg12[%swap3A_1444, %swap3A_1445] {strides = array<i32>} : memref<8x128xf32, #tpu.memory_space<vmem>>, vector<1x16xf32>,
          %swap3A_1447 = vector.shape_cast %swap3A_1446 : vector<1x16xf32> to vector<16xf32>
          %swap3A_1448 = vector.shape_cast %add3A_1438 : vector<16xf32> to vector<1x16xf32>
          tpu.vector_store %arg12[%swap3A_1444, %swap3A_1445], %swap3A_1448 {strides = array<i32>} : memref<8x128xf32, #tpu.memory_space<vmem>>, vector<1x16xf32>,
        }
        %scan3A_91 = arith.constant 8 : i32
        "tpu.region"() ({
          %run_scoped3A = tpu.sem_alloc : memref<!tpu.dma_semaphore, #tpu.memory_space<semaphore_mem>>
          %dma_start3A_92 = arith.constant 0 : i32
          %dma_start3A_93 = tpu.memref_slice %arg9[%add3A_63, %dma_start3A_92] : memref<16x8xi32, #tpu.memory_space<vmem>> -> memref<1x8xi32, #tpu.memory_space<vmem>>
          %dma_start3A_94 = tpu.memref_squeeze %dma_start3A_93 : memref<1x8xi32, #tpu.memory_space<vmem>> -> memref<8xi32, #tpu.memory_space<vmem>>
          %dma_start3A_95 = arith.constant 0 : i32
          %dma_start3A_96 = arith.constant 0 : i32
          %dma_start3A_97 = tpu.memref_slice %arg13[%dma_start3A_95, %dma_start3A_96] : memref<10240x128xf32, #tpu.memory_space<vmem_shared>> -> memref<10240x128xf32, #tpu.memory_space<vmem_shared>>
          tpu.enqueue_indirect_dma source(%arg12 : memref<8x128xf32, #tpu.memory_space<vmem>>) target(%dma_start3A_97 : memref<10240x128xf32, #tpu.memory_space<vmem_shared>>) offsets(%dma_start3A_94 : memref<8xi32, #tpu.memory_space<vmem>>) semaphore(%run_scoped3A : memref<!tpu.dma_semaphore, #tpu.memory_space<semaphore_mem>>) {add = true}
          %dma_wait3A_98 = arith.constant 0 : i32
          %dma_wait3A_99 = tpu.memref_slice %arg9[%add3A_63, %dma_wait3A_98] : memref<16x8xi32, #tpu.memory_space<vmem>> -> memref<1x8xi32, #tpu.memory_space<vmem>>
          %dma_wait3A_100 = tpu.memref_squeeze %dma_wait3A_99 : memref<1x8xi32, #tpu.memory_space<vmem>> -> memref<8xi32, #tpu.memory_space<vmem>>
          %dma_wait3A_101 = arith.constant 0 : i32
          %dma_wait3A_102 = arith.constant 0 : i32
          %dma_wait3A_103 = tpu.memref_slice %arg13[%dma_wait3A_101, %dma_wait3A_102] : memref<10240x128xf32, #tpu.memory_space<vmem_shared>> -> memref<10240x128xf32, #tpu.memory_space<vmem_shared>>
          tpu.wait_indirect_dma semaphore(%run_scoped3A : memref<!tpu.dma_semaphore, #tpu.memory_space<semaphore_mem>>) src(%arg12 : memref<8x128xf32, #tpu.memory_space<vmem>>) dst(%dma_wait3A_103 : memref<10240x128xf32, #tpu.memory_space<vmem_shared>>)
          tpu.yield
        }) : () -> ()
      }
      %scan3A_31 = arith.constant 8 : i32
    }
    %scan3A_5 = arith.constant 40 : i32
    %barrier3A_6 = arith.constant 0 : index
    tpu.barrier barrier_id(%barrier3A_6)
    %mul3A_7 = arith.constant 640 : i32
    %mul3A_8 = arith.muli %arg1, %mul3A_7 : i32
    %mul3A_9 = arith.constant 640 : i32
    %mul3A_10 = arith.muli %arg1, %mul3A_9 : i32
    "tpu.region"() ({
      %run_scoped3A = tpu.sem_alloc : memref<!tpu.dma_semaphore, #tpu.memory_space<semaphore_mem>>
      %dma_start3A = arith.constant 0 : i32
      %dma_start3A_11 = tpu.memref_slice %arg7[%arg0, %mul3A_10, %dma_start3A] : memref<2x10240x128xf32, #tpu.memory_space<hbm>> -> memref<1x640x128xf32, #tpu.memory_space<hbm>>
      %dma_start3A_12 = tpu.memref_squeeze %dma_start3A_11 : memref<1x640x128xf32, #tpu.memory_space<hbm>> -> memref<640x128xf32, #tpu.memory_space<hbm>>
      %dma_start3A_13 = arith.constant 0 : i32
      %dma_start3A_14 = tpu.memref_slice %arg13[%mul3A_8, %dma_start3A_13] : memref<10240x128xf32, #tpu.memory_space<vmem_shared>> -> memref<640x128xf32, #tpu.memory_space<vmem_shared>>
      tpu.enqueue_dma source(%dma_start3A_14 : memref<640x128xf32, #tpu.memory_space<vmem_shared>>) target(%dma_start3A_12 : memref<640x128xf32, #tpu.memory_space<hbm>>) target_semaphore(%run_scoped3A : memref<!tpu.dma_semaphore, #tpu.memory_space<semaphore_mem>>)
      %dma_wait3A = arith.constant 0 : i32
      %dma_wait3A_15 = tpu.memref_slice %arg7[%arg0, %mul3A_10, %dma_wait3A] : memref<2x10240x128xf32, #tpu.memory_space<hbm>> -> memref<1x640x128xf32, #tpu.memory_space<hbm>>
      %dma_wait3A_16 = tpu.memref_squeeze %dma_wait3A_15 : memref<1x640x128xf32, #tpu.memory_space<hbm>> -> memref<640x128xf32, #tpu.memory_space<hbm>>
      %dma_wait3A_17 = arith.constant 0 : i32
      %dma_wait3A_18 = tpu.memref_slice %arg13[%mul3A_8, %dma_wait3A_17] : memref<10240x128xf32, #tpu.memory_space<vmem_shared>> -> memref<640x128xf32, #tpu.memory_space<vmem_shared>>
      tpu.wait_dma2 semaphore(%run_scoped3A : memref<!tpu.dma_semaphore, #tpu.memory_space<semaphore_mem>>) src(%dma_wait3A_18 : memref<640x128xf32, #tpu.memory_space<vmem_shared>>) dst(%dma_wait3A_16 : memref<640x128xf32, #tpu.memory_space<hbm>>)
      tpu.yield
    }) : () -> ()
    return
  }
}

module attributes {stable_mosaic.version = 14 : i64} {
  func.func @body(%arg0: i32, %arg1: i32, %arg2: memref<1x400x128xf32, #tpu.memory_space<vmem>>, %arg3: memref<1x128x2304xf32, #tpu.memory_space<vmem>>, %arg4: memref<1x400x2304xbf16, #tpu.memory_space<vmem>>) attributes {dimension_semantics = [#tpu.dimension_semantics<arbitrary>, #tpu.dimension_semantics<arbitrary>], iteration_bounds = array<i64: 2, 25>, scalar_prefetch = 0 : i64, scratch_operands = 0 : i64, tpu.core_type = #tpu.core_type<tc>, window_params = [{transform_indices = @transform_0, window_bounds = array<i64: 1, 400, 128>}, {transform_indices = @transform_1, window_bounds = array<i64: 1, 128, 2304>}, {transform_indices = @transform_2, window_bounds = array<i64: 1, 400, 2304>}]} {
    %get3A = arith.constant 0 : index
    %get3A_0 = arith.constant 0 : index
    %get3A_1 = arith.constant 0 : index
    %get3A_2 = vector.load %arg2[%get3A, %get3A_0, %get3A_1] : memref<1x400x128xf32, #tpu.memory_space<vmem>>, vector<1x400x128xf32>
    %get3A_3 = vector.shape_cast %get3A_2 : vector<1x400x128xf32> to vector<400x128xf32>
    %get3A_4 = arith.constant 0 : index
    %get3A_5 = arith.constant 0 : index
    %get3A_6 = arith.constant 0 : index
    %get3A_7 = vector.load %arg3[%get3A_4, %get3A_5, %get3A_6] : memref<1x128x2304xf32, #tpu.memory_space<vmem>>, vector<1x128x2304xf32>
    %get3A_8 = vector.shape_cast %get3A_7 : vector<1x128x2304xf32> to vector<128x2304xf32>
    %dot_general3A = arith.constant dense<0.000000e+00> : vector<400x2304xf32>
    %dot_general3A_9 = tpu.matmul %get3A_3, %get3A_8, %dot_general3A {dimension_numbers = #tpu.dot_dimension_numbers<[1], [0], [0], [1], [0, 0, 1, 1], [], []>, transpose_lhs_hint = false} : vector<400x128xf32>, vector<128x2304xf32>, vector<400x2304xf32> -> vector<400x2304xf32>
    %convert_element_type3A = arith.truncf %dot_general3A_9 : vector<400x2304xf32> to vector<400x2304xbf16>
    %swap3A = arith.constant 0 : index
    %swap3A_10 = arith.constant 0 : index
    %swap3A_11 = arith.constant 0 : index
    %swap3A_12 = vector.load %arg4[%swap3A, %swap3A_10, %swap3A_11] : memref<1x400x2304xbf16, #tpu.memory_space<vmem>>, vector<1x400x2304xbf16>
    %swap3A_13 = vector.shape_cast %swap3A_12 : vector<1x400x2304xbf16> to vector<400x2304xbf16>
    %swap3A_14 = vector.shape_cast %convert_element_type3A : vector<400x2304xbf16> to vector<1x400x2304xbf16>
    tpu.vector_store %arg4[%swap3A, %swap3A_10, %swap3A_11], %swap3A_14 {strides = array<i32>} : memref<1x400x2304xbf16, #tpu.memory_space<vmem>>, vector<1x400x2304xbf16>,
    return
  }
  func.func @transform_0(%arg0: i32, %arg1: i32) -> (i32, i32, i32) {
    %c0_i32 = arith.constant 0 : i32
    %c0_i32_0 = arith.constant 0 : i32
    return %arg0, %arg1, %c0_i32 : i32, i32, i32
  }
  func.func @transform_1(%arg0: i32, %arg1: i32) -> (i32, i32, i32) {
    %c0_i32 = arith.constant 0 : i32
    %c0_i32_0 = arith.constant 0 : i32
    %c0_i32_1 = arith.constant 0 : i32
    return %arg0, %c0_i32, %c0_i32_0 : i32, i32, i32
  }
  func.func @transform_2(%arg0: i32, %arg1: i32) -> (i32, i32, i32) {
    %c0_i32 = arith.constant 0 : i32
    %c0_i32_0 = arith.constant 0 : i32
    return %arg0, %arg1, %c0_i32 : i32, i32, i32
  }
}

module attributes {stable_mosaic.version = 14 : i64} {
  func.func @body(%arg0: i32, %arg1: i32, %arg2: memref<1x400x128xf32, #tpu.memory_space<vmem>>, %arg3: memref<1x400x128xf32, #tpu.memory_space<vmem>>, %arg4: memref<1x128x128xf32, #tpu.memory_space<vmem>>, %arg5: memref<1x1x128xf32, #tpu.memory_space<vmem>>, %arg6: memref<1x400x128xf32, #tpu.memory_space<vmem>>) attributes {dimension_semantics = [#tpu.dimension_semantics<arbitrary>, #tpu.dimension_semantics<arbitrary>], iteration_bounds = array<i64: 2, 25>, scalar_prefetch = 0 : i64, scratch_operands = 0 : i64, tpu.core_type = #tpu.core_type<tc>, window_params = [{transform_indices = @transform_0, window_bounds = array<i64: 1, 400, 128>}, {transform_indices = @transform_1, window_bounds = array<i64: 1, 400, 128>}, {transform_indices = @transform_2, window_bounds = array<i64: 1, 128, 128>}, {transform_indices = @transform_3, window_bounds = array<i64: 1, 1, 128>}, {transform_indices = @transform_4, window_bounds = array<i64: 1, 400, 128>}]} {
    %get3A = arith.constant 0 : index
    %get3A_0 = arith.constant 0 : index
    %get3A_1 = arith.constant 0 : index
    %get3A_2 = vector.load %arg2[%get3A, %get3A_0, %get3A_1] : memref<1x400x128xf32, #tpu.memory_space<vmem>>, vector<1x400x128xf32>
    %get3A_3 = vector.shape_cast %get3A_2 : vector<1x400x128xf32> to vector<400x128xf32>
    %get3A_4 = arith.constant 0 : index
    %get3A_5 = arith.constant 0 : index
    %get3A_6 = arith.constant 0 : index
    %get3A_7 = vector.load %arg3[%get3A_4, %get3A_5, %get3A_6] : memref<1x400x128xf32, #tpu.memory_space<vmem>>, vector<1x400x128xf32>
    %get3A_8 = vector.shape_cast %get3A_7 : vector<1x400x128xf32> to vector<400x128xf32>
    %get3A_9 = arith.constant 0 : index
    %get3A_10 = arith.constant 0 : index
    %get3A_11 = arith.constant 0 : index
    %get3A_12 = vector.load %arg4[%get3A_9, %get3A_10, %get3A_11] : memref<1x128x128xf32, #tpu.memory_space<vmem>>, vector<1x128x128xf32>
    %get3A_13 = vector.shape_cast %get3A_12 : vector<1x128x128xf32> to vector<128x128xf32>
    %dot_general3A = arith.constant dense<0.000000e+00> : vector<400x128xf32>
    %dot_general3A_14 = tpu.matmul %get3A_8, %get3A_13, %dot_general3A {dimension_numbers = #tpu.dot_dimension_numbers<[1], [0], [0], [1], [0, 0, 1, 1], [], []>, transpose_lhs_hint = false} : vector<400x128xf32>, vector<128x128xf32>, vector<400x128xf32> -> vector<400x128xf32>
    %add3A = arith.addf %get3A_3, %dot_general3A_14 : vector<400x128xf32>
    %get3A_15 = arith.constant 0 : index
    %get3A_16 = arith.constant 0 : index
    %get3A_17 = arith.constant 0 : index
    %get3A_18 = vector.load %arg5[%get3A_15, %get3A_16, %get3A_17] : memref<1x1x128xf32, #tpu.memory_space<vmem>>, vector<1x1x128xf32>
    %get3A_19 = vector.shape_cast %get3A_18 : vector<1x1x128xf32> to vector<1x128xf32>
    %add3A_20 = vector.broadcast %get3A_19 : vector<1x128xf32> to vector<400x128xf32>
    %add3A_21 = arith.addf %add3A, %add3A_20 : vector<400x128xf32>
    %swap3A = arith.constant 0 : index
    %swap3A_22 = arith.constant 0 : index
    %swap3A_23 = arith.constant 0 : index
    %swap3A_24 = vector.load %arg6[%swap3A, %swap3A_22, %swap3A_23] : memref<1x400x128xf32, #tpu.memory_space<vmem>>, vector<1x400x128xf32>
    %swap3A_25 = vector.shape_cast %swap3A_24 : vector<1x400x128xf32> to vector<400x128xf32>
    %swap3A_26 = vector.shape_cast %add3A_21 : vector<400x128xf32> to vector<1x400x128xf32>
    tpu.vector_store %arg6[%swap3A, %swap3A_22, %swap3A_23], %swap3A_26 {strides = array<i32>} : memref<1x400x128xf32, #tpu.memory_space<vmem>>, vector<1x400x128xf32>,
    return
  }
  func.func @transform_0(%arg0: i32, %arg1: i32) -> (i32, i32, i32) {
    %c0_i32 = arith.constant 0 : i32
    %c0_i32_0 = arith.constant 0 : i32
    return %arg0, %arg1, %c0_i32 : i32, i32, i32
  }
  func.func @transform_1(%arg0: i32, %arg1: i32) -> (i32, i32, i32) {
    %c0_i32 = arith.constant 0 : i32
    %c0_i32_0 = arith.constant 0 : i32
    return %arg0, %arg1, %c0_i32 : i32, i32, i32
  }
  func.func @transform_2(%arg0: i32, %arg1: i32) -> (i32, i32, i32) {
    %c0_i32 = arith.constant 0 : i32
    %c0_i32_0 = arith.constant 0 : i32
    %c0_i32_1 = arith.constant 0 : i32
    return %arg0, %c0_i32, %c0_i32_0 : i32, i32, i32
  }
  func.func @transform_3(%arg0: i32, %arg1: i32) -> (i32, i32, i32) {
    %c0_i32 = arith.constant 0 : i32
    %c0_i32_0 = arith.constant 0 : i32
    %c0_i32_1 = arith.constant 0 : i32
    return %arg0, %c0_i32, %c0_i32_0 : i32, i32, i32
  }
  func.func @transform_4(%arg0: i32, %arg1: i32) -> (i32, i32, i32) {
    %c0_i32 = arith.constant 0 : i32
    %c0_i32_0 = arith.constant 0 : i32
    return %arg0, %arg1, %c0_i32 : i32, i32, i32
  }
}

</mosaic_0001>

<sc_bundles>
// kernel: kernel.5.cloned.1.call-start
scs
__scs_entry_jumppad:
0x0: {  	(pc) =	sbr.rel $0x88, $3  }
0x1: {  	(tag) =	ssettag $0x0;
	lr =	simm.s32 $0x1  }
0x2: {  	[smem:$0x3F93] =	sst lr;
	_ =	strace $0xD0000000  }
0x3: {  	_ = 	snop  }
0x4: {  	_ = 	snop  }
0x5: {  	_ = 	snop  }
0x6: {  	_ = 	snop  }
0x7: {  	_ = 	snop  }
__scs_overlays_trampoline_lowered:
0x8: {  	[smem:$0x3FA2] =	sst s0  }
0x9: {  	[smem:$0x3FA3] =	sst s1  }
0xa: {  	[smem:$0x3FA4] =	sst s2  }
0xb: {  	[smem:$0x3FA5] =	sst s3  }
0xc: {  	[smem:$0x3FA6] =	sst s4  }
0xd: {  	[smem:$0x3FA7] =	sst s5  }
0xe: {  	[smem:$0x3FA8] =	sst s6  }
0xf: {  	[smem:$0x3FA9] =	sst s7  }
0x10: {  	[smem:$0x3FAA] =	sst s8  }
0x11: {  	[smem:$0x3FAB] =	sst s9;
	s0 =	simm.s32 @!p0 $0x0  }
0x12: {  	s1 =	sld [smem:$0x3F91];
	s0 =	simm.s32 @p0 $0x1  }
0x13: {  	[smem:$0x3FAC] =	sst s0;
	s0 =	simm.s32 @!p1 $0x0  }
0x14: {  	s2 =	sld [smem:$0x3F90];
	s0 =	simm.s32 @p1 $0x1  }
0x15: {  	[smem:$0x3FAD] =	sst s0;
	s0 =	simm.s32 @!p2 $0x0  }
0x16: {  	s3 =	sld [smem:$0x3FDB];
	s0 =	simm.s32 @p2 $0x1  }
0x17: {  	s4 =	simm.s32 $0x1BF5;
	[smem:$0x3FAF] =	sst s0  }
0x18: {  	s0 =	sld [smem:$0x3F92];
	_ =	swait.ge [sflag:s4], $0x0  }
0x19: {  	s7 =	sld [smem:$0x3F93]  }
0x1a: {  	s8 =	sadd.s32 $0xFFFFE003, lr  }
0x1b: {  	s9 =	sadd.s32 $0xFFFFFEF7, lr;
	s5 =	simm.s32 $0xFFFFFFFF;
	p2 =	slt.u32 s8, $0xFFFFF086  }
0x1c: {  	p1 =	slt.u32 s9, $0xF7A;
	s5 =	simm.s32 @!p2 $0x0  }
0x1d: {  	s5 =	simm.s32 @p1 $0x1;
	p0 =	seq.s32 s7, s2  }
0x1e: {  	s7 =	smul.u32 @!p0 $0xF7A, s2;
	p2 =	seq.s32 @!p0 s5, $0x0  }
0x1f: {  	s9 =	smul.u32 $0xF7A, s1;
	s8 =	simm.s32 @!p0 $0x1BF5;
	p2 =	por !p2, p0  }
0x20: {  	[sflag:s8] =	ssyncset.s32 @!p0 $0xFFFFF086;
	s6 =	sadd.s32 @!p0 s3, s7;
	s7 =	simm.s32 @!p0 $0x108  }
0x21: {  	s3 =	sadd.s32 s3, s9;
	s6 =	sadd.s32 @!p0 $0x88, s6;
	s7 =	simm.s32 @p2 $0x1082  }
0x22: {  	[simem:s7], [sflag:s8] =	dma.local @!p0 [hbm:s6], $0xF7A  }
0x23: {  	s9 =	sor.u32 $0xD0000000, s2;
	s6 =	simm.s32 $0x108;
	_ =	swait.ge @!p0 [sflag:s8], $0x0  }
0x24: {  	s3 =	sadd.s32 $0x88, s3;
	s6 =	simm.s32 @!p1 $0x1082;
	[sflag:s4] =	ssyncset.s32 $0xFFFFF086  }
0x25: {  	[simem:s6], [sflag:s4] =	dma.local [hbm:s3], $0xF7A  }
0x26: {  	[smem:$0x3F93] =	sst s1;
	(tag) =	ssettag s2;
	_ =	strace s9  }
0x27: {  	s1 =	sld [smem:$0x3FA3]  }
0x28: {  	s2 =	sld [smem:$0x3FA4]  }
0x29: {  	s4 =	sld [smem:$0x3FA6]  }
0x2a: {  	p0 =	seq.s32 s5, $0x0;
	s5 =	sld [smem:$0x3FA7]  }
0x2b: {  	s6 =	sld [smem:$0x3FA8]  }
0x2c: {  	s7 =	sld [smem:$0x3FA9]  }
0x2d: {  	s3 =	simm.s32 $0x108;
	s8 =	sld [smem:$0x3FAA]  }
0x2e: {  	s3 =	simm.s32 @!p0 $0x1082;
	s9 =	sld [smem:$0x3FAB]  }
0x2f: {  	lr =	sadd.s32 s0, s3;
	s0 =	sld [smem:$0x3FA2]  }
0x30: {  	s3 =	sld [smem:$0x3FA5]  }
0x31: {  	[smem:$0x3FAE] =	sst s10  }
0x32: {  	s10 =	sld [smem:$0x3FAC];
	_ =	sdelay $0x3  }
0x33: {  	p0 =	seq.s32 s10, $0x1;
	s10 =	sld [smem:$0x3FAE];
	_ =	sdelay $0x3  }
0x34: {  	[smem:$0x3FAE] =	sst s10  }
0x35: {  	s10 =	sld [smem:$0x3FAD];
	_ =	sdelay $0x3  }
0x36: {  	p1 =	seq.s32 s10, $0x1;
	s10 =	sld [smem:$0x3FAE];
	_ =	sdelay $0x3  }
0x37: {  	[smem:$0x3FAE] =	sst s10  }
0x38: {  	s10 =	sld [smem:$0x3FAF]  }
0x39: {  	_ = 	snop;
	(pc) =	sbr.ind lr, $3  }
0x3a: {  	_ = 	snop  }
0x3b: {  	_ = 	snop  }
0x3c: {  	p2 =	seq.s32 s10, $0x1;
	s10 =	sld [smem:$0x3FAE]  }
0x3d: {  	_ =	shalt  }
0x3e: {  	_ =	shalt  }
0x3f: {  	_ =	shalt  }
0x40: {  	_ =	shalt  }
0x41: {  	_ =	shalt  }
0x42: {  	_ =	shalt  }
0x43: {  	_ =	shalt  }
0x44: {  	_ =	shalt  }
0x45: {  	_ =	shalt  }
0x46: {  	_ =	shalt  }
0x47: {  	_ =	shalt  }
0x48: {  	_ =	shalt  }
0x49: {  	_ =	shalt  }
0x4a: {  	_ =	shalt  }
0x4b: {  	_ =	shalt  }
0x4c: {  	_ =	shalt  }
0x4d: {  	_ =	shalt  }
0x4e: {  	_ =	shalt  }
0x4f: {  	_ =	shalt  }
0x50: {  	_ =	shalt  }
0x51: {  	_ =	shalt  }
0x52: {  	_ =	shalt  }
0x53: {  	_ =	shalt  }
0x54: {  	_ =	shalt  }
0x55: {  	_ =	shalt  }
0x56: {  	_ =	shalt  }
0x57: {  	_ =	shalt  }
0x58: {  	_ =	shalt  }
0x59: {  	_ =	shalt  }
0x5a: {  	_ =	shalt  }
0x5b: {  	_ =	shalt  }
0x5c: {  	_ =	shalt  }
0x5d: {  	_ =	shalt  }
0x5e: {  	_ =	shalt  }
0x5f: {  	_ =	shalt  }
0x60: {  	_ =	shalt  }
0x61: {  	_ =	shalt  }
0x62: {  	_ =	shalt  }
0x63: {  	_ =	shalt  }
0x64: {  	_ =	shalt  }
0x65: {  	_ =	shalt  }
0x66: {  	_ =	shalt  }
0x67: {  	_ =	shalt  }
0x68: {  	_ =	shalt  }
0x69: {  	_ =	shalt  }
0x6a: {  	_ =	shalt  }
0x6b: {  	_ =	shalt  }
0x6c: {  	_ =	shalt  }
0x6d: {  	_ =	shalt  }
0x6e: {  	_ =	shalt  }
0x6f: {  	_ =	shalt  }
0x70: {  	_ =	shalt  }
0x71: {  	_ =	shalt  }
0x72: {  	_ =	shalt  }
0x73: {  	_ =	shalt  }
0x74: {  	_ =	shalt  }
0x75: {  	_ =	shalt  }
0x76: {  	_ =	shalt  }
0x77: {  	_ =	shalt  }
0x78: {  	_ =	shalt  }
0x79: {  	_ =	shalt  }
0x7a: {  	_ =	shalt  }
0x7b: {  	_ =	shalt  }
0x7c: {  	_ =	shalt  }
0x7d: {  	_ =	shalt  }
0x7e: {  	_ =	shalt  }
0x7f: {  	_ =	shalt  }
0x80: {  	_ =	shalt  }
0x81: {  	_ =	shalt  }
0x82: {  	_ =	shalt  }
0x83: {  	_ =	shalt  }
0x84: {  	_ =	shalt  }
0x85: {  	_ =	shalt  }
0x86: {  	_ =	shalt  }
0x87: {  	_ =	shalt  }
.Lfunc_end0:
.L_simem_size_0:
called_computation.2_lowered:
.L_overlay_start_0:
0x88: {  	s2 =	sld [smem:$0x3FD9]  }
0x89: {  	s3 =	sld [smem:$0x3FFE];
	_ =	sdelay $0x1  }
0x8a: {  	s1 =	srdreg.scid  }
0x8b: {  	s0 =	sand.u32 $0x1, s1  }
0x8c: {  	s14 =	sshll.u32 s0, $0xA;
	s2 =	sadd.s32 s3, s2  }
0x8d: {  	s2 =	sadd.s32 s2, s14  }
0x8e: {  	[smem:$0x3FBA] =	sst s2  }
0x8f: {  	_ = 	snop  }
0x90: {  	s2 =	sld [smem:$0x3FD0];
	_ =	sdelay $0x2  }
0x91: {  	s15 =	simm.s32 $0xA;
	s4 =	simm.s32 $0x10  }
0x92: {  	[smem:s4], [sflag:s15] =	dma.local [hbm:s2], $0x1  }
0x93: {  	_ =	swait.eq [sflag:s15], $0x1  }
0x94: {  	[sflag:s15] =	ssyncset.done $0x0  }
0x95: {  	[sflag:s15] =	ssyncadd.s32 $0xFFFFFFFF  }
0x96: {  	s16 =	sld [smem:$0x10];
	(tm) =	ssettm $0x1  }
0x97: {  	s17 =	sld [smem:$0x3FFB];
	_ =	sdelay $0x3  }
0x98: {  	_ =	strace s17  }
0x99: {  	s3 =	sld [smem:$0x3FFC];
	_ =	sdelay $0x3  }
0x9a: {  	_ =	strace s3  }
0x9b: {  	s3 =	sld [smem:$0x3FFD];
	_ =	sdelay $0x3  }
0x9c: {  	_ =	strace s3  }
0x9d: {  	_ =	strace $0x8FFFFFFF  }
0x9e: {  	s18 =	sld [smem:$0x3FDB];
	_ =	sdelay $0x1  }
0x9f: {  	s19 =	simm.s32 $_scs_section_size  }
0xa0: {  	s5 =	simm.s32 $_size__tile_overlayer_lowered;
	s6 =	simm.s32 $_tile_overlayer_lowered  }
0xa1: {  	s22 =	simm.s32 $0x1BFF;
	s21 =	sshll.u32 s6, $0x1;
	s3 =	sadd.s32 s19, s18  }
0xa2: {  	s7 =	simm.s32 $0x0;
	s20 =	sshll.u32 s5, $0x1;
	s5 =	sadd.s32 s21, s3  }
0xa3: {  	[timem:s7], [sflag:s22] =	dma.local [hbm:s5], s20  }
0xa4: {  	_ =	swait.ge [sflag:s22], s20  }
0xa5: {  	s4 =	ssub.s32 $0x0, s20;
	[sflag:s22] =	ssyncset.done $0x0  }
0xa6: {  	[sflag:s22] =	ssyncadd.s32 s4;
	_ =	sdelay $0x1  }
0xa7: {  	s23 =	simm.s32 $0x1B8B  }
0xa8: {  	_ =	swait.ge [sflag:s23], $0x1  }
0xa9: {  	[sflag:s23] =	ssyncset.done $0x0  }
0xaa: {  	s25 =	simm.s32 $0x1B8E;
	s24 =	sld [smem:$0x3FFE];
	[sflag:s23] =	ssyncadd.s32 $0xFFFFFFFF  }
0xab: {  	s26 =	simm.s32 $execute0_lowered;
	[smem:$0x3FD2] =	sst s25  }
0xac: {  	s5 =	sshll.u32 s26, $0x1;
	_ =	strace $0x8000004C;
	[dreg:$0x1] =	wrdreg $0xFFFFFFFF  }
0xad: {  	s28 =	simm.s32 $_size_execute0_lowered;
	s3 =	sadd.s32 s3, s5;
	[dreg:$0x0] =	wrdreg $0x0  }
0xae: {  	s5 =	sshll.u32 s28, $0x1;
	[dreg:$0x2] =	wrdreg s3  }
0xaf: {  	[dreg:$0x3] =	wrdreg s5  }
0xb0: {  	[dreg:$0x4] =	wrdreg $0xC0  }
0xb1: {  	_ =	task [dreg:s7], $0x5FFFF  }
0xb2: {  	[dreg:$0x1] =	wrdreg $0xFFFFFFFF  }
0xb3: {  	[dreg:$0x0] =	wrdreg $0x60  }
0xb4: {  	[dreg:$0x2] =	wrdreg s24  }
0xb5: {  	[dreg:$0x3] =	wrdreg s16  }
0xb6: {  	[dreg:$0x4] =	wrdreg $0x9C000  }
0xb7: {  	[dreg:$0x5] =	wrdreg $0x9  }
0xb8: {  	_ =	task.clear_ibuf [dreg:s7], $0x6FFFF;
	_ =	strace $0x9000004C  }
0xb9: {  	s29 =	simm.s32 $0x9;
	_ =	strace $0x8000004E  }
0xba: {  	_ =	swait.ge [sflag:s29], $0x1  }
0xbb: {  	[sflag:s29] =	ssyncadd.s32 $0xFFFFFFFF  }
0xbc: {  	_ =	strace $0x9000004E  }
0xbd: {  	_ =	sfence  }
0xbe: {  	s30 =	sld [smem:$0x0];
	_ =	sdelay $0x2  }
0xbf: {  	s31 =	sshll.u32 s1, $0xD;
	s1 =	sshrl.u32 s1, $0x2  }
0xc0: {  	s3 =	sand.u32 $0x4000, s31;
	s1 =	sadd.s32 s1, s30  }
0xc1: {  	s0 =	sor.u32 s3, s0;
	s1 =	sshll.u32 s1, $0x11  }
0xc2: {  	s0 =	sor.u32 s1, s0  }
0xc3: {  	s0 =	sadd.s32 $0x8F2B, s0  }
0xc4: {  	[sflag:s0] =	ssyncadd.remote.s32 $0x1  }
0xc5: {  	_ =	sfence.sel $0xFFFF  }
0xc6: {  	[dreg:$0x0] =	wrdreg $0xFFFFFFFF;
	(pc) =	sbr.abs _section_cstart, $3  }
0xc7: {  	[dreg:$0x1] =	wrdreg $0xFFFFFFFF  }
0xc8: {  	_ =	task.clear_ibuf [dreg:s7], $0x2FFFF;
	_ =	strace $0x9FFFFFFF  }
0xc9: {  	(tm) =	ssettm $0x7FFFFFFF  }
tec
execute0_lowered:
.L_overlay_start_1:
0x0: {  	(tag) =	ssettag $0x1  }
0x1: {  	s0 =	rddreg [dreg:$0x0]  }
0x2: {  	s2 =	rddreg [dreg:$0x2];
	s18 =	simm.s32 $0x0;
	s1 =	srdreg.scid  }
0x3: {  	s12 =	stileid.u32;
	s19 =	simm.s32 $0x3;
	s28 =	simm.s32 $0x7400  }
0x4: {  	s29 =	simm.s32 $0x7C00;
	s30 =	simm.s32 $0x8400;
	s31 =	simm.s32 $0x8C00  }
0x5: {  	s16 =	simm.s32 $0x9800;
	s17 =	simm.s32 $0x2;
	s5 =	sadd.s32 $0x2D1800, s0  }
0x6: {  	[smem:$0x7FF] =	sst s18;
	s4 =	smul.u32 $0x14000, s12;
	s6 =	sadd.s32 $0xBF8200, s0  }
0x7: {  	s7 =	sadd.s32 $0xC48200, s0;
	s8 =	sadd.s32 $0x51800, s0;
	s11 =	smul.u32 $0x50000, s12  }
0x8: {  	s24 =	sshll.u32 s12, $0x6;
	s12 =	smul.u32 $0xA0000, s12;
	s13 =	sadd.s32 $0x2D1A00, s0  }
0x9: {  	s1 =	sand.u32 $0x1, s1;
	s14 =	sadd.s32 $0x2D1B00, s0;
	s15 =	sadd.s32 $0x2D1C00, s0  }
0xa: {  	_ =	strace $0x8000004D;
	s3 =	smul.u32 $0x140000, s1;
	s22 =	ssub.s32 $0x2, s1  }
0xb: {  	s1 =	smul.u32 $0xA00000, s1;
	s20 =	sor.u32 $0x1C03, s24;
	s10 =	sshrl.u32 s22, $0x1  }
0xc: {  	s23 =	sshrl.u32 s11, $0x2;
	s11 =	sadd.s32 $0x2D1900, s0;
	[dreg:$0x5] =	wrdreg s20  }
0xd: {  	v0 =	vlaneseq.u32;
	s9 =	sadd.s32 s4, s3;
	s3 =	ssub.s32 s22, s10;
	s10 =	sadd.s32 s23, s2  }
0xe: {  	v1 =	vand.u32 $0x7, v0;
	v0 =	vshrl.u32 v0, $0x3;
	s12 =	sadd.s32 s12, s1;
	s4 =	sshrl.u32 s9, $0x3;
	s26 =	smax.u32 s3, $0x1  }
0xf: {  	v0 =	vmul.u32 $0x8, v0;
	s10 =	sshrl.u32 s10, $0x3;
	s4 =	sadd.s32 s4, s0;
	[dreg:$0x7] =	wrdreg s26  }
0x10: {  	vm0 =	vmmov $0xff;
	[tilespmem:$0x1FFE0] =	vst v1;
	s1 =	simm.s32 $0x8;
	[dreg:$0x8] =	wrdreg s10;
	s25 =	sadd.s32 $0x590A00, s4  }
0x11: {  	vm1 =	vmmov $0xffff;
	v6 =	vimm.s32 $0x1;
	v9 =	vimm.s32 $0x2;
	[tilespmem:$0x1FFF0] =	vst v0;
	s0 =	simm.s32 $0x9400;
	s4 =	simm.s32 $0x1;
	[dreg:$0x6] =	wrdreg s25  }
.LBB2_1:
0x12: {  	[dreg:$0x4] =	wrdreg s18  }
0x13: {  	s3 =	rddreg [dreg:$0x1]  }
0x14: {  	[spmem:s10], [sflag:s20] =	dma.local [hbm:s3], $0x2800  }
0x15: {  	_ =	swait.ge [sflag:s19], $0x2800  }
0x16: {  	[sflag:s19] =	ssyncset.done $0x0  }
0x17: {  	[sflag:s19] =	ssyncadd.s32 $0xFFFFD800  }
0x18: {  	s10 =	simm.s32 $0x0;
	[bflag:$0x0] =	sbarrier.arrive $0xFFFF  }
.LBB2_2:
0x19: {  	s3 =	sshll.u32 s10, $0xB  }
0x1a: {  	s3 =	sadd.s32 s3, s9  }
0x1b: {  	s3 =	sshrl.u32 s3, $0x3  }
0x1c: {  	s18 =	simm.s32 $0x0;
	s20 =	sadd.s32 s6, s3  }
0x1d: {  	[tilespmem:s18], [sflag:$0x3] =	stream.linear.gather [hbm4b:s20+s18], $0x800, $0x38;
	[tilespmem:$0x1DC00] =	vst v63  }
0x1e: {  	_ =	swait.ge [sflag:s19], $0x800  }
0x1f: {  	s26 =	simm.s32 $0x800;
	[sflag:s19] =	ssyncset.done $0x0  }
0x20: {  	s3 =	sadd.s32 s7, s3;
	s20 =	sshll.u32 s10, $0xE;
	[sflag:s19] =	ssyncadd.s32 $0xFFFFF800  }
0x21: {  	[tilespmem:s26], [sflag:$0x3] =	stream.linear.gather [hbm4b:s3+s18], $0x800, $0x38;
	[tilespmem:$0x1DC00] =	vst v63  }
0x22: {  	s3 =	sadd.s32 s20, s12;
	_ =	swait.ge [sflag:s19], $0x800  }
0x23: {  	s3 =	sshrl.u32 s3, $0x3;
	[sflag:s19] =	ssyncset.done $0x0  }
0x24: {  	s21 =	simm.s32 $0x1000;
	s3 =	sadd.s32 s8, s3;
	[sflag:s19] =	ssyncadd.s32 $0xFFFFF800  }
0x25: {  	[tilespmem:s21], [sflag:$0x3] =	stream.linear.gather [hbm4b:s3+s18], $0x4000, $0x38;
	[tilespmem:$0x1DC00] =	vst v63  }
0x26: {  	_ =	swait.ge [sflag:s19], $0x4000  }
0x27: {  	[sflag:s19] =	ssyncset.done $0x0  }
0x28: {  	[sflag:s19] =	ssyncadd.s32 $0xFFFFC000  }
0x29: {  	v0 =	vld.msk [tilespmem:$0x0], $0xff;
	_ =	sdelay $0x3  }
0x2a: {  	v62 =	vld [tilespmem:$0x1FFE0]  }
0x2b: {  	v1 =	vshrl.u32 v0, $0x3  }
0x2c: {  	v63 =	vld [tilespmem:$0x1FFF0];
	v1 =	vmul.u32 $0x48, v1  }
0x2d: {  	v0 =	vand.u32 $0x7, v0  }
0x2e: {  	v0 =	vor.u32 v0, v1  }
0x2f: {  	v0 =	vperm.xlane v0, v62;
	_ =	sdelay $0x1  }
0x30: {  	v0 =	vadd.s32 v63, v0;
	_ =	sdelay $0x3  }
0x31: {  	s22 =	simm.s32 $0x5000  }
0x32: {  	[tilespmem:s22], [sflag:$0x1] =	stream.indirect_vreg.gather [hbm4b:s5+s18], $0x80, v0, vm1, $0xb8;
	[tilespmem:$0x1DC00] =	vst v63  }
0x33: {  	s23 =	simm.s32 $0x5800  }
0x34: {  	[tilespmem:s23], [sflag:$0x1] =	stream.indirect_vreg.gather [hbm4b:s11+s18], $0x80, v0, vm1, $0xb8;
	[tilespmem:$0x1DC00] =	vst v63  }
0x35: {  	s24 =	simm.s32 $0x6000  }
0x36: {  	[tilespmem:s24], [sflag:$0x1] =	stream.indirect_vreg.gather [hbm4b:s13+s18], $0x80, v0, vm1, $0xb8;
	[tilespmem:$0x1DC00] =	vst v63  }
0x37: {  	s25 =	simm.s32 $0x6800;
	s26 =	simm.s32 $0x7000  }
0x38: {  	[tilespmem:s25], [sflag:$0x1] =	stream.indirect_vreg.gather [hbm4b:s14+s18], $0x80, v0, vm1, $0xb8;
	[tilespmem:$0x1DC00] =	vst v63  }
0x39: {  	s20 =	simm.s32 $0x1400;
	s3 =	simm.s32 $0x1010;
	s21 =	simm.s32 $0x0  }
0x3a: {  	[tilespmem:s26], [sflag:$0x1] =	stream.indirect_vreg.gather [hbm4b:s15+s18], $0x80, v0, vm0, $0xb8;
	[tilespmem:$0x1DC00] =	vst v63  }
.LBB2_3:
0x3b: {  	s23 =	sshll.u32 s21, $0xA  }
0x3c: {  	s22 =	sor.u32 $0x200, s23  }
0x3d: {  	s24 =	sshrl.u32 s22, $0x2  }
0x3e: {  	v0 =	vld.msk [tilespmem:s24+$0x0], $0xff;
	_ =	sdelay $0x4  }
0x3f: {  	v1 =	vshrl.u32 v0, $0x3  }
0x40: {  	v1 =	vmul.u32 $0x48, v1  }
0x41: {  	v0 =	vand.u32 $0x7, v0  }
0x42: {  	v0 =	vor.u32 v0, v1;
	v1 =	vld [tilespmem:$0x1FFE0];
	_ =	sdelay $0x4  }
0x43: {  	v0 =	vperm.xlane v0, v1;
	v1 =	vld [tilespmem:$0x1FFF0];
	_ =	sdelay $0x4  }
0x44: {  	v0 =	vadd.s32 v1, v0;
	_ =	sdelay $0x4  }
0x45: {  	[tilespmem:s28], [sflag:$0x2] =	stream.indirect_vreg.gather [hbm4b:s5+s18], $0x80, v0, vm1, $0xb8;
	[tilespmem:$0x1DC00] =	vst v63  }
0x46: {  	_ = 	snop  }
0x47: {  	[tilespmem:s29], [sflag:$0x2] =	stream.indirect_vreg.gather [hbm4b:s11+s18], $0x80, v0, vm1, $0xb8;
	[tilespmem:$0x1DC00] =	vst v63  }
0x48: {  	_ = 	snop  }
0x49: {  	[tilespmem:s30], [sflag:$0x2] =	stream.indirect_vreg.gather [hbm4b:s13+s18], $0x80, v0, vm1, $0xb8;
	[tilespmem:$0x1DC00] =	vst v63  }
0x4a: {  	_ = 	snop  }
0x4b: {  	[tilespmem:s31], [sflag:$0x2] =	stream.indirect_vreg.gather [hbm4b:s14+s18], $0x80, v0, vm1, $0xb8;
	[tilespmem:$0x1DC00] =	vst v63  }
0x4c: {  	_ = 	snop  }
0x4d: {  	[tilespmem:s0], [sflag:$0x2] =	stream.indirect_vreg.gather [hbm4b:s15+s18], $0x80, v0, vm0, $0xb8;
	[tilespmem:$0x1DC00] =	vst v63  }
0x4e: {  	_ =	swait.ge [sflag:s4], $0x2400  }
0x4f: {  	[sflag:s4] =	ssyncset.done $0x0  }
0x50: {  	s24 =	simm.s32 $0x0;
	[sflag:s4] =	ssyncadd.s32 $0xFFFFDC00  }
0x51: {  	v1 =	vld [tilespmem:s24+$0x7000]  }
0x52: {  	v14 =	vld [tilespmem:s24+$0x7010]  }
0x53: {  	v29 =	vld [tilespmem:s24+$0x7020]  }
0x54: {  	v3 =	vld [tilespmem:s24+$0x7030]  }
0x55: {  	v10 =	vld [tilespmem:s24+$0x6C40]  }
0x56: {  	v38 =	vld [tilespmem:s24+$0x6C50]  }
0x57: {  	v0 =	vld [tilespmem:s24+$0x6C60]  }
0x58: {  	v5 =	vld [tilespmem:s24+$0x6C70]  }
0x59: {  	v16 =	vld [tilespmem:s24+$0x6C00]  }
0x5a: {  	v17 =	vmov s3;
	v12 =	vld [tilespmem:s24+$0x6C10]  }
0x5b: {  	[tilespmem:$0x1FCE0] =	vst v17;
	v2 =	vld [tilespmem:s24+$0x6C20]  }
0x5c: {  	v8 =	vld [tilespmem:s24+$0x6C30];
	[tilespmem:$0x1FCF0] =	vst v1  }
0x5d: {  	v22 =	vld [tilespmem:s24+$0x6840];
	[tilespmem:$0x1FD10] =	vst v14  }
0x5e: {  	v51 =	vld [tilespmem:s24+$0x6850];
	[tilespmem:$0x1FD30] =	vst v29  }
0x5f: {  	v4 =	vld [tilespmem:s24+$0x6860];
	[tilespmem:$0x1FD50] =	vst v3  }
0x60: {  	v18 =	vld [tilespmem:s24+$0x6870];
	[tilespmem:$0x1FD70] =	vst v10  }
0x61: {  	v32 =	vld [tilespmem:s24+$0x6800];
	[tilespmem:$0x1FDA0] =	vst v16  }
0x62: {  	v36 =	vld [tilespmem:s24+$0x6810];
	[tilespmem:$0x1FDC0] =	vst v0  }
0x63: {  	v7 =	vld [tilespmem:s24+$0x6820];
	[tilespmem:$0x1FDE0] =	vst v5  }
0x64: {  	v20 =	vld [tilespmem:s24+$0x6830];
	[tilespmem:$0x1FE10] =	vst v2  }
0x65: {  	v24 =	vld [tilespmem:s24+$0x6440];
	[tilespmem:$0x1FE30] =	vst v22  }
0x66: {  	v41 =	vld [tilespmem:s24+$0x6450];
	[tilespmem:$0x1FE60] =	vst v8  }
0x67: {  	v13 =	vld [tilespmem:s24+$0x6460];
	[tilespmem:$0x1FE70] =	vst v4  }
0x68: {  	v25 =	vld [tilespmem:s24+$0x6470];
	[tilespmem:$0x1FE90] =	vst v18  }
0x69: {  	v42 =	vld [tilespmem:s24+$0x6400];
	[tilespmem:$0x1FEA0] =	vst v32  }
0x6a: {  	v47 =	vld [tilespmem:s24+$0x6410];
	[tilespmem:$0x1FED0] =	vst v7  }
0x6b: {  	v19 =	vld [tilespmem:s24+$0x6420];
	[tilespmem:$0x1FEF0] =	vst v24  }
0x6c: {  	v28 =	vld [tilespmem:s24+$0x6430];
	[tilespmem:$0x1FF10] =	vst v20  }
0x6d: {  	v35 =	vld [tilespmem:s24+$0x6060];
	[tilespmem:$0x1FF20] =	vst v13  }
0x6e: {  	v43 =	vld [tilespmem:s24+$0x6070];
	[tilespmem:$0x1FF30] =	vst v25  }
0x6f: {  	v49 =	vld [tilespmem:s24+$0x6030];
	[tilespmem:$0x1FF40] =	vst v42  }
0x70: {  	v34 =	vld [tilespmem:s24+$0x6040];
	[tilespmem:$0x1FF50] =	vst v19  }
0x71: {  	v44 =	vld [tilespmem:s24+$0x6050];
	[tilespmem:$0x1FF70] =	vst v28  }
0x72: {  	v46 =	vld [tilespmem:s24+$0x6000];
	[tilespmem:$0x1FF80] =	vst v35  }
0x73: {  	v23 =	vld [tilespmem:s24+$0x6010];
	[tilespmem:$0x1FFA0] =	vst v43  }
0x74: {  	v27 =	vld [tilespmem:s24+$0x6020];
	v1 =	vshll.u32 v1, $0x10;
	[tilespmem:$0x1FFD0] =	vst v49  }
0x75: {  	v11 =	vld [tilespmem:s24+$0x5C40];
	v0 =	vshll.u32 v0, $0x10;
	[tilespmem:$0x1FD00] =	vst v1  }
0x76: {  	v48 =	vld [tilespmem:s24+$0x5C50];
	v1 =	vshll.u32 v14, $0x10;
	[tilespmem:$0x1FDD0] =	vst v0  }
0x77: {  	v26 =	vld [tilespmem:s24+$0x5C60];
	v0 =	vshll.u32 v5, $0x10;
	[tilespmem:$0x1FD20] =	vst v1  }
0x78: {  	v39 =	vld [tilespmem:s24+$0x5C70];
	v1 =	vshll.u32 v29, $0x10;
	[tilespmem:$0x1FDF0] =	vst v0  }
0x79: {  	v37 =	vld [tilespmem:s24+$0x5C00];
	v0 =	vshll.u32 v12, $0x10;
	[tilespmem:$0x1FD40] =	vst v1  }
0x7a: {  	v31 =	vld [tilespmem:s24+$0x5C10];
	v1 =	vshll.u32 v3, $0x10;
	[tilespmem:$0x1FE00] =	vst v0  }
0x7b: {  	v33 =	vld [tilespmem:s24+$0x5C20];
	v0 =	vshll.u32 v2, $0x10;
	[tilespmem:$0x1FD60] =	vst v1  }
0x7c: {  	v15 =	vld [tilespmem:s24+$0x5C30];
	v1 =	vshll.u32 v10, $0x10;
	[tilespmem:$0x1FE20] =	vst v0  }
0x7d: {  	v40 =	vld [tilespmem:s24+$0x5840];
	v0 =	vshll.u32 v22, $0x10;
	[tilespmem:$0x1FD80] =	vst v1  }
0x7e: {  	v30 =	vld [tilespmem:s24+$0x5850];
	v1 =	vshll.u32 v38, $0x10;
	[tilespmem:$0x1FE40] =	vst v0  }
0x7f: {  	v21 =	vld [tilespmem:s24+$0x5800];
	v0 =	vshll.u32 v51, $0x10;
	[tilespmem:$0x1FD90] =	vst v1  }
0x80: {  	v63 =	vshll.u32 v42, $0x10;
	v42 =	vld [tilespmem:s24+$0x5430];
	v1 =	vshll.u32 v16, $0x10;
	[tilespmem:$0x1FE50] =	vst v0  }
0x81: {  	v5 =	vmov v33;
	v33 =	vld [tilespmem:s24+$0x5820];
	v0 =	vshll.u32 v4, $0x10;
	[tilespmem:$0x1FDB0] =	vst v1  }
0x82: {  	v29 =	vld [tilespmem:s24+$0x5810];
	[tilespmem:$0x1FE80] =	vst v0;
	v0 =	vshll.u32 v32, $0x10  }
0x83: {  	v59 =	vshll.u32 v8, $0x10;
	v3 =	vld [tilespmem:s24+$0x5860];
	[tilespmem:$0x1FEB0] =	vst v0;
	v0 =	vshll.u32 v36, $0x10  }
0x84: {  	v17 =	vmovc v34;
	v34 =	vshll.u32 v18, $0x10;
	v55 =	vshll.u32 v13, $0x10;
	v22 =	vld [tilespmem:s24+$0x5830];
	[tilespmem:$0x1FEC0] =	vst v0;
	v0 =	vshll.u32 v7, $0x10  }
0x85: {  	v53 =	vshll.u32 v47, $0x10;
	v62 =	vshll.u32 v44, $0x10;
	v1 =	vld [tilespmem:s24+$0x5870];
	[tilespmem:$0x1FEE0] =	vst v0;
	v0 =	vshll.u32 v24, $0x10  }
0x86: {  	v18 =	vmovc v38;
	v45 =	vmovc v41;
	v60 =	vshll.u32 v46, $0x10;
	v38 =	vshll.u32 v28, $0x10;
	v28 =	vld [tilespmem:s24+$0x5400];
	[tilespmem:$0x1FF00] =	vst v0;
	v0 =	vshll.u32 v19, $0x10  }
0x87: {  	v49 =	vshll.u32 v49, $0x10;
	v14 =	vmovc v11;
	v11 =	vmovc v12;
	v4 =	vmov v26;
	v26 =	vld [tilespmem:s24+$0x5450];
	[tilespmem:$0x1FF60] =	vst v0;
	v0 =	vshll.u32 v35, $0x10  }
0x88: {  	v57 =	vshll.u32 v17, $0x10;
	v12 =	vmovc v46;
	v32 =	vld [tilespmem:s24+$0x5470];
	v7 =	vmovc v40;
	v40 =	vshll.u32 v20, $0x10;
	[tilespmem:$0x1FF90] =	vst v0;
	v0 =	vshll.u32 v14, $0x10  }
0x89: {  	v16 =	vmovc v36;
	v36 =	vld [tilespmem:s24+$0x5460];
	v20 =	vmovc v39;
	v39 =	vshll.u32 v25, $0x10;
	v24 =	vshll.u32 v41, $0x10;
	[tilespmem:$0x1FFB0] =	vst v0;
	v0 =	vshll.u32 v27, $0x10  }
0x8a: {  	s25 =	simm.s32 $0x200;
	v25 =	vld [tilespmem:s24+$0x5410];
	v41 =	vmovc v47;
	v47 =	vshll.u32 v43, $0x10;
	v19 =	vmovc v37;
	v46 =	vmov v1;
	v35 =	vshll.u32 v23, $0x10;
	[tilespmem:$0x1FFC0] =	vst v0  }
.LBB2_4:
0x8b: {  	[tilespmem:$0x1FB90] =	vst v20  }
0x8c: {  	[tilespmem:$0x1FBC0] =	vst v5  }
0x8d: {  	[tilespmem:$0x1FBD0] =	vst v4  }
0x8e: {  	[tilespmem:$0x1FBE0] =	vst v27  }
0x8f: {  	[tilespmem:$0x1FC40] =	vst v55;
	v27 =	vld [tilespmem:$0x1FCE0]  }
0x90: {  	[tilespmem:$0x1FC90] =	vst v60  }
0x91: {  	[tilespmem:$0x1FCB0] =	vst v63  }
0x92: {  	[tilespmem:$0x1FCA0] =	vst v57;
	v0 =	vshll.u32 v4, $0x10  }
0x93: {  	[tilespmem:$0x1FC30] =	vst v0;
	v0 =	vshll.u32 v19, $0x10  }
0x94: {  	[tilespmem:$0x1FC80] =	vst v0;
	v0 =	vshll.u32 v5, $0x10  }
0x95: {  	v56 =	vld [tilespmem:s24+$0x5050];
	[tilespmem:$0x1FC20] =	vst v0  }
0x96: {  	v52 =	vshll.u32 v48, $0x10;
	v57 =	vshll.u32 v20, $0x10;
	v43 =	vld [tilespmem:s24+$0x5030];
	[tilespmem:$0x1FB80] =	vst v46  }
0x97: {  	v55 =	vshll.u32 v31, $0x10;
	v60 =	vshll.u32 v15, $0x10;
	v0 =	vshll.u32 v7, $0x10;
	[tilespmem:$0x1FBB0] =	vst v3;
	v54 =	vld.idx.msk [tilespmem:v27+s24+$0xFFFFFFF0 ss:$0x1], $0xffff  }
0x98: {  	v10 =	vimm.s32 $0x0;
	[tilespmem:$0x1FC70] =	vst v0;
	v0 =	vshll.u32 v21, $0x10;
	v61 =	vshll.u32 v46, $0x10;
	v46 =	vld [tilespmem:s24+$0x5070]  }
0x99: {  	v13 =	vmovc v15;
	v15 =	vmovc v21;
	v21 =	vld [tilespmem:s24+$0x5010];
	v63 =	vshll.u32 v29, $0x10;
	v2 =	vshll.u32 v26, $0x10;
	v1 =	vshll.u32 v36, $0x10;
	[tilespmem:$0x1FC60] =	vst v0  }
0x9a: {  	v8 =	vshll.u32 v28, $0x10;
	v20 =	vshll.u32 v25, $0x10;
	v5 =	vshll.u32 v42, $0x10;
	[tilespmem:$0x1FBF0] =	vst v1  }
0x9b: {  	v0 =	vshll.u32 v3, $0x10;
	v1 =	vshll.u32 v32, $0x10;
	[tilespmem:$0x1FC50] =	vst v8;
	v3 =	vshll.u32 v56, $0x10  }
0x9c: {  	v37 =	vmovc v19;
	v4 =	vshll.u32 v43, $0x10;
	[tilespmem:$0x1FC10] =	vst v0;
	v0 =	vshll.u32 v33, $0x10;
	v19 =	vperm.xlane v54, v10  }
0x9d: {  	[tilespmem:$0x1FC00] =	vst v0;
	v0 =	vshll.u32 v22, $0x10;
	v8 =	vshll.u32 v46, $0x10;
	v50 =	vperm.xlane v54, v6  }
0x9e: {  	[tilespmem:$0x1FBA0] =	vst v33;
	v33 =	vmovc v7;
	v6 =	vshll.u32 v21, $0x10;
	v4 =	vmul.f32 v4, v19;
	v7 =	vmul.f32 v21, v19  }
0x9f: {  	v21 =	vperm.xlane v54, v9;
	v9 =	vmul.f32 v56, v50;
	v56 =	vimm.s32 $0x3  }
0xa0: {  	v8 =	vmul.f32 v8, v50;
	v56 =	vperm.xlane v54, v56;
	v4 =	vadd.f32 $0.0e+00, v4  }
0xa1: {  	v6 =	vmul.f32 v6, v19;
	v3 =	vmul.f32 v3, v50;
	v7 =	vadd.f32 $0.0e+00, v7  }
0xa2: {  	v5 =	vmul.f32 v5, v21;
	v1 =	vmul.f32 v1, v56;
	v4 =	vadd.f32 v8, v4  }
0xa3: {  	v7 =	vadd.f32 v9, v7;
	v8 =	vmul.f32 v25, v21;
	v9 =	vimm.s32 $0x4  }
0xa4: {  	v6 =	vadd.f32 $0.0e+00, v6;
	v2 =	vmul.f32 v2, v56;
	v25 =	vperm.xlane v54, v9  }
0xa5: {  	v4 =	vadd.f32 v5, v4;
	v5 =	vadd.f32 v8, v7;
	v7 =	vimm.s32 $0x5  }
0xa6: {  	v3 =	vadd.f32 v3, v6;
	v6 =	vmul.f32 v26, v56;
	v26 =	vperm.xlane v54, v7  }
0xa7: {  	v0 =	vmul.f32 v0, v25;
	v7 =	vimm.s32 $0x6;
	v1 =	vadd.f32 v1, v4  }
0xa8: {  	v4 =	vmul.f32 v20, v21;
	v5 =	vadd.f32 v6, v5;
	v6 =	vmul.f32 v29, v25  }
0xa9: {  	v29 =	vperm.xlane v54, v7;
	v0 =	vadd.f32 v0, v1;
	v1 =	vmul.f32 v61, v26  }
0xaa: {  	v3 =	vadd.f32 v4, v3;
	v4 =	vadd.f32 v6, v5;
	v6 =	vimm.s32 $0x7  }
0xab: {  	v58 =	vshll.u32 v30, $0x10;
	v5 =	vmul.f32 v30, v26;
	v30 =	vperm.xlane v54, v6  }
0xac: {  	v6 =	vimm.s32 $0x8;
	v0 =	vadd.f32 v1, v0;
	v1 =	vmul.f32 v60, v29  }
0xad: {  	v4 =	vadd.f32 v5, v4;
	v5 =	vmul.f32 v31, v29;
	v31 =	vperm.xlane v54, v6  }
0xae: {  	v6 =	vimm.s32 $0x9;
	v0 =	vadd.f32 v1, v0;
	v1 =	vmul.f32 v57, v30  }
0xaf: {  	v2 =	vadd.f32 v2, v3;
	v3 =	vadd.f32 v5, v4;
	v4 =	vmul.f32 v48, v30  }
0xb0: {  	v48 =	vperm.xlane v54, v6;
	v0 =	vadd.f32 v1, v0;
	v1 =	vmul.f32 v49, v31  }
0xb1: {  	v7 =	vimm.s32 $0xA;
	v3 =	vadd.f32 v4, v3;
	v4 =	vmul.f32 v23, v31  }
0xb2: {  	v23 =	vperm.xlane v54, v7;
	v0 =	vadd.f32 v1, v0;
	v1 =	vmul.f32 v47, v48  }
0xb3: {  	v6 =	vimm.s32 $0xB;
	v3 =	vadd.f32 v4, v3;
	v4 =	vmul.f32 v44, v48  }
0xb4: {  	v44 =	vperm.xlane v54, v6;
	v0 =	vadd.f32 v1, v0;
	v1 =	vmul.f32 v38, v23  }
0xb5: {  	v6 =	vimm.s32 $0xC  }
0xb6: {  	v38 =	vperm.xlane v54, v6;
	v0 =	vadd.f32 v1, v0;
	v1 =	vmul.f32 v39, v44  }
0xb7: {  	v6 =	vimm.s32 $0xD  }
0xb8: {  	v39 =	vperm.xlane v54, v6;
	v0 =	vadd.f32 v1, v0;
	v1 =	vmul.f32 v40, v38  }
0xb9: {  	v7 =	vimm.s32 $0xE  }
0xba: {  	v40 =	vperm.xlane v54, v7;
	v0 =	vadd.f32 v1, v0;
	v1 =	vmul.f32 v34, v39;
	_ =	sdelay $0x1  }
0xbb: {  	v0 =	vadd.f32 v1, v0;
	v1 =	vmul.f32 v59, v40;
	_ =	sdelay $0x1  }
0xbc: {  	v5 =	vmul.f32 v63, v25;
	v0 =	vadd.f32 v1, v0;
	v1 =	vld [tilespmem:$0x1FDF0];
	_ =	sdelay $0x1  }
0xbd: {  	v8 =	vimm.s32 $0xF;
	v2 =	vadd.f32 v5, v2;
	v5 =	vmul.f32 v58, v26  }
0xbe: {  	v34 =	vperm.xlane v54, v8  }
0xbf: {  	v2 =	vadd.f32 v5, v2  }
0xc0: {  	v5 =	vld.idx.msk [tilespmem:v27+s24+$0x0 ss:$0x1], $0xffff;
	v3 =	vadd.f32 v4, v3;
	v4 =	vmul.f32 v41, v23;
	v1 =	vmul.f32 v1, v34;
	_ =	sdelay $0x1  }
0xc1: {  	v3 =	vadd.f32 v4, v3;
	v4 =	vmul.f32 v45, v44;
	v0 =	vadd.f32 v1, v0;
	v1 =	vld [tilespmem:$0x1FD60]  }
0xc2: {  	v6 =	vmul.f32 v55, v29  }
0xc3: {  	v3 =	vadd.f32 v4, v3;
	v4 =	vmul.f32 v16, v38  }
0xc4: {  	v2 =	vadd.f32 v6, v2;
	v6 =	vmul.f32 v52, v30;
	v59 =	vperm.xlane v5, v10  }
0xc5: {  	v3 =	vadd.f32 v4, v3;
	v4 =	vmul.f32 v51, v39  }
0xc6: {  	v9 =	vmul.f32 v35, v31;
	v7 =	vld [tilespmem:$0x1FD10];
	v2 =	vadd.f32 v6, v2;
	v1 =	vmul.f32 v1, v59  }
0xc7: {  	v8 =	vld [tilespmem:s24+$0x5000];
	v3 =	vadd.f32 v4, v3;
	v4 =	vmul.f32 v11, v40  }
0xc8: {  	v0 =	vadd.f32 v1, v0;
	v1 =	vadd.f32 v9, v2;
	v2 =	vld [tilespmem:$0x1FEC0]  }
0xc9: {  	v3 =	vadd.f32 v4, v3;
	v4 =	vmul.f32 v18, v34  }
0xca: {  	v20 =	vmul.f32 v62, v48;
	v6 =	vld [tilespmem:s24+$0x5040]  }
0xcb: {  	v7 =	vmul.f32 v7, v59;
	v3 =	vadd.f32 v4, v3  }
0xcc: {  	v35 =	vld [tilespmem:s24+$0x5440];
	v18 =	vmul.f32 v24, v44;
	v4 =	vmul.f32 v53, v23;
	[tilespmem:s24+$0x9860] =	vst v0;
	v0 =	vadd.f32 v20, v1  }
0xcd: {  	v11 =	vld [tilespmem:$0x1FF40];
	v24 =	vmul.f32 v8, v19;
	v9 =	vmul.f32 v2, v38;
	v2 =	vadd.f32 v7, v3  }
0xce: {  	v0 =	vadd.f32 v4, v0;
	v3 =	vld [tilespmem:$0x1FE50]  }
0xcf: {  	v4 =	vadd.f32 $0.0e+00, v24;
	v7 =	vld [tilespmem:$0x1FE00];
	[tilespmem:s24+$0x9830] =	vst v2;
	v2 =	vshll.u32 v6, $0x10;
	v6 =	vmul.f32 v6, v50  }
0xd0: {  	v61 =	vld [tilespmem:$0x1FE90];
	v0 =	vadd.f32 v18, v0  }
0xd1: {  	v60 =	vld [tilespmem:$0x1FF30];
	v27 =	vmul.f32 v28, v21;
	v4 =	vadd.f32 v6, v4  }
0xd2: {  	v63 =	vld [tilespmem:$0x1FD50];
	v28 =	vmul.f32 v35, v56;
	v0 =	vadd.f32 v9, v0  }
0xd3: {  	v58 =	vld [tilespmem:$0x1FF70];
	v6 =	vmul.f32 v12, v31;
	v3 =	vmul.f32 v3, v39;
	v4 =	vadd.f32 v27, v4  }
0xd4: {  	v62 =	vld [tilespmem:$0x1FE60];
	v12 =	vmul.f32 v11, v23;
	v7 =	vmul.f32 v7, v40  }
0xd5: {  	v11 =	vld [tilespmem:$0x1FEF0];
	v0 =	vadd.f32 v3, v0;
	v3 =	vadd.f32 v28, v4;
	v28 =	vmul.f32 v43, v19  }
0xd6: {  	v1 =	vld [tilespmem:$0x1FD90]  }
0xd7: {  	v52 =	vld [tilespmem:$0x1FDA0];
	v0 =	vadd.f32 v7, v0;
	v7 =	vmul.f32 v46, v50;
	v28 =	vadd.f32 $0.0e+00, v28  }
0xd8: {  	v16 =	vmul.f32 v15, v25;
	v15 =	vmul.f32 v14, v30;
	v14 =	vld [tilespmem:$0x1FFA0]  }
0xd9: {  	v55 =	vmul.f32 v42, v21;
	v10 =	vld [tilespmem:$0x1FD20];
	v7 =	vadd.f32 v7, v28  }
0xda: {  	v24 =	vmul.f32 v33, v26;
	v18 =	vmul.f32 v11, v44;
	v11 =	vld [tilespmem:$0x1FB80];
	v3 =	vadd.f32 v16, v3  }
0xdb: {  	v57 =	vmul.f32 v32, v56;
	v54 =	vld [tilespmem:$0x1FD70];
	v1 =	vmul.f32 v1, v34;
	v7 =	vadd.f32 v55, v7  }
0xdc: {  	v49 =	vmul.f32 v37, v29;
	v5 =	vld [tilespmem:s24+$0x5420];
	v3 =	vadd.f32 v24, v3  }
0xdd: {  	v9 =	vld [tilespmem:$0x1FEA0];
	v0 =	vadd.f32 v1, v0;
	v1 =	vmul.f32 v22, v25;
	v7 =	vadd.f32 v57, v7  }
0xde: {  	v20 =	vmul.f32 v10, v59;
	v10 =	vmul.f32 v17, v48;
	v24 =	vld [tilespmem:s24+$0x5020];
	v3 =	vadd.f32 v49, v3  }
0xdf: {  	v17 =	vmul.f32 v11, v26;
	v11 =	vmul.f32 v13, v29;
	v13 =	vld [tilespmem:$0x1FB90];
	v1 =	vadd.f32 v1, v7  }
0xe0: {  	v16 =	vld [tilespmem:s24+$0x5060];
	v0 =	vadd.f32 v20, v0;
	v3 =	vadd.f32 v15, v3  }
0xe1: {  	v27 =	vld [tilespmem:$0x1FE30];
	v1 =	vadd.f32 v17, v1  }
0xe2: {  	s26 =	sshra.s32 s25, $0x2;
	v28 =	vmul.f32 v14, v48;
	v14 =	vld [tilespmem:$0x1FBC0];
	[tilespmem:s24+$0x9820] =	vst v0;
	v3 =	vadd.f32 v6, v3  }
0xe3: {  	v7 =	vshll.u32 v24, $0x10;
	v24 =	vmul.f32 v24, v19;
	v1 =	vadd.f32 v11, v1;
	v11 =	vld [tilespmem:s26+$0x7000]  }
0xe4: {  	v20 =	vmul.f32 v13, v30;
	v13 =	vld [tilespmem:$0x1FFD0];
	v3 =	vadd.f32 v10, v3  }
0xe5: {  	v4 =	vld [tilespmem:$0x1FCF0];
	v0 =	vshll.u32 v16, $0x10;
	v10 =	vmul.f32 v16, v50;
	v16 =	vadd.f32 $0.0e+00, v24  }
0xe6: {  	v53 =	vshll.u32 v5, $0x10;
	v3 =	vadd.f32 v12, v3;
	v12 =	vld [tilespmem:$0x1FBA0]  }
0xe7: {  	v5 =	vmul.f32 v5, v21;
	v10 =	vadd.f32 v10, v16;
	v16 =	vmul.f32 v14, v29;
	v14 =	vld [tilespmem:s26+$0x7010]  }
0xe8: {  	v51 =	vmov v36;
	[tilespmem:$0x1FCF0] =	vst v11;
	v11 =	vld [tilespmem:$0x1FBB0]  }
0xe9: {  	v15 =	vld [tilespmem:$0x1FF10];
	v22 =	vmul.f32 v13, v31;
	v13 =	vmul.f32 v51, v56;
	v5 =	vadd.f32 v5, v10  }
0xea: {  	v37 =	vmul.f32 v54, v34;
	v54 =	vld [tilespmem:s26+$0x6C40]  }
0xeb: {  	v36 =	vmul.f32 v52, v40;
	v52 =	vld [tilespmem:s26+$0x6C60];
	v5 =	vadd.f32 v13, v5;
	v12 =	vmul.f32 v12, v25  }
0xec: {  	[tilespmem:$0x1FD10] =	vst v14;
	v14 =	vld [tilespmem:$0x1FBD0]  }
0xed: {  	v49 =	vld [tilespmem:s26+$0x6C70];
	v5 =	vadd.f32 v12, v5;
	v11 =	vmul.f32 v11, v26  }
0xee: {  	v10 =	vld [tilespmem:$0x1FBE0]  }
0xef: {  	v43 =	vmul.f32 v63, v59;
	v63 =	vld [tilespmem:s26+$0x6C00];
	v5 =	vadd.f32 v11, v5  }
0xf0: {  	v47 =	vld [tilespmem:s26+$0x6C10]  }
0xf1: {  	v46 =	vld [tilespmem:s26+$0x6C20];
	v17 =	vmul.f32 v14, v30;
	v5 =	vadd.f32 v16, v5  }
0xf2: {  	v12 =	vld [tilespmem:$0x1FE10]  }
0xf3: {  	v10 =	vmul.f32 v10, v31;
	v14 =	vld [tilespmem:s26+$0x7030];
	v5 =	vadd.f32 v17, v5  }
0xf4: {  	v55 =	vld [tilespmem:s26+$0x6840]  }
0xf5: {  	v5 =	vadd.f32 v10, v5;
	v10 =	vld [tilespmem:$0x1FF90]  }
0xf6: {  	v6 =	vld [tilespmem:$0x1FDE0]  }
0xf7: {  	v32 =	vmul.f32 v61, v39;
	v61 =	vmul.f32 v12, v40;
	v12 =	vld [tilespmem:$0x1FD30]  }
0xf8: {  	[tilespmem:$0x1FD50] =	vst v14;
	v14 =	vld [tilespmem:s26+$0x6C50]  }
0xf9: {  	v9 =	vmul.f32 v9, v38;
	v24 =	vld [tilespmem:$0x1FE70];
	v3 =	vadd.f32 v18, v3  }
0xfa: {  	v16 =	vmul.f32 v10, v48;
	v10 =	vld [tilespmem:$0x1FF60]  }
0xfb: {  	v27 =	vmul.f32 v27, v39;
	v1 =	vadd.f32 v20, v1;
	v18 =	vld [tilespmem:s26+$0x7020];
	v3 =	vadd.f32 v9, v3  }
0xfc: {  	v41 =	vmul.f32 v60, v44;
	v7 =	vmul.f32 v7, v19;
	v20 =	vld [tilespmem:$0x1FF80]  }
0xfd: {  	v1 =	vadd.f32 v22, v1;
	v3 =	vadd.f32 v27, v3;
	[tilespmem:$0x1FCC0] =	vst v14;
	v14 =	vmul.f32 v12, v59;
	v12 =	vld [tilespmem:$0x1FBF0]  }
0xfe: {  	v33 =	vmul.f32 v58, v23;
	v0 =	vmul.f32 v0, v50;
	v7 =	vadd.f32 $0.0e+00, v7;
	v9 =	vld [tilespmem:$0x1FF50]  }
0xff: {  	v1 =	vadd.f32 v28, v1;
	v3 =	vadd.f32 v36, v3;
	v17 =	vmul.f32 v10, v23;
	v10 =	vld [tilespmem:$0x1FC40]  }
0x100: {  	v4 =	vmul.f32 v4, v59;
	v0 =	vadd.f32 v0, v7;
	v13 =	vld [tilespmem:$0x1FF20];
	v11 =	vmul.f32 v53, v21  }
0x101: {  	v27 =	vmul.f32 v24, v39;
	v24 =	vld [tilespmem:$0x1FDC0];
	v1 =	vadd.f32 v33, v1;
	v3 =	vadd.f32 v37, v3  }
0x102: {  	v33 =	vmov v18;
	v53 =	vld [tilespmem:s26+$0x6C30];
	v0 =	vadd.f32 v11, v0;
	v18 =	vmul.f32 v12, v56  }
0x103: {  	v15 =	vmul.f32 v15, v38;
	v1 =	vadd.f32 v41, v1;
	v3 =	vadd.f32 v4, v3;
	v4 =	vld [tilespmem:$0x1FC00]  }
0x104: {  	v0 =	vadd.f32 v18, v0;
	v18 =	vmul.f32 v10, v44;
	v10 =	vld [tilespmem:$0x1FEE0]  }
0x105: {  	v1 =	vadd.f32 v15, v1;
	v12 =	vld [tilespmem:s26+$0x6850];
	[tilespmem:s24+$0x9810] =	vst v3  }
0x106: {  	v28 =	vmul.f32 v24, v34;
	v24 =	vld [tilespmem:s26+$0x6860]  }
0x107: {  	v42 =	vmul.f32 v62, v40;
	v20 =	vmul.f32 v20, v48;
	v1 =	vadd.f32 v32, v1;
	v62 =	vld [tilespmem:s26+$0x6870]  }
0x108: {  	v6 =	vmul.f32 v6, v34;
	v58 =	vld [tilespmem:s26+$0x6800]  }
0x109: {  	v1 =	vadd.f32 v42, v1;
	v5 =	vadd.f32 v20, v5;
	v20 =	vmul.f32 v10, v38;
	v10 =	vld [tilespmem:$0x1FE80]  }
0x10a: {  	v45 =	vld [tilespmem:s26+$0x6810]  }
0x10b: {  	v1 =	vadd.f32 v6, v1;
	v42 =	vld [tilespmem:s26+$0x6820]  }
0x10c: {  	v57 =	vld [tilespmem:s26+$0x6830]  }
0x10d: {  	v1 =	vadd.f32 v43, v1;
	v37 =	vld [tilespmem:s26+$0x6440]  }
0x10e: {  	v41 =	vld [tilespmem:s26+$0x6450];
	v32 =	vmul.f32 v10, v39;
	v10 =	vshll.u32 v35, $0x10  }
0x10f: {  	[tilespmem:s24+$0x9870] =	vst v1;
	v1 =	vmul.f32 v10, v56;
	v10 =	vld [tilespmem:$0x1FC70]  }
0x110: {  	v9 =	vmul.f32 v9, v23;
	v4 =	vmul.f32 v4, v25  }
0x111: {  	v7 =	vld [tilespmem:$0x1FC10]  }
0x112: {  	v13 =	vmul.f32 v13, v44;
	v0 =	vadd.f32 v4, v0;
	v4 =	vadd.f32 v9, v5;
	_ =	sdelay $0x1  }
0x113: {  	v4 =	vadd.f32 v13, v4;
	v13 =	vmul.f32 v10, v26;
	v10 =	vld [tilespmem:$0x1FC80];
	_ =	sdelay $0x1  }
0x114: {  	v7 =	vmul.f32 v7, v26;
	_ =	sdelay $0x1  }
0x115: {  	v8 =	vshll.u32 v8, $0x10;
	v0 =	vadd.f32 v7, v0;
	v7 =	vld [tilespmem:$0x1FC50]  }
0x116: {  	v8 =	vmul.f32 v8, v19;
	v19 =	vmul.f32 v10, v29;
	v10 =	vld [tilespmem:$0x1FC90]  }
0x117: {  	v3 =	vld [tilespmem:$0x1FC20]  }
0x118: {  	v22 =	vld [tilespmem:$0x1FED0];
	_ =	sdelay $0x2  }
0x119: {  	v7 =	vmul.f32 v7, v21;
	v21 =	vmul.f32 v10, v31;
	v10 =	vld [tilespmem:$0x1FCA0]  }
0x11a: {  	v3 =	vmul.f32 v3, v29  }
0x11b: {  	v22 =	vmul.f32 v22, v38;
	v11 =	vld [tilespmem:$0x1FFC0]  }
0x11c: {  	v6 =	vld [tilespmem:$0x1FDD0];
	v0 =	vadd.f32 v3, v0  }
0x11d: {  	v3 =	vadd.f32 v22, v4;
	v4 =	vadd.f32 $0.0e+00, v8;
	v8 =	vld [tilespmem:$0x1FC60]  }
0x11e: {  	v22 =	vmul.f32 v10, v48;
	v10 =	vld [tilespmem:$0x1FF00]  }
0x11f: {  	v43 =	vld [tilespmem:s26+$0x6460]  }
0x120: {  	[tilespmem:$0x1FCD0] =	vst v12;
	v12 =	vld [tilespmem:$0x1FC30]  }
0x121: {  	v60 =	vld [tilespmem:s26+$0x6470]  }
0x122: {  	v36 =	vld [tilespmem:s26+$0x6400]  }
0x123: {  	v8 =	vmul.f32 v8, v25;
	v25 =	vmul.f32 v10, v44;
	v10 =	vld [tilespmem:$0x1FEB0]  }
0x124: {  	v2 =	vmul.f32 v2, v50;
	v50 =	vld [tilespmem:s26+$0x6420]  }
0x125: {  	v51 =	vld [tilespmem:s26+$0x6000];
	v15 =	vmul.f32 v12, v30  }
0x126: {  	v5 =	vld [tilespmem:$0x1FE20]  }
0x127: {  	v11 =	vmul.f32 v11, v31;
	v9 =	vld [tilespmem:$0x1FD40];
	v0 =	vadd.f32 v15, v0  }
0x128: {  	v26 =	vmul.f32 v10, v38;
	v10 =	vld [tilespmem:$0x1FDB0]  }
0x129: {  	v3 =	vadd.f32 v27, v3;
	v12 =	vld [tilespmem:s26+$0x6410];
	v0 =	vadd.f32 v11, v0  }
0x12a: {  	[tilespmem:$0x1FD70] =	vst v54;
	v2 =	vadd.f32 v2, v4;
	v4 =	vld [tilespmem:$0x1FFB0]  }
0x12b: {  	[tilespmem:$0x1FDA0] =	vst v63;
	v3 =	vadd.f32 v61, v3;
	v61 =	vld [tilespmem:s26+$0x6430];
	v0 =	vadd.f32 v16, v0  }
0x12c: {  	[tilespmem:$0x1FDE0] =	vst v49;
	v2 =	vadd.f32 v7, v2;
	v7 =	vld [tilespmem:$0x1FCB0]  }
0x12d: {  	[tilespmem:$0x1FE30] =	vst v55;
	v3 =	vadd.f32 v28, v3;
	v0 =	vadd.f32 v17, v0;
	v28 =	vmul.f32 v10, v40;
	v10 =	vld [tilespmem:$0x1FD80]  }
0x12e: {  	[tilespmem:$0x1FDC0] =	vst v52;
	v56 =	vld [tilespmem:s26+$0x6060]  }
0x12f: {  	[tilespmem:$0x1FE10] =	vst v46;
	v0 =	vadd.f32 v18, v0;
	v18 =	vld [tilespmem:$0x1FCC0]  }
0x130: {  	[tilespmem:$0x1FD30] =	vst v33;
	v29 =	vld [tilespmem:s26+$0x6040]  }
0x131: {  	[tilespmem:$0x1FE60] =	vst v53;
	v3 =	vadd.f32 v14, v3;
	v1 =	vadd.f32 v1, v2;
	v44 =	vld [tilespmem:s26+$0x6050]  }
0x132: {  	[tilespmem:$0x1FE70] =	vst v24;
	v35 =	vmul.f32 v10, v34;
	v10 =	vld [tilespmem:s26+$0x6070]  }
0x133: {  	v1 =	vadd.f32 v8, v1;
	[tilespmem:s24+$0x9850] =	vst v3;
	v3 =	vld [tilespmem:$0x1FCF0]  }
0x134: {  	[tilespmem:$0x1FE90] =	vst v62;
	v7 =	vmul.f32 v7, v23;
	v23 =	vld [tilespmem:s26+$0x6010]  }
0x135: {  	[tilespmem:$0x1FEA0] =	vst v58;
	v0 =	vadd.f32 v20, v0;
	v1 =	vadd.f32 v13, v1;
	v27 =	vld [tilespmem:s26+$0x6020]  }
0x136: {  	[tilespmem:$0x1FED0] =	vst v42;
	v5 =	vmul.f32 v5, v40;
	v13 =	vld [tilespmem:s26+$0x6030]  }
0x137: {  	[tilespmem:$0x1FEF0] =	vst v37;
	v4 =	vmul.f32 v4, v30;
	v0 =	vadd.f32 v32, v0;
	v1 =	vadd.f32 v19, v1;
	v14 =	vld [tilespmem:s26+$0x5C40]  }
0x138: {  	[tilespmem:$0x1FF10] =	vst v57;
	v48 =	vld [tilespmem:s26+$0x5C50]  }
0x139: {  	v6 =	vmul.f32 v6, v34;
	[tilespmem:$0x1FF20] =	vst v43;
	v0 =	vadd.f32 v5, v0;
	v1 =	vadd.f32 v4, v1;
	v4 =	vld [tilespmem:s26+$0x5C60]  }
0x13a: {  	[tilespmem:$0x1FF30] =	vst v60;
	v20 =	vld [tilespmem:s26+$0x5C70]  }
0x13b: {  	[tilespmem:$0x1FF40] =	vst v36;
	v9 =	vmul.f32 v9, v59;
	v0 =	vadd.f32 v6, v0;
	v1 =	vadd.f32 v21, v1;
	v19 =	vld [tilespmem:s26+$0x5C00]  }
0x13c: {  	[tilespmem:$0x1FF50] =	vst v50;
	v31 =	vld [tilespmem:s26+$0x5C10]  }
0x13d: {  	[tilespmem:$0x1FF70] =	vst v61;
	v0 =	vadd.f32 v9, v0;
	v1 =	vadd.f32 v22, v1;
	v5 =	vld [tilespmem:s26+$0x5C20]  }
0x13e: {  	[tilespmem:$0x1FF80] =	vst v56;
	v15 =	vld [tilespmem:s26+$0x5C30]  }
0x13f: {  	v1 =	vadd.f32 v7, v1;
	v7 =	vld [tilespmem:s26+$0x5840];
	[tilespmem:s24+$0x9840] =	vst v0;
	v0 =	vshll.u32 v54, $0x10  }
0x140: {  	[tilespmem:$0x1FD80] =	vst v0;
	v0 =	vshll.u32 v18, $0x10  }
0x141: {  	[tilespmem:$0x1FD90] =	vst v0;
	v0 =	vadd.f32 v25, v1;
	v1 =	vshll.u32 v63, $0x10  }
0x142: {  	[tilespmem:$0x1FDB0] =	vst v1;
	v1 =	vshll.u32 v52, $0x10  }
0x143: {  	[tilespmem:$0x1FDD0] =	vst v1  }
0x144: {  	v8 =	vld [tilespmem:$0x1FD00];
	v3 =	vshll.u32 v3, $0x10;
	[tilespmem:$0x1FFA0] =	vst v10  }
0x145: {  	v25 =	vld [tilespmem:$0x1FCD0];
	v1 =	vshll.u32 v49, $0x10;
	[tilespmem:$0x1FD00] =	vst v3  }
0x146: {  	[tilespmem:$0x1FDF0] =	vst v1  }
0x147: {  	v3 =	vld [tilespmem:$0x1FD10];
	v1 =	vshll.u32 v47, $0x10;
	[tilespmem:$0x1FFD0] =	vst v13  }
0x148: {  	v2 =	vld [tilespmem:$0x1FE40];
	[tilespmem:$0x1FE00] =	vst v1;
	v1 =	vshll.u32 v46, $0x10  }
0x149: {  	[tilespmem:$0x1FE20] =	vst v1;
	v1 =	vshll.u32 v55, $0x10  }
0x14a: {  	[tilespmem:$0x1FE40] =	vst v1;
	v1 =	vshll.u32 v25, $0x10  }
0x14b: {  	v30 =	vld [tilespmem:s26+$0x5850];
	[tilespmem:$0x1FE50] =	vst v1;
	v1 =	vshll.u32 v24, $0x10  }
0x14c: {  	v21 =	vld [tilespmem:s26+$0x5800];
	v3 =	vshll.u32 v3, $0x10;
	[tilespmem:$0x1FE80] =	vst v1  }
0x14d: {  	v2 =	vmul.f32 v2, v39;
	v17 =	vmov v29;
	v29 =	vld [tilespmem:s26+$0x5810];
	v1 =	vshll.u32 v58, $0x10;
	[tilespmem:$0x1FD20] =	vst v3  }
0x14e: {  	v39 =	vshll.u32 v60, $0x10;
	v22 =	vld [tilespmem:s26+$0x5830];
	v0 =	vadd.f32 v26, v0;
	v3 =	vshll.u32 v33, $0x10;
	[tilespmem:$0x1FEB0] =	vst v1  }
0x14f: {  	v60 =	vshll.u32 v51, $0x10;
	v8 =	vmul.f32 v8, v59;
	v32 =	vld [tilespmem:s26+$0x5470];
	v1 =	vshll.u32 v45, $0x10;
	[tilespmem:$0x1FD40] =	vst v3  }
0x150: {  	v6 =	vimm.s32 $0x1;
	v0 =	vadd.f32 v2, v0;
	v3 =	vld [tilespmem:$0x1FD50];
	[tilespmem:$0x1FEC0] =	vst v1;
	v1 =	vshll.u32 v42, $0x10  }
0x151: {  	v59 =	vshll.u32 v53, $0x10;
	v63 =	vshll.u32 v36, $0x10;
	v36 =	vld [tilespmem:s26+$0x5460];
	[tilespmem:$0x1FEE0] =	vst v1;
	v1 =	vshll.u32 v37, $0x10  }
0x152: {  	v53 =	vshll.u32 v12, $0x10;
	v26 =	vld [tilespmem:s26+$0x5450];
	v0 =	vadd.f32 v28, v0;
	[tilespmem:$0x1FF00] =	vst v1;
	v1 =	vshll.u32 v50, $0x10  }
0x153: {  	p0 =	sne.s32 s25, $0xE00;
	v9 =	vimm.s32 $0x2;
	v38 =	vshll.u32 v61, $0x10;
	v46 =	vld [tilespmem:s26+$0x5870];
	[tilespmem:$0x1FF60] =	vst v1;
	v1 =	vshll.u32 v56, $0x10  }
.Ltmp0:
0x154: {  	v40 =	vshll.u32 v57, $0x10;
	v28 =	vld [tilespmem:s26+$0x5400];
	v0 =	vadd.f32 v35, v0;
	[tilespmem:$0x1FF90] =	vst v1;
	v1 =	vshll.u32 v14, $0x10;
	(pc) =	sbr.rel @p0 .LBB2_4-.Ltmp0, $4  }
0x155: {  	v16 =	vmovc v45;
	v57 =	vshll.u32 v17, $0x10;
	v24 =	vshll.u32 v41, $0x10;
	v33 =	vld [tilespmem:s26+$0x5820];
	v45 =	vmovc v41;
	v3 =	vshll.u32 v3, $0x10;
	[tilespmem:$0x1FFB0] =	vst v1  }
0x156: {  	v41 =	vmovc v12;
	v12 =	vmovc v51;
	v51 =	vmov v25;
	v25 =	vld [tilespmem:s26+$0x5410];
	v0 =	vadd.f32 v8, v0;
	v1 =	vshll.u32 v27, $0x10;
	[tilespmem:$0x1FD60] =	vst v3  }
0x157: {  	v11 =	vmovc v47;
	v34 =	vshll.u32 v62, $0x10;
	v62 =	vshll.u32 v44, $0x10;
	v47 =	vshll.u32 v10, $0x10;
	v42 =	vld [tilespmem:s26+$0x5430];
	[tilespmem:$0x1FFC0] =	vst v1  }
0x158: {  	s25 =	sadd.s32 $0x200, s25;
	v49 =	vshll.u32 v13, $0x10;
	v55 =	vshll.u32 v43, $0x10;
	v35 =	vshll.u32 v23, $0x10;
	v3 =	vld [tilespmem:s26+$0x5860];
	[tilespmem:s24+$0x9800] =	vst v0;
	s24 =	smov.u32 s26  }
0x159: {  	v13 =	vmov v20;
	[tilespmem:$0x1FB90] =	vst v20;
	v20 =	vld [tilespmem:$0x1FCE0];
	_ =	sdelay $0x7  }
0x15a: {  	v0 =	vld.idx.msk [tilespmem:v20+s24+$0xFFFFFFF0 ss:$0x1], $0xffff  }
0x15b: {  	v10 =	vld [tilespmem:s24+$0x5030];
	_ =	sdelay $0x1  }
0x15c: {  	v37 =	vld [tilespmem:s24+$0x5070]  }
0x15d: {  	v8 =	vimm.s32 $0x0  }
0x15e: {  	v1 =	vld [tilespmem:s24+$0x5010];
	v43 =	vperm.xlane v0, v8  }
0x15f: {  	[tilespmem:$0x1FBB0] =	vst v3;
	v3 =	vshll.u32 v10, $0x10  }
0x160: {  	v56 =	vperm.xlane v0, v6;
	v3 =	vmul.f32 v3, v43  }
0x161: {  	v2 =	vld [tilespmem:s24+$0x5050];
	[tilespmem:$0x1FBC0] =	vst v5;
	v5 =	vshll.u32 v37, $0x10  }
0x162: {  	[tilespmem:$0x1FB80] =	vst v46;
	v8 =	vmovc v46;
	v46 =	vperm.xlane v0, v9;
	v5 =	vmul.f32 v5, v56;
	v3 =	vadd.f32 $0.0e+00, v3  }
0x163: {  	[tilespmem:$0x1FBD0] =	vst v4;
	v6 =	vshll.u32 v42, $0x10;
	v4 =	vmul.f32 v1, v43  }
0x164: {  	v3 =	vadd.f32 v5, v3;
	v5 =	vmul.f32 v6, v46;
	v6 =	vimm.s32 $0x3  }
0x165: {  	v58 =	vperm.xlane v0, v6  }
0x166: {  	v61 =	vmovc v7;
	v7 =	vmul.f32 v2, v56;
	v4 =	vadd.f32 $0.0e+00, v4;
	v6 =	vshll.u32 v32, $0x10  }
0x167: {  	v3 =	vadd.f32 v5, v3;
	v5 =	vmul.f32 v6, v58;
	v6 =	vimm.s32 $0x4  }
0x168: {  	[tilespmem:$0x1F870] =	vst v19;
	v19 =	vperm.xlane v0, v6  }
0x169: {  	v4 =	vadd.f32 v7, v4;
	v7 =	vmul.f32 v25, v46;
	v6 =	vshll.u32 v22, $0x10  }
0x16a: {  	v1 =	vshll.u32 v1, $0x10;
	v3 =	vadd.f32 v5, v3;
	v5 =	vmul.f32 v6, v19  }
0x16b: {  	v2 =	vshll.u32 v2, $0x10;
	v4 =	vadd.f32 v7, v4;
	v7 =	vmul.f32 v26, v58  }
0x16c: {  	v1 =	vmul.f32 v1, v43;
	v3 =	vadd.f32 v5, v3;
	v5 =	vimm.s32 $0x5  }
0x16d: {  	v4 =	vadd.f32 v7, v4;
	v6 =	vmul.f32 v29, v19;
	v54 =	vperm.xlane v0, v5  }
0x16e: {  	v2 =	vmul.f32 v2, v56;
	v1 =	vadd.f32 $0.0e+00, v1;
	v5 =	vshll.u32 v8, $0x10  }
0x16f: {  	v4 =	vadd.f32 v6, v4;
	v6 =	vimm.s32 $0x6;
	v5 =	vmul.f32 v5, v54  }
0x170: {  	v52 =	vperm.xlane v0, v6;
	v7 =	vmul.f32 v30, v54  }
0x171: {  	v1 =	vadd.f32 v2, v1;
	v6 =	vshll.u32 v15, $0x10;
	v3 =	vadd.f32 v5, v3  }
0x172: {  	v5 =	vmul.f32 v6, v52;
	v2 =	vadd.f32 v7, v4;
	v4 =	vshll.u32 v25, $0x10  }
0x173: {  	v8 =	vimm.s32 $0x8;
	v6 =	vmul.f32 v31, v52;
	v4 =	vmul.f32 v4, v46  }
0x174: {  	v7 =	vshll.u32 v26, $0x10;
	v3 =	vadd.f32 v5, v3;
	v5 =	vimm.s32 $0x7  }
0x175: {  	v25 =	vperm.xlane v0, v5;
	v1 =	vadd.f32 v4, v1;
	v4 =	vmul.f32 v7, v58  }
0x176: {  	v26 =	vperm.xlane v0, v8;
	v2 =	vadd.f32 v6, v2;
	v5 =	vshll.u32 v13, $0x10  }
0x177: {  	v5 =	vmul.f32 v5, v25;
	v1 =	vadd.f32 v4, v1;
	v4 =	vimm.s32 $0x9  }
0x178: {  	v7 =	vimm.s32 $0xA;
	v6 =	vmul.f32 v48, v25;
	v50 =	vperm.xlane v0, v4  }
0x179: {  	v4 =	vmul.f32 v23, v26;
	v3 =	vadd.f32 v5, v3;
	v5 =	vmul.f32 v49, v26  }
0x17a: {  	v23 =	vperm.xlane v0, v7;
	v7 =	vimm.s32 $0xB;
	v2 =	vadd.f32 v6, v2  }
0x17b: {  	v6 =	vmul.f32 v47, v50;
	v3 =	vadd.f32 v5, v3;
	v5 =	vshll.u32 v29, $0x10  }
0x17c: {  	v2 =	vadd.f32 v4, v2;
	v4 =	vmul.f32 v5, v19;
	v5 =	vmul.f32 v44, v50  }
0x17d: {  	v29 =	vperm.xlane v0, v7;
	v3 =	vadd.f32 v6, v3;
	v6 =	vmul.f32 v38, v23  }
0x17e: {  	v2 =	vadd.f32 v5, v2;
	v5 =	vmul.f32 v41, v23  }
0x17f: {  	v1 =	vadd.f32 v4, v1;
	v4 =	vmul.f32 v39, v29;
	v3 =	vadd.f32 v6, v3  }
0x180: {  	v9 =	vimm.s32 $0xF;
	v2 =	vadd.f32 v5, v2;
	v5 =	vshll.u32 v30, $0x10  }
0x181: {  	v6 =	vimm.s32 $0xC;
	v3 =	vadd.f32 v4, v3;
	v4 =	vmul.f32 v5, v54  }
0x182: {  	v30 =	vperm.xlane v0, v6;
	v6 =	vshll.u32 v31, $0x10;
	v5 =	vmul.f32 v45, v29  }
0x183: {  	v8 =	vimm.s32 $0xD;
	v1 =	vadd.f32 v4, v1;
	v4 =	vmul.f32 v6, v52  }
0x184: {  	v45 =	vperm.xlane v0, v8;
	v7 =	vmul.f32 v40, v30;
	v2 =	vadd.f32 v5, v2;
	v5 =	vld [tilespmem:s24+$0x5000]  }
0x185: {  	v6 =	vmul.f32 v16, v30;
	v1 =	vadd.f32 v4, v1;
	v4 =	vimm.s32 $0xE  }
0x186: {  	v3 =	vadd.f32 v7, v3;
	v7 =	vmul.f32 v34, v45;
	v31 =	vperm.xlane v0, v4;
	v4 =	vld [tilespmem:s24+$0x5040]  }
0x187: {  	v44 =	vperm.xlane v0, v9;
	v9 =	vld [tilespmem:$0x1FDF0];
	v2 =	vadd.f32 v6, v2;
	v6 =	vmul.f32 v51, v45  }
0x188: {  	v3 =	vadd.f32 v7, v3;
	v7 =	vshll.u32 v48, $0x10  }
0x189: {  	v8 =	vld.idx.msk [tilespmem:v20+s24+$0x0 ss:$0x1], $0xffff;
	v2 =	vadd.f32 v6, v2;
	v6 =	vmul.f32 v7, v25;
	v7 =	vmul.f32 v5, v43  }
0x18a: {  	v0 =	vmul.f32 v59, v31  }
0x18b: {  	v1 =	vadd.f32 v6, v1;
	v6 =	vadd.f32 $0.0e+00, v7;
	v7 =	vmul.f32 v4, v56  }
0x18c: {  	v9 =	vmul.f32 v9, v44;
	v0 =	vadd.f32 v0, v3  }
0x18d: {  	v3 =	vmul.f32 v11, v31;
	v6 =	vadd.f32 v7, v6;
	v7 =	vimm.s32 $0x0  }
0x18e: {  	v0 =	vadd.f32 v9, v0;
	v9 =	vperm.xlane v8, v7;
	v7 =	vmul.f32 v28, v46  }
0x18f: {  	v20 =	vld [tilespmem:s24+$0x5440]  }
0x190: {  	v2 =	vadd.f32 v3, v2;
	v3 =	vmul.f32 v35, v26;
	v6 =	vadd.f32 v7, v6;
	v7 =	vld [tilespmem:$0x1FD60];
	_ =	sdelay $0x1  }
0x191: {  	v1 =	vadd.f32 v3, v1;
	v3 =	vmul.f32 v18, v44;
	v8 =	vmul.f32 v62, v50;
	_ =	sdelay $0x1  }
0x192: {  	v2 =	vadd.f32 v3, v2;
	v1 =	vadd.f32 v8, v1;
	v3 =	vmul.f32 v53, v23  }
0x193: {  	v51 =	vmul.f32 v20, v58;
	v7 =	vmul.f32 v7, v9  }
0x194: {  	v1 =	vadd.f32 v3, v1;
	v3 =	vld [tilespmem:$0x1FD10]  }
0x195: {  	v6 =	vadd.f32 v51, v6;
	v0 =	vadd.f32 v7, v0;
	v7 =	vmul.f32 v21, v19;
	_ =	sdelay $0x1  }
0x196: {  	v6 =	vadd.f32 v7, v6;
	v7 =	vmul.f32 v24, v29;
	v24 =	vld [tilespmem:$0x1F870];
	_ =	sdelay $0x1  }
0x197: {  	v8 =	vmul.f32 v10, v43;
	v3 =	vmul.f32 v3, v9  }
0x198: {  	v18 =	vmul.f32 v61, v54  }
0x199: {  	v8 =	vadd.f32 $0.0e+00, v8;
	v2 =	vadd.f32 v3, v2;
	v3 =	vmul.f32 v37, v56  }
0x19a: {  	[tilespmem:s24+$0x9860] =	vst v0;
	v0 =	vadd.f32 v7, v1;
	v1 =	vadd.f32 v18, v6;
	v6 =	vmul.f32 v24, v52  }
0x19b: {  	[tilespmem:s24+$0x9830] =	vst v2;
	v2 =	vadd.f32 v3, v8;
	v3 =	vld [tilespmem:$0x1FEC0]  }
0x19c: {  	v1 =	vadd.f32 v6, v1;
	v6 =	vmul.f32 v14, v25;
	_ =	sdelay $0x1  }
0x19d: {  	v1 =	vadd.f32 v6, v1;
	v6 =	vld [tilespmem:$0x1FE50];
	_ =	sdelay $0x1  }
0x19e: {  	v7 =	vmul.f32 v42, v46;
	v3 =	vmul.f32 v3, v30;
	_ =	sdelay $0x1  }
0x19f: {  	v2 =	vadd.f32 v7, v2;
	v0 =	vadd.f32 v3, v0;
	v3 =	vmul.f32 v32, v58  }
0x1a0: {  	v7 =	vmul.f32 v12, v26;
	v6 =	vmul.f32 v6, v45  }
0x1a1: {  	v10 =	vld [tilespmem:$0x1FB80];
	v2 =	vadd.f32 v3, v2;
	v3 =	vmul.f32 v22, v19  }
0x1a2: {  	v8 =	vld [tilespmem:s24+$0x5020];
	v1 =	vadd.f32 v7, v1;
	v0 =	vadd.f32 v6, v0;
	v6 =	vmul.f32 v17, v50  }
0x1a3: {  	v2 =	vadd.f32 v3, v2;
	v3 =	vld [tilespmem:$0x1FE00]  }
0x1a4: {  	v1 =	vadd.f32 v6, v1;
	v6 =	vld [tilespmem:$0x1FF40]  }
0x1a5: {  	v14 =	vld [tilespmem:s24+$0x5060];
	_ =	sdelay $0x2  }
0x1a6: {  	v7 =	vmul.f32 v8, v43;
	v3 =	vmul.f32 v3, v31  }
0x1a7: {  	v10 =	vmul.f32 v10, v54;
	v6 =	vmul.f32 v6, v23  }
0x1a8: {  	v0 =	vadd.f32 v3, v0;
	v3 =	vadd.f32 $0.0e+00, v7;
	v7 =	vmul.f32 v14, v56  }
0x1a9: {  	v53 =	vld [tilespmem:s24+$0x5420];
	v2 =	vadd.f32 v10, v2;
	v1 =	vadd.f32 v6, v1;
	v6 =	vmul.f32 v15, v52  }
0x1aa: {  	v3 =	vadd.f32 v7, v3;
	v7 =	vld [tilespmem:$0x1FD90]  }
0x1ab: {  	v2 =	vadd.f32 v6, v2;
	v6 =	vld [tilespmem:$0x1FEF0];
	_ =	sdelay $0x3  }
0x1ac: {  	v10 =	vmul.f32 v53, v46;
	v7 =	vmul.f32 v7, v44  }
0x1ad: {  	v6 =	vmul.f32 v6, v29  }
0x1ae: {  	v11 =	vld [tilespmem:$0x1FB90];
	v3 =	vadd.f32 v10, v3;
	v0 =	vadd.f32 v7, v0;
	v7 =	vmul.f32 v36, v58  }
0x1af: {  	v1 =	vadd.f32 v6, v1;
	v6 =	vld [tilespmem:$0x1FD20]  }
0x1b0: {  	v3 =	vadd.f32 v7, v3;
	v7 =	vld [tilespmem:$0x1FEA0]  }
0x1b1: {  	v10 =	vld [tilespmem:$0x1FFD0];
	_ =	sdelay $0x1  }
0x1b2: {  	v11 =	vmul.f32 v11, v25  }
0x1b3: {  	v6 =	vmul.f32 v6, v9  }
0x1b4: {  	v8 =	vshll.u32 v8, $0x10;
	v2 =	vadd.f32 v11, v2;
	v7 =	vmul.f32 v7, v30  }
0x1b5: {  	v10 =	vmul.f32 v10, v26;
	v0 =	vadd.f32 v6, v0;
	v6 =	vmul.f32 v8, v43  }
0x1b6: {  	v11 =	vmul.f32 v33, v19;
	v1 =	vadd.f32 v7, v1;
	v7 =	vshll.u32 v14, $0x10  }
0x1b7: {  	v7 =	vmul.f32 v7, v56;
	v6 =	vadd.f32 $0.0e+00, v6  }
0x1b8: {  	v2 =	vadd.f32 v10, v2;
	v10 =	vshll.u32 v53, $0x10;
	v3 =	vadd.f32 v11, v3;
	v11 =	vld [tilespmem:$0x1FFA0]  }
0x1b9: {  	v14 =	vld [tilespmem:$0x1FBB0];
	v6 =	vadd.f32 v7, v6;
	v7 =	vmul.f32 v10, v46  }
0x1ba: {  	v5 =	vshll.u32 v5, $0x10;
	v8 =	vld [tilespmem:$0x1FE30]  }
0x1bb: {  	v5 =	vmul.f32 v5, v43;
	v6 =	vadd.f32 v7, v6;
	v7 =	vshll.u32 v36, $0x10  }
0x1bc: {  	v7 =	vmul.f32 v7, v58  }
0x1bd: {  	v4 =	vshll.u32 v4, $0x10;
	v5 =	vadd.f32 $0.0e+00, v5;
	v11 =	vmul.f32 v11, v50  }
0x1be: {  	v4 =	vmul.f32 v4, v56;
	v12 =	vmul.f32 v14, v54;
	v6 =	vadd.f32 v7, v6;
	v7 =	vld [tilespmem:$0x1FDA0]  }
0x1bf: {  	v2 =	vadd.f32 v11, v2;
	v11 =	vshll.u32 v21, $0x10;
	v21 =	vld [tilespmem:$0x1FBC0];
	v8 =	vmul.f32 v8, v45  }
0x1c0: {  	v43 =	vshll.u32 v14, $0x10;
	v3 =	vadd.f32 v12, v3;
	v12 =	vshll.u32 v33, $0x10  }
0x1c1: {  	v12 =	vmul.f32 v12, v19;
	v1 =	vadd.f32 v8, v1;
	v8 =	vshll.u32 v28, $0x10  }
0x1c2: {  	v4 =	vadd.f32 v4, v5;
	v35 =	vmul.f32 v43, v54;
	v8 =	vmul.f32 v8, v46  }
0x1c3: {  	v10 =	vshll.u32 v20, $0x10;
	v6 =	vadd.f32 v12, v6;
	v7 =	vmul.f32 v7, v31  }
0x1c4: {  	v22 =	vld [tilespmem:$0x1FBD0];
	v62 =	vshll.u32 v21, $0x10;
	v10 =	vmul.f32 v10, v58;
	v4 =	vadd.f32 v8, v4  }
0x1c5: {  	v6 =	vadd.f32 v35, v6;
	v1 =	vadd.f32 v7, v1;
	v7 =	vmul.f32 v62, v52  }
0x1c6: {  	v11 =	vmul.f32 v11, v19;
	v4 =	vadd.f32 v10, v4  }
0x1c7: {  	v48 =	vshll.u32 v61, $0x10;
	v6 =	vadd.f32 v7, v6;
	v7 =	vld [tilespmem:$0x1FFB0]  }
0x1c8: {  	v38 =	vmul.f32 v48, v54;
	v10 =	vmul.f32 v21, v52;
	v4 =	vadd.f32 v11, v4  }
0x1c9: {  	v59 =	vmul.f32 v22, v25;
	v8 =	vshll.u32 v22, $0x10;
	v22 =	vshll.u32 v24, $0x10  }
0x1ca: {  	v3 =	vadd.f32 v10, v3;
	v10 =	vmul.f32 v22, v52;
	v4 =	vadd.f32 v38, v4  }
0x1cb: {  	v13 =	vld [tilespmem:$0x1FD70]  }
0x1cc: {  	v8 =	vmul.f32 v8, v25;
	v4 =	vadd.f32 v10, v4;
	v10 =	vld [tilespmem:$0x1FFC0];
	v7 =	vmul.f32 v7, v25  }
0x1cd: {  	v49 =	vld [tilespmem:$0x1FE10]  }
0x1ce: {  	v6 =	vadd.f32 v8, v6;
	v8 =	vmul.f32 v60, v26;
	v4 =	vadd.f32 v7, v4;
	v7 =	vld [tilespmem:$0x1FF90]  }
0x1cf: {  	v5 =	vld [tilespmem:$0x1FCF0]  }
0x1d0: {  	v4 =	vadd.f32 v8, v4;
	v8 =	vld [tilespmem:$0x1FF60]  }
0x1d1: {  	v47 =	vld [tilespmem:$0x1FE70];
	v10 =	vmul.f32 v10, v26  }
0x1d2: {  	v27 =	vmul.f32 v27, v26;
	v40 =	vld [tilespmem:$0x1FF50]  }
0x1d3: {  	v13 =	vmul.f32 v13, v44;
	v16 =	vld [tilespmem:$0x1FF10];
	v6 =	vadd.f32 v10, v6;
	v7 =	vmul.f32 v7, v50  }
0x1d4: {  	v5 =	vmul.f32 v5, v9;
	v28 =	vld [tilespmem:$0x1FF80];
	v10 =	vmul.f32 v57, v50  }
0x1d5: {  	v42 =	vld [tilespmem:$0x1FF20];
	v1 =	vadd.f32 v13, v1;
	v8 =	vmul.f32 v8, v23;
	v6 =	vadd.f32 v7, v6  }
0x1d6: {  	v15 =	vld [tilespmem:$0x1FF70];
	v3 =	vadd.f32 v59, v3;
	v4 =	vadd.f32 v10, v4;
	v7 =	vmul.f32 v63, v23  }
0x1d7: {  	v1 =	vadd.f32 v5, v1;
	v5 =	vmul.f32 v55, v29;
	v6 =	vadd.f32 v8, v6;
	v8 =	vld [tilespmem:$0x1FF00]  }
0x1d8: {  	v4 =	vadd.f32 v7, v4;
	v7 =	vld [tilespmem:$0x1FEE0]  }
0x1d9: {  	v28 =	vmul.f32 v28, v50;
	v3 =	vadd.f32 v27, v3;
	v5 =	vadd.f32 v5, v6;
	v6 =	vld [tilespmem:$0x1FEB0]  }
0x1da: {  	v46 =	vld [tilespmem:$0x1FED0]  }
0x1db: {  	v33 =	vmul.f32 v40, v23;
	v12 =	vld [tilespmem:$0x1FF30];
	v3 =	vadd.f32 v28, v3  }
0x1dc: {  	v51 =	vld [tilespmem:$0x1FDC0];
	v8 =	vmul.f32 v8, v29  }
0x1dd: {  	v34 =	vmul.f32 v42, v29;
	v17 =	vld [tilespmem:$0x1FE90];
	v3 =	vadd.f32 v33, v3;
	v7 =	vmul.f32 v7, v30  }
0x1de: {  	v15 =	vmul.f32 v15, v23;
	v6 =	vmul.f32 v6, v30;
	v4 =	vadd.f32 v8, v4;
	v8 =	vld [tilespmem:$0x1FE80]  }
0x1df: {  	v36 =	vmul.f32 v46, v30;
	v3 =	vadd.f32 v34, v3;
	v5 =	vadd.f32 v7, v5;
	v7 =	vld [tilespmem:$0x1FE40]  }
0x1e0: {  	v2 =	vadd.f32 v15, v2;
	v12 =	vmul.f32 v12, v29;
	v4 =	vadd.f32 v6, v4;
	v6 =	vld [tilespmem:$0x1FE20]  }
0x1e1: {  	v37 =	vmul.f32 v47, v45;
	v18 =	vld [tilespmem:$0x1FE60];
	v3 =	vadd.f32 v36, v3  }
0x1e2: {  	v16 =	vmul.f32 v16, v30;
	v39 =	vmul.f32 v49, v31;
	v11 =	vld [tilespmem:$0x1FD30];
	v2 =	vadd.f32 v12, v2  }
0x1e3: {  	v17 =	vmul.f32 v17, v45;
	v20 =	vld [tilespmem:$0x1FD50];
	v3 =	vadd.f32 v37, v3;
	v8 =	vmul.f32 v8, v45  }
0x1e4: {  	v40 =	vmul.f32 v51, v44;
	v19 =	vld [tilespmem:$0x1FDE0];
	v2 =	vadd.f32 v16, v2;
	v7 =	vmul.f32 v7, v45  }
0x1e5: {  	v3 =	vadd.f32 v39, v3;
	v6 =	vmul.f32 v6, v31;
	v5 =	vadd.f32 v8, v5;
	v8 =	vld [tilespmem:$0x1FDB0]  }
0x1e6: {  	v18 =	vmul.f32 v18, v31;
	v2 =	vadd.f32 v17, v2;
	v4 =	vadd.f32 v7, v4;
	v7 =	vld [tilespmem:$0x1FDD0]  }
0x1e7: {  	v11 =	vmul.f32 v11, v9;
	v3 =	vadd.f32 v40, v3;
	v5 =	vadd.f32 v6, v5;
	v6 =	vld [tilespmem:$0x1FD80]  }
0x1e8: {  	[tilespmem:s24+$0x9820] =	vst v0;
	v0 =	vld [tilespmem:$0x1FD40]  }
0x1e9: {  	v19 =	vmul.f32 v19, v44;
	[tilespmem:s24+$0x9810] =	vst v1;
	v2 =	vadd.f32 v18, v2;
	v1 =	vadd.f32 v11, v3;
	v3 =	vld [tilespmem:$0x1FD00]  }
0x1ea: {  	v8 =	vmul.f32 v8, v31  }
0x1eb: {  	v20 =	vmul.f32 v20, v9;
	v2 =	vadd.f32 v19, v2;
	v7 =	vmul.f32 v7, v44  }
0x1ec: {  	v6 =	vmul.f32 v6, v44;
	v4 =	vadd.f32 v8, v4  }
0x1ed: {  	v0 =	vmul.f32 v0, v9;
	v2 =	vadd.f32 v20, v2;
	v5 =	vadd.f32 v7, v5  }
0x1ee: {  	v3 =	vmul.f32 v3, v9;
	v4 =	vadd.f32 v6, v4  }
0x1ef: {  	[tilespmem:s24+$0x9870] =	vst v2;
	v0 =	vadd.f32 v0, v5  }
0x1f0: {  	[tilespmem:s24+$0x9850] =	vst v1;
	v1 =	vadd.f32 v3, v4  }
0x1f1: {  	s25 =	sshrl.u32 s23, $0x2;
	[tilespmem:s24+$0x9840] =	vst v0  }
0x1f2: {  	s26 =	sadd.s32 $0x800, s25;
	[tilespmem:s24+$0x9800] =	vst v1  }
0x1f3: {  	[spmem:s2] =	stream.indirect.scatter.add.f32 [tilespmem:s16], [sflag:$0x3], $0x80, s26, s1, $0xb8;
	[tilespmem:$0x1DC00] =	vst v63  }
0x1f4: {  	_ =	swait.ge [sflag:s19], $0x400  }
0x1f5: {  	p0 =	seq.s32 s21, $0x7;
	[sflag:s19] =	ssyncset.done $0x0  }
0x1f6: {  	s23 =	sshrl.u32 @!p0 s23, $0x2;
	[sflag:s19] =	ssyncadd.s32 $0xFFFFFC00  }
0x1f7: {  	v0 =	vld.msk @!p0 [tilespmem:s23+$0x100], $0xff;
	_ =	sdelay $0x4  }
0x1f8: {  	v1 =	vshrl.u32 @!p0 v0, $0x3  }
0x1f9: {  	v1 =	vmul.u32 @!p0 $0x48, v1  }
0x1fa: {  	v2 =	vlaneseq.u32 @!p0;
	v0 =	vand.u32 @!p0 $0x7, v0  }
0x1fb: {  	v0 =	vor.u32 @!p0 v0, v1;
	v1 =	vand.u32 @!p0 $0x7, v2;
	v2 =	vshrl.u32 @!p0 v2, $0x3  }
0x1fc: {  	v0 =	vperm.xlane @!p0 v0, v1;
	v1 =	vmul.u32 @!p0 $0x8, v2;
	_ =	sdelay $0x1  }
0x1fd: {  	v0 =	vadd.s32 @!p0 v1, v0;
	_ =	sdelay $0x3  }
0x1fe: {  	vm2 =	vmmov @!p0 $0xffff;
	s24 =	simm.s32 @!p0 $0x5000;
	s23 =	simm.s32 @!p0 $0x0  }
0x1ff: {  	[tilespmem:s24], [sflag:$0x1] =	stream.indirect_vreg.gather @!p0 [hbm4b:s5+s23], $0x80, v0, vm2, $0xb8;
	[tilespmem:$0x1DC00] =	vst v63  }
0x200: {  	s24 =	simm.s32 @!p0 $0x5800  }
0x201: {  	[tilespmem:s24], [sflag:$0x1] =	stream.indirect_vreg.gather @!p0 [hbm4b:s11+s23], $0x80, v0, vm2, $0xb8;
	[tilespmem:$0x1DC00] =	vst v63  }
0x202: {  	s24 =	simm.s32 @!p0 $0x6000  }
0x203: {  	[tilespmem:s24], [sflag:$0x1] =	stream.indirect_vreg.gather @!p0 [hbm4b:s13+s23], $0x80, v0, vm2, $0xb8;
	[tilespmem:$0x1DC00] =	vst v63  }
0x204: {  	s24 =	simm.s32 @!p0 $0x6800  }
0x205: {  	[tilespmem:s24], [sflag:$0x1] =	stream.indirect_vreg.gather @!p0 [hbm4b:s14+s23], $0x80, v0, vm2, $0xb8;
	[tilespmem:$0x1DC00] =	vst v63  }
0x206: {  	vm2 =	vmmov @!p0 $0xff;
	s24 =	simm.s32 @!p0 $0x7000  }
0x207: {  	[tilespmem:s24], [sflag:$0x1] =	stream.indirect_vreg.gather @!p0 [hbm4b:s15+s23], $0x80, v0, vm2, $0xb8;
	[tilespmem:$0x1DC00] =	vst v63  }
0x208: {  	_ =	swait.ge [sflag:s17], $0x2400  }
0x209: {  	[sflag:s17] =	ssyncset.done $0x0  }
0x20a: {  	s23 =	simm.s32 $0x0;
	[sflag:s17] =	ssyncadd.s32 $0xFFFFDC00  }
0x20b: {  	v1 =	vld [tilespmem:s23+$0x9400]  }
0x20c: {  	v17 =	vld [tilespmem:s23+$0x9410]  }
0x20d: {  	v12 =	vld [tilespmem:s23+$0x9420]  }
0x20e: {  	v22 =	vld [tilespmem:s23+$0x9430]  }
0x20f: {  	v9 =	vld [tilespmem:s23+$0x9040]  }
0x210: {  	v15 =	vld [tilespmem:s23+$0x9050]  }
0x211: {  	v30 =	vld [tilespmem:s23+$0x9060]  }
0x212: {  	v2 =	vld [tilespmem:s23+$0x9070]  }
0x213: {  	v19 =	vld [tilespmem:s23+$0x9000]  }
0x214: {  	v14 =	vmov s20;
	v33 =	vld [tilespmem:s23+$0x9010]  }
0x215: {  	[tilespmem:$0x1F880] =	vst v14;
	v0 =	vld [tilespmem:s23+$0x9020]  }
0x216: {  	v4 =	vld [tilespmem:s23+$0x9030];
	[tilespmem:$0x1F890] =	vst v1  }
0x217: {  	v13 =	vld [tilespmem:s23+$0x8C40];
	[tilespmem:$0x1F8B0] =	vst v17  }
0x218: {  	v52 =	vld [tilespmem:s23+$0x8C50];
	[tilespmem:$0x1F8D0] =	vst v12  }
0x219: {  	v3 =	vld [tilespmem:s23+$0x8C60];
	[tilespmem:$0x1F8F0] =	vst v22  }
0x21a: {  	v6 =	vld [tilespmem:s23+$0x8C70];
	[tilespmem:$0x1F910] =	vst v9  }
0x21b: {  	v26 =	vld [tilespmem:s23+$0x8C00];
	[tilespmem:$0x1F930] =	vst v15  }
0x21c: {  	v29 =	vld [tilespmem:s23+$0x8C10];
	[tilespmem:$0x1F950] =	vst v19  }
0x21d: {  	v5 =	vld [tilespmem:s23+$0x8C20];
	[tilespmem:$0x1F980] =	vst v2  }
0x21e: {  	v8 =	vld [tilespmem:s23+$0x8C30];
	[tilespmem:$0x1F9A0] =	vst v0  }
0x21f: {  	v34 =	vld [tilespmem:s23+$0x8840];
	[tilespmem:$0x1F9C0] =	vst v13  }
0x220: {  	v18 =	vld [tilespmem:s23+$0x8850];
	[tilespmem:$0x1F9F0] =	vst v4  }
0x221: {  	v7 =	vld [tilespmem:s23+$0x8860];
	[tilespmem:$0x1FA00] =	vst v3  }
0x222: {  	v24 =	vld [tilespmem:s23+$0x8870];
	[tilespmem:$0x1FA20] =	vst v6  }
0x223: {  	v53 =	vld [tilespmem:s23+$0x8800];
	[tilespmem:$0x1FA30] =	vst v26  }
0x224: {  	v38 =	vld [tilespmem:s23+$0x8440];
	[tilespmem:$0x1FA60] =	vst v5  }
0x225: {  	v10 =	vld [tilespmem:s23+$0x8820];
	[tilespmem:$0x1FA80] =	vst v34  }
0x226: {  	v27 =	vld [tilespmem:s23+$0x8830];
	[tilespmem:$0x1FAA0] =	vst v8  }
0x227: {  	v49 =	vld [tilespmem:s23+$0x8460];
	[tilespmem:$0x1FAB0] =	vst v7  }
0x228: {  	v51 =	vld [tilespmem:s23+$0x8400];
	[tilespmem:$0x1FAC0] =	vst v24  }
0x229: {  	v50 =	vld [tilespmem:s23+$0x8470];
	[tilespmem:$0x1FAE0] =	vst v38  }
0x22a: {  	v41 =	vld [tilespmem:s23+$0x8420];
	[tilespmem:$0x1FB00] =	vst v10  }
0x22b: {  	v44 =	vld [tilespmem:s23+$0x8430];
	[tilespmem:$0x1FB10] =	vst v27  }
0x22c: {  	v48 =	vld [tilespmem:s23+$0x8810];
	[tilespmem:$0x1FB20] =	vst v49  }
0x22d: {  	v42 =	vld [tilespmem:s23+$0x8450];
	[tilespmem:$0x1FB30] =	vst v51  }
0x22e: {  	v23 =	vld [tilespmem:s23+$0x8410];
	[tilespmem:$0x1FB50] =	vst v50  }
0x22f: {  	v37 =	vld [tilespmem:s23+$0x8040];
	[tilespmem:$0x1FB60] =	vst v41  }
0x230: {  	v43 =	vld [tilespmem:s23+$0x8050];
	v1 =	vshll.u32 v1, $0x10;
	[tilespmem:$0x1FB70] =	vst v44  }
0x231: {  	v16 =	vld [tilespmem:s23+$0x8060];
	v0 =	vshll.u32 v0, $0x10;
	[tilespmem:$0x1F8A0] =	vst v1  }
0x232: {  	v56 =	vld [tilespmem:s23+$0x8070];
	v1 =	vshll.u32 v17, $0x10;
	[tilespmem:$0x1F9B0] =	vst v0  }
0x233: {  	v20 =	vld [tilespmem:s23+$0x8000];
	v0 =	vshll.u32 v13, $0x10;
	[tilespmem:$0x1F8C0] =	vst v1  }
0x234: {  	v61 =	vld [tilespmem:s23+$0x8010];
	v14 =	vmovc v33;
	v47 =	vshll.u32 v33, $0x10;
	v33 =	vmov v52;
	v1 =	vshll.u32 v12, $0x10;
	[tilespmem:$0x1F9D0] =	vst v0  }
0x235: {  	v25 =	vld [tilespmem:s23+$0x8020];
	v0 =	vshll.u32 v33, $0x10;
	[tilespmem:$0x1F8E0] =	vst v1  }
0x236: {  	v21 =	vld [tilespmem:s23+$0x8030];
	v1 =	vshll.u32 v22, $0x10;
	[tilespmem:$0x1F9E0] =	vst v0  }
0x237: {  	v11 =	vld [tilespmem:s23+$0x7C40];
	v0 =	vshll.u32 v3, $0x10;
	[tilespmem:$0x1F900] =	vst v1  }
0x238: {  	v28 =	vld [tilespmem:s23+$0x7C50];
	v1 =	vshll.u32 v9, $0x10;
	[tilespmem:$0x1FA10] =	vst v0  }
0x239: {  	v31 =	vld [tilespmem:s23+$0x7C60];
	v0 =	vshll.u32 v26, $0x10;
	[tilespmem:$0x1F920] =	vst v1  }
0x23a: {  	v36 =	vld [tilespmem:s23+$0x7C00];
	v1 =	vshll.u32 v15, $0x10;
	[tilespmem:$0x1FA40] =	vst v0  }
0x23b: {  	v58 =	vld [tilespmem:s23+$0x7C10];
	v0 =	vshll.u32 v29, $0x10;
	[tilespmem:$0x1F940] =	vst v1  }
0x23c: {  	v39 =	vshll.u32 v24, $0x10;
	v24 =	vld [tilespmem:s23+$0x7810];
	v1 =	vshll.u32 v19, $0x10;
	[tilespmem:$0x1FA50] =	vst v0  }
0x23d: {  	v55 =	vshll.u32 v4, $0x10;
	v12 =	vld [tilespmem:s23+$0x7C70];
	v0 =	vshll.u32 v5, $0x10;
	[tilespmem:$0x1F960] =	vst v1  }
0x23e: {  	v32 =	vshll.u32 v6, $0x10;
	v40 =	vshll.u32 v8, $0x10;
	v26 =	vld [tilespmem:s23+$0x7850];
	v1 =	vshll.u32 v30, $0x10;
	[tilespmem:$0x1FA70] =	vst v0  }
0x23f: {  	v54 =	vshll.u32 v10, $0x10;
	v57 =	vshll.u32 v49, $0x10;
	v9 =	vld [tilespmem:s23+$0x7860];
	v0 =	vshll.u32 v34, $0x10;
	[tilespmem:$0x1F970] =	vst v1  }
0x240: {  	v13 =	vshll.u32 v18, $0x10;
	v3 =	vmovc v31;
	v15 =	vmovc v53;
	v5 =	vmov v25;
	v25 =	vld [tilespmem:s23+$0x7C30];
	v1 =	vshll.u32 v2, $0x10;
	[tilespmem:$0x1FA90] =	vst v0  }
0x241: {  	v31 =	vmovc v18;
	v18 =	vshll.u32 v48, $0x10;
	v19 =	vmovc v48;
	v48 =	vshll.u32 v41, $0x10;
	v41 =	vld [tilespmem:s23+$0x7830];
	v0 =	vshll.u32 v15, $0x10;
	[tilespmem:$0x1F990] =	vst v1  }
0x242: {  	v4 =	vmovc v16;
	v35 =	vshll.u32 v23, $0x10;
	v50 =	vshll.u32 v50, $0x10;
	v34 =	vld [tilespmem:s23+$0x7870];
	[tilespmem:$0x1FAD0] =	vst v0;
	v0 =	vshll.u32 v38, $0x10  }
0x243: {  	v16 =	vmovc v29;
	v6 =	vmovc v11;
	v63 =	vshll.u32 v37, $0x10;
	v29 =	vshll.u32 v42, $0x10;
	v2 =	vld [tilespmem:s23+$0x7C20];
	[tilespmem:$0x1FAF0] =	vst v0;
	v0 =	vshll.u32 v51, $0x10  }
0x244: {  	s24 =	simm.s32 $0x200;
	v17 =	vmovc v37;
	v22 =	vmovc v30;
	v30 =	vshll.u32 v7, $0x10;
	v38 =	vshll.u32 v27, $0x10;
	v27 =	vld [tilespmem:s23+$0x7800];
	v51 =	vshll.u32 v44, $0x10;
	[tilespmem:$0x1FB40] =	vst v0  }
.LBB2_6:
0x245: {  	[tilespmem:$0x1F740] =	vst v5  }
0x246: {  	[tilespmem:$0x1F7F0] =	vst v30;
	v30 =	vld [tilespmem:$0x1F880]  }
0x247: {  	[tilespmem:$0x1F750] =	vst v4  }
0x248: {  	[tilespmem:$0x1F760] =	vst v22  }
0x249: {  	[tilespmem:$0x1F7E0] =	vst v54  }
0x24a: {  	[tilespmem:$0x1F7C0] =	vst v48  }
0x24b: {  	[tilespmem:$0x1F7D0] =	vst v57;
	v0 =	vshll.u32 v4, $0x10  }
0x24c: {  	v52 =	vld [tilespmem:s23+$0x7450];
	[tilespmem:$0x1F7B0] =	vst v0;
	v0 =	vshll.u32 v20, $0x10  }
0x24d: {  	v53 =	vshll.u32 v43, $0x10;
	v48 =	vmov v47;
	v44 =	vld [tilespmem:s23+$0x7430];
	[tilespmem:$0x1F830] =	vst v0;
	v0 =	vshll.u32 v5, $0x10  }
0x24e: {  	v47 =	vmovc v56;
	v57 =	vshll.u32 v56, $0x10;
	v10 =	vmovc v13;
	v56 =	vshll.u32 v61, $0x10;
	v60 =	vshll.u32 v21, $0x10;
	[tilespmem:$0x1F7A0] =	vst v0;
	v54 =	vld.idx.msk [tilespmem:v30+s23+$0x0 ss:$0x1], $0xffff  }
0x24f: {  	v13 =	vmovc v20;
	v46 =	vld [tilespmem:s23+$0x7470];
	v11 =	vmovc v6;
	v20 =	vimm.s32 $0x0;
	v0 =	vshll.u32 v6, $0x10;
	v6 =	vimm.s32 $0x1;
	[tilespmem:$0x1F710] =	vst v9  }
0x250: {  	v49 =	vld [tilespmem:s23+$0x7410];
	[tilespmem:$0x1F820] =	vst v0;
	v59 =	vshll.u32 v28, $0x10;
	v0 =	vshll.u32 v36, $0x10;
	v62 =	vshll.u32 v12, $0x10  }
0x251: {  	v1 =	vshll.u32 v9, $0x10;
	v7 =	vshll.u32 v27, $0x10;
	v5 =	vshll.u32 v41, $0x10;
	[tilespmem:$0x1F810] =	vst v0  }
0x252: {  	v9 =	vimm.s32 $0x2;
	v0 =	vshll.u32 v3, $0x10;
	[tilespmem:$0x1F770] =	vst v1;
	v1 =	vshll.u32 v34, $0x10  }
0x253: {  	[tilespmem:$0x1F730] =	vst v3;
	v3 =	vshll.u32 v24, $0x10;
	v22 =	vshll.u32 v52, $0x10;
	v45 =	vperm.xlane v54, v20  }
0x254: {  	v4 =	vshll.u32 v44, $0x10;
	v8 =	vshll.u32 v46, $0x10;
	[tilespmem:$0x1F790] =	vst v0;
	v0 =	vshll.u32 v2, $0x10  }
0x255: {  	v37 =	vmovc v21;
	[tilespmem:$0x1F720] =	vst v2;
	v21 =	vperm.xlane v54, v6;
	v6 =	vshll.u32 v49, $0x10;
	v4 =	vmul.f32 v4, v45  }
0x256: {  	[tilespmem:$0x1F800] =	vst v7;
	v2 =	vshll.u32 v25, $0x10;
	v6 =	vmul.f32 v6, v45;
	v7 =	vmul.f32 v49, v45  }
0x257: {  	v49 =	vperm.xlane v54, v9;
	v9 =	vmul.f32 v52, v21;
	v52 =	vimm.s32 $0x3  }
0x258: {  	[tilespmem:$0x1F780] =	vst v0;
	v0 =	vshll.u32 v26, $0x10;
	v8 =	vmul.f32 v8, v21;
	v52 =	vperm.xlane v54, v52  }
0x259: {  	v4 =	vadd.f32 $0.0e+00, v4;
	v6 =	vadd.f32 $0.0e+00, v6;
	v5 =	vmul.f32 v5, v49  }
0x25a: {  	v7 =	vadd.f32 $0.0e+00, v7;
	v3 =	vmul.f32 v3, v49;
	v1 =	vmul.f32 v1, v52  }
0x25b: {  	v0 =	vmul.f32 v0, v52;
	v4 =	vadd.f32 v8, v4;
	v8 =	vmul.f32 v22, v21  }
0x25c: {  	v7 =	vadd.f32 v9, v7;
	v9 =	vmul.f32 v24, v49;
	v22 =	vimm.s32 $0x4  }
0x25d: {  	v24 =	vperm.xlane v54, v22;
	v4 =	vadd.f32 v5, v4;
	v5 =	vadd.f32 v8, v6  }
0x25e: {  	v6 =	vadd.f32 v9, v7;
	v7 =	vmul.f32 v26, v52;
	v8 =	vimm.s32 $0x5  }
0x25f: {  	[tilespmem:$0x1F840] =	vst v63;
	v63 =	vshll.u32 v58, $0x10;
	v26 =	vperm.xlane v54, v8;
	v2 =	vmul.f32 v2, v24  }
0x260: {  	v1 =	vadd.f32 v1, v4;
	v4 =	vadd.f32 v7, v6;
	v7 =	vimm.s32 $0x6  }
0x261: {  	v6 =	vmul.f32 v58, v24;
	v3 =	vadd.f32 v3, v5;
	v58 =	vperm.xlane v54, v7  }
0x262: {  	v5 =	vmul.f32 v28, v26;
	v1 =	vadd.f32 v2, v1;
	v2 =	vmul.f32 v62, v26  }
0x263: {  	v4 =	vadd.f32 v6, v4;
	v6 =	vimm.s32 $0x7;
	v0 =	vadd.f32 v0, v3  }
0x264: {  	v28 =	vperm.xlane v54, v6;
	v1 =	vadd.f32 v2, v1;
	v2 =	vmul.f32 v60, v58  }
0x265: {  	v6 =	vimm.s32 $0x8;
	v4 =	vadd.f32 v5, v4;
	v5 =	vmul.f32 v61, v58  }
0x266: {  	v61 =	vperm.xlane v54, v6;
	v1 =	vadd.f32 v2, v1;
	v2 =	vmul.f32 v57, v28  }
0x267: {  	v6 =	vimm.s32 $0x9;
	v3 =	vadd.f32 v5, v4;
	v4 =	vmul.f32 v43, v28  }
0x268: {  	v43 =	vperm.xlane v54, v6;
	v1 =	vadd.f32 v2, v1;
	v2 =	vmul.f32 v51, v61  }
0x269: {  	v7 =	vimm.s32 $0xA;
	v3 =	vadd.f32 v4, v3;
	v4 =	vmul.f32 v23, v61  }
0x26a: {  	v23 =	vperm.xlane v54, v7;
	v1 =	vadd.f32 v2, v1;
	v2 =	vmul.f32 v50, v43  }
0x26b: {  	v6 =	vimm.s32 $0xB;
	v3 =	vadd.f32 v4, v3;
	v4 =	vmul.f32 v42, v43  }
0x26c: {  	v42 =	vperm.xlane v54, v6;
	v1 =	vadd.f32 v2, v1;
	v2 =	vmul.f32 v38, v23  }
0x26d: {  	v6 =	vimm.s32 $0xC  }
0x26e: {  	v38 =	vperm.xlane v54, v6;
	v1 =	vadd.f32 v2, v1;
	v2 =	vmul.f32 v39, v42  }
0x26f: {  	v6 =	vimm.s32 $0xD  }
0x270: {  	v39 =	vperm.xlane v54, v6;
	v1 =	vadd.f32 v2, v1;
	v2 =	vmul.f32 v40, v38  }
0x271: {  	v5 =	vmul.f32 v63, v24;
	v7 =	vimm.s32 $0xE  }
0x272: {  	v40 =	vperm.xlane v54, v7;
	v1 =	vadd.f32 v2, v1;
	v2 =	vmul.f32 v32, v39  }
0x273: {  	v0 =	vadd.f32 v5, v0  }
0x274: {  	v5 =	vmul.f32 v59, v26;
	v1 =	vadd.f32 v2, v1;
	v2 =	vmul.f32 v55, v40  }
0x275: {  	v3 =	vadd.f32 v4, v3;
	v4 =	vmul.f32 v19, v23  }
0x276: {  	v0 =	vadd.f32 v5, v0;
	v6 =	vmul.f32 v56, v58;
	v1 =	vadd.f32 v2, v1;
	v2 =	vld [tilespmem:$0x1F990]  }
0x277: {  	v3 =	vadd.f32 v4, v3  }
0x278: {  	v4 =	vmul.f32 v31, v42;
	v0 =	vadd.f32 v6, v0;
	v6 =	vimm.s32 $0xF  }
0x279: {  	v32 =	vperm.xlane v54, v6  }
0x27a: {  	v3 =	vadd.f32 v4, v3;
	v4 =	vmul.f32 v16, v38  }
0x27b: {  	v5 =	vld.idx.msk [tilespmem:v30+s23+$0x10 ss:$0x1], $0xffff;
	v2 =	vmul.f32 v2, v32  }
0x27c: {  	v3 =	vadd.f32 v4, v3;
	v4 =	vmul.f32 v33, v39  }
0x27d: {  	v1 =	vadd.f32 v2, v1;
	v2 =	vld [tilespmem:$0x1F900]  }
0x27e: {  	v3 =	vadd.f32 v4, v3;
	v4 =	vmul.f32 v14, v40;
	_ =	sdelay $0x1  }
0x27f: {  	v55 =	vperm.xlane v5, v20;
	v3 =	vadd.f32 v4, v3;
	v4 =	vld [tilespmem:$0x1F930];
	_ =	sdelay $0x1  }
0x280: {  	v7 =	vld [tilespmem:$0x1F8B0];
	v6 =	vmul.f32 v53, v28;
	v2 =	vmul.f32 v2, v55  }
0x281: {  	v8 =	vld [tilespmem:s23+$0x7400]  }
0x282: {  	v9 =	vmul.f32 v35, v61;
	v0 =	vadd.f32 v6, v0;
	v1 =	vadd.f32 v2, v1;
	v2 =	vld [tilespmem:$0x1FA50]  }
0x283: {  	v4 =	vmul.f32 v4, v32  }
0x284: {  	v22 =	vmul.f32 v29, v43;
	v6 =	vld [tilespmem:s23+$0x7440];
	v0 =	vadd.f32 v9, v0  }
0x285: {  	v7 =	vmul.f32 v7, v55;
	v3 =	vadd.f32 v4, v3  }
0x286: {  	v0 =	vadd.f32 v22, v0;
	v22 =	vmul.f32 v8, v45;
	v4 =	vmul.f32 v18, v23  }
0x287: {  	v19 =	vld [tilespmem:s23+$0x7840];
	v9 =	vmul.f32 v2, v38;
	v2 =	vadd.f32 v7, v3  }
0x288: {  	v20 =	vmul.f32 v10, v42;
	v0 =	vadd.f32 v4, v0;
	v4 =	vadd.f32 $0.0e+00, v22;
	v3 =	vld [tilespmem:$0x1F9E0]  }
0x289: {  	v22 =	vmul.f32 v11, v26;
	v11 =	vld [tilespmem:$0x1FA80];
	[tilespmem:s23+$0x9830] =	vst v2;
	v2 =	vshll.u32 v6, $0x10;
	v6 =	vmul.f32 v6, v21;
	_ =	sdelay $0x1  }
0x28a: {  	v27 =	vmul.f32 v27, v49;
	v0 =	vadd.f32 v20, v0;
	v4 =	vadd.f32 v6, v4  }
0x28b: {  	v29 =	vmul.f32 v19, v52  }
0x28c: {  	v0 =	vadd.f32 v9, v0;
	v3 =	vmul.f32 v3, v39;
	v4 =	vadd.f32 v27, v4  }
0x28d: {  	v20 =	vmul.f32 v11, v42;
	v11 =	vld [tilespmem:$0x1FB70]  }
0x28e: {  	v62 =	vld [tilespmem:$0x1FA20];
	v14 =	vmul.f32 v36, v24;
	v0 =	vadd.f32 v3, v0;
	v3 =	vadd.f32 v29, v4  }
0x28f: {  	v60 =	vld [tilespmem:$0x1FAC0]  }
0x290: {  	v63 =	vld [tilespmem:$0x1F9F0];
	v3 =	vadd.f32 v14, v3  }
0x291: {  	v31 =	vld [tilespmem:$0x1F950];
	v7 =	vmul.f32 v48, v40  }
0x292: {  	v29 =	vmul.f32 v44, v45;
	v3 =	vadd.f32 v22, v3;
	v22 =	vmul.f32 v11, v61;
	v11 =	vld [tilespmem:$0x1FB50]  }
0x293: {  	[tilespmem:s23+$0x9860] =	vst v1;
	v1 =	vld [tilespmem:$0x1F940]  }
0x294: {  	v10 =	vld [tilespmem:$0x1F8C0];
	v0 =	vadd.f32 v7, v0;
	v7 =	vmul.f32 v46, v21;
	v29 =	vadd.f32 $0.0e+00, v29  }
0x295: {  	v56 =	vld [tilespmem:$0x1F910]  }
0x296: {  	v57 =	vmul.f32 v41, v49;
	v5 =	vld [tilespmem:s23+$0x7820];
	v7 =	vadd.f32 v7, v29  }
0x297: {  	v29 =	vmul.f32 v11, v43;
	v11 =	vld [tilespmem:$0x1FB10]  }
0x298: {  	v59 =	vmul.f32 v34, v52;
	v1 =	vmul.f32 v1, v32;
	v6 =	vld [tilespmem:$0x1FB30];
	v7 =	vadd.f32 v57, v7  }
0x299: {  	v30 =	vmul.f32 v13, v58;
	v18 =	vmul.f32 v10, v55;
	v10 =	vld [tilespmem:$0x1FAE0]  }
0x29a: {  	v9 =	vld [tilespmem:$0x1FA30];
	v0 =	vadd.f32 v1, v0;
	v1 =	vmul.f32 v25, v24;
	v7 =	vadd.f32 v59, v7  }
0x29b: {  	v16 =	vmul.f32 v17, v28;
	v17 =	vmul.f32 v12, v26;
	v25 =	vld [tilespmem:s23+$0x7420];
	v3 =	vadd.f32 v30, v3  }
0x29c: {  	v0 =	vadd.f32 v18, v0;
	v1 =	vadd.f32 v1, v7;
	v30 =	vmul.f32 v11, v23;
	v11 =	vld [tilespmem:$0x1F8F0]  }
0x29d: {  	v6 =	vmul.f32 v6, v61;
	v14 =	vld [tilespmem:s23+$0x7460];
	v3 =	vadd.f32 v16, v3  }
0x29e: {  	s25 =	sshra.s32 s24, $0x2;
	v12 =	vmul.f32 v37, v58;
	v27 =	vld [tilespmem:$0x1F9C0];
	[tilespmem:s23+$0x9820] =	vst v0;
	v1 =	vadd.f32 v17, v1  }
0x29f: {  	v13 =	vmul.f32 v15, v23;
	v10 =	vmul.f32 v10, v43;
	v15 =	vld [tilespmem:s25+$0x9410];
	v3 =	vadd.f32 v6, v3  }
0x2a0: {  	v7 =	vshll.u32 v25, $0x10;
	v25 =	vmul.f32 v25, v45;
	v1 =	vadd.f32 v12, v1;
	v12 =	vld [tilespmem:s25+$0x9400]  }
0x2a1: {  	v3 =	vadd.f32 v10, v3;
	v37 =	vmul.f32 v11, v55;
	v11 =	vld [tilespmem:$0x1F710]  }
0x2a2: {  	v4 =	vld [tilespmem:$0x1F890];
	v0 =	vshll.u32 v14, $0x10;
	v10 =	vmul.f32 v14, v21;
	v14 =	vadd.f32 $0.0e+00, v25  }
0x2a3: {  	v3 =	vadd.f32 v13, v3;
	v13 =	vld [tilespmem:$0x1F720]  }
0x2a4: {  	v50 =	vshll.u32 v5, $0x10;
	v5 =	vmul.f32 v5, v49;
	v16 =	vld [tilespmem:$0x1FAA0];
	v10 =	vadd.f32 v10, v14  }
0x2a5: {  	[tilespmem:$0x1F890] =	vst v12;
	v12 =	vld [tilespmem:$0x1F730]  }
0x2a6: {  	[tilespmem:$0x1F8B0] =	vst v15;
	v15 =	vld [tilespmem:$0x1F750];
	v5 =	vadd.f32 v5, v10;
	v11 =	vmul.f32 v11, v52  }
0x2a7: {  	v14 =	vld [tilespmem:$0x1F740]  }
0x2a8: {  	v33 =	vmul.f32 v56, v32;
	v56 =	vld [tilespmem:s25+$0x9040];
	v13 =	vmul.f32 v13, v24;
	v5 =	vadd.f32 v11, v5  }
0x2a9: {  	v51 =	vld [tilespmem:s25+$0x9050]  }
0x2aa: {  	v34 =	vmul.f32 v62, v39;
	v62 =	vld [tilespmem:s25+$0x9060];
	v12 =	vmul.f32 v12, v26;
	v5 =	vadd.f32 v13, v5  }
0x2ab: {  	v18 =	vmul.f32 v47, v28;
	v10 =	vld [tilespmem:$0x1FB60]  }
0x2ac: {  	v17 =	vmul.f32 v15, v28;
	v15 =	vld [tilespmem:s25+$0x9430];
	v14 =	vmul.f32 v14, v58;
	v5 =	vadd.f32 v12, v5  }
0x2ad: {  	v41 =	vld [tilespmem:s25+$0x9070];
	v1 =	vadd.f32 v18, v1  }
0x2ae: {  	v13 =	vld [tilespmem:$0x1F9A0];
	v5 =	vadd.f32 v14, v5  }
0x2af: {  	v53 =	vld [tilespmem:s25+$0x9000];
	v1 =	vadd.f32 v22, v1  }
0x2b0: {  	v47 =	vld [tilespmem:s25+$0x9010];
	v10 =	vmul.f32 v10, v61;
	v5 =	vadd.f32 v17, v5  }
0x2b1: {  	v1 =	vadd.f32 v29, v1;
	[tilespmem:$0x1F8F0] =	vst v15;
	v15 =	vld [tilespmem:$0x1F8D0]  }
0x2b2: {  	v35 =	vmul.f32 v60, v42;
	v9 =	vmul.f32 v9, v38;
	v5 =	vadd.f32 v10, v5;
	v10 =	vld [tilespmem:$0x1F7D0]  }
0x2b3: {  	v7 =	vmul.f32 v7, v45;
	v1 =	vadd.f32 v30, v1;
	v59 =	vmul.f32 v13, v40;
	v13 =	vld [tilespmem:$0x1F760]  }
0x2b4: {  	v44 =	vmul.f32 v63, v40;
	v0 =	vmul.f32 v0, v21;
	v36 =	vld [tilespmem:s25+$0x9020];
	v3 =	vadd.f32 v20, v3  }
0x2b5: {  	v63 =	vld [tilespmem:s25+$0x8C40];
	v16 =	vmul.f32 v16, v38;
	v7 =	vadd.f32 $0.0e+00, v7;
	v1 =	vadd.f32 v35, v1  }
0x2b6: {  	v31 =	vmul.f32 v31, v40;
	v27 =	vmul.f32 v27, v39;
	v6 =	vld [tilespmem:$0x1F980];
	v3 =	vadd.f32 v9, v3  }
0x2b7: {  	v0 =	vadd.f32 v0, v7;
	v1 =	vadd.f32 v16, v1;
	v16 =	vmul.f32 v10, v43;
	v10 =	vld [tilespmem:$0x1F7E0]  }
0x2b8: {  	v7 =	vld [tilespmem:$0x1F790];
	v3 =	vadd.f32 v27, v3;
	v27 =	vmul.f32 v13, v32;
	v13 =	vmul.f32 v15, v55  }
0x2b9: {  	v18 =	vld [tilespmem:s25+$0x9420]  }
0x2ba: {  	v3 =	vadd.f32 v31, v3;
	[tilespmem:$0x1F850] =	vst v13;
	v13 =	vld [tilespmem:$0x1F770]  }
0x2bb: {  	v20 =	vld [tilespmem:$0x1FB20]  }
0x2bc: {  	v4 =	vmul.f32 v4, v55;
	v3 =	vadd.f32 v33, v3;
	v17 =	vmul.f32 v10, v23;
	v10 =	vld [tilespmem:$0x1F7F0]  }
0x2bd: {  	v35 =	vld [tilespmem:s25+$0x9030];
	v12 =	vmul.f32 v50, v49  }
0x2be: {  	v3 =	vadd.f32 v4, v3;
	v4 =	vld [tilespmem:$0x1F780]  }
0x2bf: {  	v54 =	vmov v18;
	v0 =	vadd.f32 v12, v0;
	v18 =	vmul.f32 v13, v52;
	v13 =	vld [tilespmem:s25+$0x8C50]  }
0x2c0: {  	[tilespmem:s23+$0x9810] =	vst v3;
	v3 =	vld [tilespmem:$0x1F7A0]  }
0x2c1: {  	v0 =	vadd.f32 v18, v0;
	v18 =	vmul.f32 v10, v42;
	v10 =	vld [tilespmem:$0x1FA70]  }
0x2c2: {  	v1 =	vadd.f32 v34, v1;
	v34 =	vld [tilespmem:s25+$0x8C60]  }
0x2c3: {  	v46 =	vld [tilespmem:s25+$0x8C70]  }
0x2c4: {  	v20 =	vmul.f32 v20, v43;
	v57 =	vld [tilespmem:s25+$0x8C00]  }
0x2c5: {  	v6 =	vmul.f32 v6, v32;
	v48 =	vld [tilespmem:s25+$0x8C10]  }
0x2c6: {  	v1 =	vadd.f32 v44, v1;
	v5 =	vadd.f32 v20, v5;
	v20 =	vmul.f32 v10, v38;
	v10 =	vld [tilespmem:$0x1FA10]  }
0x2c7: {  	v44 =	vld [tilespmem:s25+$0x8C20]  }
0x2c8: {  	v1 =	vadd.f32 v6, v1;
	v50 =	vld [tilespmem:s25+$0x8C30]  }
0x2c9: {  	v4 =	vmul.f32 v4, v24;
	v29 =	vld [tilespmem:s25+$0x8840]  }
0x2ca: {  	v7 =	vmul.f32 v7, v26;
	v1 =	vadd.f32 v37, v1;
	[tilespmem:$0x1F860] =	vst v13;
	v13 =	vld [tilespmem:$0x1F7B0]  }
0x2cb: {  	v31 =	vld [tilespmem:s25+$0x8850];
	v0 =	vadd.f32 v4, v0;
	v30 =	vmul.f32 v10, v39;
	v10 =	vshll.u32 v19, $0x10  }
0x2cc: {  	[tilespmem:s23+$0x9870] =	vst v1;
	v1 =	vmul.f32 v10, v52;
	v10 =	vld [tilespmem:$0x1FB40]  }
0x2cd: {  	v3 =	vmul.f32 v3, v58;
	v0 =	vadd.f32 v7, v0;
	_ =	sdelay $0x1  }
0x2ce: {  	v9 =	vld [tilespmem:$0x1FB00];
	v0 =	vadd.f32 v3, v0;
	v14 =	vmul.f32 v13, v28  }
0x2cf: {  	v11 =	vld [tilespmem:$0x1FAB0]  }
0x2d0: {  	v0 =	vadd.f32 v14, v0;
	v14 =	vmul.f32 v10, v61;
	v10 =	vld [tilespmem:$0x1FAF0];
	_ =	sdelay $0x1  }
0x2d1: {  	v22 =	vld [tilespmem:$0x1FA60]  }
0x2d2: {  	v9 =	vmul.f32 v9, v23  }
0x2d3: {  	v2 =	vmul.f32 v2, v21  }
0x2d4: {  	v11 =	vmul.f32 v11, v42;
	v4 =	vadd.f32 v9, v5;
	v21 =	vmul.f32 v10, v43;
	v10 =	vld [tilespmem:$0x1FA90]  }
0x2d5: {  	v8 =	vshll.u32 v8, $0x10;
	v25 =	vld [tilespmem:$0x1FA00]  }
0x2d6: {  	v8 =	vmul.f32 v8, v45;
	v22 =	vmul.f32 v22, v38;
	v12 =	vld [tilespmem:$0x1F7C0];
	v4 =	vadd.f32 v11, v4  }
0x2d7: {  	v9 =	vld [tilespmem:$0x1F8E0]  }
0x2d8: {  	v3 =	vadd.f32 v22, v4;
	v4 =	vadd.f32 $0.0e+00, v8;
	v8 =	vld [tilespmem:$0x1F810]  }
0x2d9: {  	v22 =	vmul.f32 v10, v42;
	v10 =	vld [tilespmem:$0x1FA40]  }
0x2da: {  	v6 =	vld [tilespmem:$0x1F970]  }
0x2db: {  	v45 =	vld [tilespmem:s25+$0x8860]  }
0x2dc: {  	v60 =	vld [tilespmem:s25+$0x8870]  }
0x2dd: {  	v13 =	vmul.f32 v9, v55;
	v9 =	vld [tilespmem:$0x1F820]  }
0x2de: {  	v8 =	vmul.f32 v8, v24;
	v24 =	vmul.f32 v10, v38;
	v10 =	vld [tilespmem:$0x1F960]  }
0x2df: {  	v15 =	vld [tilespmem:s25+$0x8800]  }
0x2e0: {  	v37 =	vld [tilespmem:s25+$0x8440]  }
0x2e1: {  	v33 =	vld [tilespmem:s25+$0x8400]  }
0x2e2: {  	v25 =	vmul.f32 v25, v39;
	v7 =	vld [tilespmem:$0x1F800]  }
0x2e3: {  	v11 =	vmul.f32 v9, v26;
	v26 =	vmul.f32 v10, v40;
	v10 =	vld [tilespmem:$0x1F920]  }
0x2e4: {  	[tilespmem:$0x1F910] =	vst v56;
	v5 =	vld [tilespmem:$0x1F9B0];
	v3 =	vadd.f32 v25, v3  }
0x2e5: {  	[tilespmem:$0x1F930] =	vst v51;
	v2 =	vadd.f32 v2, v4;
	v4 =	vld [tilespmem:$0x1F840]  }
0x2e6: {  	[tilespmem:$0x1F950] =	vst v53;
	v12 =	vmul.f32 v12, v61;
	v25 =	vld [tilespmem:s25+$0x8470];
	v3 =	vadd.f32 v59, v3  }
0x2e7: {  	[tilespmem:$0x1F980] =	vst v41;
	v7 =	vmul.f32 v7, v49;
	v9 =	vld [tilespmem:$0x1F830]  }
0x2e8: {  	[tilespmem:$0x1F9C0] =	vst v63;
	v0 =	vadd.f32 v12, v0;
	v3 =	vadd.f32 v27, v3;
	v27 =	vmul.f32 v10, v32;
	v10 =	vld [tilespmem:$0x1F850]  }
0x2e9: {  	[tilespmem:$0x1F8D0] =	vst v54;
	v49 =	vld [tilespmem:s25+$0x8820];
	v2 =	vadd.f32 v7, v2  }
0x2ea: {  	[tilespmem:$0x1F9A0] =	vst v36;
	v59 =	vld [tilespmem:s25+$0x8830];
	v0 =	vadd.f32 v16, v0  }
0x2eb: {  	[tilespmem:$0x1F9F0] =	vst v35;
	v7 =	vld [tilespmem:$0x1FAD0];
	v1 =	vadd.f32 v1, v2  }
0x2ec: {  	[tilespmem:$0x1FA00] =	vst v34;
	v52 =	vld [tilespmem:s25+$0x8460];
	v0 =	vadd.f32 v17, v0  }
0x2ed: {  	[tilespmem:$0x1FA20] =	vst v46;
	v19 =	vmul.f32 v9, v58;
	v9 =	vld [tilespmem:s25+$0x8810];
	v1 =	vadd.f32 v8, v1;
	v3 =	vadd.f32 v10, v3  }
0x2ee: {  	[tilespmem:$0x1FA30] =	vst v57;
	v42 =	vld [tilespmem:s25+$0x8450]  }
0x2ef: {  	v0 =	vadd.f32 v18, v0;
	v1 =	vadd.f32 v11, v1;
	[tilespmem:s23+$0x9850] =	vst v3;
	v3 =	vld [tilespmem:$0x1F890]  }
0x2f0: {  	[tilespmem:$0x1FA60] =	vst v44;
	v7 =	vmul.f32 v7, v23;
	v23 =	vld [tilespmem:s25+$0x8410]  }
0x2f1: {  	[tilespmem:$0x1FA80] =	vst v29;
	v4 =	vmul.f32 v4, v28;
	v0 =	vadd.f32 v20, v0;
	v1 =	vadd.f32 v19, v1;
	v10 =	vld [tilespmem:s25+$0x8420]  }
0x2f2: {  	[tilespmem:$0x1FAA0] =	vst v50;
	v11 =	vld [tilespmem:s25+$0x8430]  }
0x2f3: {  	[tilespmem:$0x1FAB0] =	vst v45;
	v5 =	vmul.f32 v5, v40;
	v0 =	vadd.f32 v30, v0;
	v1 =	vadd.f32 v4, v1;
	v16 =	vld [tilespmem:s25+$0x8040]  }
0x2f4: {  	[tilespmem:$0x1FAC0] =	vst v60;
	v43 =	vld [tilespmem:s25+$0x8050]  }
0x2f5: {  	v6 =	vmul.f32 v6, v32;
	[tilespmem:$0x1FAE0] =	vst v37;
	v0 =	vadd.f32 v5, v0;
	v1 =	vadd.f32 v14, v1;
	v4 =	vld [tilespmem:s25+$0x8060]  }
0x2f6: {  	[tilespmem:$0x1FB30] =	vst v33;
	v17 =	vld [tilespmem:s25+$0x8070]  }
0x2f7: {  	[tilespmem:$0x1FB00] =	vst v49;
	v0 =	vadd.f32 v6, v0;
	v1 =	vadd.f32 v21, v1;
	v20 =	vld [tilespmem:s25+$0x8000]  }
0x2f8: {  	[tilespmem:$0x1FB10] =	vst v59;
	v61 =	vld [tilespmem:s25+$0x8010]  }
0x2f9: {  	[tilespmem:$0x1FB20] =	vst v52;
	v0 =	vadd.f32 v13, v0;
	v1 =	vadd.f32 v7, v1;
	v7 =	vmov v25;
	v5 =	vld [tilespmem:s25+$0x8020]  }
0x2fa: {  	[tilespmem:$0x1FB50] =	vst v7;
	v21 =	vld [tilespmem:s25+$0x8030]  }
0x2fb: {  	v6 =	vld [tilespmem:s25+$0x7C40];
	[tilespmem:s23+$0x9840] =	vst v0;
	v0 =	vshll.u32 v56, $0x10  }
0x2fc: {  	[tilespmem:$0x1F920] =	vst v0;
	v0 =	vshll.u32 v51, $0x10  }
0x2fd: {  	[tilespmem:$0x1F940] =	vst v0;
	v0 =	vadd.f32 v22, v1;
	v1 =	vshll.u32 v53, $0x10  }
0x2fe: {  	[tilespmem:$0x1F960] =	vst v1;
	v1 =	vshll.u32 v62, $0x10  }
0x2ff: {  	v8 =	vld [tilespmem:$0x1F8A0];
	v3 =	vshll.u32 v3, $0x10;
	[tilespmem:$0x1F970] =	vst v1  }
0x300: {  	v1 =	vshll.u32 v41, $0x10;
	[tilespmem:$0x1F8A0] =	vst v3;
	v3 =	vld [tilespmem:$0x1F8B0]  }
0x301: {  	[tilespmem:$0x1F990] =	vst v1;
	v56 =	vmov v17;
	v17 =	vld [tilespmem:$0x1F860]  }
0x302: {  	v2 =	vld [tilespmem:$0x1F9D0];
	[tilespmem:$0x1FB60] =	vst v10  }
0x303: {  	v1 =	vshll.u32 v36, $0x10;
	[tilespmem:$0x1FB70] =	vst v11  }
0x304: {  	v28 =	vld [tilespmem:s25+$0x7C50];
	[tilespmem:$0x1F9B0] =	vst v1;
	v1 =	vshll.u32 v63, $0x10  }
0x305: {  	v12 =	vld [tilespmem:s25+$0x7C70];
	[tilespmem:$0x1F9D0] =	vst v1;
	v3 =	vshll.u32 v3, $0x10  }
0x306: {  	v58 =	vld [tilespmem:s25+$0x7C10];
	v1 =	vshll.u32 v17, $0x10;
	[tilespmem:$0x1F8C0] =	vst v3  }
0x307: {  	v2 =	vmul.f32 v2, v39;
	v25 =	vld [tilespmem:s25+$0x7C30];
	v0 =	vadd.f32 v24, v0;
	v3 =	vshll.u32 v54, $0x10;
	[tilespmem:$0x1F9E0] =	vst v1  }
0x308: {  	v19 =	vmov v9;
	v18 =	vshll.u32 v9, $0x10;
	v9 =	vld [tilespmem:s25+$0x7860];
	v1 =	vshll.u32 v34, $0x10;
	[tilespmem:$0x1F8E0] =	vst v3  }
0x309: {  	v30 =	vshll.u32 v45, $0x10;
	v0 =	vadd.f32 v2, v0;
	v3 =	vld [tilespmem:$0x1F8F0];
	[tilespmem:$0x1FA10] =	vst v1;
	v1 =	vshll.u32 v57, $0x10  }
0x30a: {  	v39 =	vshll.u32 v60, $0x10;
	v8 =	vmul.f32 v8, v55;
	v24 =	vld [tilespmem:s25+$0x7810];
	[tilespmem:$0x1FA40] =	vst v1;
	v1 =	vshll.u32 v48, $0x10  }
0x30b: {  	v55 =	vshll.u32 v35, $0x10;
	v41 =	vld [tilespmem:s25+$0x7830];
	v0 =	vadd.f32 v26, v0;
	[tilespmem:$0x1FA50] =	vst v1;
	v1 =	vshll.u32 v44, $0x10  }
0x30c: {  	v14 =	vmovc v47;
	v47 =	vshll.u32 v47, $0x10;
	v13 =	vshll.u32 v31, $0x10;
	v36 =	vld [tilespmem:s25+$0x7C00];
	[tilespmem:$0x1FA70] =	vst v1;
	v1 =	vshll.u32 v29, $0x10  }
0x30d: {  	p0 =	sne.s32 s24, $0xE00;
	v38 =	vshll.u32 v59, $0x10;
	v2 =	vld [tilespmem:s25+$0x7C20];
	v0 =	vadd.f32 v27, v0;
	[tilespmem:$0x1FA90] =	vst v1;
	v1 =	vshll.u32 v15, $0x10  }
.Ltmp1:
0x30e: {  	v40 =	vshll.u32 v50, $0x10;
	v50 =	vshll.u32 v7, $0x10;
	v26 =	vld [tilespmem:s25+$0x7850];
	v3 =	vshll.u32 v3, $0x10;
	[tilespmem:$0x1FAD0] =	vst v1;
	(pc) =	sbr.rel @p0 .LBB2_6-.Ltmp1, $4  }
0x30f: {  	v32 =	vshll.u32 v46, $0x10;
	v27 =	vld [tilespmem:s25+$0x7800];
	v0 =	vadd.f32 v8, v0;
	v1 =	vshll.u32 v37, $0x10;
	[tilespmem:$0x1F900] =	vst v3  }
0x310: {  	v35 =	vshll.u32 v23, $0x10;
	v51 =	vshll.u32 v11, $0x10;
	v63 =	vshll.u32 v16, $0x10;
	v34 =	vld [tilespmem:s25+$0x7870];
	[tilespmem:$0x1FAF0] =	vst v1  }
0x311: {  	v22 =	vmovc v62;
	v54 =	vshll.u32 v49, $0x10;
	v57 =	vshll.u32 v52, $0x10;
	v3 =	vld [tilespmem:s25+$0x7C60];
	v1 =	vshll.u32 v33, $0x10;
	[tilespmem:s23+$0x9800] =	vst v0  }
0x312: {  	s24 =	sadd.s32 $0x200, s24;
	v29 =	vshll.u32 v42, $0x10;
	v33 =	vmovc v17;
	v17 =	vmovc v16;
	v16 =	vmov v48;
	v48 =	vshll.u32 v10, $0x10;
	s23 =	smov.u32 s25;
	[tilespmem:$0x1FB40] =	vst v1  }
0x313: {  	v8 =	vld [tilespmem:$0x1F880];
	_ =	sdelay $0x7  }
0x314: {  	v0 =	vld.idx.msk [tilespmem:v8+s23+$0x0 ss:$0x1], $0xffff  }
0x315: {  	v53 =	vld [tilespmem:s23+$0x7430];
	_ =	sdelay $0x1  }
0x316: {  	v60 =	vld [tilespmem:s23+$0x7470]  }
0x317: {  	v7 =	vimm.s32 $0x0  }
0x318: {  	v1 =	vld [tilespmem:s23+$0x7410];
	v45 =	vperm.xlane v0, v7  }
0x319: {  	[tilespmem:$0x1F750] =	vst v4;
	v4 =	vimm.s32 $0x1;
	v49 =	vshll.u32 v53, $0x10  }
0x31a: {  	[tilespmem:$0x1F730] =	vst v3;
	v46 =	vperm.xlane v0, v4;
	v3 =	vmul.f32 v49, v45  }
0x31b: {  	v59 =	vld [tilespmem:s23+$0x7450];
	v62 =	vmovc v9;
	[tilespmem:$0x1F740] =	vst v5;
	v9 =	vmov v6;
	v6 =	vimm.s32 $0x2;
	v5 =	vshll.u32 v60, $0x10  }
0x31c: {  	v37 =	vperm.xlane v0, v6;
	v5 =	vmul.f32 v5, v46;
	v3 =	vadd.f32 $0.0e+00, v3  }
0x31d: {  	v6 =	vshll.u32 v41, $0x10;
	v4 =	vmul.f32 v1, v45  }
0x31e: {  	v3 =	vadd.f32 v5, v3;
	v5 =	vmul.f32 v6, v37;
	v6 =	vimm.s32 $0x3  }
0x31f: {  	v52 =	vimm.s32 $0x5;
	v11 =	vperm.xlane v0, v6  }
0x320: {  	v7 =	vmul.f32 v59, v46;
	v4 =	vadd.f32 $0.0e+00, v4;
	v6 =	vshll.u32 v34, $0x10  }
0x321: {  	[tilespmem:$0x1F720] =	vst v2;
	v2 =	vshll.u32 v59, $0x10;
	v3 =	vadd.f32 v5, v3;
	v5 =	vmul.f32 v6, v11  }
0x322: {  	v1 =	vshll.u32 v1, $0x10;
	v4 =	vadd.f32 v7, v4;
	v6 =	vmul.f32 v24, v37  }
0x323: {  	v1 =	vmul.f32 v1, v45;
	v3 =	vadd.f32 v5, v3;
	v5 =	vimm.s32 $0x4  }
0x324: {  	v4 =	vadd.f32 v6, v4;
	v49 =	vperm.xlane v0, v5;
	v5 =	vmul.f32 v26, v11  }
0x325: {  	v2 =	vmul.f32 v2, v46;
	v1 =	vadd.f32 $0.0e+00, v1;
	v6 =	vshll.u32 v25, $0x10  }
0x326: {  	v4 =	vadd.f32 v5, v4;
	v5 =	vmul.f32 v6, v49;
	v6 =	vmul.f32 v58, v49  }
0x327: {  	v52 =	vperm.xlane v0, v52;
	v1 =	vadd.f32 v2, v1  }
0x328: {  	v59 =	vadd.f32 v6, v4;
	v4 =	vshll.u32 v12, $0x10;
	v6 =	vimm.s32 $0x6  }
0x329: {  	v2 =	vadd.f32 v5, v3;
	v4 =	vmul.f32 v4, v52;
	v44 =	vperm.xlane v0, v6  }
0x32a: {  	v7 =	vmul.f32 v28, v52;
	v5 =	vshll.u32 v24, $0x10;
	v6 =	vshll.u32 v21, $0x10  }
0x32b: {  	v2 =	vadd.f32 v4, v2;
	v4 =	vmul.f32 v6, v44;
	v6 =	vimm.s32 $0x7  }
0x32c: {  	v5 =	vmul.f32 v5, v37;
	v24 =	vperm.xlane v0, v6  }
0x32d: {  	v3 =	vadd.f32 v7, v59;
	v7 =	vmul.f32 v61, v44;
	v6 =	vshll.u32 v56, $0x10  }
0x32e: {  	v10 =	vimm.s32 $0x9;
	v2 =	vadd.f32 v4, v2;
	v4 =	vmul.f32 v6, v24  }
0x32f: {  	v1 =	vadd.f32 v5, v1;
	v5 =	vshll.u32 v26, $0x10;
	v3 =	vadd.f32 v7, v3  }
0x330: {  	v6 =	vimm.s32 $0x8;
	v2 =	vadd.f32 v4, v2;
	v4 =	vmul.f32 v5, v11  }
0x331: {  	v59 =	vperm.xlane v0, v6;
	v6 =	vshll.u32 v58, $0x10;
	v5 =	vmul.f32 v43, v24  }
0x332: {  	v58 =	vperm.xlane v0, v10;
	v1 =	vadd.f32 v4, v1;
	v4 =	vmul.f32 v6, v49  }
0x333: {  	v7 =	vmul.f32 v51, v59;
	v3 =	vadd.f32 v5, v3;
	v5 =	vmul.f32 v23, v59  }
0x334: {  	v6 =	vmul.f32 v50, v58;
	v1 =	vadd.f32 v4, v1;
	v4 =	vimm.s32 $0xA  }
0x335: {  	v2 =	vadd.f32 v7, v2;
	v7 =	vimm.s32 $0xB;
	v23 =	vperm.xlane v0, v4  }
0x336: {  	v3 =	vadd.f32 v5, v3;
	v5 =	vshll.u32 v28, $0x10;
	v4 =	vmul.f32 v42, v58  }
0x337: {  	v2 =	vadd.f32 v6, v2;
	v6 =	vmul.f32 v38, v23;
	v38 =	vperm.xlane v0, v7  }
0x338: {  	v3 =	vadd.f32 v4, v3;
	v4 =	vmul.f32 v5, v52;
	v7 =	vimm.s32 $0xC  }
0x339: {  	v5 =	vmul.f32 v19, v23;
	v28 =	vperm.xlane v0, v7  }
0x33a: {  	v7 =	vimm.s32 $0xE;
	v2 =	vadd.f32 v6, v2;
	v6 =	vmul.f32 v39, v38  }
0x33b: {  	v1 =	vadd.f32 v4, v1;
	v3 =	vadd.f32 v5, v3;
	v4 =	vmul.f32 v31, v38  }
0x33c: {  	v10 =	vmovc v15;
	v15 =	vperm.xlane v0, v7;
	v2 =	vadd.f32 v6, v2;
	v6 =	vimm.s32 $0xD  }
0x33d: {  	v26 =	vld [tilespmem:s23+$0x7400];
	v5 =	vmul.f32 v40, v28;
	v31 =	vperm.xlane v0, v6  }
0x33e: {  	v3 =	vadd.f32 v4, v3;
	v4 =	vshll.u32 v61, $0x10;
	v6 =	vmul.f32 v16, v28  }
0x33f: {  	v4 =	vmul.f32 v4, v44;
	v2 =	vadd.f32 v5, v2;
	v5 =	vmul.f32 v32, v31  }
0x340: {  	v3 =	vadd.f32 v6, v3;
	v6 =	vmul.f32 v33, v31;
	v33 =	vmov v36;
	v36 =	vld [tilespmem:s23+$0x7440]  }
0x341: {  	v1 =	vadd.f32 v4, v1;
	v4 =	vmul.f32 v55, v15;
	v2 =	vadd.f32 v5, v2  }
0x342: {  	v7 =	vimm.s32 $0xF;
	v55 =	vmul.f32 v26, v45;
	v5 =	vshll.u32 v43, $0x10  }
0x343: {  	v3 =	vadd.f32 v6, v3;
	v6 =	vld.idx.msk [tilespmem:v8+s23+$0x10 ss:$0x1], $0xffff;
	v2 =	vadd.f32 v4, v2;
	v4 =	vmul.f32 v5, v24  }
0x344: {  	v32 =	vperm.xlane v0, v7;
	v0 =	vadd.f32 $0.0e+00, v55;
	v5 =	vmul.f32 v14, v15  }
0x345: {  	v8 =	vmul.f32 v36, v46;
	v1 =	vadd.f32 v4, v1;
	v4 =	vmul.f32 v35, v59  }
0x346: {  	v3 =	vadd.f32 v5, v3;
	v5 =	vmul.f32 v27, v37  }
0x347: {  	v39 =	vld [tilespmem:s23+$0x7840];
	v0 =	vadd.f32 v8, v0;
	v1 =	vadd.f32 v4, v1;
	v4 =	vimm.s32 $0x0  }
0x348: {  	v7 =	vld [tilespmem:$0x1F990];
	v8 =	vperm.xlane v6, v4;
	v4 =	vmul.f32 v29, v58  }
0x349: {  	v0 =	vadd.f32 v5, v0;
	v5 =	vld [tilespmem:$0x1F930]  }
0x34a: {  	v1 =	vadd.f32 v4, v1;
	v4 =	vld [tilespmem:$0x1F900];
	_ =	sdelay $0x2  }
0x34b: {  	v7 =	vmul.f32 v7, v32  }
0x34c: {  	v6 =	vmul.f32 v39, v11;
	v5 =	vmul.f32 v5, v32  }
0x34d: {  	v2 =	vadd.f32 v7, v2;
	v4 =	vmul.f32 v4, v8  }
0x34e: {  	v0 =	vadd.f32 v6, v0;
	v3 =	vadd.f32 v5, v3;
	v5 =	vmul.f32 v33, v49  }
0x34f: {  	v2 =	vadd.f32 v4, v2;
	v4 =	vmul.f32 v53, v45  }
0x350: {  	v0 =	vadd.f32 v5, v0;
	v5 =	vld [tilespmem:$0x1F8B0]  }
0x351: {  	v61 =	vmovc v9;
	v6 =	vmul.f32 v9, v52;
	v9 =	vmul.f32 v60, v46;
	v4 =	vadd.f32 $0.0e+00, v4;
	_ =	sdelay $0x1  }
0x352: {  	v29 =	vadd.f32 v9, v4;
	v4 =	vmul.f32 v41, v37  }
0x353: {  	v35 =	vld [tilespmem:$0x1FA50];
	v7 =	vmul.f32 v18, v23  }
0x354: {  	[tilespmem:s23+$0x9860] =	vst v2;
	v5 =	vmul.f32 v5, v8;
	v2 =	vadd.f32 v4, v29;
	v4 =	vmul.f32 v34, v11  }
0x355: {  	v40 =	vld [tilespmem:$0x1FB30];
	v1 =	vadd.f32 v7, v1;
	v0 =	vadd.f32 v6, v0;
	v6 =	vmul.f32 v20, v44  }
0x356: {  	v7 =	vmul.f32 v13, v38;
	v3 =	vadd.f32 v5, v3;
	v2 =	vadd.f32 v4, v2;
	v4 =	vld [tilespmem:$0x1F9E0]  }
0x357: {  	v0 =	vadd.f32 v6, v0;
	v6 =	vmul.f32 v17, v24  }
0x358: {  	v1 =	vadd.f32 v7, v1;
	v41 =	vld [tilespmem:$0x1FAE0];
	[tilespmem:s23+$0x9830] =	vst v3;
	v3 =	vmul.f32 v35, v28  }
0x359: {  	v7 =	vld [tilespmem:s23+$0x7420];
	v0 =	vadd.f32 v6, v0  }
0x35a: {  	v6 =	vmul.f32 v25, v49;
	v1 =	vadd.f32 v3, v1;
	v3 =	vmul.f32 v40, v59  }
0x35b: {  	v9 =	vld [tilespmem:s23+$0x7460];
	v4 =	vmul.f32 v4, v31  }
0x35c: {  	v2 =	vadd.f32 v6, v2;
	v0 =	vadd.f32 v3, v0  }
0x35d: {  	v3 =	vmul.f32 v41, v58;
	v1 =	vadd.f32 v4, v1;
	v4 =	vmul.f32 v12, v52  }
0x35e: {  	v6 =	vmul.f32 v7, v45  }
0x35f: {  	v0 =	vadd.f32 v3, v0;
	v2 =	vadd.f32 v4, v2;
	v4 =	vmul.f32 v10, v23  }
0x360: {  	v43 =	vadd.f32 $0.0e+00, v6;
	v6 =	vmul.f32 v9, v46  }
0x361: {  	v0 =	vadd.f32 v4, v0;
	v4 =	vld [tilespmem:$0x1FA80]  }
0x362: {  	v3 =	vadd.f32 v6, v43;
	v6 =	vld [tilespmem:$0x1F940];
	_ =	sdelay $0x2  }
0x363: {  	v42 =	vmul.f32 v47, v15  }
0x364: {  	v4 =	vmul.f32 v4, v38  }
0x365: {  	v5 =	vld [tilespmem:s23+$0x7820];
	v1 =	vadd.f32 v42, v1;
	v6 =	vmul.f32 v6, v32  }
0x366: {  	v0 =	vadd.f32 v4, v0;
	v4 =	vld [tilespmem:$0x1FA30]  }
0x367: {  	v1 =	vadd.f32 v6, v1;
	v6 =	vld [tilespmem:$0x1FB70]  }
0x368: {  	v10 =	vmul.f32 v21, v44;
	_ =	sdelay $0x1  }
0x369: {  	v2 =	vadd.f32 v10, v2;
	v10 =	vmul.f32 v56, v24  }
0x36a: {  	v47 =	vmul.f32 v5, v37;
	v4 =	vmul.f32 v4, v28  }
0x36b: {  	v2 =	vadd.f32 v10, v2;
	v6 =	vmul.f32 v6, v59  }
0x36c: {  	v3 =	vadd.f32 v47, v3;
	v0 =	vadd.f32 v4, v0;
	v4 =	vmul.f32 v62, v11  }
0x36d: {  	v2 =	vadd.f32 v6, v2;
	v6 =	vld [tilespmem:$0x1F8C0]  }
0x36e: {  	v3 =	vadd.f32 v4, v3;
	v4 =	vld [tilespmem:$0x1FB50];
	_ =	sdelay $0x3  }
0x36f: {  	v10 =	vld [tilespmem:$0x1F9C0];
	v6 =	vmul.f32 v6, v8  }
0x370: {  	v4 =	vmul.f32 v4, v58  }
0x371: {  	v1 =	vadd.f32 v6, v1;
	v6 =	vld [tilespmem:$0x1F950]  }
0x372: {  	v2 =	vadd.f32 v4, v2;
	v4 =	vld [tilespmem:$0x1FB10];
	_ =	sdelay $0x1  }
0x373: {  	v10 =	vmul.f32 v10, v31;
	_ =	sdelay $0x1  }
0x374: {  	v50 =	vld [tilespmem:$0x1F720];
	v0 =	vadd.f32 v10, v0;
	v6 =	vmul.f32 v6, v15  }
0x375: {  	v53 =	vld [tilespmem:$0x1F730];
	v4 =	vmul.f32 v4, v23  }
0x376: {  	v0 =	vadd.f32 v6, v0;
	v6 =	vld [tilespmem:$0x1F910]  }
0x377: {  	v2 =	vadd.f32 v4, v2;
	v4 =	vld [tilespmem:$0x1FAC0];
	_ =	sdelay $0x1  }
0x378: {  	v51 =	vmul.f32 v50, v49;
	v55 =	vld [tilespmem:$0x1F740];
	_ =	sdelay $0x1  }
0x379: {  	v56 =	vld [tilespmem:$0x1F750];
	v10 =	vmul.f32 v53, v52;
	v3 =	vadd.f32 v51, v3;
	v6 =	vmul.f32 v6, v32  }
0x37a: {  	v7 =	vshll.u32 v7, $0x10;
	v4 =	vmul.f32 v4, v38  }
0x37b: {  	v3 =	vadd.f32 v10, v3;
	v0 =	vadd.f32 v6, v0;
	v6 =	vmul.f32 v7, v45  }
0x37c: {  	v7 =	vmul.f32 v55, v44;
	v2 =	vadd.f32 v4, v2;
	v4 =	vshll.u32 v9, $0x10;
	v9 =	vld [tilespmem:$0x1F890]  }
0x37d: {  	v6 =	vadd.f32 $0.0e+00, v6  }
0x37e: {  	v3 =	vadd.f32 v7, v3;
	v7 =	vmul.f32 v56, v24;
	v4 =	vmul.f32 v4, v46  }
0x37f: {  	v5 =	vshll.u32 v5, $0x10  }
0x380: {  	v5 =	vmul.f32 v5, v37;
	v3 =	vadd.f32 v7, v3;
	v7 =	vld [tilespmem:$0x1FB60];
	v4 =	vadd.f32 v4, v6  }
0x381: {  	v6 =	vshll.u32 v26, $0x10;
	v9 =	vmul.f32 v9, v8  }
0x382: {  	v4 =	vadd.f32 v5, v4;
	v5 =	vmul.f32 v6, v45;
	v6 =	vshll.u32 v62, $0x10  }
0x383: {  	v6 =	vmul.f32 v6, v11  }
0x384: {  	v0 =	vadd.f32 v9, v0;
	v9 =	vshll.u32 v27, $0x10  }
0x385: {  	v7 =	vmul.f32 v7, v59;
	v4 =	vadd.f32 v6, v4;
	v6 =	vmul.f32 v9, v37;
	v9 =	vld [tilespmem:$0x1FB20];
	_ =	sdelay $0x1  }
0x386: {  	v3 =	vadd.f32 v7, v3;
	v7 =	vshll.u32 v36, $0x10  }
0x387: {  	v7 =	vmul.f32 v7, v46;
	v5 =	vadd.f32 $0.0e+00, v5;
	_ =	sdelay $0x1  }
0x388: {  	v5 =	vadd.f32 v7, v5;
	v7 =	vshll.u32 v50, $0x10;
	v9 =	vmul.f32 v9, v58  }
0x389: {  	v10 =	vshll.u32 v39, $0x10;
	v7 =	vmul.f32 v7, v49  }
0x38a: {  	v5 =	vadd.f32 v6, v5;
	v3 =	vadd.f32 v9, v3;
	v9 =	vmul.f32 v10, v11  }
0x38b: {  	v4 =	vadd.f32 v7, v4;
	v7 =	vshll.u32 v33, $0x10  }
0x38c: {  	v6 =	vshll.u32 v53, $0x10;
	v7 =	vmul.f32 v7, v49;
	v5 =	vadd.f32 v9, v5  }
0x38d: {  	v6 =	vmul.f32 v6, v52  }
0x38e: {  	v10 =	vld [tilespmem:$0x1FB00];
	v5 =	vadd.f32 v7, v5;
	v7 =	vshll.u32 v55, $0x10  }
0x38f: {  	v4 =	vadd.f32 v6, v4;
	v7 =	vmul.f32 v7, v44  }
0x390: {  	v9 =	vld [tilespmem:$0x1FAB0]  }
0x391: {  	v4 =	vadd.f32 v7, v4;
	v7 =	vld [tilespmem:$0x1FAA0];
	_ =	sdelay $0x1  }
0x392: {  	v6 =	vshll.u32 v61, $0x10;
	v10 =	vmul.f32 v10, v23  }
0x393: {  	v6 =	vmul.f32 v6, v52  }
0x394: {  	v3 =	vadd.f32 v10, v3;
	v9 =	vmul.f32 v9, v38  }
0x395: {  	v5 =	vadd.f32 v6, v5;
	v7 =	vmul.f32 v7, v28  }
0x396: {  	v6 =	vshll.u32 v56, $0x10;
	v3 =	vadd.f32 v9, v3;
	v9 =	vshll.u32 v20, $0x10  }
0x397: {  	v6 =	vmul.f32 v6, v24;
	v9 =	vmul.f32 v9, v44;
	v2 =	vadd.f32 v7, v2;
	v7 =	vld [tilespmem:$0x1FB40];
	_ =	sdelay $0x1  }
0x398: {  	v4 =	vadd.f32 v6, v4;
	v6 =	vmul.f32 v48, v59;
	v5 =	vadd.f32 v9, v5;
	v9 =	vld [tilespmem:$0x1FA60]  }
0x399: {  	v10 =	vmul.f32 v63, v24  }
0x39a: {  	v4 =	vadd.f32 v6, v4;
	v6 =	vld [tilespmem:$0x1FA20]  }
0x39b: {  	v5 =	vadd.f32 v10, v5;
	v7 =	vmul.f32 v7, v59;
	_ =	sdelay $0x1  }
0x39c: {  	v9 =	vmul.f32 v9, v28;
	v5 =	vadd.f32 v7, v5;
	v7 =	vld [tilespmem:$0x1FA00];
	_ =	sdelay $0x1  }
0x39d: {  	v6 =	vmul.f32 v6, v31;
	v3 =	vadd.f32 v9, v3;
	v9 =	vmul.f32 v57, v58;
	_ =	sdelay $0x1  }
0x39e: {  	v2 =	vadd.f32 v6, v2;
	v6 =	vmul.f32 v54, v23;
	v4 =	vadd.f32 v9, v4  }
0x39f: {  	v10 =	vld [tilespmem:$0x1FAF0];
	v7 =	vmul.f32 v7, v31  }
0x3a0: {  	v4 =	vadd.f32 v6, v4;
	v6 =	vld [tilespmem:$0x1F9F0]  }
0x3a1: {  	v3 =	vadd.f32 v7, v3;
	v7 =	vld [tilespmem:$0x1FAD0];
	_ =	sdelay $0x2  }
0x3a2: {  	v10 =	vmul.f32 v10, v58  }
0x3a3: {  	v6 =	vmul.f32 v6, v15  }
0x3a4: {  	v5 =	vadd.f32 v10, v5;
	v7 =	vmul.f32 v7, v23  }
0x3a5: {  	v2 =	vadd.f32 v6, v2;
	v6 =	vld [tilespmem:$0x1FA70]  }
0x3a6: {  	v5 =	vadd.f32 v7, v5;
	v7 =	vld [tilespmem:$0x1F9A0];
	_ =	sdelay $0x1  }
0x3a7: {  	v9 =	vmul.f32 v30, v38;
	_ =	sdelay $0x1  }
0x3a8: {  	v4 =	vadd.f32 v9, v4;
	v6 =	vmul.f32 v6, v28  }
0x3a9: {  	v10 =	vld [tilespmem:$0x1FA90];
	v7 =	vmul.f32 v7, v15  }
0x3aa: {  	v4 =	vadd.f32 v6, v4;
	v6 =	vld [tilespmem:$0x1F980]  }
0x3ab: {  	v3 =	vadd.f32 v7, v3;
	v7 =	vld [tilespmem:$0x1FA40]  }
0x3ac: {  	v9 =	vld [tilespmem:$0x1FA10];
	_ =	sdelay $0x1  }
0x3ad: {  	v10 =	vmul.f32 v10, v38  }
0x3ae: {  	v6 =	vmul.f32 v6, v32  }
0x3af: {  	v5 =	vadd.f32 v10, v5;
	v7 =	vmul.f32 v7, v28  }
0x3b0: {  	v9 =	vmul.f32 v9, v31;
	v2 =	vadd.f32 v6, v2;
	v6 =	vld [tilespmem:$0x1F9B0]  }
0x3b1: {  	v10 =	vld [tilespmem:$0x1F9D0];
	v5 =	vadd.f32 v7, v5;
	v7 =	vmul.f32 v22, v32  }
0x3b2: {  	v4 =	vadd.f32 v9, v4;
	v9 =	vld [tilespmem:$0x1F970]  }
0x3b3: {  	v3 =	vadd.f32 v7, v3;
	v7 =	vld [tilespmem:$0x1F960];
	_ =	sdelay $0x1  }
0x3b4: {  	v6 =	vmul.f32 v6, v15  }
0x3b5: {  	v10 =	vmul.f32 v10, v31  }
0x3b6: {  	v9 =	vmul.f32 v9, v32;
	v4 =	vadd.f32 v6, v4;
	v6 =	vld [tilespmem:$0x1F8F0]  }
0x3b7: {  	v5 =	vadd.f32 v10, v5;
	v10 =	vld [tilespmem:$0x1F920];
	v7 =	vmul.f32 v7, v15  }
0x3b8: {  	v59 =	vadd.f32 v9, v4;
	v4 =	vld [tilespmem:$0x1F8E0]  }
0x3b9: {  	v5 =	vadd.f32 v7, v5;
	v7 =	vld [tilespmem:$0x1F8D0];
	_ =	sdelay $0x1  }
0x3ba: {  	v61 =	vld [tilespmem:$0x1F8A0];
	_ =	sdelay $0x1  }
0x3bb: {  	v6 =	vmul.f32 v6, v8;
	v10 =	vmul.f32 v10, v32  }
0x3bc: {  	v4 =	vmul.f32 v4, v8;
	v7 =	vmul.f32 v7, v8  }
0x3bd: {  	[tilespmem:s23+$0x9820] =	vst v1;
	v58 =	vadd.f32 v6, v2;
	v5 =	vadd.f32 v10, v5  }
0x3be: {  	[tilespmem:s23+$0x9810] =	vst v0;
	v62 =	vadd.f32 v4, v59;
	v60 =	vadd.f32 v7, v3;
	v3 =	vmul.f32 v61, v8  }
0x3bf: {  	[tilespmem:s23+$0x9870] =	vst v58  }
0x3c0: {  	s21 =	sadd.s32 $0x1, s21;
	[tilespmem:s23+$0x9840] =	vst v62;
	v63 =	vadd.f32 v3, v5  }
0x3c1: {  	s22 =	sshra.s32 s22, $0x2;
	p0 =	sne.s32 s21, $0x8;
	[tilespmem:s23+$0x9850] =	vst v60  }
.Ltmp2:
0x3c2: {  	s22 =	sadd.s32 $0x800, s22;
	[tilespmem:s23+$0x9800] =	vst v63;
	(pc) =	sbr.rel @p0 .LBB2_3-.Ltmp2, $4  }
0x3c3: {  	[spmem:s2] =	stream.indirect.scatter.add.f32 [tilespmem:s16], [sflag:$0x3], $0x80, s22, s1, $0xb8;
	[tilespmem:$0x1DC00] =	vst v63  }
0x3c4: {  	_ =	swait.ge [sflag:s19], $0x400  }
0x3c5: {  	[sflag:s19] =	ssyncset.done $0x0  }
0x3c6: {  	s3 =	sadd.s32 $0x800, s3;
	s20 =	sadd.s32 $0x800, s20;
	v9 =	vimm.s32 $0x2;
	v6 =	vimm.s32 $0x1;
	[sflag:s19] =	ssyncadd.s32 $0xFFFFFC00  }
0x3c7: {  	s10 =	sadd.s32 $0x1, s10  }
0x3c8: {  	p0 =	sne.s32 s10, $0x28  }
.Ltmp3:
0x3c9: {  	_ = 	snop;
	(pc) =	sbr.rel @p0 .LBB2_2-.Ltmp3, $1  }
0x3ca: {  	_ =	sdelay $0x3  }
0x3cb: {  	[bflag:$0x0] =	sbarrier.arrive $0xFFFF  }
0x3cc: {  	s20 =	rddreg [dreg:$0x5]  }
0x3cd: {  	s3 =	rddreg [dreg:$0x6]  }
0x3ce: {  	s10 =	rddreg [dreg:$0x8]  }
0x3cf: {  	[hbm:s3], [sflag:s20] =	dma.local [spmem:s10], $0x2800  }
0x3d0: {  	_ =	swait.ge [sflag:s19], $0x2800  }
0x3d1: {  	s18 =	rddreg [dreg:$0x4]  }
0x3d2: {  	s26 =	rddreg [dreg:$0x7];
	s18 =	sadd.s32 $0x1, s18  }
0x3d3: {  	p0 =	sne.s32 s18, s26  }
.Ltmp4:
0x3d4: {  	_ = 	snop;
	(pc) =	sbr.rel @p0 .LBB2_1-.Ltmp4, $3  }
0x3d5: {  	_ =	sdelay $0x1  }
0x3d6: {  	[sflag:s19] =	ssyncset.done $0x0  }
0x3d7: {  	[sflag:s19] =	ssyncadd.s32 $0xFFFFD800  }
0x3d8: {  	_ =	sfence.sel $0x180000  }
0x3d9: {  	[bflag:$0x0] =	sbarrier.arrive $0xFFFF  }
0x3da: {  	_ =	strace $0x9000004D  }
0x3db: {  	s0 =	stileid.u32;
	[bflag:$0x2] =	sbarrier.arrive $0xFFFF  }
0x3dc: {  	p0 =	sne.s32 s0, $0x0;
	s0 =	rddreg [dreg:$0x3]  }
0x3dd: {  	s0 =	sadd.s32 @!p0 $0x100000, s0  }
0x3de: {  	[sflag:s0] =	ssyncadd.tile.s32 @!p0 $0x1;
	_ =	shalt  }
.Lfunc_end2:
_tile_overlayer_lowered:
.L_overlay_start_2:
0x3df: {  	(tag) =	ssettag $0x2  }
0x3e0: {  	s0 =	rddreg [dreg:$0x0];
	s2 =	stileid.u32  }
0x3e1: {  	s1 =	rddreg [dreg:$0x1];
	p0 =	sne.s32 s2, $0x0  }
0x3e2: {  	s3 =	rddreg [dreg:$0x2];
	[bflag:$0x3] =	sbarrier.arrive $0xFFFF;
	s2 =	simm.s32 @!p0 $0x1C03  }
0x3e3: {  	[timem:s3], [sflag:s2] =	dma.local @!p0 [hbm:s0], s1  }
0x3e4: {  	s0 =	simm.s32 @!p0 $0x3  }
0x3e5: {  	_ =	swait.ge @!p0 [sflag:s0], s1  }
0x3e6: {  	s1 =	ssub.s32 @!p0 $0x0, s1;
	[sflag:s0] =	ssyncset.done @!p0 $0x0  }
0x3e7: {  	[sflag:s0] =	ssyncadd.s32 @!p0 s1  }
0x3e8: {  	[bflag:$0x3] =	sbarrier.arrive $0xFFFF  }
0x3e9: {  	_ =	shalt  }

// kernel: sparse-core-data-format-call.1.cloned.1.call-start
scs
called_computation.1_lowered:
.L_overlay_start_0:
0x0: {  	s1 =	sld [smem:$0x3FD9]  }
0x1: {  	s2 =	sld [smem:$0x3FFE];
	_ =	sdelay $0x1  }
0x2: {  	s3 =	srdreg.scid  }
0x3: {  	s0 =	sand.u32 $0x1, s3  }
0x4: {  	s17 =	sshll.u32 s0, $0xA;
	s1 =	sadd.s32 s2, s1  }
0x5: {  	s1 =	sadd.s32 s1, s17  }
0x6: {  	[smem:$0x3FBA] =	sst s1  }
0x7: {  	_ = 	snop  }
0x8: {  	(tm) =	ssettm $0x1  }
0x9: {  	s18 =	sld [smem:$0x3FFB];
	_ =	sdelay $0x3  }
0xa: {  	_ =	strace s18  }
0xb: {  	s1 =	sld [smem:$0x3FFC];
	_ =	sdelay $0x3  }
0xc: {  	_ =	strace s1  }
0xd: {  	s1 =	sld [smem:$0x3FFD];
	_ =	sdelay $0x3  }
0xe: {  	_ =	strace s1  }
0xf: {  	_ =	strace $0x8FFFFFFF  }
0x10: {  	s19 =	sld [smem:$0x3FDB];
	_ =	sdelay $0x1  }
0x11: {  	s20 =	simm.s32 $_scs_section_size  }
0x12: {  	s4 =	simm.s32 $_size__tile_overlayer_lowered;
	s5 =	simm.s32 $_tile_overlayer_lowered  }
0x13: {  	s23 =	simm.s32 $0x1BFF;
	s22 =	sshll.u32 s5, $0x1;
	s1 =	sadd.s32 s20, s19  }
0x14: {  	s6 =	simm.s32 $0x0;
	s21 =	sshll.u32 s4, $0x1;
	s4 =	sadd.s32 s22, s1  }
0x15: {  	[timem:s6], [sflag:s23] =	dma.local [hbm:s4], s21  }
0x16: {  	_ =	swait.ge [sflag:s23], s21  }
0x17: {  	s2 =	ssub.s32 $0x0, s21;
	[sflag:s23] =	ssyncset.done $0x0  }
0x18: {  	[sflag:s23] =	ssyncadd.s32 s2;
	_ =	sdelay $0x1  }
0x19: {  	s24 =	simm.s32 $0x1B8B  }
0x1a: {  	_ =	swait.ge [sflag:s24], $0x1  }
0x1b: {  	[sflag:s24] =	ssyncset.done $0x0  }
0x1c: {  	s26 =	simm.s32 $0x1B8E;
	s25 =	sld [smem:$0x3FFE];
	[sflag:s24] =	ssyncadd.s32 $0xFFFFFFFF  }
0x1d: {  	s27 =	simm.s32 $execute0_lowered;
	[smem:$0x3FD2] =	sst s26  }
0x1e: {  	s4 =	sshll.u32 s27, $0x1;
	_ =	strace $0x80000046;
	[dreg:$0x1] =	wrdreg $0xFFFFFFFF  }
0x1f: {  	s28 =	simm.s32 $_size_execute0_lowered;
	s1 =	sadd.s32 s1, s4;
	[dreg:$0x0] =	wrdreg $0x0  }
0x20: {  	s4 =	sshll.u32 s28, $0x1;
	[dreg:$0x2] =	wrdreg s1  }
0x21: {  	[dreg:$0x3] =	wrdreg s4  }
0x22: {  	[dreg:$0x4] =	wrdreg $0xC0  }
0x23: {  	_ =	task [dreg:s6], $0x5FFFF  }
0x24: {  	[dreg:$0x1] =	wrdreg $0xFFFFFFFF  }
0x25: {  	[dreg:$0x0] =	wrdreg $0x60  }
0x26: {  	[dreg:$0x2] =	wrdreg s25  }
0x27: {  	[dreg:$0x3] =	wrdreg $0x9  }
0x28: {  	_ =	task.clear_ibuf [dreg:s6], $0x4FFFF;
	_ =	strace $0x90000046  }
0x29: {  	s29 =	simm.s32 $0x9;
	_ =	strace $0x80000048  }
0x2a: {  	_ =	swait.ge [sflag:s29], $0x1  }
0x2b: {  	[sflag:s29] =	ssyncadd.s32 $0xFFFFFFFF  }
0x2c: {  	_ =	strace $0x90000048  }
0x2d: {  	_ =	sfence  }
0x2e: {  	s30 =	sld [smem:$0x0];
	_ =	sdelay $0x2  }
0x2f: {  	s31 =	sshll.u32 s3, $0xD;
	s3 =	sshrl.u32 s3, $0x2  }
0x30: {  	s2 =	sand.u32 $0x4000, s31;
	s1 =	sadd.s32 s3, s30  }
0x31: {  	s0 =	sor.u32 s2, s0;
	s1 =	sshll.u32 s1, $0x11  }
0x32: {  	s0 =	sor.u32 s1, s0  }
0x33: {  	s0 =	sadd.s32 $0x8F2B, s0  }
0x34: {  	[sflag:s0] =	ssyncadd.remote.s32 $0x1  }
0x35: {  	_ =	sfence.sel $0xFFFF  }
0x36: {  	[dreg:$0x0] =	wrdreg $0xFFFFFFFF;
	(pc) =	sbr.abs _section_cstart, $3  }
0x37: {  	[dreg:$0x1] =	wrdreg $0xFFFFFFFF  }
0x38: {  	_ =	task.clear_ibuf [dreg:s6], $0x2FFFF;
	_ =	strace $0x9FFFFFFF  }
0x39: {  	(tm) =	ssettm $0x7FFFFFFF  }
tec
execute0_lowered:
.L_overlay_start_1:
0x0: {  	(tag) =	ssettag $0x1  }
0x1: {  	s0 =	stileid.u32;
	s1 =	srdreg.scid  }
0x2: {  	s2 =	sshll.u32 s0, $0x6;
	s1 =	sshll.u32 s1, $0xA  }
0x3: {  	s7 =	rddreg [dreg:$0x0];
	s1 =	sor.u32 s2, s1  }
0x4: {  	s8 =	simm.s32 $0x2;
	s2 =	sand.u32 $0x1, s0;
	s3 =	sand.u32 $0x780, s1  }
0x5: {  	s14 =	simm.s32 $0x0;
	s31 =	ssub.s32 $0x2, s2;
	s4 =	ssub.s32 $0x2700, s3  }
0x6: {  	s5 =	sshrl.u32 s31, $0x1;
	s1 =	sand.u32 $0x1, s31;
	s4 =	sshrl.u32 s4, $0xB  }
0x7: {  	p0 =	por $0x0, $0x0;
	s5 =	sadd.s32 s1, s5;
	s4 =	sadd.s32 $0x1, s4  }
0x8: {  	s9 =	simm.s32 $0x4F00;
	s15 =	simm.s32 $0x0;
	s6 =	smul.u32 s4, s5  }
.Ltmp0:
0x9: {  	s16 =	simm.s32 $0x0;
	s10 =	simm.s32 $0x0;
	(pc) =	sbr.rel .LBB1_1-.Ltmp0, $4  }
0xa: {  	s13 =	simm.s32 $0x0;
	s12 =	smov.u32 s2;
	s1 =	rddreg [dreg:$0x1]  }
0xb: {  	_ =	strace $0x80000047;
	s5 =	simm.s32 $0x1;
	s6 =	smul.u32 $0x12, s6  }
0xc: {  	s11 =	smov.u32 s3;
	s4 =	sadd.s32 $0x310A00, s7;
	[sflag:s5] =	ssyncpa.u1 $0x0  }
0xd: {  	s7 =	sadd.s32 $0x88EE00, s7;
	[sflag:s8] =	ssyncpa.u1 $0x0;
	s8 =	sor.u32 $0x1, s6  }
.LBB1_4:
0xe: {  	s22 =	sshrl.u32 s16, $0x1  }
0xf: {  	s23 =	sshll.u32 s15, $0x1;
	s22 =	smul.u32 $0x4F00, s22  }
0x10: {  	s27 =	sshll.u32 s16, $0x7;
	s23 =	sand.u32 $0xFFFFFF00, s23  }
0x11: {  	v5 =	vld [tilespmem:s20+$0xFFFFFFD0];
	[tilespmem:s19+$0x2040 ss:$0x81] =	vst.msk $0xffff, v4;
	s16 =	sand.u32 $0x80, s27;
	s22 =	sadd.s32 s22, s23  }
0x12: {  	v58 =	vld [tilespmem:s20+$0xFFFFFFE0];
	[tilespmem:s19+$0x2850 ss:$0x81] =	vst.msk $0xffff, v3;
	s28 =	sand.u32 $0x7F, s15;
	s16 =	sor.u32 s16, s22  }
0x13: {  	s21 =	sshra.s32 s21, $0x2;
	v59 =	vld [tilespmem:s20+$0xFFFFFFF0];
	[tilespmem:s19+$0x3060 ss:$0x81] =	vst.msk $0xffff, v2;
	s15 =	sor.u32 s28, s16  }
0x14: {  	v60 =	vld [tilespmem:s20+$0x0];
	[tilespmem:s19+$0x0 ss:$0x81] =	vst.msk $0xffff, v0;
	s18 =	sadd.s32 s21, s18;
	s29 =	smulhi.u32 $0xCF6474A9, s15  }
0x15: {  	v61 =	vld [tilespmem:s20+$0x10];
	[tilespmem:s18+$0x3870 ss:$0x81] =	vst.msk $0xffff, v1;
	s16 =	smulhi.u32 $0xCF6474A9, s16  }
0x16: {  	v62 =	vld [tilespmem:s20+$0x20];
	[tilespmem:s18+$0x810 ss:$0x81] =	vst.msk $0xffff, v5;
	s19 =	sshrl.u32 s29, $0xD  }
0x17: {  	v63 =	vld [tilespmem:s20+$0xFFFFFFC0];
	[tilespmem:s18+$0x1020 ss:$0x81] =	vst.msk $0xffff, v58;
	s16 =	sshrl.u32 s16, $0xD;
	s19 =	smul.u32 $0x2780, s19  }
0x18: {  	s14 =	smul.u32 $0x9E0, s14;
	[tilespmem:s18+$0x1830 ss:$0x81] =	vst.msk $0xffff, v59;
	s16 =	sand.u32 $0x1, s16  }
0x19: {  	[tilespmem:s18+$0x2040 ss:$0x81] =	vst.msk $0xffff, v60;
	p1 =	seq.s32 s16, $0x1;
	s16 =	simm.s32 $0x4F0;
	s15 =	ssub.s32 s15, s19  }
0x1a: {  	s14 =	sadd.s32 s7, s14;
	[tilespmem:s18+$0x2850 ss:$0x81] =	vst.msk $0xffff, v61;
	s16 =	simm.s32 @!p1 $0x0;
	s19 =	sand.u32 $0x7, s15  }
0x1b: {  	[tilespmem:s18+$0x3060 ss:$0x81] =	vst.msk $0xffff, v62;
	s14 =	sadd.s32 s16, s14;
	s15 =	sshrl.u32 s15, $0x3;
	s30 =	sshll.u32 s19, $0x12  }
0x1c: {  	[tilespmem:s18+$0x0 ss:$0x81] =	vst.msk $0xffff, v63;
	s14 =	sadd.s32 s15, s14;
	s31 =	sor.u32 $0x80, s30  }
0x1d: {  	[hbm4b:s14+s31] =	stream.strided.scatter [tilespmem:s17], [sflag:$0x2], $0x4000, s9, s31, $0x20;
	[tilespmem:$0x10100] =	vst v63  }
.LBB1_5:
0x1e: {  	s17 =	sadd.s32 $0x80, s10  }
0x1f: {  	s14 =	sadd.s32 $0x800, s11;
	s18 =	smov.u32 s11;
	p2 =	sgt.s32 s17, $0x8FF  }
0x20: {  	s18 =	smov.u32 @p2 s14  }
0x21: {  	s20 =	smov.u32 s12;
	s14 =	sadd.s32 $0x2, s12;
	p3 =	sgt.s32 s18, $0x270F  }
0x22: {  	s20 =	smov.u32 @p3 s14  }
0x23: {  	s17 =	simm.s32 @p2 $0x0;
	p2 =	sgt.s32 s20, $0x1  }
0x24: {  	p1 =	slt.u32 s13, $0x2;
	s20 =	smov.u32 @p2 s2;
	p2 =	sne.s32 s13, s8  }
.Ltmp1:
0x25: {  	s19 =	simm.s32 @!p1 $0x2;
	(pc) =	sbr.rel @!p2 .LBB1_6-.Ltmp1, $4  }
0x26: {  	s15 =	smov.u32 s11;
	s16 =	smov.u32 s12;
	_ =	swait.ge @!p1 [sflag:s19], $0x4000  }
0x27: {  	p0 =	por !p0, !p0;
	[sflag:s19] =	ssyncset.done @!p1 $0x0;
	s18 =	smov.u32 @p3 s3  }
0x28: {  	s14 =	smov.u32 s10;
	[sflag:s19] =	ssyncadd.s32 @!p1 $0xFFFFC000;
	s10 =	smov.u32 s17  }
0x29: {  	s11 =	smov.u32 s18;
	s13 =	sadd.s32 $0x1, s13;
	s12 =	smov.u32 s20  }
.LBB1_1:
0x2a: {  	p1 =	sge.u32 s13, s6  }
0x2b: {  	s17 =	sshrl.u32 @!p1 s11, $0x3  }
0x2c: {  	s18 =	sshll.u32 @!p1 s10, $0x3;
	s17 =	smul.u32 @!p1 $0x4800, s17  }
0x2d: {  	s23 =	smov.u32 s10;
	s19 =	sand.u32 @!p1 $0x7F, s10;
	s18 =	sand.u32 @!p1 $0xFFFFFC00, s18  }
0x2e: {  	p2 =	sgt.s32 @!p1 s12, $0x1;
	s17 =	sadd.s32 @!p1 s17, s18;
	s18 =	sshll.u32 @!p1 s11, $0x7  }
0x2f: {  	s20 =	sshra.s32 @!p1 s12, $0x1F;
	p2 =	por !p2, p1;
	s18 =	sand.u32 @!p1 $0x380, s18  }
0x30: {  	s20 =	sand.u32 @!p1 s20, s12;
	s17 =	sor.u32 @!p1 s18, s17;
	s18 =	smov.u32 s12  }
0x31: {  	s20 =	sxor.u32 @!p1 $0xFFFFFFFF, s20;
	s18 =	simm.s32 @p2 $0x1;
	p2 =	sgt.s32 @!p1 s11, $0x2690  }
0x32: {  	s18 =	sadd.s32 @!p1 s20, s18;
	p2 =	por !p2, p1;
	s20 =	smov.u32 s11  }
0x33: {  	s22 =	sshra.s32 @!p1 s11, $0x1F;
	s20 =	simm.s32 @p2 $0x2690;
	p2 =	sgt.s32 @!p1 s18, $0x0  }
0x34: {  	s22 =	sand.u32 @!p1 s22, s11;
	s18 =	ssub.s32 @!p1 $0x1, s18;
	p2 =	por !p2, p1  }
0x35: {  	s20 =	ssub.s32 @!p1 s20, s22;
	s18 =	simm.s32 @!p2 $0x0;
	p2 =	sgt.s32 @!p1 s10, $0x880  }
0x36: {  	s21 =	smulhi.u32 @!p1 $0x38E38E39, s17;
	s22 =	sadd.s32 @!p1 $0xFFFFD970, s20;
	p2 =	por !p2, p1  }
0x37: {  	s23 =	simm.s32 @p2 $0x880;
	p2 =	sgt.s32 @!p1 s22, $0x7F;
	s22 =	sshra.s32 @!p1 s10, $0x1F  }
0x38: {  	s17 =	sor.u32 @!p1 s19, s17;
	s21 =	sshrl.u32 @!p1 s21, $0x9;
	s22 =	sand.u32 @!p1 s22, s10  }
0x39: {  	s20 =	ssub.s32 @!p1 $0x2710, s20;
	p2 =	por !p2, p1;
	s22 =	ssub.s32 @!p1 s23, s22  }
0x3a: {  	s23 =	smulhi.u32 @!p1 $0x1A36E3, s21;
	s20 =	simm.s32 @!p2 $0x0;
	s19 =	sadd.s32 @!p1 $0xFFFFF780, s22  }
0x3b: {  	s18 =	smul.u32 @!p1 s18, s20;
	s22 =	ssub.s32 @!p1 $0x900, s22;
	p2 =	sgt.s32 @!p1 s19, $0x7F  }
0x3c: {  	s19 =	smulhi.u32 @!p1 $0x38E38E39, s17;
	s20 =	sshrl.u32 @!p1 s23, $0x2;
	p2 =	por !p2, p1  }
0x3d: {  	s20 =	smul.u32 @!p1 $0x2710, s20;
	s22 =	simm.s32 @!p2 $0x0  }
0x3e: {  	s19 =	sshrl.u32 @!p1 s19, $0x9;
	s18 =	smul.u32 @!p1 s22, s18  }
0x3f: {  	s31 =	sadd.s32 $0xFFFFFFFF, s13;
	s22 =	sxor.u32 @!p1 $0xFFFFFFFF, s13;
	s19 =	smul.u32 @!p1 $0x900, s19  }
0x40: {  	s20 =	ssub.s32 @!p1 s21, s20;
	s21 =	smul.u32 @!p1 $0x2BF200, s12;
	s22 =	sshll.u32 @!p1 s22, $0xE  }
0x41: {  	s22 =	sand.u32 @!p1 $0x4000, s22;
	s17 =	ssub.s32 @!p1 s17, s19;
	s19 =	smul.u32 @!p1 $0x120, s20  }
0x42: {  	s18 =	sand.u32 @!p1 $0x3FFFFFFF, s18;
	s20 =	sadd.s32 @!p1 s4, s21;
	s21 =	sand.u32 @!p1 $0x7, s17  }
0x43: {  	s17 =	sshrl.u32 @!p1 s17, $0x3;
	s19 =	sadd.s32 @!p1 s19, s20;
	s20 =	sshll.u32 @!p1 s21, $0x12  }
0x44: {  	s17 =	sadd.s32 @!p1 s17, s19;
	s19 =	sor.u32 @!p1 $0x400, s20;
	s20 =	simm.s32 @!p1 $0x4800  }
0x45: {  	[tilespmem:s22], [sflag:$0x1] =	stream.strided.gather @!p1 [hbm4b:s17+s19], s18, s20, s19, $0x38;
	[tilespmem:$0x10100] =	vst v63  }
0x46: {  	p1 =	sge.u32 s31, s6  }
.Ltmp2:
0x47: {  	_ = 	snop;
	(pc) =	sbr.rel @p1 .LBB1_5-.Ltmp2, $1  }
0x48: {  	_ =	sdelay $0x3  }
0x49: {  	s17 =	sshra.s32 s16, $0x1F;
	p1 =	sgt.s32 s16, $0x1;
	s18 =	smov.u32 s16  }
0x4a: {  	p2 =	sgt.s32 s15, $0x2690;
	s19 =	sshra.s32 s15, $0x1F;
	s17 =	sand.u32 s17, s16  }
0x4b: {  	s20 =	sshra.s32 s14, $0x1F;
	s18 =	simm.s32 @!p1 $0x1;
	s17 =	sxor.u32 $0xFFFFFFFF, s17  }
0x4c: {  	s19 =	sand.u32 s19, s15;
	s17 =	sadd.s32 s17, s18;
	s18 =	smov.u32 s15  }
0x4d: {  	s20 =	sand.u32 s20, s14;
	p1 =	sgt.s32 s17, $0x0;
	s18 =	simm.s32 @!p2 $0x2690  }
0x4e: {  	p2 =	sgt.s32 s14, $0x880;
	s18 =	ssub.s32 s18, s19;
	s19 =	smov.u32 s14  }
0x4f: {  	s17 =	ssub.s32 $0x1, s17;
	s21 =	sadd.s32 $0xFFFFD970, s18;
	s19 =	simm.s32 @!p2 $0x880  }
0x50: {  	s18 =	ssub.s32 $0x2710, s18;
	p2 =	sgt.s32 s21, $0x7F;
	s19 =	ssub.s32 s19, s20  }
0x51: {  	s17 =	simm.s32 @p1 $0x0;
	s18 =	simm.s32 @p2 $0x0;
	s20 =	sadd.s32 $0xFFFFF780, s19  }
0x52: {  	s17 =	smul.u32 s17, s18;
	p1 =	sgt.s32 s20, $0x7F;
	s18 =	ssub.s32 $0x900, s19  }
0x53: {  	s18 =	simm.s32 @p1 $0x0  }
0x54: {  	s17 =	smul.u32 s18, s17;
	_ =	sdelay $0x1  }
0x55: {  	s18 =	simm.s32 $0x1;
	s17 =	sand.u32 $0x3FFFFFFF, s17  }
0x56: {  	s18 =	simm.s32 @!p0 $0x0;
	_ =	swait.ge [sflag:s5], s17  }
0x57: {  	s28 =	sshll.u32 s18, $0xE;
	s17 =	ssub.s32 $0x0, s17;
	[sflag:s5] =	ssyncset.done $0x0  }
0x58: {  	s29 =	sor.u32 $0x40, s28;
	[sflag:s5] =	ssyncadd.s32 s17  }
0x59: {  	s30 =	smul.u32 $0x10200, s18;
	v0 =	vld [tilespmem:s29+$0x30]  }
0x5a: {  	v1 =	vld [tilespmem:s29+$0xFFFFFFD0]  }
0x5b: {  	s17 =	sshrl.u32 s30, $0x2;
	v5 =	vld [tilespmem:s29+$0xFFFFFFE0]  }
0x5c: {  	s18 =	sor.u32 $0x8000, s17;
	v6 =	vld [tilespmem:s29+$0xFFFFFFF0]  }
0x5d: {  	s31 =	sand.u32 $0x1, s13;
	v4 =	vld [tilespmem:s29+$0x0];
	s19 =	sadd.s32 $0x0, s18  }
0x5e: {  	s17 =	smul.u32 $0x10200, s31;
	v3 =	vld [tilespmem:s29+$0x10];
	[tilespmem:s19+$0x3870 ss:$0x81] =	vst.msk $0xffff, v0  }
0x5f: {  	v2 =	vld [tilespmem:s29+$0x20];
	[tilespmem:s19+$0x810 ss:$0x81] =	vst.msk $0xffff, v1  }
0x60: {  	s20 =	sadd.s32 $0x80, s29;
	s17 =	sshrl.u32 s17, $0x2;
	v0 =	vld [tilespmem:s29+$0xFFFFFFC0];
	[tilespmem:s19+$0x1020 ss:$0x81] =	vst.msk $0xffff, v5  }
0x61: {  	s22 =	simm.s32 $0x8;
	s21 =	simm.s32 $0x4;
	s17 =	sor.u32 $0x8000, s17;
	v1 =	vld [tilespmem:s20+$0x30];
	[tilespmem:s19+$0x1830 ss:$0x81] =	vst.msk $0xffff, v6  }
.LBB1_3:
0x62: {  	p1 =	sne.s32 s22, $0x1FC;
	v5 =	vld [tilespmem:s20+$0xFFFFFFD0];
	[tilespmem:s19+$0x2040 ss:$0x81] =	vst.msk $0xffff, v4  }
0x63: {  	v6 =	vld [tilespmem:s20+$0xFFFFFFE0];
	[tilespmem:s19+$0x2850 ss:$0x81] =	vst.msk $0xffff, v3  }
0x64: {  	s23 =	sshra.s32 s21, $0x2;
	s21 =	smov.u32 s22;
	v7 =	vld [tilespmem:s20+$0xFFFFFFF0];
	[tilespmem:s19+$0x3060 ss:$0x81] =	vst.msk $0xffff, v2  }
.Ltmp3:
0x65: {  	v4 =	vld [tilespmem:s20+$0x0];
	[tilespmem:s19+$0x0 ss:$0x81] =	vst.msk $0xffff, v0;
	s19 =	sadd.s32 s23, s18;
	(pc) =	sbr.rel @p1 .LBB1_3-.Ltmp3, $4  }
0x66: {  	v3 =	vld [tilespmem:s20+$0x10];
	[tilespmem:s19+$0x3870 ss:$0x81] =	vst.msk $0xffff, v1  }
0x67: {  	[tilespmem:s19+$0x810 ss:$0x81] =	vst.msk $0xffff, v5;
	v2 =	vld [tilespmem:s20+$0x20]  }
0x68: {  	v0 =	vld [tilespmem:s20+$0xFFFFFFC0];
	[tilespmem:s19+$0x1020 ss:$0x81] =	vst.msk $0xffff, v6;
	s20 =	sadd.s32 $0x80, s20  }
0x69: {  	s22 =	sadd.s32 $0x4, s22;
	v1 =	vld [tilespmem:s20+$0x30];
	[tilespmem:s19+$0x1830 ss:$0x81] =	vst.msk $0xffff, v7  }
.Ltmp4:
0x6a: {  	_ = 	snop;
	(pc) =	sbr.rel .LBB1_4-.Ltmp4, $1  }
0x6b: {  	_ =	sdelay $0x3  }
.LBB1_6:
0x6c: {  	_ =	sfence.sel $0x180000  }
0x6d: {  	s2 =	simm.s32 $0x1;
	[bflag:$0x0] =	sbarrier.arrive $0xFFFF  }
0x6e: {  	s31 =	simm.s32 $0x2;
	[sflag:s2] =	ssyncpa.u1 $0x1  }
0x6f: {  	[sflag:s31] =	ssyncpa.u1 $0x1  }
0x70: {  	p0 =	sne.s32 s0, $0x0;
	_ =	strace $0x90000047  }
0x71: {  	s0 =	sadd.s32 @!p0 $0x100000, s1;
	[bflag:$0x2] =	sbarrier.arrive $0xFFFF  }
0x72: {  	[sflag:s0] =	ssyncadd.tile.s32 @!p0 $0x1;
	_ =	shalt  }
.Lfunc_end1:
_tile_overlayer_lowered:
.L_overlay_start_2:
0x73: {  	(tag) =	ssettag $0x2  }
0x74: {  	s0 =	rddreg [dreg:$0x0];
	s2 =	stileid.u32  }
0x75: {  	s1 =	rddreg [dreg:$0x1];
	p0 =	sne.s32 s2, $0x0  }
0x76: {  	s3 =	rddreg [dreg:$0x2];
	[bflag:$0x3] =	sbarrier.arrive $0xFFFF;
	s2 =	simm.s32 @!p0 $0x1C01  }
0x77: {  	[timem:s3], [sflag:s2] =	dma.local @!p0 [hbm:s0], s1  }
0x78: {  	s0 =	simm.s32 @!p0 $0x1  }
0x79: {  	_ =	swait.ge @!p0 [sflag:s0], s1  }
0x7a: {  	s1 =	ssub.s32 @!p0 $0x0, s1;
	[sflag:s0] =	ssyncset.done @!p0 $0x0  }
0x7b: {  	[sflag:s0] =	ssyncadd.s32 @!p0 s1  }
0x7c: {  	[bflag:$0x3] =	sbarrier.arrive $0xFFFF  }
0x7d: {  	_ =	shalt  }

// kernel: sparse-core-data-format-call.cloned.1.call-start
scs
called_computation_lowered:
.L_overlay_start_0:
0x0: {  	s1 =	sld [smem:$0x3FD9]  }
0x1: {  	s2 =	sld [smem:$0x3FFE];
	_ =	sdelay $0x1  }
0x2: {  	s3 =	srdreg.scid  }
0x3: {  	s0 =	sand.u32 $0x1, s3  }
0x4: {  	s17 =	sshll.u32 s0, $0xA;
	s1 =	sadd.s32 s2, s1  }
0x5: {  	s1 =	sadd.s32 s1, s17  }
0x6: {  	[smem:$0x3FBA] =	sst s1  }
0x7: {  	_ = 	snop  }
0x8: {  	(tm) =	ssettm $0x1  }
0x9: {  	s18 =	sld [smem:$0x3FFB];
	_ =	sdelay $0x3  }
0xa: {  	_ =	strace s18  }
0xb: {  	s1 =	sld [smem:$0x3FFC];
	_ =	sdelay $0x3  }
0xc: {  	_ =	strace s1  }
0xd: {  	s1 =	sld [smem:$0x3FFD];
	_ =	sdelay $0x3  }
0xe: {  	_ =	strace s1  }
0xf: {  	_ =	strace $0x8FFFFFFF  }
0x10: {  	s19 =	sld [smem:$0x3FDB];
	_ =	sdelay $0x1  }
0x11: {  	s20 =	simm.s32 $_scs_section_size  }
0x12: {  	s4 =	simm.s32 $_size__tile_overlayer_lowered;
	s5 =	simm.s32 $_tile_overlayer_lowered  }
0x13: {  	s23 =	simm.s32 $0x1BFF;
	s22 =	sshll.u32 s5, $0x1;
	s1 =	sadd.s32 s20, s19  }
0x14: {  	s6 =	simm.s32 $0x0;
	s21 =	sshll.u32 s4, $0x1;
	s4 =	sadd.s32 s22, s1  }
0x15: {  	[timem:s6], [sflag:s23] =	dma.local [hbm:s4], s21  }
0x16: {  	_ =	swait.ge [sflag:s23], s21  }
0x17: {  	s2 =	ssub.s32 $0x0, s21;
	[sflag:s23] =	ssyncset.done $0x0  }
0x18: {  	[sflag:s23] =	ssyncadd.s32 s2;
	_ =	sdelay $0x1  }
0x19: {  	s24 =	simm.s32 $0x1B8B  }
0x1a: {  	_ =	swait.ge [sflag:s24], $0x1  }
0x1b: {  	[sflag:s24] =	ssyncset.done $0x0  }
0x1c: {  	s26 =	simm.s32 $0x1B8E;
	s25 =	sld [smem:$0x3FFE];
	[sflag:s24] =	ssyncadd.s32 $0xFFFFFFFF  }
0x1d: {  	s27 =	simm.s32 $execute0_lowered;
	[smem:$0x3FD2] =	sst s26  }
0x1e: {  	s4 =	sshll.u32 s27, $0x1;
	_ =	strace $0x80000049;
	[dreg:$0x1] =	wrdreg $0xFFFFFFFF  }
0x1f: {  	s28 =	simm.s32 $_size_execute0_lowered;
	s1 =	sadd.s32 s1, s4;
	[dreg:$0x0] =	wrdreg $0x0  }
0x20: {  	s4 =	sshll.u32 s28, $0x1;
	[dreg:$0x2] =	wrdreg s1  }
0x21: {  	[dreg:$0x3] =	wrdreg s4  }
0x22: {  	[dreg:$0x4] =	wrdreg $0xC0  }
0x23: {  	_ =	task [dreg:s6], $0x5FFFF  }
0x24: {  	[dreg:$0x1] =	wrdreg $0xFFFFFFFF  }
0x25: {  	[dreg:$0x0] =	wrdreg $0x60  }
0x26: {  	[dreg:$0x2] =	wrdreg s25  }
0x27: {  	[dreg:$0x3] =	wrdreg $0x9  }
0x28: {  	_ =	task.clear_ibuf [dreg:s6], $0x4FFFF;
	_ =	strace $0x90000049  }
0x29: {  	s29 =	simm.s32 $0x9;
	_ =	strace $0x8000004B  }
0x2a: {  	_ =	swait.ge [sflag:s29], $0x1  }
0x2b: {  	[sflag:s29] =	ssyncadd.s32 $0xFFFFFFFF  }
0x2c: {  	_ =	strace $0x9000004B  }
0x2d: {  	_ =	sfence  }
0x2e: {  	s30 =	sld [smem:$0x0];
	_ =	sdelay $0x2  }
0x2f: {  	s31 =	sshll.u32 s3, $0xD;
	s3 =	sshrl.u32 s3, $0x2  }
0x30: {  	s2 =	sand.u32 $0x4000, s31;
	s1 =	sadd.s32 s3, s30  }
0x31: {  	s0 =	sor.u32 s2, s0;
	s1 =	sshll.u32 s1, $0x11  }
0x32: {  	s0 =	sor.u32 s1, s0  }
0x33: {  	s0 =	sadd.s32 $0x8F2B, s0  }
0x34: {  	[sflag:s0] =	ssyncadd.remote.s32 $0x1  }
0x35: {  	_ =	sfence.sel $0xFFFF  }
0x36: {  	[dreg:$0x0] =	wrdreg $0xFFFFFFFF;
	(pc) =	sbr.abs _section_cstart, $3  }
0x37: {  	[dreg:$0x1] =	wrdreg $0xFFFFFFFF  }
0x38: {  	_ =	task.clear_ibuf [dreg:s6], $0x2FFFF;
	_ =	strace $0x9FFFFFFF  }
0x39: {  	(tm) =	ssettm $0x7FFFFFFF  }
tec
execute0_lowered:
.L_overlay_start_1:
0x0: {  	(tag) =	ssettag $0x1  }
0x1: {  	s0 =	srdreg.scid;
	s5 =	rddreg [dreg:$0x0];
	s6 =	simm.s32 $0x2  }
0x2: {  	s15 =	simm.s32 $0x0;
	p0 =	por $0x0, $0x0;
	s1 =	sshll.u32 s0, $0x4  }
0x3: {  	s8 =	simm.s32 $0x2400;
	s0 =	stileid.u32;
	s1 =	sand.u32 $0x10, s1  }
0x4: {  	s14 =	simm.s32 $0x0;
	s9 =	simm.s32 $0x0;
	s1 =	sor.u32 s0, s1  }
0x5: {  	s10 =	simm.s32 $0x0;
	s12 =	simm.s32 $0x0;
	s2 =	sshll.u32 s1, $0x7  }
.Ltmp0:
0x6: {  	s13 =	simm.s32 $0x0;
	s3 =	ssub.s32 $0x4E00, s2;
	(pc) =	sbr.rel .LBB1_1-.Ltmp0, $4  }
0x7: {  	s1 =	rddreg [dreg:$0x1];
	_ =	strace $0x8000004A;
	s4 =	sshrl.u32 s3, $0xC  }
0x8: {  	s11 =	smov.u32 s2;
	s3 =	simm.s32 $0x1;
	s7 =	smul.u32 $0x9, s4  }
0x9: {  	s4 =	sadd.s32 $0x676800, s5;
	[sflag:s3] =	ssyncpa.u1 $0x0;
	s5 =	sadd.s32 $0x939000, s5  }
0xa: {  	[sflag:s6] =	ssyncpa.u1 $0x0;
	s6 =	sadd.s32 $0x9, s7;
	s7 =	sadd.s32 $0xA, s7  }
.LBB1_5:
0xb: {  	p1 =	slt.u32 s13, $0x2  }
0xc: {  	s17 =	smov.u32 s15;
	p2 =	sgt.s32 @!p1 s15, $0x4DA0;
	s16 =	sshra.s32 @!p1 s15, $0x1F  }
0xd: {  	p3 =	sgt.s32 @!p1 s14, $0x400;
	s18 =	sshra.s32 @!p1 s14, $0x1F;
	p2 =	por !p2, p1  }
0xe: {  	s15 =	sand.u32 @!p1 s16, s15;
	p3 =	por !p3, p1;
	s16 =	smov.u32 s14  }
0xf: {  	s14 =	sand.u32 @!p1 s18, s14;
	s17 =	simm.s32 @p2 $0x4DA0;
	s16 =	simm.s32 @p3 $0x400  }
0x10: {  	s15 =	ssub.s32 @!p1 s17, s15;
	s14 =	ssub.s32 @!p1 s16, s14  }
0x11: {  	s18 =	smov.u32 s12;
	s16 =	sadd.s32 @!p1 $0xFFFFB260, s15;
	s17 =	sadd.s32 @!p1 $0xFFFFFC00, s14  }
0x12: {  	s15 =	ssub.s32 @!p1 $0x4E20, s15;
	p2 =	sgt.s32 @!p1 s16, $0x7F;
	p3 =	sgt.s32 @!p1 s17, $0x7F  }
0x13: {  	s14 =	ssub.s32 @!p1 $0x480, s14;
	p2 =	por !p2, p1;
	p3 =	por !p3, p1  }
0x14: {  	s16 =	sadd.s32 $0x1000, s11;
	s15 =	simm.s32 @!p2 $0x0;
	s14 =	simm.s32 @!p3 $0x0  }
0x15: {  	p2 =	sgt.s32 s16, $0x4E1F;
	s14 =	smul.u32 @!p1 s14, s15;
	s15 =	sadd.s32 $0x80, s12  }
0x16: {  	s18 =	smov.u32 @p2 s15  }
0x17: {  	s16 =	smov.u32 @p2 s2;
	p2 =	sgt.s32 s18, $0x47F  }
0x18: {  	s18 =	simm.s32 @p2 $0x0;
	p2 =	sne.s32 s13, s7  }
.Ltmp1:
0x19: {  	p0 =	por !p0, !p0;
	s17 =	simm.s32 @!p1 $0x2;
	(pc) =	sbr.rel @!p2 .LBB1_6-.Ltmp1, $4  }
0x1a: {  	s15 =	smov.u32 s9;
	s9 =	smov.u32 s11;
	s14 =	sand.u32 @!p1 $0x3FFFFFFF, s14  }
0x1b: {  	s11 =	smov.u32 s16;
	_ =	swait.ge @!p1 [sflag:s17], s14;
	s19 =	ssub.s32 @!p1 $0x0, s14  }
0x1c: {  	s14 =	smov.u32 s10;
	s13 =	sadd.s32 $0x1, s13;
	[sflag:s17] =	ssyncset.done @!p1 $0x0  }
0x1d: {  	s10 =	smov.u32 s12;
	s12 =	smov.u32 s18;
	[sflag:s17] =	ssyncadd.s32 @!p1 s19  }
.LBB1_1:
0x1e: {  	p1 =	sge.u32 s13, s6  }
0x1f: {  	s16 =	sshrl.u32 @!p1 s12, $0x3  }
0x20: {  	s17 =	sshll.u32 @!p1 s11, $0x3;
	s16 =	smul.u32 @!p1 $0x27400, s16  }
0x21: {  	s18 =	sshll.u32 @!p1 s12, $0x7;
	s17 =	sand.u32 @!p1 $0xFFFFFC00, s17  }
0x22: {  	s16 =	sadd.s32 @!p1 s16, s17;
	s17 =	sand.u32 @!p1 $0x380, s18  }
0x23: {  	s18 =	sand.u32 @!p1 $0x7F, s11;
	s16 =	sor.u32 @!p1 s17, s16  }
0x24: {  	s17 =	sor.u32 @!p1 s18, s16;
	s16 =	smulhi.u32 @!p1 $0x342DA7F3, s16  }
0x25: {  	s18 =	smulhi.u32 @!p1 $0x342DA7F3, s17  }
0x26: {  	s16 =	sshrl.u32 @!p1 s16, $0xC  }
0x27: {  	s18 =	sshrl.u32 @!p1 s18, $0xC;
	s19 =	smulhi.u32 @!p1 $0x38E38F, s16  }
0x28: {  	s18 =	smul.u32 @!p1 $0x4E80, s18  }
0x29: {  	s19 =	smul.u32 @!p1 $0x480, s19  }
0x2a: {  	s20 =	sxor.u32 @!p1 $0xFFFFFFFF, s13  }
0x2b: {  	s17 =	ssub.s32 @!p1 s17, s18;
	s18 =	sshll.u32 @!p1 s20, $0xE;
	s16 =	ssub.s32 @!p1 s16, s19  }
0x2c: {  	s19 =	sshrl.u32 @!p1 s17, $0x3;
	s17 =	sand.u32 @!p1 $0x7, s17;
	s16 =	smul.u32 @!p1 $0x9D0, s16  }
0x2d: {  	s18 =	sand.u32 @!p1 $0x4000, s18;
	s19 =	sadd.s32 @!p1 s4, s19;
	s17 =	sshll.u32 @!p1 s17, $0x12  }
0x2e: {  	s17 =	sor.u32 @!p1 $0x400, s17;
	s16 =	sadd.s32 @!p1 s16, s19;
	s19 =	simm.s32 @!p1 $0x27400  }
0x2f: {  	[tilespmem:s18], [sflag:$0x1] =	stream.strided.gather @!p1 [hbm4b:s16+s17], $0x4000, s19, s17, $0x38;
	[tilespmem:$0x10100] =	vst v63  }
0x30: {  	p1 =	seq.s32 s13, $0x0  }
0x31: {  	p2 =	sge.u32 @!p1 s13, s7  }
0x32: {  	p1 =	por p1, p2  }
.Ltmp2:
0x33: {  	_ = 	snop;
	(pc) =	sbr.rel @p1 .LBB1_5-.Ltmp2, $1  }
0x34: {  	_ =	sdelay $0x3  }
0x35: {  	s16 =	simm.s32 $0x1  }
0x36: {  	_ =	swait.ge [sflag:s3], $0x4000;
	s16 =	simm.s32 @!p0 $0x0  }
0x37: {  	[sflag:s3] =	ssyncset.done $0x0;
	s17 =	sshll.u32 s16, $0xE  }
0x38: {  	[sflag:s3] =	ssyncadd.s32 $0xFFFFC000;
	s17 =	sor.u32 $0x40, s17  }
0x39: {  	s16 =	smul.u32 $0x10200, s16;
	v0 =	vld [tilespmem:s17+$0x30]  }
0x3a: {  	v1 =	vld [tilespmem:s17+$0xFFFFFFD0]  }
0x3b: {  	s16 =	sshrl.u32 s16, $0x2;
	v5 =	vld [tilespmem:s17+$0xFFFFFFE0]  }
0x3c: {  	v6 =	vld [tilespmem:s17+$0xFFFFFFF0];
	s19 =	sor.u32 $0x8000, s16  }
0x3d: {  	s31 =	sand.u32 $0x1, s13;
	v4 =	vld [tilespmem:s17+$0x0];
	s18 =	sadd.s32 $0x0, s19  }
0x3e: {  	v3 =	vld [tilespmem:s17+$0x10];
	s16 =	smul.u32 $0x10200, s31;
	[tilespmem:s18+$0x3870 ss:$0x81] =	vst.msk $0xffff, v0  }
0x3f: {  	v2 =	vld [tilespmem:s17+$0x20];
	[tilespmem:s18+$0x810 ss:$0x81] =	vst.msk $0xffff, v1  }
0x40: {  	s16 =	sshrl.u32 s16, $0x2;
	v0 =	vld [tilespmem:s17+$0xFFFFFFC0];
	[tilespmem:s18+$0x1020 ss:$0x81] =	vst.msk $0xffff, v5;
	s17 =	sadd.s32 $0x80, s17  }
0x41: {  	s20 =	simm.s32 $0x4;
	s21 =	simm.s32 $0x8;
	s16 =	sor.u32 $0x8000, s16;
	[tilespmem:s18+$0x1830 ss:$0x81] =	vst.msk $0xffff, v6;
	v1 =	vld [tilespmem:s17+$0x30]  }
.LBB1_3:
0x42: {  	p1 =	sne.s32 s21, $0x1FC;
	v5 =	vld [tilespmem:s17+$0xFFFFFFD0];
	[tilespmem:s18+$0x2040 ss:$0x81] =	vst.msk $0xffff, v4  }
0x43: {  	v6 =	vld [tilespmem:s17+$0xFFFFFFE0];
	[tilespmem:s18+$0x2850 ss:$0x81] =	vst.msk $0xffff, v3  }
0x44: {  	s22 =	sshra.s32 s20, $0x2;
	s20 =	smov.u32 s21;
	v7 =	vld [tilespmem:s17+$0xFFFFFFF0];
	[tilespmem:s18+$0x3060 ss:$0x81] =	vst.msk $0xffff, v2  }
.Ltmp3:
0x45: {  	v4 =	vld [tilespmem:s17+$0x0];
	[tilespmem:s18+$0x0 ss:$0x81] =	vst.msk $0xffff, v0;
	s18 =	sadd.s32 s22, s19;
	(pc) =	sbr.rel @p1 .LBB1_3-.Ltmp3, $4  }
0x46: {  	v3 =	vld [tilespmem:s17+$0x10];
	[tilespmem:s18+$0x3870 ss:$0x81] =	vst.msk $0xffff, v1  }
0x47: {  	[tilespmem:s18+$0x810 ss:$0x81] =	vst.msk $0xffff, v5;
	v2 =	vld [tilespmem:s17+$0x20]  }
0x48: {  	v0 =	vld [tilespmem:s17+$0xFFFFFFC0];
	[tilespmem:s18+$0x1020 ss:$0x81] =	vst.msk $0xffff, v6;
	s17 =	sadd.s32 $0x80, s17  }
0x49: {  	s21 =	sadd.s32 $0x4, s21;
	v1 =	vld [tilespmem:s17+$0x30];
	[tilespmem:s18+$0x1830 ss:$0x81] =	vst.msk $0xffff, v7  }
0x4a: {  	s21 =	sshrl.u32 s9, $0x3  }
0x4b: {  	s22 =	sshll.u32 s10, $0x3;
	s23 =	sshll.u32 s9, $0x7;
	s20 =	sshra.s32 s20, $0x2  }
0x4c: {  	s29 =	sand.u32 $0x7F, s10;
	p1 =	sgt.s32 s9, $0x4DA0;
	s21 =	smul.u32 $0x2400, s21  }
0x4d: {  	s24 =	sshra.s32 s9, $0x1F;
	s25 =	sshra.s32 s10, $0x1F;
	s22 =	sand.u32 $0xFFFFFC00, s22  }
0x4e: {  	s28 =	sand.u32 $0x380, s23;
	s23 =	smov.u32 s9;
	s21 =	sadd.s32 s22, s21  }
0x4f: {  	s24 =	sand.u32 s24, s9;
	s25 =	sand.u32 s25, s10;
	s21 =	sor.u32 s28, s21  }
0x50: {  	s23 =	simm.s32 @!p1 $0x4DA0;
	s30 =	sor.u32 s29, s21;
	s21 =	smulhi.u32 $0x38E38E39, s21  }
0x51: {  	v5 =	vld [tilespmem:s17+$0xFFFFFFD0];
	[tilespmem:s18+$0x2040 ss:$0x81] =	vst.msk $0xffff, v4;
	p1 =	sgt.s32 s10, $0x400;
	s23 =	ssub.s32 s23, s24;
	s24 =	smov.u32 s10  }
0x52: {  	v58 =	vld [tilespmem:s17+$0xFFFFFFE0];
	[tilespmem:s18+$0x2850 ss:$0x81] =	vst.msk $0xffff, v3;
	s24 =	simm.s32 @!p1 $0x400;
	s31 =	smulhi.u32 $0x38E38E39, s30;
	s21 =	sshrl.u32 s21, $0x8  }
0x53: {  	v59 =	vld [tilespmem:s17+$0xFFFFFFF0];
	[tilespmem:s18+$0x3060 ss:$0x81] =	vst.msk $0xffff, v2;
	s27 =	sadd.s32 $0xFFFFB260, s23;
	s24 =	ssub.s32 s24, s25;
	s26 =	smulhi.u32 $0x1A36E3, s21  }
0x54: {  	v60 =	vld [tilespmem:s17+$0x0];
	s19 =	sadd.s32 s20, s19;
	[tilespmem:s18+$0x0 ss:$0x81] =	vst.msk $0xffff, v0;
	p1 =	sgt.s32 s27, $0x7F;
	s28 =	sadd.s32 $0xFFFFFC00, s24  }
0x55: {  	v61 =	vld [tilespmem:s17+$0x10];
	[tilespmem:s19+$0x3870 ss:$0x81] =	vst.msk $0xffff, v1;
	p2 =	sgt.s32 s28, $0x7F;
	s22 =	sshrl.u32 s31, $0x8;
	s18 =	sshrl.u32 s26, $0x3  }
0x56: {  	v62 =	vld [tilespmem:s17+$0x20];
	[tilespmem:s19+$0x810 ss:$0x81] =	vst.msk $0xffff, v5;
	s29 =	smul.u32 $0x4E20, s18;
	s18 =	ssub.s32 $0x4E20, s23;
	s23 =	ssub.s32 $0x480, s24  }
0x57: {  	v63 =	vld [tilespmem:s17+$0xFFFFFFC0];
	[tilespmem:s19+$0x1020 ss:$0x81] =	vst.msk $0xffff, v58;
	s22 =	smul.u32 $0x480, s22;
	s18 =	simm.s32 @p1 $0x0;
	s23 =	simm.s32 @p2 $0x0  }
0x58: {  	[tilespmem:s19+$0x1830 ss:$0x81] =	vst.msk $0xffff, v59;
	s18 =	smul.u32 s23, s18  }
.Ltmp4:
0x59: {  	[tilespmem:s19+$0x2040 ss:$0x81] =	vst.msk $0xffff, v60;
	s20 =	ssub.s32 s30, s22;
	s17 =	ssub.s32 s21, s29;
	(pc) =	sbr.rel .LBB1_5-.Ltmp4, $4  }
0x5a: {  	[tilespmem:s19+$0x2850 ss:$0x81] =	vst.msk $0xffff, v61;
	s30 =	sshrl.u32 s20, $0x3;
	s20 =	sand.u32 $0x7, s20;
	s17 =	smul.u32 $0x90, s17  }
0x5b: {  	[tilespmem:s19+$0x3060 ss:$0x81] =	vst.msk $0xffff, v62;
	s21 =	sadd.s32 s5, s30;
	s20 =	sshll.u32 s20, $0x12  }
0x5c: {  	[tilespmem:s19+$0x0 ss:$0x81] =	vst.msk $0xffff, v63;
	s31 =	sor.u32 $0x400, s20;
	s18 =	sand.u32 $0x3FFFFFFF, s18;
	s17 =	sadd.s32 s17, s21  }
0x5d: {  	[hbm4b:s17+s31] =	stream.strided.scatter [tilespmem:s16], [sflag:$0x2], s18, s8, s31, $0x20;
	[tilespmem:$0x10100] =	vst v63  }
.LBB1_6:
0x5e: {  	_ =	sfence.sel $0x180000  }
0x5f: {  	s2 =	simm.s32 $0x1;
	[bflag:$0x0] =	sbarrier.arrive $0xFFFF  }
0x60: {  	s31 =	simm.s32 $0x2;
	[sflag:s2] =	ssyncpa.u1 $0x1  }
0x61: {  	[sflag:s31] =	ssyncpa.u1 $0x1  }
0x62: {  	p0 =	sne.s32 s0, $0x0;
	_ =	strace $0x9000004A  }
0x63: {  	s0 =	sadd.s32 @!p0 $0x100000, s1;
	[bflag:$0x2] =	sbarrier.arrive $0xFFFF  }
0x64: {  	[sflag:s0] =	ssyncadd.tile.s32 @!p0 $0x1;
	_ =	shalt  }
.Lfunc_end1:
_tile_overlayer_lowered:
.L_overlay_start_2:
0x65: {  	(tag) =	ssettag $0x2  }
0x66: {  	s0 =	rddreg [dreg:$0x0];
	s2 =	stileid.u32  }
0x67: {  	s1 =	rddreg [dreg:$0x1];
	p0 =	sne.s32 s2, $0x0  }
0x68: {  	s3 =	rddreg [dreg:$0x2];
	[bflag:$0x3] =	sbarrier.arrive $0xFFFF;
	s2 =	simm.s32 @!p0 $0x1C01  }
0x69: {  	[timem:s3], [sflag:s2] =	dma.local @!p0 [hbm:s0], s1  }
0x6a: {  	s0 =	simm.s32 @!p0 $0x1  }
0x6b: {  	_ =	swait.ge @!p0 [sflag:s0], s1  }
0x6c: {  	s1 =	ssub.s32 @!p0 $0x0, s1;
	[sflag:s0] =	ssyncset.done @!p0 $0x0  }
0x6d: {  	[sflag:s0] =	ssyncadd.s32 @!p0 s1  }
0x6e: {  	[bflag:$0x3] =	sbarrier.arrive $0xFFFF  }
0x6f: {  	_ =	shalt  }

</sc_bundles>
